<compile_context>
chip_gen: v7x
topology: tpu7x:2x2x1
jax: 0.10.2.dev20260603
libtpu: 0.0.44.dev20260713+nightly
codegen_flags: <defaults>
</compile_context>

<pallas_src>
import functools

import jax
import jax.numpy as jnp
from jax import lax
from jax.experimental import pallas as pl
from jax.experimental.pallas import tpu as pltpu
from jax.experimental.pallas import tpu_sc as plsc

N = 100000
E = 1600000
H = 32
WIN = 14

BN = 2048
NBLK = 49
NP = BN * NBLK

CB = 1024

KD = 128
CO = 2048
GPC = CO // KD
EP = 16 * 49 * CO
NCHUNK_D = EP // 16 // CO
EPT = EP // 16
EPW = EP // 32
NCHUNK_B = EPW // CB
RPT = NP // 16
ZR = 784

_mesh = plsc.VectorSubcoreMesh(core_axis_name="c", subcore_axis_name="s")
_sc_params = pltpu.CompilerParams(needs_layout_passes=False,
                                  use_tc_tiling_on_sc=False)


def _tc_xw(x2, W1, bt, WgT):
    def body(xr, w1r, btr, wgr, outr):
        h = jnp.dot(xr[...], w1r[...], preferred_element_type=jnp.float32)
        h = jnp.maximum(h + btr[...], 0.0)
        outr[...] = jnp.dot(h, wgr[...], preferred_element_type=jnp.float32)

    return pl.pallas_call(
        body,
        grid=(NBLK,),
        in_specs=[
            pl.BlockSpec((BN, WIN), lambda i: (i, 0)),
            pl.BlockSpec((WIN, H), lambda i: (0, 0)),
            pl.BlockSpec((1, H), lambda i: (0, 0)),
            pl.BlockSpec((H, H), lambda i: (0, 0)),
        ],
        out_specs=pl.BlockSpec((BN, H), lambda i: (i, 0)),
        out_shape=jax.ShapeDtypeStruct((NP, H), jnp.float32),
    )(x2, W1, bt, WgT)


@functools.partial(
    pl.kernel,
    out_type=jax.ShapeDtypeStruct((32 * NP,), jnp.float32),
    mesh=_mesh,
    scratch_types=[
        pltpu.VMEM((NP,), jnp.float32),
        pltpu.VMEM((CB,), jnp.int32),
        pltpu.VMEM((CB,), jnp.float32),
    ],
    compiler_params=_sc_params,
)
def _sc_deg(col, ew, parts, degbuf, colbuf, ewbuf):
    c = lax.axis_index("c")
    s = lax.axis_index("s")
    wid = s * 2 + c

    def zero(i, _):
        degbuf[pl.ds(i * 16, 16)] = jnp.zeros((16,), jnp.float32)
        return 0

    lax.fori_loop(0, NP // 16, zero, 0)

    base = wid * EPW

    def chunk(k, _):
        off = pl.multiple_of(base + k * CB, CB)
        pltpu.sync_copy(col.at[pl.ds(off, CB)], colbuf)
        pltpu.sync_copy(ew.at[pl.ds(off, CB)], ewbuf)

        def grp(j, _):
            cv = colbuf[pl.ds(j * 16, 16)]
            wv = ewbuf[pl.ds(j * 16, 16)]
            plsc.addupdate_scatter(degbuf, [cv], wv)
            return 0

        lax.fori_loop(0, CB // 16, grp, 0)
        return 0

    lax.fori_loop(0, NCHUNK_B, chunk, 0)
    pltpu.sync_copy(degbuf, parts.at[pl.ds(pl.multiple_of(wid * NP, NP), NP)])


def _tc_prep(parts, xw):
    def body(pr, xwr, dinvr, y0r, y1r):
        deg = jnp.sum(pr[...], axis=0, keepdims=True)
        i = pl.program_id(0)
        gi = i * BN + lax.broadcasted_iota(jnp.int32, (1, BN), 1)
        deg = deg + jnp.where(gi < N, 1.0, 0.0)
        dinv = jnp.where(deg > 0, lax.rsqrt(deg), 0.0)
        dinvr[...] = dinv.reshape(1, 1, BN)
        dc = jnp.transpose(dinv)
        y = xwr[...] * dc
        y0r[...] = y[:, :16]
        y1r[...] = y[:, 16:]

    return pl.pallas_call(
        body,
        grid=(NBLK,),
        in_specs=[
            pl.BlockSpec((32, BN), lambda i: (0, i)),
            pl.BlockSpec((BN, H), lambda i: (i, 0)),
        ],
        out_specs=[
            pl.BlockSpec((1, 1, BN), lambda i: (i, 0, 0)),
            pl.BlockSpec((BN, 16), lambda i: (i, 0)),
            pl.BlockSpec((BN, 16), lambda i: (i, 0)),
        ],
        out_shape=[
            jax.ShapeDtypeStruct((NBLK, 1, BN), jnp.float32),
            jax.ShapeDtypeStruct((NP, 16), jnp.float32),
            jax.ShapeDtypeStruct((NP, 16), jnp.float32),
        ],
    )(parts, xw)


@functools.partial(
    pl.kernel,
    out_type=[
        jax.ShapeDtypeStruct((NP, 16), jnp.float32),
        jax.ShapeDtypeStruct((NP, 16), jnp.float32),
    ],
    mesh=_mesh,
    scratch_types=[
        pltpu.VMEM((CO,), jnp.int32),
        pltpu.VMEM((GPC, KD), jnp.int32),
        pltpu.VMEM((CO,), jnp.float32),
        pltpu.VMEM((KD, 16), jnp.float32),
        pltpu.VMEM((ZR, 16), jnp.float32),
        pltpu.VMEM_SHARED((NP, 16), jnp.float32),
    ],
    compiler_params=_sc_params,
)
def _sc_msg(rowp, colp2, ewp, y0, y1, S0, S1, rowbuf, colbuf, ewbuf, g,
            zbuf, agg):
    c = lax.axis_index("c")
    s = lax.axis_index("s")

    def zrow(i, _):
        zbuf[i] = jnp.zeros((16,), jnp.float32)
        return 0

    lax.fori_loop(0, ZR, zrow, 0)
    rbase = s * RPT

    def zcopy(k, _):
        pltpu.sync_copy(zbuf, agg.at[pl.ds(pl.multiple_of(rbase + k * ZR, ZR), ZR)])
        return 0

    lax.fori_loop(0, RPT // ZR, zcopy, 0)
    plsc.subcore_barrier()

    ebase = s * EPT

    def process(y_ref):
        def chunk(k, _):
            off = pl.multiple_of(ebase + k * CO, CO)
            pltpu.sync_copy(rowp.at[pl.ds(off, CO)], rowbuf)
            pltpu.sync_copy(colp2.at[pl.ds(pl.multiple_of(off // KD, GPC), GPC)],
                            colbuf)
            pltpu.sync_copy(ewp.at[pl.ds(off, CO)], ewbuf)
            for j in range(GPC):
                pltpu.sync_copy(y_ref.at[rowbuf.at[pl.ds(j * KD, KD)]], g)

                def rowi(i, _):
                    idx = lax.broadcast(j * KD + i, (16,))
                    wv = plsc.load_gather(ewbuf, [idx])
                    g[i] = g[i] * wv
                    return 0

                lax.fori_loop(0, KD, rowi, 0)
                pltpu.sync_copy(g, agg.at[colbuf.at[j]], add=True)
            return 0

        lax.fori_loop(0, NCHUNK_D, chunk, 0)

    @pl.when(c == 0)
    def _():
        process(y0)

    @pl.when(c == 1)
    def _():
        process(y1)

    plsc.subcore_barrier()

    rb = pl.multiple_of(rbase, RPT)

    @pl.when(c == 0)
    def _():
        pltpu.sync_copy(agg.at[pl.ds(rb, RPT)], S0.at[pl.ds(rb, RPT)])

    @pl.when(c == 1)
    def _():
        pltpu.sync_copy(agg.at[pl.ds(rb, RPT)], S1.at[pl.ds(rb, RPT)])


def _tc_final(S0, S1, xw, dinv3, bg, WhT, bh):
    def body(s0r, s1r, xwr, dinvr, bgr, whr, bhr, outr):
        dinv = dinvr[...].reshape(1, BN)
        dc = jnp.transpose(dinv)
        S = jnp.concatenate([s0r[...], s1r[...]], axis=1)
        agg = dc * S + (dc * dc) * xwr[...]
        h2 = jnp.maximum(agg + bgr[...], 0.0)
        outr[...] = jnp.sum(h2 * whr[...], axis=1, keepdims=True) + bhr[...]

    return pl.pallas_call(
        body,
        grid=(NBLK,),
        in_specs=[
            pl.BlockSpec((BN, 16), lambda i: (i, 0)),
            pl.BlockSpec((BN, 16), lambda i: (i, 0)),
            pl.BlockSpec((BN, H), lambda i: (i, 0)),
            pl.BlockSpec((1, 1, BN), lambda i: (i, 0, 0)),
            pl.BlockSpec((1, H), lambda i: (0, 0)),
            pl.BlockSpec((1, H), lambda i: (0, 0)),
            pl.BlockSpec((1, 1), lambda i: (0, 0)),
        ],
        out_specs=pl.BlockSpec((BN, 1), lambda i: (i, 0)),
        out_shape=jax.ShapeDtypeStruct((NP, 1), jnp.float32),
    )(S0, S1, xw, dinv3, bg, WhT, bh)


def kernel(x, edge_index, edge_weight, Wt, bt, Wg, bg, Wh, bh):
    x2 = jnp.pad(x.reshape(N, WIN), ((0, NP - N), (0, 0)))
    W1 = Wt.reshape(H, WIN).T
    xw = _tc_xw(x2, W1, bt.reshape(1, H), Wg.T)

    rowp = jnp.pad(edge_index[0], (0, EP - E))
    colp = jnp.pad(edge_index[1], (0, EP - E))
    colp2 = colp.reshape(EP // KD, KD)
    ewp = jnp.pad(edge_weight, (0, EP - E))

    parts = _sc_deg(colp, ewp).reshape(32, NP)
    dinv3, y0, y1 = _tc_prep(parts, xw)
    S0, S1 = _sc_msg(rowp, colp2, ewp, y0, y1)

    outp = _tc_final(S0, S1, xw, dinv3, bg.reshape(1, H), Wh.T,
                     bh.reshape(1, 1))
    return outp[:N]

# --- scband reference (transcript-rebuilt; emitter-appended) ---
"""Pipeline reference for scband-stgnnmodel-24687472017413 (READ-ONLY COPY).

The authoritative reference and input builder live on the scoring server;
editing this copy changes nothing except your own understanding.
"""

import jax, jax.numpy as jnp
import numpy as np

N = 100000
E = 1600000
H = 32
WIN = 14
F = 1

def setup_inputs(seed: int = 0) -> dict:
    key = jax.random.key(seed)
    ks = jax.random.split(key, 8)
    x = jax.random.normal(ks[0], (N, WIN, F), dtype=jnp.float32)
    edge_index = jax.random.randint(ks[1], (2, E), 0, N, dtype=jnp.int32)
    edge_weight = jax.random.uniform(ks[2], (E,), dtype=jnp.float32)
    # temporal Conv1d weight: (out_channels, in_channels, kernel_size)
    Wt = jax.random.normal(ks[3], (H, F, WIN), dtype=jnp.float32) * 0.1
    bt = jnp.zeros((H,), dtype=jnp.float32)
    # GCNConv linear weight (out, in) and bias
    Wg = jax.random.normal(ks[4], (H, H), dtype=jnp.float32) * 0.1
    bg = jnp.zeros((H,), dtype=jnp.float32)
    # head Linear (H -> 1)
    Wh = jax.random.normal(ks[5], (H, 1), dtype=jnp.float32) * 0.1
    bh = jnp.zeros((1,), dtype=jnp.float32)
    return {"x": x, "edge_index": edge_index, "edge_weight": edge_weight,
            "Wt": Wt, "bt": bt, "Wg": Wg, "bg": bg, "Wh": Wh, "bh": bh}

def reference(x, edge_index, edge_weight, Wt, bt, Wg, bg, Wh, bh):
    Nn = x.shape[0]
    # Temporal branch: Conv1d over window, kernel covers whole window -> length-1 output
    # x: (N, W, F) -> permute to (N, F, W); conv == einsum over (f, t)
    h = jnp.einsum('ntf,cft->nc', x, Wt) + bt
    h = jax.nn.relu(h)
    # GCNConv (PyG semantics): add self-loops, symmetric normalization with edge weights
    loop = jnp.arange(Nn, dtype=edge_index.dtype)
    row = jnp.concatenate([edge_index[0], loop])
    col = jnp.concatenate([edge_index[1], loop])
    ew = jnp.concatenate([edge_weight, jnp.ones((Nn,), dtype=edge_weight.dtype)])
    deg = jax.ops.segment_sum(ew, col, num_segments=Nn)
    dinv = jnp.where(deg > 0, jax.lax.rsqrt(deg), 0.0)
    norm = dinv[row] * ew * dinv[col]
    xw = h @ Wg.T
    msg = xw[row] * norm[:, None]
    agg = jax.ops.segment_sum(msg, col, num_segments=Nn)
    h2 = jax.nn.relu(agg + bg)
    out = h2 @ Wh + bh
    return out

if __name__ == "__main__":
    import jax
    _d = setup_inputs()
    print(jax.jit(kernel)(*tuple(_d.values())))

</pallas_src>

<mosaic_0001>
#map = affine_map<(d0, d1) -> (0)>
module attributes {stable_mosaic.version = 14 : i64} {
  func.func @_sc_deg(%arg0: i32, %arg1: i32, %arg2: memref<1605632xi32, #tpu.memory_space<hbm>>, %arg3: memref<1605632xf32, #tpu.memory_space<hbm>>, %arg4: memref<3211264xf32, #tpu.memory_space<hbm>>, %arg5: memref<100352xf32, #tpu.memory_space<vmem>>, %arg6: memref<1024xi32, #tpu.memory_space<vmem>>, %arg7: memref<1024xf32, #tpu.memory_space<vmem>>) attributes {dimension_semantics = [#tpu.dimension_semantics<core_parallel>, #tpu.dimension_semantics<subcore_parallel>], iteration_bounds = array<i64: 2, 16>, scalar_prefetch = 0 : i64, scratch_operands = 3 : i64, tpu.core_type = #tpu.core_type<sc_vector_subcore>, window_params = [{transform_indices = #map}, {transform_indices = #map}, {transform_indices = #map}]} {
    %mul3A = arith.constant 2 : i32
    %mul3A_0 = arith.muli %arg1, %mul3A : i32
    %add3A = arith.addi %mul3A_0, %arg0 : i32
    %scan3A = arith.constant 0 : i32
    %scan3A_1 = arith.constant 0 : i32
    %scan3A_2 = arith.constant 6272 : i32
    %scan3A_3 = arith.addi %scan3A_1, %scan3A_2 : i32
    %scan3A_4 = arith.constant 1 : i32
    %scan3A_5 = scf.for %scan3A_18 = %scan3A_1 to %scan3A_3 step %scan3A_4 iter_args(%scan3A_19 = %scan3A) -> (i32)  : i32 {
      %broadcast_in_dim3A = arith.constant 0.000000e+00 : f32
      %broadcast_in_dim3A_20 = vector.broadcast %broadcast_in_dim3A : f32 to vector<16xf32>
      %mul3A_21 = arith.constant 16 : i32
      %mul3A_22 = arith.muli %scan3A_18, %mul3A_21 : i32
      %swap3A = arith.index_cast %mul3A_22 : i32 to index
      %swap3A_23 = tpu.vector_load %arg5[%swap3A] {strides = array<i32>} : memref<100352xf32, #tpu.memory_space<vmem>>, vector<16xf32>,
      tpu.vector_store %arg5[%swap3A], %broadcast_in_dim3A_20 {strides = array<i32>} : memref<100352xf32, #tpu.memory_space<vmem>>, vector<16xf32>,
      %scan3A_24 = arith.constant 0 : i32
      scf.yield %scan3A_24 : i32
    }
    %scan3A_6 = arith.constant 6272 : i32
    %mul3A_7 = arith.constant 50176 : i32
    %mul3A_8 = arith.muli %add3A, %mul3A_7 : i32
    %scan3A_9 = arith.constant 0 : i32
    %scan3A_10 = arith.constant 0 : i32
    %scan3A_11 = arith.constant 49 : i32
    %scan3A_12 = arith.addi %scan3A_10, %scan3A_11 : i32
    %scan3A_13 = arith.constant 1 : i32
    %scan3A_14 = scf.for %scan3A_18 = %scan3A_10 to %scan3A_12 step %scan3A_13 iter_args(%scan3A_19 = %scan3A_9) -> (i32)  : i32 {
      %mul3A_20 = arith.constant 1024 : i32
      %mul3A_21 = arith.muli %scan3A_18, %mul3A_20 : i32
      %add3A_22 = arith.addi %mul3A_8, %mul3A_21 : i32
      %multiple_of3A_23 = tpu.assume_multiple %add3A_22, 1024 : i32
      "tpu.region"() ({
        %run_scoped3A = tpu.sem_alloc : memref<!tpu.dma_semaphore, #tpu.memory_space<semaphore_mem>>
        %dma_start3A = tpu.memref_slice %arg2[%multiple_of3A_23] : memref<1605632xi32, #tpu.memory_space<hbm>> -> memref<1024xi32, #tpu.memory_space<hbm>>
        %dma_start3A_32 = tpu.memref_slice %arg2[%multiple_of3A_23] : memref<1605632xi32, #tpu.memory_space<hbm>> -> memref<1024xi32, #tpu.memory_space<hbm>>
        tpu.enqueue_dma source(%dma_start3A_32 : memref<1024xi32, #tpu.memory_space<hbm>>) target(%arg6 : memref<1024xi32, #tpu.memory_space<vmem>>) target_semaphore(%run_scoped3A : memref<!tpu.dma_semaphore, #tpu.memory_space<semaphore_mem>>)
        %dma_wait3A = tpu.memref_slice %arg2[%multiple_of3A_23] : memref<1605632xi32, #tpu.memory_space<hbm>> -> memref<1024xi32, #tpu.memory_space<hbm>>
        %dma_wait3A_33 = tpu.memref_slice %arg2[%multiple_of3A_23] : memref<1605632xi32, #tpu.memory_space<hbm>> -> memref<1024xi32, #tpu.memory_space<hbm>>
        tpu.wait_dma2 semaphore(%run_scoped3A : memref<!tpu.dma_semaphore, #tpu.memory_space<semaphore_mem>>) src(%dma_wait3A_33 : memref<1024xi32, #tpu.memory_space<hbm>>) dst(%arg6 : memref<1024xi32, #tpu.memory_space<vmem>>)
        tpu.yield
      }) : () -> ()
      "tpu.region"() ({
        %run_scoped3A = tpu.sem_alloc : memref<!tpu.dma_semaphore, #tpu.memory_space<semaphore_mem>>
        %dma_start3A = tpu.memref_slice %arg3[%multiple_of3A_23] : memref<1605632xf32, #tpu.memory_space<hbm>> -> memref<1024xf32, #tpu.memory_space<hbm>>
        %dma_start3A_32 = tpu.memref_slice %arg3[%multiple_of3A_23] : memref<1605632xf32, #tpu.memory_space<hbm>> -> memref<1024xf32, #tpu.memory_space<hbm>>
        tpu.enqueue_dma source(%dma_start3A_32 : memref<1024xf32, #tpu.memory_space<hbm>>) target(%arg7 : memref<1024xf32, #tpu.memory_space<vmem>>) target_semaphore(%run_scoped3A : memref<!tpu.dma_semaphore, #tpu.memory_space<semaphore_mem>>)
        %dma_wait3A = tpu.memref_slice %arg3[%multiple_of3A_23] : memref<1605632xf32, #tpu.memory_space<hbm>> -> memref<1024xf32, #tpu.memory_space<hbm>>
        %dma_wait3A_33 = tpu.memref_slice %arg3[%multiple_of3A_23] : memref<1605632xf32, #tpu.memory_space<hbm>> -> memref<1024xf32, #tpu.memory_space<hbm>>
        tpu.wait_dma2 semaphore(%run_scoped3A : memref<!tpu.dma_semaphore, #tpu.memory_space<semaphore_mem>>) src(%dma_wait3A_33 : memref<1024xf32, #tpu.memory_space<hbm>>) dst(%arg7 : memref<1024xf32, #tpu.memory_space<vmem>>)
        tpu.yield
      }) : () -> ()
      %scan3A_24 = arith.constant 0 : i32
      %scan3A_25 = arith.constant 0 : i32
      %scan3A_26 = arith.constant 64 : i32
      %scan3A_27 = arith.addi %scan3A_25, %scan3A_26 : i32
      %scan3A_28 = arith.constant 1 : i32
      %scan3A_29 = scf.for %scan3A_32 = %scan3A_25 to %scan3A_27 step %scan3A_28 iter_args(%scan3A_33 = %scan3A_24) -> (i32)  : i32 {
        %mul3A_34 = arith.constant 16 : i32
        %mul3A_35 = arith.muli %scan3A_32, %mul3A_34 : i32
        %get3A = arith.index_cast %mul3A_35 : i32 to index
        %get3A_36 = tpu.vector_load %arg6[%get3A] {strides = array<i32>} : memref<1024xi32, #tpu.memory_space<vmem>>, vector<16xi32>,
        %mul3A_37 = arith.constant 16 : i32
        %mul3A_38 = arith.muli %scan3A_32, %mul3A_37 : i32
        %get3A_39 = arith.index_cast %mul3A_38 : i32 to index
        %get3A_40 = tpu.vector_load %arg7[%get3A_39] {strides = array<i32>} : memref<1024xf32, #tpu.memory_space<vmem>>, vector<16xf32>,
        tpu.vector_store_idx %arg5[%get3A_36], %get3A_40 {add = true} : memref<100352xf32, #tpu.memory_space<vmem>>[vector<16xi32>], vector<16xf32>,
        %scan3A_41 = arith.constant 0 : i32
        scf.yield %scan3A_41 : i32
      }
      %scan3A_30 = arith.constant 64 : i32
      %scan3A_31 = arith.constant 0 : i32
      scf.yield %scan3A_31 : i32
    }
    %scan3A_15 = arith.constant 49 : i32
    %mul3A_16 = arith.constant 100352 : i32
    %mul3A_17 = arith.muli %add3A, %mul3A_16 : i32
    %multiple_of3A = tpu.assume_multiple %mul3A_17, 100352 : i32
    "tpu.region"() ({
      %run_scoped3A = tpu.sem_alloc : memref<!tpu.dma_semaphore, #tpu.memory_space<semaphore_mem>>
      %dma_start3A = tpu.memref_slice %arg4[%multiple_of3A] : memref<3211264xf32, #tpu.memory_space<hbm>> -> memref<100352xf32, #tpu.memory_space<hbm>>
      %dma_start3A_18 = tpu.memref_slice %arg4[%multiple_of3A] : memref<3211264xf32, #tpu.memory_space<hbm>> -> memref<100352xf32, #tpu.memory_space<hbm>>
      tpu.enqueue_dma source(%arg5 : memref<100352xf32, #tpu.memory_space<vmem>>) target(%dma_start3A_18 : memref<100352xf32, #tpu.memory_space<hbm>>) target_semaphore(%run_scoped3A : memref<!tpu.dma_semaphore, #tpu.memory_space<semaphore_mem>>)
      %dma_wait3A = tpu.memref_slice %arg4[%multiple_of3A] : memref<3211264xf32, #tpu.memory_space<hbm>> -> memref<100352xf32, #tpu.memory_space<hbm>>
      %dma_wait3A_19 = tpu.memref_slice %arg4[%multiple_of3A] : memref<3211264xf32, #tpu.memory_space<hbm>> -> memref<100352xf32, #tpu.memory_space<hbm>>
      tpu.wait_dma2 semaphore(%run_scoped3A : memref<!tpu.dma_semaphore, #tpu.memory_space<semaphore_mem>>) src(%arg5 : memref<100352xf32, #tpu.memory_space<vmem>>) dst(%dma_wait3A_19 : memref<100352xf32, #tpu.memory_space<hbm>>)
      tpu.yield
    }) : () -> ()
    return
  }
}

#map = affine_map<(d0, d1) -> (0)>
#map1 = affine_map<(d0, d1) -> (0, 0)>
module attributes {stable_mosaic.version = 14 : i64} {
  func.func @_sc_msg(%arg0: i32, %arg1: i32, %arg2: memref<1605632xi32, #tpu.memory_space<hbm>>, %arg3: memref<12544x128xi32, #tpu.memory_space<hbm>>, %arg4: memref<1605632xf32, #tpu.memory_space<hbm>>, %arg5: memref<100352x16xf32, #tpu.memory_space<hbm>>, %arg6: memref<100352x16xf32, #tpu.memory_space<hbm>>, %arg7: memref<100352x16xf32, #tpu.memory_space<hbm>>, %arg8: memref<100352x16xf32, #tpu.memory_space<hbm>>, %arg9: memref<2048xi32, #tpu.memory_space<vmem>>, %arg10: memref<16x128xi32, #tpu.memory_space<vmem>>, %arg11: memref<2048xf32, #tpu.memory_space<vmem>>, %arg12: memref<128x16xf32, #tpu.memory_space<vmem>>, %arg13: memref<784x16xf32, #tpu.memory_space<vmem>>, %arg14: memref<100352x16xf32, #tpu.memory_space<vmem_shared>>) attributes {dimension_semantics = [#tpu.dimension_semantics<core_parallel>, #tpu.dimension_semantics<subcore_parallel>], iteration_bounds = array<i64: 2, 16>, scalar_prefetch = 0 : i64, scratch_operands = 6 : i64, tpu.core_type = #tpu.core_type<sc_vector_subcore>, window_params = [{transform_indices = #map}, {transform_indices = #map1}, {transform_indices = #map}, {transform_indices = #map1}, {transform_indices = #map1}, {transform_indices = #map1}, {transform_indices = #map1}]} {
    %scan3A = arith.constant 0 : i32
    %scan3A_0 = arith.constant 0 : i32
    %scan3A_1 = arith.constant 784 : i32
    %scan3A_2 = arith.addi %scan3A_0, %scan3A_1 : i32
    %scan3A_3 = arith.constant 1 : i32
    %scan3A_4 = scf.for %scan3A_34 = %scan3A_0 to %scan3A_2 step %scan3A_3 iter_args(%scan3A_35 = %scan3A) -> (i32)  : i32 {
      %broadcast_in_dim3A = arith.constant 0.000000e+00 : f32
      %broadcast_in_dim3A_36 = vector.broadcast %broadcast_in_dim3A : f32 to vector<16xf32>
      %swap3A = arith.index_cast %scan3A_34 : i32 to index
      %swap3A_37 = arith.constant 0 : index
      %swap3A_38 = tpu.vector_load %arg13[%swap3A, %swap3A_37] {strides = array<i32>} : memref<784x16xf32, #tpu.memory_space<vmem>>, vector<16xf32>,
      tpu.vector_store %arg13[%swap3A, %swap3A_37], %broadcast_in_dim3A_36 {strides = array<i32>} : memref<784x16xf32, #tpu.memory_space<vmem>>, vector<16xf32>,
      %scan3A_39 = arith.constant 0 : i32
      scf.yield %scan3A_39 : i32
    }
    %scan3A_5 = arith.constant 784 : i32
    %mul3A = arith.constant 6272 : i32
    %mul3A_6 = arith.muli %arg1, %mul3A : i32
    %scan3A_7 = arith.constant 0 : i32
    %scan3A_8 = arith.constant 0 : i32
    %scan3A_9 = arith.constant 8 : i32
    %scan3A_10 = arith.addi %scan3A_8, %scan3A_9 : i32
    %scan3A_11 = arith.constant 1 : i32
    %scan3A_12 = scf.for %scan3A_34 = %scan3A_8 to %scan3A_10 step %scan3A_11 iter_args(%scan3A_35 = %scan3A_7) -> (i32)  : i32 {
      %mul3A_36 = arith.constant 784 : i32
      %mul3A_37 = arith.muli %scan3A_34, %mul3A_36 : i32
      %add3A = arith.addi %mul3A_6, %mul3A_37 : i32
      %multiple_of3A_38 = tpu.assume_multiple %add3A, 784 : i32
      "tpu.region"() ({
        %run_scoped3A = tpu.sem_alloc : memref<!tpu.dma_semaphore, #tpu.memory_space<semaphore_mem>>
        %dma_start3A = arith.constant 0 : i32
        %dma_start3A_40 = tpu.memref_slice %arg14[%multiple_of3A_38, %dma_start3A] : memref<100352x16xf32, #tpu.memory_space<vmem_shared>> -> memref<784x16xf32, #tpu.memory_space<vmem_shared>>
        %dma_start3A_41 = arith.constant 0 : i32
        %dma_start3A_42 = tpu.memref_slice %arg14[%multiple_of3A_38, %dma_start3A_41] : memref<100352x16xf32, #tpu.memory_space<vmem_shared>> -> memref<784x16xf32, #tpu.memory_space<vmem_shared>>
        tpu.enqueue_dma source(%arg13 : memref<784x16xf32, #tpu.memory_space<vmem>>) target(%dma_start3A_42 : memref<784x16xf32, #tpu.memory_space<vmem_shared>>) target_semaphore(%run_scoped3A : memref<!tpu.dma_semaphore, #tpu.memory_space<semaphore_mem>>)
        %dma_wait3A = arith.constant 0 : i32
        %dma_wait3A_43 = tpu.memref_slice %arg14[%multiple_of3A_38, %dma_wait3A] : memref<100352x16xf32, #tpu.memory_space<vmem_shared>> -> memref<784x16xf32, #tpu.memory_space<vmem_shared>>
        %dma_wait3A_44 = arith.constant 0 : i32
        %dma_wait3A_45 = tpu.memref_slice %arg14[%multiple_of3A_38, %dma_wait3A_44] : memref<100352x16xf32, #tpu.memory_space<vmem_shared>> -> memref<784x16xf32, #tpu.memory_space<vmem_shared>>
        tpu.wait_dma2 semaphore(%run_scoped3A : memref<!tpu.dma_semaphore, #tpu.memory_space<semaphore_mem>>) src(%arg13 : memref<784x16xf32, #tpu.memory_space<vmem>>) dst(%dma_wait3A_45 : memref<784x16xf32, #tpu.memory_space<vmem_shared>>)
        tpu.yield
      }) : () -> ()
      %scan3A_39 = arith.constant 0 : i32
      scf.yield %scan3A_39 : i32
    }
    %scan3A_13 = arith.constant 8 : i32
    %barrier3A = arith.constant 0 : index
    tpu.barrier barrier_id(%barrier3A)
    %mul3A_14 = arith.constant 100352 : i32
    %mul3A_15 = arith.muli %arg1, %mul3A_14 : i32
    %eq3A = arith.constant 0 : i32
    %eq3A_16 = arith.cmpi eq, %arg0, %eq3A : i32
    %convert_element_type3A = arith.extui %eq3A_16 : i1 to i32
    %cond3A = arith.constant 0 : i32
    %cond3A_17 = arith.cmpi ne, %convert_element_type3A, %cond3A : i32
    scf.if %cond3A_17 {
      %scan3A_34 = arith.constant 0 : i32
      %scan3A_35 = arith.constant 0 : i32
      %scan3A_36 = arith.constant 49 : i32
      %scan3A_37 = arith.addi %scan3A_35, %scan3A_36 : i32
      %scan3A_38 = arith.constant 1 : i32
      %scan3A_39 = scf.for %scan3A_41 = %scan3A_35 to %scan3A_37 step %scan3A_38 iter_args(%scan3A_42 = %scan3A_34) -> (i32)  : i32 {
        %mul3A_43 = arith.constant 2048 : i32
        %mul3A_44 = arith.muli %scan3A_41, %mul3A_43 : i32
        %add3A = arith.addi %mul3A_15, %mul3A_44 : i32
        %multiple_of3A_45 = tpu.assume_multiple %add3A, 2048 : i32
        "tpu.region"() ({
          %run_scoped3A_191 = tpu.sem_alloc : memref<!tpu.dma_semaphore, #tpu.memory_space<semaphore_mem>>
          %dma_start3A = tpu.memref_slice %arg2[%multiple_of3A_45] : memref<1605632xi32, #tpu.memory_space<hbm>> -> memref<2048xi32, #tpu.memory_space<hbm>>
          %dma_start3A_192 = tpu.memref_slice %arg2[%multiple_of3A_45] : memref<1605632xi32, #tpu.memory_space<hbm>> -> memref<2048xi32, #tpu.memory_space<hbm>>
          tpu.enqueue_dma source(%dma_start3A_192 : memref<2048xi32, #tpu.memory_space<hbm>>) target(%arg9 : memref<2048xi32, #tpu.memory_space<vmem>>) target_semaphore(%run_scoped3A_191 : memref<!tpu.dma_semaphore, #tpu.memory_space<semaphore_mem>>)
          %dma_wait3A = tpu.memref_slice %arg2[%multiple_of3A_45] : memref<1605632xi32, #tpu.memory_space<hbm>> -> memref<2048xi32, #tpu.memory_space<hbm>>
          %dma_wait3A_193 = tpu.memref_slice %arg2[%multiple_of3A_45] : memref<1605632xi32, #tpu.memory_space<hbm>> -> memref<2048xi32, #tpu.memory_space<hbm>>
          tpu.wait_dma2 semaphore(%run_scoped3A_191 : memref<!tpu.dma_semaphore, #tpu.memory_space<semaphore_mem>>) src(%dma_wait3A_193 : memref<2048xi32, #tpu.memory_space<hbm>>) dst(%arg9 : memref<2048xi32, #tpu.memory_space<vmem>>)
          tpu.yield
        }) : () -> ()
        %jit3A = arith.constant 128 : i32
        %div3A = arith.divsi %multiple_of3A_45, %jit3A : i32
        %sign3A = arith.constant 0 : i32
        %sign3A_46 = arith.cmpi sgt, %multiple_of3A_45, %sign3A : i32
        %sign3A_47 = arith.extui %sign3A_46 : i1 to i32
        %sign3A_48 = arith.constant 0 : i32
        %sign3A_49 = arith.cmpi slt, %multiple_of3A_45, %sign3A_48 : i32
        %sign3A_50 = arith.extui %sign3A_49 : i1 to i32
        %sign3A_51 = arith.subi %sign3A_47, %sign3A_50 : i32
        %sign3A_52 = arith.constant 0 : i32
        %sign3A_53 = arith.cmpi sgt, %jit3A, %sign3A_52 : i32
        %sign3A_54 = arith.extui %sign3A_53 : i1 to i32
        %sign3A_55 = arith.constant 0 : i32
        %sign3A_56 = arith.cmpi slt, %jit3A, %sign3A_55 : i32
        %sign3A_57 = arith.extui %sign3A_56 : i1 to i32
        %sign3A_58 = arith.subi %sign3A_54, %sign3A_57 : i32
        %ne3A = arith.cmpi ne, %sign3A_51, %sign3A_58 : i32
        %rem3A = arith.remsi %multiple_of3A_45, %jit3A : i32
        %ne3A_59 = arith.constant 0 : i32
        %ne3A_60 = arith.cmpi ne, %rem3A, %ne3A_59 : i32
        %and3A = arith.andi %ne3A, %ne3A_60 : i1
        %sub3A = arith.constant 1 : i32
        %sub3A_61 = arith.subi %div3A, %sub3A : i32
        %select_n3A = arith.select %and3A, %sub3A_61, %div3A : i32
        %multiple_of3A_62 = tpu.assume_multiple %select_n3A, 16 : i32
        "tpu.region"() ({
          %run_scoped3A_191 = tpu.sem_alloc : memref<!tpu.dma_semaphore, #tpu.memory_space<semaphore_mem>>
          %dma_start3A = arith.constant 0 : i32
          %dma_start3A_192 = tpu.memref_slice %arg3[%multiple_of3A_62, %dma_start3A] : memref<12544x128xi32, #tpu.memory_space<hbm>> -> memref<16x128xi32, #tpu.memory_space<hbm>>
          %dma_start3A_193 = arith.constant 0 : i32
          %dma_start3A_194 = tpu.memref_slice %arg3[%multiple_of3A_62, %dma_start3A_193] : memref<12544x128xi32, #tpu.memory_space<hbm>> -> memref<16x128xi32, #tpu.memory_space<hbm>>
          tpu.enqueue_dma source(%dma_start3A_194 : memref<16x128xi32, #tpu.memory_space<hbm>>) target(%arg10 : memref<16x128xi32, #tpu.memory_space<vmem>>) target_semaphore(%run_scoped3A_191 : memref<!tpu.dma_semaphore, #tpu.memory_space<semaphore_mem>>)
          %dma_wait3A = arith.constant 0 : i32
          %dma_wait3A_195 = tpu.memref_slice %arg3[%multiple_of3A_62, %dma_wait3A] : memref<12544x128xi32, #tpu.memory_space<hbm>> -> memref<16x128xi32, #tpu.memory_space<hbm>>
          %dma_wait3A_196 = arith.constant 0 : i32
          %dma_wait3A_197 = tpu.memref_slice %arg3[%multiple_of3A_62, %dma_wait3A_196] : memref<12544x128xi32, #tpu.memory_space<hbm>> -> memref<16x128xi32, #tpu.memory_space<hbm>>
          tpu.wait_dma2 semaphore(%run_scoped3A_191 : memref<!tpu.dma_semaphore, #tpu.memory_space<semaphore_mem>>) src(%dma_wait3A_197 : memref<16x128xi32, #tpu.memory_space<hbm>>) dst(%arg10 : memref<16x128xi32, #tpu.memory_space<vmem>>)
          tpu.yield
        }) : () -> ()
        "tpu.region"() ({
          %run_scoped3A_191 = tpu.sem_alloc : memref<!tpu.dma_semaphore, #tpu.memory_space<semaphore_mem>>
          %dma_start3A = tpu.memref_slice %arg4[%multiple_of3A_45] : memref<1605632xf32, #tpu.memory_space<hbm>> -> memref<2048xf32, #tpu.memory_space<hbm>>
          %dma_start3A_192 = tpu.memref_slice %arg4[%multiple_of3A_45] : memref<1605632xf32, #tpu.memory_space<hbm>> -> memref<2048xf32, #tpu.memory_space<hbm>>
          tpu.enqueue_dma source(%dma_start3A_192 : memref<2048xf32, #tpu.memory_space<hbm>>) target(%arg11 : memref<2048xf32, #tpu.memory_space<vmem>>) target_semaphore(%run_scoped3A_191 : memref<!tpu.dma_semaphore, #tpu.memory_space<semaphore_mem>>)
          %dma_wait3A = tpu.memref_slice %arg4[%multiple_of3A_45] : memref<1605632xf32, #tpu.memory_space<hbm>> -> memref<2048xf32, #tpu.memory_space<hbm>>
          %dma_wait3A_193 = tpu.memref_slice %arg4[%multiple_of3A_45] : memref<1605632xf32, #tpu.memory_space<hbm>> -> memref<2048xf32, #tpu.memory_space<hbm>>
          tpu.wait_dma2 semaphore(%run_scoped3A_191 : memref<!tpu.dma_semaphore, #tpu.memory_space<semaphore_mem>>) src(%dma_wait3A_193 : memref<2048xf32, #tpu.memory_space<hbm>>) dst(%arg11 : memref<2048xf32, #tpu.memory_space<vmem>>)
          tpu.yield
        }) : () -> ()
        "tpu.region"() ({
          %run_scoped3A_191 = tpu.sem_alloc : memref<!tpu.dma_semaphore, #tpu.memory_space<semaphore_mem>>
          %dma_start3A = arith.constant 0 : i32
          %dma_start3A_192 = tpu.memref_slice %arg9[%dma_start3A] : memref<2048xi32, #tpu.memory_space<vmem>> -> memref<128xi32, #tpu.memory_space<vmem>>
          %dma_start3A_193 = arith.constant 0 : i32
          %dma_start3A_194 = arith.constant 0 : i32
          %dma_start3A_195 = tpu.memref_slice %arg5[%dma_start3A_193, %dma_start3A_194] : memref<100352x16xf32, #tpu.memory_space<hbm>> -> memref<100352x16xf32, #tpu.memory_space<hbm>>
          tpu.enqueue_indirect_dma source(%dma_start3A_195 : memref<100352x16xf32, #tpu.memory_space<hbm>>) target(%arg12 : memref<128x16xf32, #tpu.memory_space<vmem>>) offsets(%dma_start3A_192 : memref<128xi32, #tpu.memory_space<vmem>>) semaphore(%run_scoped3A_191 : memref<!tpu.dma_semaphore, #tpu.memory_space<semaphore_mem>>)
          %dma_wait3A = arith.constant 0 : i32
          %dma_wait3A_196 = tpu.memref_slice %arg9[%dma_wait3A] : memref<2048xi32, #tpu.memory_space<vmem>> -> memref<128xi32, #tpu.memory_space<vmem>>
          %dma_wait3A_197 = arith.constant 0 : i32
          %dma_wait3A_198 = arith.constant 0 : i32
          %dma_wait3A_199 = tpu.memref_slice %arg5[%dma_wait3A_197, %dma_wait3A_198] : memref<100352x16xf32, #tpu.memory_space<hbm>> -> memref<100352x16xf32, #tpu.memory_space<hbm>>
          tpu.wait_indirect_dma semaphore(%run_scoped3A_191 : memref<!tpu.dma_semaphore, #tpu.memory_space<semaphore_mem>>) src(%dma_wait3A_199 : memref<100352x16xf32, #tpu.memory_space<hbm>>) dst(%arg12 : memref<128x16xf32, #tpu.memory_space<vmem>>)
          tpu.yield
        }) : () -> ()
        %scan3A_63 = arith.constant 0 : i32
        %scan3A_64 = arith.constant 0 : i32
        %scan3A_65 = arith.constant 128 : i32
        %scan3A_66 = arith.addi %scan3A_64, %scan3A_65 : i32
        %scan3A_67 = arith.constant 1 : i32
        %scan3A_68 = scf.for %scan3A_191 = %scan3A_64 to %scan3A_66 step %scan3A_67 iter_args(%scan3A_192 = %scan3A_63) -> (i32)  : i32 {
          %add3A_193 = arith.constant 0 : i32
          %add3A_194 = arith.addi %add3A_193, %scan3A_191 : i32
          %broadcast_in_dim3A = vector.broadcast %add3A_194 : i32 to vector<16xi32>
          %gather3A = tpu.vector_load_idx %arg11[%broadcast_in_dim3A] : memref<2048xf32, #tpu.memory_space<vmem>>[vector<16xi32>], vector<16xf32>,
          %get3A = arith.index_cast %scan3A_191 : i32 to index
          %get3A_195 = arith.constant 0 : index
          %get3A_196 = tpu.vector_load %arg12[%get3A, %get3A_195] {strides = array<i32>} : memref<128x16xf32, #tpu.memory_space<vmem>>, vector<16xf32>,
          %mul3A_197 = arith.mulf %get3A_196, %gather3A : vector<16xf32>
          %swap3A = arith.index_cast %scan3A_191 : i32 to index
          %swap3A_198 = arith.constant 0 : index
          %swap3A_199 = tpu.vector_load %arg12[%swap3A, %swap3A_198] {strides = array<i32>} : memref<128x16xf32, #tpu.memory_space<vmem>>, vector<16xf32>,
          tpu.vector_store %arg12[%swap3A, %swap3A_198], %mul3A_197 {strides = array<i32>} : memref<128x16xf32, #tpu.memory_space<vmem>>, vector<16xf32>,
          %scan3A_200 = arith.constant 0 : i32
          scf.yield %scan3A_200 : i32
        }
        %scan3A_69 = arith.constant 128 : i32
        %run_scoped3A = arith.constant 0 : i32
        "tpu.region"() ({
          %run_scoped3A_191 = tpu.sem_alloc : memref<!tpu.dma_semaphore, #tpu.memory_space<semaphore_mem>>
          %dma_start3A = arith.constant 0 : i32
          %dma_start3A_192 = tpu.memref_slice %arg10[%run_scoped3A, %dma_start3A] : memref<16x128xi32, #tpu.memory_space<vmem>> -> memref<1x128xi32, #tpu.memory_space<vmem>>
          %dma_start3A_193 = tpu.memref_squeeze %dma_start3A_192 : memref<1x128xi32, #tpu.memory_space<vmem>> -> memref<128xi32, #tpu.memory_space<vmem>>
          %dma_start3A_194 = arith.constant 0 : i32
          %dma_start3A_195 = arith.constant 0 : i32
          %dma_start3A_196 = tpu.memref_slice %arg14[%dma_start3A_194, %dma_start3A_195] : memref<100352x16xf32, #tpu.memory_space<vmem_shared>> -> memref<100352x16xf32, #tpu.memory_space<vmem_shared>>
          tpu.enqueue_indirect_dma source(%arg12 : memref<128x16xf32, #tpu.memory_space<vmem>>) target(%dma_start3A_196 : memref<100352x16xf32, #tpu.memory_space<vmem_shared>>) offsets(%dma_start3A_193 : memref<128xi32, #tpu.memory_space<vmem>>) semaphore(%run_scoped3A_191 : memref<!tpu.dma_semaphore, #tpu.memory_space<semaphore_mem>>) {add = true}
          %dma_wait3A = arith.constant 0 : i32
          %dma_wait3A_197 = tpu.memref_slice %arg10[%run_scoped3A, %dma_wait3A] : memref<16x128xi32, #tpu.memory_space<vmem>> -> memref<1x128xi32, #tpu.memory_space<vmem>>
          %dma_wait3A_198 = tpu.memref_squeeze %dma_wait3A_197 : memref<1x128xi32, #tpu.memory_space<vmem>> -> memref<128xi32, #tpu.memory_space<vmem>>
          %dma_wait3A_199 = arith.constant 0 : i32
          %dma_wait3A_200 = arith.constant 0 : i32
          %dma_wait3A_201 = tpu.memref_slice %arg14[%dma_wait3A_199, %dma_wait3A_200] : memref<100352x16xf32, #tpu.memory_space<vmem_shared>> -> memref<100352x16xf32, #tpu.memory_space<vmem_shared>>
          tpu.wait_indirect_dma semaphore(%run_scoped3A_191 : memref<!tpu.dma_semaphore, #tpu.memory_space<semaphore_mem>>) src(%arg12 : memref<128x16xf32, #tpu.memory_space<vmem>>) dst(%dma_wait3A_201 : memref<100352x16xf32, #tpu.memory_space<vmem_shared>>)
          tpu.yield
        }) : () -> ()
        "tpu.region"() ({
          %run_scoped3A_191 = tpu.sem_alloc : memref<!tpu.dma_semaphore, #tpu.memory_space<semaphore_mem>>
          %dma_start3A = arith.constant 128 : i32
          %dma_start3A_192 = tpu.memref_slice %arg9[%dma_start3A] : memref<2048xi32, #tpu.memory_space<vmem>> -> memref<128xi32, #tpu.memory_space<vmem>>
          %dma_start3A_193 = arith.constant 0 : i32
          %dma_start3A_194 = arith.constant 0 : i32
          %dma_start3A_195 = tpu.memref_slice %arg5[%dma_start3A_193, %dma_start3A_194] : memref<100352x16xf32, #tpu.memory_space<hbm>> -> memref<100352x16xf32, #tpu.memory_space<hbm>>
          tpu.enqueue_indirect_dma source(%dma_start3A_195 : memref<100352x16xf32, #tpu.memory_space<hbm>>) target(%arg12 : memref<128x16xf32, #tpu.memory_space<vmem>>) offsets(%dma_start3A_192 : memref<128xi32, #tpu.memory_space<vmem>>) semaphore(%run_scoped3A_191 : memref<!tpu.dma_semaphore, #tpu.memory_space<semaphore_mem>>)
          %dma_wait3A = arith.constant 128 : i32
          %dma_wait3A_196 = tpu.memref_slice %arg9[%dma_wait3A] : memref<2048xi32, #tpu.memory_space<vmem>> -> memref<128xi32, #tpu.memory_space<vmem>>
          %dma_wait3A_197 = arith.constant 0 : i32
          %dma_wait3A_198 = arith.constant 0 : i32
          %dma_wait3A_199 = tpu.memref_slice %arg5[%dma_wait3A_197, %dma_wait3A_198] : memref<100352x16xf32, #tpu.memory_space<hbm>> -> memref<100352x16xf32, #tpu.memory_space<hbm>>
          tpu.wait_indirect_dma semaphore(%run_scoped3A_191 : memref<!tpu.dma_semaphore, #tpu.memory_space<semaphore_mem>>) src(%dma_wait3A_199 : memref<100352x16xf32, #tpu.memory_space<hbm>>) dst(%arg12 : memref<128x16xf32, #tpu.memory_space<vmem>>)
          tpu.yield
        }) : () -> ()
        %scan3A_70 = arith.constant 0 : i32
        %scan3A_71 = arith.constant 0 : i32
        %scan3A_72 = arith.constant 128 : i32
        %scan3A_73 = arith.addi %scan3A_71, %scan3A_72 : i32
        %scan3A_74 = arith.constant 1 : i32
        %scan3A_75 = scf.for %scan3A_191 = %scan3A_71 to %scan3A_73 step %scan3A_74 iter_args(%scan3A_192 = %scan3A_70) -> (i32)  : i32 {
          %add3A_193 = arith.constant 128 : i32
          %add3A_194 = arith.addi %add3A_193, %scan3A_191 : i32
          %broadcast_in_dim3A = vector.broadcast %add3A_194 : i32 to vector<16xi32>
          %gather3A = tpu.vector_load_idx %arg11[%broadcast_in_dim3A] : memref<2048xf32, #tpu.memory_space<vmem>>[vector<16xi32>], vector<16xf32>,
          %get3A = arith.index_cast %scan3A_191 : i32 to index
          %get3A_195 = arith.constant 0 : index
          %get3A_196 = tpu.vector_load %arg12[%get3A, %get3A_195] {strides = array<i32>} : memref<128x16xf32, #tpu.memory_space<vmem>>, vector<16xf32>,
          %mul3A_197 = arith.mulf %get3A_196, %gather3A : vector<16xf32>
          %swap3A = arith.index_cast %scan3A_191 : i32 to index
          %swap3A_198 = arith.constant 0 : index
          %swap3A_199 = tpu.vector_load %arg12[%swap3A, %swap3A_198] {strides = array<i32>} : memref<128x16xf32, #tpu.memory_space<vmem>>, vector<16xf32>,
          tpu.vector_store %arg12[%swap3A, %swap3A_198], %mul3A_197 {strides = array<i32>} : memref<128x16xf32, #tpu.memory_space<vmem>>, vector<16xf32>,
          %scan3A_200 = arith.constant 0 : i32
          scf.yield %scan3A_200 : i32
        }
        %scan3A_76 = arith.constant 128 : i32
        %run_scoped3A_77 = arith.constant 1 : i32
        "tpu.region"() ({
          %run_scoped3A_191 = tpu.sem_alloc : memref<!tpu.dma_semaphore, #tpu.memory_space<semaphore_mem>>
          %dma_start3A = arith.constant 0 : i32
          %dma_start3A_192 = tpu.memref_slice %arg10[%run_scoped3A_77, %dma_start3A] : memref<16x128xi32, #tpu.memory_space<vmem>> -> memref<1x128xi32, #tpu.memory_space<vmem>>
          %dma_start3A_193 = tpu.memref_squeeze %dma_start3A_192 : memref<1x128xi32, #tpu.memory_space<vmem>> -> memref<128xi32, #tpu.memory_space<vmem>>
          %dma_start3A_194 = arith.constant 0 : i32
          %dma_start3A_195 = arith.constant 0 : i32
          %dma_start3A_196 = tpu.memref_slice %arg14[%dma_start3A_194, %dma_start3A_195] : memref<100352x16xf32, #tpu.memory_space<vmem_shared>> -> memref<100352x16xf32, #tpu.memory_space<vmem_shared>>
          tpu.enqueue_indirect_dma source(%arg12 : memref<128x16xf32, #tpu.memory_space<vmem>>) target(%dma_start3A_196 : memref<100352x16xf32, #tpu.memory_space<vmem_shared>>) offsets(%dma_start3A_193 : memref<128xi32, #tpu.memory_space<vmem>>) semaphore(%run_scoped3A_191 : memref<!tpu.dma_semaphore, #tpu.memory_space<semaphore_mem>>) {add = true}
          %dma_wait3A = arith.constant 0 : i32
          %dma_wait3A_197 = tpu.memref_slice %arg10[%run_scoped3A_77, %dma_wait3A] : memref<16x128xi32, #tpu.memory_space<vmem>> -> memref<1x128xi32, #tpu.memory_space<vmem>>
          %dma_wait3A_198 = tpu.memref_squeeze %dma_wait3A_197 : memref<1x128xi32, #tpu.memory_space<vmem>> -> memref<128xi32, #tpu.memory_space<vmem>>
          %dma_wait3A_199 = arith.constant 0 : i32
          %dma_wait3A_200 = arith.constant 0 : i32
          %dma_wait3A_201 = tpu.memref_slice %arg14[%dma_wait3A_199, %dma_wait3A_200] : memref<100352x16xf32, #tpu.memory_space<vmem_shared>> -> memref<100352x16xf32, #tpu.memory_space<vmem_shared>>
          tpu.wait_indirect_dma semaphore(%run_scoped3A_191 : memref<!tpu.dma_semaphore, #tpu.memory_space<semaphore_mem>>) src(%arg12 : memref<128x16xf32, #tpu.memory_space<vmem>>) dst(%dma_wait3A_201 : memref<100352x16xf32, #tpu.memory_space<vmem_shared>>)
          tpu.yield
        }) : () -> ()
        "tpu.region"() ({
          %run_scoped3A_191 = tpu.sem_alloc : memref<!tpu.dma_semaphore, #tpu.memory_space<semaphore_mem>>
          %dma_start3A = arith.constant 256 : i32
          %dma_start3A_192 = tpu.memref_slice %arg9[%dma_start3A] : memref<2048xi32, #tpu.memory_space<vmem>> -> memref<128xi32, #tpu.memory_space<vmem>>
          %dma_start3A_193 = arith.constant 0 : i32
          %dma_start3A_194 = arith.constant 0 : i32
          %dma_start3A_195 = tpu.memref_slice %arg5[%dma_start3A_193, %dma_start3A_194] : memref<100352x16xf32, #tpu.memory_space<hbm>> -> memref<100352x16xf32, #tpu.memory_space<hbm>>
          tpu.enqueue_indirect_dma source(%dma_start3A_195 : memref<100352x16xf32, #tpu.memory_space<hbm>>) target(%arg12 : memref<128x16xf32, #tpu.memory_space<vmem>>) offsets(%dma_start3A_192 : memref<128xi32, #tpu.memory_space<vmem>>) semaphore(%run_scoped3A_191 : memref<!tpu.dma_semaphore, #tpu.memory_space<semaphore_mem>>)
          %dma_wait3A = arith.constant 256 : i32
          %dma_wait3A_196 = tpu.memref_slice %arg9[%dma_wait3A] : memref<2048xi32, #tpu.memory_space<vmem>> -> memref<128xi32, #tpu.memory_space<vmem>>
          %dma_wait3A_197 = arith.constant 0 : i32
          %dma_wait3A_198 = arith.constant 0 : i32
          %dma_wait3A_199 = tpu.memref_slice %arg5[%dma_wait3A_197, %dma_wait3A_198] : memref<100352x16xf32, #tpu.memory_space<hbm>> -> memref<100352x16xf32, #tpu.memory_space<hbm>>
          tpu.wait_indirect_dma semaphore(%run_scoped3A_191 : memref<!tpu.dma_semaphore, #tpu.memory_space<semaphore_mem>>) src(%dma_wait3A_199 : memref<100352x16xf32, #tpu.memory_space<hbm>>) dst(%arg12 : memref<128x16xf32, #tpu.memory_space<vmem>>)
          tpu.yield
        }) : () -> ()
        %scan3A_78 = arith.constant 0 : i32
        %scan3A_79 = arith.constant 0 : i32
        %scan3A_80 = arith.constant 128 : i32
        %scan3A_81 = arith.addi %scan3A_79, %scan3A_80 : i32
        %scan3A_82 = arith.constant 1 : i32
        %scan3A_83 = scf.for %scan3A_191 = %scan3A_79 to %scan3A_81 step %scan3A_82 iter_args(%scan3A_192 = %scan3A_78) -> (i32)  : i32 {
          %add3A_193 = arith.constant 256 : i32
          %add3A_194 = arith.addi %add3A_193, %scan3A_191 : i32
          %broadcast_in_dim3A = vector.broadcast %add3A_194 : i32 to vector<16xi32>
          %gather3A = tpu.vector_load_idx %arg11[%broadcast_in_dim3A] : memref<2048xf32, #tpu.memory_space<vmem>>[vector<16xi32>], vector<16xf32>,
          %get3A = arith.index_cast %scan3A_191 : i32 to index
          %get3A_195 = arith.constant 0 : index
          %get3A_196 = tpu.vector_load %arg12[%get3A, %get3A_195] {strides = array<i32>} : memref<128x16xf32, #tpu.memory_space<vmem>>, vector<16xf32>,
          %mul3A_197 = arith.mulf %get3A_196, %gather3A : vector<16xf32>
          %swap3A = arith.index_cast %scan3A_191 : i32 to index
          %swap3A_198 = arith.constant 0 : index
          %swap3A_199 = tpu.vector_load %arg12[%swap3A, %swap3A_198] {strides = array<i32>} : memref<128x16xf32, #tpu.memory_space<vmem>>, vector<16xf32>,
          tpu.vector_store %arg12[%swap3A, %swap3A_198], %mul3A_197 {strides = array<i32>} : memref<128x16xf32, #tpu.memory_space<vmem>>, vector<16xf32>,
          %scan3A_200 = arith.constant 0 : i32
          scf.yield %scan3A_200 : i32
        }
        %scan3A_84 = arith.constant 128 : i32
        %run_scoped3A_85 = arith.constant 2 : i32
        "tpu.region"() ({
          %run_scoped3A_191 = tpu.sem_alloc : memref<!tpu.dma_semaphore, #tpu.memory_space<semaphore_mem>>
          %dma_start3A = arith.constant 0 : i32
          %dma_start3A_192 = tpu.memref_slice %arg10[%run_scoped3A_85, %dma_start3A] : memref<16x128xi32, #tpu.memory_space<vmem>> -> memref<1x128xi32, #tpu.memory_space<vmem>>
          %dma_start3A_193 = tpu.memref_squeeze %dma_start3A_192 : memref<1x128xi32, #tpu.memory_space<vmem>> -> memref<128xi32, #tpu.memory_space<vmem>>
          %dma_start3A_194 = arith.constant 0 : i32
          %dma_start3A_195 = arith.constant 0 : i32
          %dma_start3A_196 = tpu.memref_slice %arg14[%dma_start3A_194, %dma_start3A_195] : memref<100352x16xf32, #tpu.memory_space<vmem_shared>> -> memref<100352x16xf32, #tpu.memory_space<vmem_shared>>
          tpu.enqueue_indirect_dma source(%arg12 : memref<128x16xf32, #tpu.memory_space<vmem>>) target(%dma_start3A_196 : memref<100352x16xf32, #tpu.memory_space<vmem_shared>>) offsets(%dma_start3A_193 : memref<128xi32, #tpu.memory_space<vmem>>) semaphore(%run_scoped3A_191 : memref<!tpu.dma_semaphore, #tpu.memory_space<semaphore_mem>>) {add = true}
          %dma_wait3A = arith.constant 0 : i32
          %dma_wait3A_197 = tpu.memref_slice %arg10[%run_scoped3A_85, %dma_wait3A] : memref<16x128xi32, #tpu.memory_space<vmem>> -> memref<1x128xi32, #tpu.memory_space<vmem>>
          %dma_wait3A_198 = tpu.memref_squeeze %dma_wait3A_197 : memref<1x128xi32, #tpu.memory_space<vmem>> -> memref<128xi32, #tpu.memory_space<vmem>>
          %dma_wait3A_199 = arith.constant 0 : i32
          %dma_wait3A_200 = arith.constant 0 : i32
          %dma_wait3A_201 = tpu.memref_slice %arg14[%dma_wait3A_199, %dma_wait3A_200] : memref<100352x16xf32, #tpu.memory_space<vmem_shared>> -> memref<100352x16xf32, #tpu.memory_space<vmem_shared>>
          tpu.wait_indirect_dma semaphore(%run_scoped3A_191 : memref<!tpu.dma_semaphore, #tpu.memory_space<semaphore_mem>>) src(%arg12 : memref<128x16xf32, #tpu.memory_space<vmem>>) dst(%dma_wait3A_201 : memref<100352x16xf32, #tpu.memory_space<vmem_shared>>)
          tpu.yield
        }) : () -> ()
        "tpu.region"() ({
          %run_scoped3A_191 = tpu.sem_alloc : memref<!tpu.dma_semaphore, #tpu.memory_space<semaphore_mem>>
          %dma_start3A = arith.constant 384 : i32
          %dma_start3A_192 = tpu.memref_slice %arg9[%dma_start3A] : memref<2048xi32, #tpu.memory_space<vmem>> -> memref<128xi32, #tpu.memory_space<vmem>>
          %dma_start3A_193 = arith.constant 0 : i32
          %dma_start3A_194 = arith.constant 0 : i32
          %dma_start3A_195 = tpu.memref_slice %arg5[%dma_start3A_193, %dma_start3A_194] : memref<100352x16xf32, #tpu.memory_space<hbm>> -> memref<100352x16xf32, #tpu.memory_space<hbm>>
          tpu.enqueue_indirect_dma source(%dma_start3A_195 : memref<100352x16xf32, #tpu.memory_space<hbm>>) target(%arg12 : memref<128x16xf32, #tpu.memory_space<vmem>>) offsets(%dma_start3A_192 : memref<128xi32, #tpu.memory_space<vmem>>) semaphore(%run_scoped3A_191 : memref<!tpu.dma_semaphore, #tpu.memory_space<semaphore_mem>>)
          %dma_wait3A = arith.constant 384 : i32
          %dma_wait3A_196 = tpu.memref_slice %arg9[%dma_wait3A] : memref<2048xi32, #tpu.memory_space<vmem>> -> memref<128xi32, #tpu.memory_space<vmem>>
          %dma_wait3A_197 = arith.constant 0 : i32
          %dma_wait3A_198 = arith.constant 0 : i32
          %dma_wait3A_199 = tpu.memref_slice %arg5[%dma_wait3A_197, %dma_wait3A_198] : memref<100352x16xf32, #tpu.memory_space<hbm>> -> memref<100352x16xf32, #tpu.memory_space<hbm>>
          tpu.wait_indirect_dma semaphore(%run_scoped3A_191 : memref<!tpu.dma_semaphore, #tpu.memory_space<semaphore_mem>>) src(%dma_wait3A_199 : memref<100352x16xf32, #tpu.memory_space<hbm>>) dst(%arg12 : memref<128x16xf32, #tpu.memory_space<vmem>>)
          tpu.yield
        }) : () -> ()
        %scan3A_86 = arith.constant 0 : i32
        %scan3A_87 = arith.constant 0 : i32
        %scan3A_88 = arith.constant 128 : i32
        %scan3A_89 = arith.addi %scan3A_87, %scan3A_88 : i32
        %scan3A_90 = arith.constant 1 : i32
        %scan3A_91 = scf.for %scan3A_191 = %scan3A_87 to %scan3A_89 step %scan3A_90 iter_args(%scan3A_192 = %scan3A_86) -> (i32)  : i32 {
          %add3A_193 = arith.constant 384 : i32
          %add3A_194 = arith.addi %add3A_193, %scan3A_191 : i32
          %broadcast_in_dim3A = vector.broadcast %add3A_194 : i32 to vector<16xi32>
          %gather3A = tpu.vector_load_idx %arg11[%broadcast_in_dim3A] : memref<2048xf32, #tpu.memory_space<vmem>>[vector<16xi32>], vector<16xf32>,
          %get3A = arith.index_cast %scan3A_191 : i32 to index
          %get3A_195 = arith.constant 0 : index
          %get3A_196 = tpu.vector_load %arg12[%get3A, %get3A_195] {strides = array<i32>} : memref<128x16xf32, #tpu.memory_space<vmem>>, vector<16xf32>,
          %mul3A_197 = arith.mulf %get3A_196, %gather3A : vector<16xf32>
          %swap3A = arith.index_cast %scan3A_191 : i32 to index
          %swap3A_198 = arith.constant 0 : index
          %swap3A_199 = tpu.vector_load %arg12[%swap3A, %swap3A_198] {strides = array<i32>} : memref<128x16xf32, #tpu.memory_space<vmem>>, vector<16xf32>,
          tpu.vector_store %arg12[%swap3A, %swap3A_198], %mul3A_197 {strides = array<i32>} : memref<128x16xf32, #tpu.memory_space<vmem>>, vector<16xf32>,
          %scan3A_200 = arith.constant 0 : i32
          scf.yield %scan3A_200 : i32
        }
        %scan3A_92 = arith.constant 128 : i32
        %run_scoped3A_93 = arith.constant 3 : i32
        "tpu.region"() ({
          %run_scoped3A_191 = tpu.sem_alloc : memref<!tpu.dma_semaphore, #tpu.memory_space<semaphore_mem>>
          %dma_start3A = arith.constant 0 : i32
          %dma_start3A_192 = tpu.memref_slice %arg10[%run_scoped3A_93, %dma_start3A] : memref<16x128xi32, #tpu.memory_space<vmem>> -> memref<1x128xi32, #tpu.memory_space<vmem>>
          %dma_start3A_193 = tpu.memref_squeeze %dma_start3A_192 : memref<1x128xi32, #tpu.memory_space<vmem>> -> memref<128xi32, #tpu.memory_space<vmem>>
          %dma_start3A_194 = arith.constant 0 : i32
          %dma_start3A_195 = arith.constant 0 : i32
          %dma_start3A_196 = tpu.memref_slice %arg14[%dma_start3A_194, %dma_start3A_195] : memref<100352x16xf32, #tpu.memory_space<vmem_shared>> -> memref<100352x16xf32, #tpu.memory_space<vmem_shared>>
          tpu.enqueue_indirect_dma source(%arg12 : memref<128x16xf32, #tpu.memory_space<vmem>>) target(%dma_start3A_196 : memref<100352x16xf32, #tpu.memory_space<vmem_shared>>) offsets(%dma_start3A_193 : memref<128xi32, #tpu.memory_space<vmem>>) semaphore(%run_scoped3A_191 : memref<!tpu.dma_semaphore, #tpu.memory_space<semaphore_mem>>) {add = true}
          %dma_wait3A = arith.constant 0 : i32
          %dma_wait3A_197 = tpu.memref_slice %arg10[%run_scoped3A_93, %dma_wait3A] : memref<16x128xi32, #tpu.memory_space<vmem>> -> memref<1x128xi32, #tpu.memory_space<vmem>>
          %dma_wait3A_198 = tpu.memref_squeeze %dma_wait3A_197 : memref<1x128xi32, #tpu.memory_space<vmem>> -> memref<128xi32, #tpu.memory_space<vmem>>
          %dma_wait3A_199 = arith.constant 0 : i32
          %dma_wait3A_200 = arith.constant 0 : i32
          %dma_wait3A_201 = tpu.memref_slice %arg14[%dma_wait3A_199, %dma_wait3A_200] : memref<100352x16xf32, #tpu.memory_space<vmem_shared>> -> memref<100352x16xf32, #tpu.memory_space<vmem_shared>>
          tpu.wait_indirect_dma semaphore(%run_scoped3A_191 : memref<!tpu.dma_semaphore, #tpu.memory_space<semaphore_mem>>) src(%arg12 : memref<128x16xf32, #tpu.memory_space<vmem>>) dst(%dma_wait3A_201 : memref<100352x16xf32, #tpu.memory_space<vmem_shared>>)
          tpu.yield
        }) : () -> ()
        "tpu.region"() ({
          %run_scoped3A_191 = tpu.sem_alloc : memref<!tpu.dma_semaphore, #tpu.memory_space<semaphore_mem>>
          %dma_start3A = arith.constant 512 : i32
          %dma_start3A_192 = tpu.memref_slice %arg9[%dma_start3A] : memref<2048xi32, #tpu.memory_space<vmem>> -> memref<128xi32, #tpu.memory_space<vmem>>
          %dma_start3A_193 = arith.constant 0 : i32
          %dma_start3A_194 = arith.constant 0 : i32
          %dma_start3A_195 = tpu.memref_slice %arg5[%dma_start3A_193, %dma_start3A_194] : memref<100352x16xf32, #tpu.memory_space<hbm>> -> memref<100352x16xf32, #tpu.memory_space<hbm>>
          tpu.enqueue_indirect_dma source(%dma_start3A_195 : memref<100352x16xf32, #tpu.memory_space<hbm>>) target(%arg12 : memref<128x16xf32, #tpu.memory_space<vmem>>) offsets(%dma_start3A_192 : memref<128xi32, #tpu.memory_space<vmem>>) semaphore(%run_scoped3A_191 : memref<!tpu.dma_semaphore, #tpu.memory_space<semaphore_mem>>)
          %dma_wait3A = arith.constant 512 : i32
          %dma_wait3A_196 = tpu.memref_slice %arg9[%dma_wait3A] : memref<2048xi32, #tpu.memory_space<vmem>> -> memref<128xi32, #tpu.memory_space<vmem>>
          %dma_wait3A_197 = arith.constant 0 : i32
          %dma_wait3A_198 = arith.constant 0 : i32
          %dma_wait3A_199 = tpu.memref_slice %arg5[%dma_wait3A_197, %dma_wait3A_198] : memref<100352x16xf32, #tpu.memory_space<hbm>> -> memref<100352x16xf32, #tpu.memory_space<hbm>>
          tpu.wait_indirect_dma semaphore(%run_scoped3A_191 : memref<!tpu.dma_semaphore, #tpu.memory_space<semaphore_mem>>) src(%dma_wait3A_199 : memref<100352x16xf32, #tpu.memory_space<hbm>>) dst(%arg12 : memref<128x16xf32, #tpu.memory_space<vmem>>)
          tpu.yield
        }) : () -> ()
        %scan3A_94 = arith.constant 0 : i32
        %scan3A_95 = arith.constant 0 : i32
        %scan3A_96 = arith.constant 128 : i32
        %scan3A_97 = arith.addi %scan3A_95, %scan3A_96 : i32
        %scan3A_98 = arith.constant 1 : i32
        %scan3A_99 = scf.for %scan3A_191 = %scan3A_95 to %scan3A_97 step %scan3A_98 iter_args(%scan3A_192 = %scan3A_94) -> (i32)  : i32 {
          %add3A_193 = arith.constant 512 : i32
          %add3A_194 = arith.addi %add3A_193, %scan3A_191 : i32
          %broadcast_in_dim3A = vector.broadcast %add3A_194 : i32 to vector<16xi32>
          %gather3A = tpu.vector_load_idx %arg11[%broadcast_in_dim3A] : memref<2048xf32, #tpu.memory_space<vmem>>[vector<16xi32>], vector<16xf32>,
          %get3A = arith.index_cast %scan3A_191 : i32 to index
          %get3A_195 = arith.constant 0 : index
          %get3A_196 = tpu.vector_load %arg12[%get3A, %get3A_195] {strides = array<i32>} : memref<128x16xf32, #tpu.memory_space<vmem>>, vector<16xf32>,
          %mul3A_197 = arith.mulf %get3A_196, %gather3A : vector<16xf32>
          %swap3A = arith.index_cast %scan3A_191 : i32 to index
          %swap3A_198 = arith.constant 0 : index
          %swap3A_199 = tpu.vector_load %arg12[%swap3A, %swap3A_198] {strides = array<i32>} : memref<128x16xf32, #tpu.memory_space<vmem>>, vector<16xf32>,
          tpu.vector_store %arg12[%swap3A, %swap3A_198], %mul3A_197 {strides = array<i32>} : memref<128x16xf32, #tpu.memory_space<vmem>>, vector<16xf32>,
          %scan3A_200 = arith.constant 0 : i32
          scf.yield %scan3A_200 : i32
        }
        %scan3A_100 = arith.constant 128 : i32
        %run_scoped3A_101 = arith.constant 4 : i32
        "tpu.region"() ({
          %run_scoped3A_191 = tpu.sem_alloc : memref<!tpu.dma_semaphore, #tpu.memory_space<semaphore_mem>>
          %dma_start3A = arith.constant 0 : i32
          %dma_start3A_192 = tpu.memref_slice %arg10[%run_scoped3A_101, %dma_start3A] : memref<16x128xi32, #tpu.memory_space<vmem>> -> memref<1x128xi32, #tpu.memory_space<vmem>>
          %dma_start3A_193 = tpu.memref_squeeze %dma_start3A_192 : memref<1x128xi32, #tpu.memory_space<vmem>> -> memref<128xi32, #tpu.memory_space<vmem>>
          %dma_start3A_194 = arith.constant 0 : i32
          %dma_start3A_195 = arith.constant 0 : i32
          %dma_start3A_196 = tpu.memref_slice %arg14[%dma_start3A_194, %dma_start3A_195] : memref<100352x16xf32, #tpu.memory_space<vmem_shared>> -> memref<100352x16xf32, #tpu.memory_space<vmem_shared>>
          tpu.enqueue_indirect_dma source(%arg12 : memref<128x16xf32, #tpu.memory_space<vmem>>) target(%dma_start3A_196 : memref<100352x16xf32, #tpu.memory_space<vmem_shared>>) offsets(%dma_start3A_193 : memref<128xi32, #tpu.memory_space<vmem>>) semaphore(%run_scoped3A_191 : memref<!tpu.dma_semaphore, #tpu.memory_space<semaphore_mem>>) {add = true}
          %dma_wait3A = arith.constant 0 : i32
          %dma_wait3A_197 = tpu.memref_slice %arg10[%run_scoped3A_101, %dma_wait3A] : memref<16x128xi32, #tpu.memory_space<vmem>> -> memref<1x128xi32, #tpu.memory_space<vmem>>
          %dma_wait3A_198 = tpu.memref_squeeze %dma_wait3A_197 : memref<1x128xi32, #tpu.memory_space<vmem>> -> memref<128xi32, #tpu.memory_space<vmem>>
          %dma_wait3A_199 = arith.constant 0 : i32
          %dma_wait3A_200 = arith.constant 0 : i32
          %dma_wait3A_201 = tpu.memref_slice %arg14[%dma_wait3A_199, %dma_wait3A_200] : memref<100352x16xf32, #tpu.memory_space<vmem_shared>> -> memref<100352x16xf32, #tpu.memory_space<vmem_shared>>
          tpu.wait_indirect_dma semaphore(%run_scoped3A_191 : memref<!tpu.dma_semaphore, #tpu.memory_space<semaphore_mem>>) src(%arg12 : memref<128x16xf32, #tpu.memory_space<vmem>>) dst(%dma_wait3A_201 : memref<100352x16xf32, #tpu.memory_space<vmem_shared>>)
          tpu.yield
        }) : () -> ()
        "tpu.region"() ({
          %run_scoped3A_191 = tpu.sem_alloc : memref<!tpu.dma_semaphore, #tpu.memory_space<semaphore_mem>>
          %dma_start3A = arith.constant 640 : i32
          %dma_start3A_192 = tpu.memref_slice %arg9[%dma_start3A] : memref<2048xi32, #tpu.memory_space<vmem>> -> memref<128xi32, #tpu.memory_space<vmem>>
          %dma_start3A_193 = arith.constant 0 : i32
          %dma_start3A_194 = arith.constant 0 : i32
          %dma_start3A_195 = tpu.memref_slice %arg5[%dma_start3A_193, %dma_start3A_194] : memref<100352x16xf32, #tpu.memory_space<hbm>> -> memref<100352x16xf32, #tpu.memory_space<hbm>>
          tpu.enqueue_indirect_dma source(%dma_start3A_195 : memref<100352x16xf32, #tpu.memory_space<hbm>>) target(%arg12 : memref<128x16xf32, #tpu.memory_space<vmem>>) offsets(%dma_start3A_192 : memref<128xi32, #tpu.memory_space<vmem>>) semaphore(%run_scoped3A_191 : memref<!tpu.dma_semaphore, #tpu.memory_space<semaphore_mem>>)
          %dma_wait3A = arith.constant 640 : i32
          %dma_wait3A_196 = tpu.memref_slice %arg9[%dma_wait3A] : memref<2048xi32, #tpu.memory_space<vmem>> -> memref<128xi32, #tpu.memory_space<vmem>>
          %dma_wait3A_197 = arith.constant 0 : i32
          %dma_wait3A_198 = arith.constant 0 : i32
          %dma_wait3A_199 = tpu.memref_slice %arg5[%dma_wait3A_197, %dma_wait3A_198] : memref<100352x16xf32, #tpu.memory_space<hbm>> -> memref<100352x16xf32, #tpu.memory_space<hbm>>
          tpu.wait_indirect_dma semaphore(%run_scoped3A_191 : memref<!tpu.dma_semaphore, #tpu.memory_space<semaphore_mem>>) src(%dma_wait3A_199 : memref<100352x16xf32, #tpu.memory_space<hbm>>) dst(%arg12 : memref<128x16xf32, #tpu.memory_space<vmem>>)
          tpu.yield
        }) : () -> ()
        %scan3A_102 = arith.constant 0 : i32
        %scan3A_103 = arith.constant 0 : i32
        %scan3A_104 = arith.constant 128 : i32
        %scan3A_105 = arith.addi %scan3A_103, %scan3A_104 : i32
        %scan3A_106 = arith.constant 1 : i32
        %scan3A_107 = scf.for %scan3A_191 = %scan3A_103 to %scan3A_105 step %scan3A_106 iter_args(%scan3A_192 = %scan3A_102) -> (i32)  : i32 {
          %add3A_193 = arith.constant 640 : i32
          %add3A_194 = arith.addi %add3A_193, %scan3A_191 : i32
          %broadcast_in_dim3A = vector.broadcast %add3A_194 : i32 to vector<16xi32>
          %gather3A = tpu.vector_load_idx %arg11[%broadcast_in_dim3A] : memref<2048xf32, #tpu.memory_space<vmem>>[vector<16xi32>], vector<16xf32>,
          %get3A = arith.index_cast %scan3A_191 : i32 to index
          %get3A_195 = arith.constant 0 : index
          %get3A_196 = tpu.vector_load %arg12[%get3A, %get3A_195] {strides = array<i32>} : memref<128x16xf32, #tpu.memory_space<vmem>>, vector<16xf32>,
          %mul3A_197 = arith.mulf %get3A_196, %gather3A : vector<16xf32>
          %swap3A = arith.index_cast %scan3A_191 : i32 to index
          %swap3A_198 = arith.constant 0 : index
          %swap3A_199 = tpu.vector_load %arg12[%swap3A, %swap3A_198] {strides = array<i32>} : memref<128x16xf32, #tpu.memory_space<vmem>>, vector<16xf32>,
          tpu.vector_store %arg12[%swap3A, %swap3A_198], %mul3A_197 {strides = array<i32>} : memref<128x16xf32, #tpu.memory_space<vmem>>, vector<16xf32>,
          %scan3A_200 = arith.constant 0 : i32
          scf.yield %scan3A_200 : i32
        }
        %scan3A_108 = arith.constant 128 : i32
        %run_scoped3A_109 = arith.constant 5 : i32
        "tpu.region"() ({
          %run_scoped3A_191 = tpu.sem_alloc : memref<!tpu.dma_semaphore, #tpu.memory_space<semaphore_mem>>
          %dma_start3A = arith.constant 0 : i32
          %dma_start3A_192 = tpu.memref_slice %arg10[%run_scoped3A_109, %dma_start3A] : memref<16x128xi32, #tpu.memory_space<vmem>> -> memref<1x128xi32, #tpu.memory_space<vmem>>
          %dma_start3A_193 = tpu.memref_squeeze %dma_start3A_192 : memref<1x128xi32, #tpu.memory_space<vmem>> -> memref<128xi32, #tpu.memory_space<vmem>>
          %dma_start3A_194 = arith.constant 0 : i32
          %dma_start3A_195 = arith.constant 0 : i32
          %dma_start3A_196 = tpu.memref_slice %arg14[%dma_start3A_194, %dma_start3A_195] : memref<100352x16xf32, #tpu.memory_space<vmem_shared>> -> memref<100352x16xf32, #tpu.memory_space<vmem_shared>>
          tpu.enqueue_indirect_dma source(%arg12 : memref<128x16xf32, #tpu.memory_space<vmem>>) target(%dma_start3A_196 : memref<100352x16xf32, #tpu.memory_space<vmem_shared>>) offsets(%dma_start3A_193 : memref<128xi32, #tpu.memory_space<vmem>>) semaphore(%run_scoped3A_191 : memref<!tpu.dma_semaphore, #tpu.memory_space<semaphore_mem>>) {add = true}
          %dma_wait3A = arith.constant 0 : i32
          %dma_wait3A_197 = tpu.memref_slice %arg10[%run_scoped3A_109, %dma_wait3A] : memref<16x128xi32, #tpu.memory_space<vmem>> -> memref<1x128xi32, #tpu.memory_space<vmem>>
          %dma_wait3A_198 = tpu.memref_squeeze %dma_wait3A_197 : memref<1x128xi32, #tpu.memory_space<vmem>> -> memref<128xi32, #tpu.memory_space<vmem>>
          %dma_wait3A_199 = arith.constant 0 : i32
          %dma_wait3A_200 = arith.constant 0 : i32
          %dma_wait3A_201 = tpu.memref_slice %arg14[%dma_wait3A_199, %dma_wait3A_200] : memref<100352x16xf32, #tpu.memory_space<vmem_shared>> -> memref<100352x16xf32, #tpu.memory_space<vmem_shared>>
          tpu.wait_indirect_dma semaphore(%run_scoped3A_191 : memref<!tpu.dma_semaphore, #tpu.memory_space<semaphore_mem>>) src(%arg12 : memref<128x16xf32, #tpu.memory_space<vmem>>) dst(%dma_wait3A_201 : memref<100352x16xf32, #tpu.memory_space<vmem_shared>>)
          tpu.yield
        }) : () -> ()
        "tpu.region"() ({
          %run_scoped3A_191 = tpu.sem_alloc : memref<!tpu.dma_semaphore, #tpu.memory_space<semaphore_mem>>
          %dma_start3A = arith.constant 768 : i32
          %dma_start3A_192 = tpu.memref_slice %arg9[%dma_start3A] : memref<2048xi32, #tpu.memory_space<vmem>> -> memref<128xi32, #tpu.memory_space<vmem>>
          %dma_start3A_193 = arith.constant 0 : i32
          %dma_start3A_194 = arith.constant 0 : i32
          %dma_start3A_195 = tpu.memref_slice %arg5[%dma_start3A_193, %dma_start3A_194] : memref<100352x16xf32, #tpu.memory_space<hbm>> -> memref<100352x16xf32, #tpu.memory_space<hbm>>
          tpu.enqueue_indirect_dma source(%dma_start3A_195 : memref<100352x16xf32, #tpu.memory_space<hbm>>) target(%arg12 : memref<128x16xf32, #tpu.memory_space<vmem>>) offsets(%dma_start3A_192 : memref<128xi32, #tpu.memory_space<vmem>>) semaphore(%run_scoped3A_191 : memref<!tpu.dma_semaphore, #tpu.memory_space<semaphore_mem>>)
          %dma_wait3A = arith.constant 768 : i32
          %dma_wait3A_196 = tpu.memref_slice %arg9[%dma_wait3A] : memref<2048xi32, #tpu.memory_space<vmem>> -> memref<128xi32, #tpu.memory_space<vmem>>
          %dma_wait3A_197 = arith.constant 0 : i32
          %dma_wait3A_198 = arith.constant 0 : i32
          %dma_wait3A_199 = tpu.memref_slice %arg5[%dma_wait3A_197, %dma_wait3A_198] : memref<100352x16xf32, #tpu.memory_space<hbm>> -> memref<100352x16xf32, #tpu.memory_space<hbm>>
          tpu.wait_indirect_dma semaphore(%run_scoped3A_191 : memref<!tpu.dma_semaphore, #tpu.memory_space<semaphore_mem>>) src(%dma_wait3A_199 : memref<100352x16xf32, #tpu.memory_space<hbm>>) dst(%arg12 : memref<128x16xf32, #tpu.memory_space<vmem>>)
          tpu.yield
        }) : () -> ()
        %scan3A_110 = arith.constant 0 : i32
        %scan3A_111 = arith.constant 0 : i32
        %scan3A_112 = arith.constant 128 : i32
        %scan3A_113 = arith.addi %scan3A_111, %scan3A_112 : i32
        %scan3A_114 = arith.constant 1 : i32
        %scan3A_115 = scf.for %scan3A_191 = %scan3A_111 to %scan3A_113 step %scan3A_114 iter_args(%scan3A_192 = %scan3A_110) -> (i32)  : i32 {
          %add3A_193 = arith.constant 768 : i32
          %add3A_194 = arith.addi %add3A_193, %scan3A_191 : i32
          %broadcast_in_dim3A = vector.broadcast %add3A_194 : i32 to vector<16xi32>
          %gather3A = tpu.vector_load_idx %arg11[%broadcast_in_dim3A] : memref<2048xf32, #tpu.memory_space<vmem>>[vector<16xi32>], vector<16xf32>,
          %get3A = arith.index_cast %scan3A_191 : i32 to index
          %get3A_195 = arith.constant 0 : index
          %get3A_196 = tpu.vector_load %arg12[%get3A, %get3A_195] {strides = array<i32>} : memref<128x16xf32, #tpu.memory_space<vmem>>, vector<16xf32>,
          %mul3A_197 = arith.mulf %get3A_196, %gather3A : vector<16xf32>
          %swap3A = arith.index_cast %scan3A_191 : i32 to index
          %swap3A_198 = arith.constant 0 : index
          %swap3A_199 = tpu.vector_load %arg12[%swap3A, %swap3A_198] {strides = array<i32>} : memref<128x16xf32, #tpu.memory_space<vmem>>, vector<16xf32>,
          tpu.vector_store %arg12[%swap3A, %swap3A_198], %mul3A_197 {strides = array<i32>} : memref<128x16xf32, #tpu.memory_space<vmem>>, vector<16xf32>,
          %scan3A_200 = arith.constant 0 : i32
          scf.yield %scan3A_200 : i32
        }
        %scan3A_116 = arith.constant 128 : i32
        %run_scoped3A_117 = arith.constant 6 : i32
        "tpu.region"() ({
          %run_scoped3A_191 = tpu.sem_alloc : memref<!tpu.dma_semaphore, #tpu.memory_space<semaphore_mem>>
          %dma_start3A = arith.constant 0 : i32
          %dma_start3A_192 = tpu.memref_slice %arg10[%run_scoped3A_117, %dma_start3A] : memref<16x128xi32, #tpu.memory_space<vmem>> -> memref<1x128xi32, #tpu.memory_space<vmem>>
          %dma_start3A_193 = tpu.memref_squeeze %dma_start3A_192 : memref<1x128xi32, #tpu.memory_space<vmem>> -> memref<128xi32, #tpu.memory_space<vmem>>
          %dma_start3A_194 = arith.constant 0 : i32
          %dma_start3A_195 = arith.constant 0 : i32
          %dma_start3A_196 = tpu.memref_slice %arg14[%dma_start3A_194, %dma_start3A_195] : memref<100352x16xf32, #tpu.memory_space<vmem_shared>> -> memref<100352x16xf32, #tpu.memory_space<vmem_shared>>
          tpu.enqueue_indirect_dma source(%arg12 : memref<128x16xf32, #tpu.memory_space<vmem>>) target(%dma_start3A_196 : memref<100352x16xf32, #tpu.memory_space<vmem_shared>>) offsets(%dma_start3A_193 : memref<128xi32, #tpu.memory_space<vmem>>) semaphore(%run_scoped3A_191 : memref<!tpu.dma_semaphore, #tpu.memory_space<semaphore_mem>>) {add = true}
          %dma_wait3A = arith.constant 0 : i32
          %dma_wait3A_197 = tpu.memref_slice %arg10[%run_scoped3A_117, %dma_wait3A] : memref<16x128xi32, #tpu.memory_space<vmem>> -> memref<1x128xi32, #tpu.memory_space<vmem>>
          %dma_wait3A_198 = tpu.memref_squeeze %dma_wait3A_197 : memref<1x128xi32, #tpu.memory_space<vmem>> -> memref<128xi32, #tpu.memory_space<vmem>>
          %dma_wait3A_199 = arith.constant 0 : i32
          %dma_wait3A_200 = arith.constant 0 : i32
          %dma_wait3A_201 = tpu.memref_slice %arg14[%dma_wait3A_199, %dma_wait3A_200] : memref<100352x16xf32, #tpu.memory_space<vmem_shared>> -> memref<100352x16xf32, #tpu.memory_space<vmem_shared>>
          tpu.wait_indirect_dma semaphore(%run_scoped3A_191 : memref<!tpu.dma_semaphore, #tpu.memory_space<semaphore_mem>>) src(%arg12 : memref<128x16xf32, #tpu.memory_space<vmem>>) dst(%dma_wait3A_201 : memref<100352x16xf32, #tpu.memory_space<vmem_shared>>)
          tpu.yield
        }) : () -> ()
        "tpu.region"() ({
          %run_scoped3A_191 = tpu.sem_alloc : memref<!tpu.dma_semaphore, #tpu.memory_space<semaphore_mem>>
          %dma_start3A = arith.constant 896 : i32
          %dma_start3A_192 = tpu.memref_slice %arg9[%dma_start3A] : memref<2048xi32, #tpu.memory_space<vmem>> -> memref<128xi32, #tpu.memory_space<vmem>>
          %dma_start3A_193 = arith.constant 0 : i32
          %dma_start3A_194 = arith.constant 0 : i32
          %dma_start3A_195 = tpu.memref_slice %arg5[%dma_start3A_193, %dma_start3A_194] : memref<100352x16xf32, #tpu.memory_space<hbm>> -> memref<100352x16xf32, #tpu.memory_space<hbm>>
          tpu.enqueue_indirect_dma source(%dma_start3A_195 : memref<100352x16xf32, #tpu.memory_space<hbm>>) target(%arg12 : memref<128x16xf32, #tpu.memory_space<vmem>>) offsets(%dma_start3A_192 : memref<128xi32, #tpu.memory_space<vmem>>) semaphore(%run_scoped3A_191 : memref<!tpu.dma_semaphore, #tpu.memory_space<semaphore_mem>>)
          %dma_wait3A = arith.constant 896 : i32
          %dma_wait3A_196 = tpu.memref_slice %arg9[%dma_wait3A] : memref<2048xi32, #tpu.memory_space<vmem>> -> memref<128xi32, #tpu.memory_space<vmem>>
          %dma_wait3A_197 = arith.constant 0 : i32
          %dma_wait3A_198 = arith.constant 0 : i32
          %dma_wait3A_199 = tpu.memref_slice %arg5[%dma_wait3A_197, %dma_wait3A_198] : memref<100352x16xf32, #tpu.memory_space<hbm>> -> memref<100352x16xf32, #tpu.memory_space<hbm>>
          tpu.wait_indirect_dma semaphore(%run_scoped3A_191 : memref<!tpu.dma_semaphore, #tpu.memory_space<semaphore_mem>>) src(%dma_wait3A_199 : memref<100352x16xf32, #tpu.memory_space<hbm>>) dst(%arg12 : memref<128x16xf32, #tpu.memory_space<vmem>>)
          tpu.yield
        }) : () -> ()
        %scan3A_118 = arith.constant 0 : i32
        %scan3A_119 = arith.constant 0 : i32
        %scan3A_120 = arith.constant 128 : i32
        %scan3A_121 = arith.addi %scan3A_119, %scan3A_120 : i32
        %scan3A_122 = arith.constant 1 : i32
        %scan3A_123 = scf.for %scan3A_191 = %scan3A_119 to %scan3A_121 step %scan3A_122 iter_args(%scan3A_192 = %scan3A_118) -> (i32)  : i32 {
          %add3A_193 = arith.constant 896 : i32
          %add3A_194 = arith.addi %add3A_193, %scan3A_191 : i32
          %broadcast_in_dim3A = vector.broadcast %add3A_194 : i32 to vector<16xi32>
          %gather3A = tpu.vector_load_idx %arg11[%broadcast_in_dim3A] : memref<2048xf32, #tpu.memory_space<vmem>>[vector<16xi32>], vector<16xf32>,
          %get3A = arith.index_cast %scan3A_191 : i32 to index
          %get3A_195 = arith.constant 0 : index
          %get3A_196 = tpu.vector_load %arg12[%get3A, %get3A_195] {strides = array<i32>} : memref<128x16xf32, #tpu.memory_space<vmem>>, vector<16xf32>,
          %mul3A_197 = arith.mulf %get3A_196, %gather3A : vector<16xf32>
          %swap3A = arith.index_cast %scan3A_191 : i32 to index
          %swap3A_198 = arith.constant 0 : index
          %swap3A_199 = tpu.vector_load %arg12[%swap3A, %swap3A_198] {strides = array<i32>} : memref<128x16xf32, #tpu.memory_space<vmem>>, vector<16xf32>,
          tpu.vector_store %arg12[%swap3A, %swap3A_198], %mul3A_197 {strides = array<i32>} : memref<128x16xf32, #tpu.memory_space<vmem>>, vector<16xf32>,
          %scan3A_200 = arith.constant 0 : i32
          scf.yield %scan3A_200 : i32
        }
        %scan3A_124 = arith.constant 128 : i32
        %run_scoped3A_125 = arith.constant 7 : i32
        "tpu.region"() ({
          %run_scoped3A_191 = tpu.sem_alloc : memref<!tpu.dma_semaphore, #tpu.memory_space<semaphore_mem>>
          %dma_start3A = arith.constant 0 : i32
          %dma_start3A_192 = tpu.memref_slice %arg10[%run_scoped3A_125, %dma_start3A] : memref<16x128xi32, #tpu.memory_space<vmem>> -> memref<1x128xi32, #tpu.memory_space<vmem>>
          %dma_start3A_193 = tpu.memref_squeeze %dma_start3A_192 : memref<1x128xi32, #tpu.memory_space<vmem>> -> memref<128xi32, #tpu.memory_space<vmem>>
          %dma_start3A_194 = arith.constant 0 : i32
          %dma_start3A_195 = arith.constant 0 : i32
          %dma_start3A_196 = tpu.memref_slice %arg14[%dma_start3A_194, %dma_start3A_195] : memref<100352x16xf32, #tpu.memory_space<vmem_shared>> -> memref<100352x16xf32, #tpu.memory_space<vmem_shared>>
          tpu.enqueue_indirect_dma source(%arg12 : memref<128x16xf32, #tpu.memory_space<vmem>>) target(%dma_start3A_196 : memref<100352x16xf32, #tpu.memory_space<vmem_shared>>) offsets(%dma_start3A_193 : memref<128xi32, #tpu.memory_space<vmem>>) semaphore(%run_scoped3A_191 : memref<!tpu.dma_semaphore, #tpu.memory_space<semaphore_mem>>) {add = true}
          %dma_wait3A = arith.constant 0 : i32
          %dma_wait3A_197 = tpu.memref_slice %arg10[%run_scoped3A_125, %dma_wait3A] : memref<16x128xi32, #tpu.memory_space<vmem>> -> memref<1x128xi32, #tpu.memory_space<vmem>>
          %dma_wait3A_198 = tpu.memref_squeeze %dma_wait3A_197 : memref<1x128xi32, #tpu.memory_space<vmem>> -> memref<128xi32, #tpu.memory_space<vmem>>
          %dma_wait3A_199 = arith.constant 0 : i32
          %dma_wait3A_200 = arith.constant 0 : i32
          %dma_wait3A_201 = tpu.memref_slice %arg14[%dma_wait3A_199, %dma_wait3A_200] : memref<100352x16xf32, #tpu.memory_space<vmem_shared>> -> memref<100352x16xf32, #tpu.memory_space<vmem_shared>>
          tpu.wait_indirect_dma semaphore(%run_scoped3A_191 : memref<!tpu.dma_semaphore, #tpu.memory_space<semaphore_mem>>) src(%arg12 : memref<128x16xf32, #tpu.memory_space<vmem>>) dst(%dma_wait3A_201 : memref<100352x16xf32, #tpu.memory_space<vmem_shared>>)
          tpu.yield
        }) : () -> ()
        "tpu.region"() ({
          %run_scoped3A_191 = tpu.sem_alloc : memref<!tpu.dma_semaphore, #tpu.memory_space<semaphore_mem>>
          %dma_start3A = arith.constant 1024 : i32
          %dma_start3A_192 = tpu.memref_slice %arg9[%dma_start3A] : memref<2048xi32, #tpu.memory_space<vmem>> -> memref<128xi32, #tpu.memory_space<vmem>>
          %dma_start3A_193 = arith.constant 0 : i32
          %dma_start3A_194 = arith.constant 0 : i32
          %dma_start3A_195 = tpu.memref_slice %arg5[%dma_start3A_193, %dma_start3A_194] : memref<100352x16xf32, #tpu.memory_space<hbm>> -> memref<100352x16xf32, #tpu.memory_space<hbm>>
          tpu.enqueue_indirect_dma source(%dma_start3A_195 : memref<100352x16xf32, #tpu.memory_space<hbm>>) target(%arg12 : memref<128x16xf32, #tpu.memory_space<vmem>>) offsets(%dma_start3A_192 : memref<128xi32, #tpu.memory_space<vmem>>) semaphore(%run_scoped3A_191 : memref<!tpu.dma_semaphore, #tpu.memory_space<semaphore_mem>>)
          %dma_wait3A = arith.constant 1024 : i32
          %dma_wait3A_196 = tpu.memref_slice %arg9[%dma_wait3A] : memref<2048xi32, #tpu.memory_space<vmem>> -> memref<128xi32, #tpu.memory_space<vmem>>
          %dma_wait3A_197 = arith.constant 0 : i32
          %dma_wait3A_198 = arith.constant 0 : i32
          %dma_wait3A_199 = tpu.memref_slice %arg5[%dma_wait3A_197, %dma_wait3A_198] : memref<100352x16xf32, #tpu.memory_space<hbm>> -> memref<100352x16xf32, #tpu.memory_space<hbm>>
          tpu.wait_indirect_dma semaphore(%run_scoped3A_191 : memref<!tpu.dma_semaphore, #tpu.memory_space<semaphore_mem>>) src(%dma_wait3A_199 : memref<100352x16xf32, #tpu.memory_space<hbm>>) dst(%arg12 : memref<128x16xf32, #tpu.memory_space<vmem>>)
          tpu.yield
        }) : () -> ()
        %scan3A_126 = arith.constant 0 : i32
        %scan3A_127 = arith.constant 0 : i32
        %scan3A_128 = arith.constant 128 : i32
        %scan3A_129 = arith.addi %scan3A_127, %scan3A_128 : i32
        %scan3A_130 = arith.constant 1 : i32
        %scan3A_131 = scf.for %scan3A_191 = %scan3A_127 to %scan3A_129 step %scan3A_130 iter_args(%scan3A_192 = %scan3A_126) -> (i32)  : i32 {
          %add3A_193 = arith.constant 1024 : i32
          %add3A_194 = arith.addi %add3A_193, %scan3A_191 : i32
          %broadcast_in_dim3A = vector.broadcast %add3A_194 : i32 to vector<16xi32>
          %gather3A = tpu.vector_load_idx %arg11[%broadcast_in_dim3A] : memref<2048xf32, #tpu.memory_space<vmem>>[vector<16xi32>], vector<16xf32>,
          %get3A = arith.index_cast %scan3A_191 : i32 to index
          %get3A_195 = arith.constant 0 : index
          %get3A_196 = tpu.vector_load %arg12[%get3A, %get3A_195] {strides = array<i32>} : memref<128x16xf32, #tpu.memory_space<vmem>>, vector<16xf32>,
          %mul3A_197 = arith.mulf %get3A_196, %gather3A : vector<16xf32>
          %swap3A = arith.index_cast %scan3A_191 : i32 to index
          %swap3A_198 = arith.constant 0 : index
          %swap3A_199 = tpu.vector_load %arg12[%swap3A, %swap3A_198] {strides = array<i32>} : memref<128x16xf32, #tpu.memory_space<vmem>>, vector<16xf32>,
          tpu.vector_store %arg12[%swap3A, %swap3A_198], %mul3A_197 {strides = array<i32>} : memref<128x16xf32, #tpu.memory_space<vmem>>, vector<16xf32>,
          %scan3A_200 = arith.constant 0 : i32
          scf.yield %scan3A_200 : i32
        }
        %scan3A_132 = arith.constant 128 : i32
        %run_scoped3A_133 = arith.constant 8 : i32
        "tpu.region"() ({
          %run_scoped3A_191 = tpu.sem_alloc : memref<!tpu.dma_semaphore, #tpu.memory_space<semaphore_mem>>
          %dma_start3A = arith.constant 0 : i32
          %dma_start3A_192 = tpu.memref_slice %arg10[%run_scoped3A_133, %dma_start3A] : memref<16x128xi32, #tpu.memory_space<vmem>> -> memref<1x128xi32, #tpu.memory_space<vmem>>
          %dma_start3A_193 = tpu.memref_squeeze %dma_start3A_192 : memref<1x128xi32, #tpu.memory_space<vmem>> -> memref<128xi32, #tpu.memory_space<vmem>>
          %dma_start3A_194 = arith.constant 0 : i32
          %dma_start3A_195 = arith.constant 0 : i32
          %dma_start3A_196 = tpu.memref_slice %arg14[%dma_start3A_194, %dma_start3A_195] : memref<100352x16xf32, #tpu.memory_space<vmem_shared>> -> memref<100352x16xf32, #tpu.memory_space<vmem_shared>>
          tpu.enqueue_indirect_dma source(%arg12 : memref<128x16xf32, #tpu.memory_space<vmem>>) target(%dma_start3A_196 : memref<100352x16xf32, #tpu.memory_space<vmem_shared>>) offsets(%dma_start3A_193 : memref<128xi32, #tpu.memory_space<vmem>>) semaphore(%run_scoped3A_191 : memref<!tpu.dma_semaphore, #tpu.memory_space<semaphore_mem>>) {add = true}
          %dma_wait3A = arith.constant 0 : i32
          %dma_wait3A_197 = tpu.memref_slice %arg10[%run_scoped3A_133, %dma_wait3A] : memref<16x128xi32, #tpu.memory_space<vmem>> -> memref<1x128xi32, #tpu.memory_space<vmem>>
          %dma_wait3A_198 = tpu.memref_squeeze %dma_wait3A_197 : memref<1x128xi32, #tpu.memory_space<vmem>> -> memref<128xi32, #tpu.memory_space<vmem>>
          %dma_wait3A_199 = arith.constant 0 : i32
          %dma_wait3A_200 = arith.constant 0 : i32
          %dma_wait3A_201 = tpu.memref_slice %arg14[%dma_wait3A_199, %dma_wait3A_200] : memref<100352x16xf32, #tpu.memory_space<vmem_shared>> -> memref<100352x16xf32, #tpu.memory_space<vmem_shared>>
          tpu.wait_indirect_dma semaphore(%run_scoped3A_191 : memref<!tpu.dma_semaphore, #tpu.memory_space<semaphore_mem>>) src(%arg12 : memref<128x16xf32, #tpu.memory_space<vmem>>) dst(%dma_wait3A_201 : memref<100352x16xf32, #tpu.memory_space<vmem_shared>>)
          tpu.yield
        }) : () -> ()
        "tpu.region"() ({
          %run_scoped3A_191 = tpu.sem_alloc : memref<!tpu.dma_semaphore, #tpu.memory_space<semaphore_mem>>
          %dma_start3A = arith.constant 1152 : i32
          %dma_start3A_192 = tpu.memref_slice %arg9[%dma_start3A] : memref<2048xi32, #tpu.memory_space<vmem>> -> memref<128xi32, #tpu.memory_space<vmem>>
          %dma_start3A_193 = arith.constant 0 : i32
          %dma_start3A_194 = arith.constant 0 : i32
          %dma_start3A_195 = tpu.memref_slice %arg5[%dma_start3A_193, %dma_start3A_194] : memref<100352x16xf32, #tpu.memory_space<hbm>> -> memref<100352x16xf32, #tpu.memory_space<hbm>>
          tpu.enqueue_indirect_dma source(%dma_start3A_195 : memref<100352x16xf32, #tpu.memory_space<hbm>>) target(%arg12 : memref<128x16xf32, #tpu.memory_space<vmem>>) offsets(%dma_start3A_192 : memref<128xi32, #tpu.memory_space<vmem>>) semaphore(%run_scoped3A_191 : memref<!tpu.dma_semaphore, #tpu.memory_space<semaphore_mem>>)
          %dma_wait3A = arith.constant 1152 : i32
          %dma_wait3A_196 = tpu.memref_slice %arg9[%dma_wait3A] : memref<2048xi32, #tpu.memory_space<vmem>> -> memref<128xi32, #tpu.memory_space<vmem>>
          %dma_wait3A_197 = arith.constant 0 : i32
          %dma_wait3A_198 = arith.constant 0 : i32
          %dma_wait3A_199 = tpu.memref_slice %arg5[%dma_wait3A_197, %dma_wait3A_198] : memref<100352x16xf32, #tpu.memory_space<hbm>> -> memref<100352x16xf32, #tpu.memory_space<hbm>>
          tpu.wait_indirect_dma semaphore(%run_scoped3A_191 : memref<!tpu.dma_semaphore, #tpu.memory_space<semaphore_mem>>) src(%dma_wait3A_199 : memref<100352x16xf32, #tpu.memory_space<hbm>>) dst(%arg12 : memref<128x16xf32, #tpu.memory_space<vmem>>)
          tpu.yield
        }) : () -> ()
        %scan3A_134 = arith.constant 0 : i32
        %scan3A_135 = arith.constant 0 : i32
        %scan3A_136 = arith.constant 128 : i32
        %scan3A_137 = arith.addi %scan3A_135, %scan3A_136 : i32
        %scan3A_138 = arith.constant 1 : i32
        %scan3A_139 = scf.for %scan3A_191 = %scan3A_135 to %scan3A_137 step %scan3A_138 iter_args(%scan3A_192 = %scan3A_134) -> (i32)  : i32 {
          %add3A_193 = arith.constant 1152 : i32
          %add3A_194 = arith.addi %add3A_193, %scan3A_191 : i32
          %broadcast_in_dim3A = vector.broadcast %add3A_194 : i32 to vector<16xi32>
          %gather3A = tpu.vector_load_idx %arg11[%broadcast_in_dim3A] : memref<2048xf32, #tpu.memory_space<vmem>>[vector<16xi32>], vector<16xf32>,
          %get3A = arith.index_cast %scan3A_191 : i32 to index
          %get3A_195 = arith.constant 0 : index
          %get3A_196 = tpu.vector_load %arg12[%get3A, %get3A_195] {strides = array<i32>} : memref<128x16xf32, #tpu.memory_space<vmem>>, vector<16xf32>,
          %mul3A_197 = arith.mulf %get3A_196, %gather3A : vector<16xf32>
          %swap3A = arith.index_cast %scan3A_191 : i32 to index
          %swap3A_198 = arith.constant 0 : index
          %swap3A_199 = tpu.vector_load %arg12[%swap3A, %swap3A_198] {strides = array<i32>} : memref<128x16xf32, #tpu.memory_space<vmem>>, vector<16xf32>,
          tpu.vector_store %arg12[%swap3A, %swap3A_198], %mul3A_197 {strides = array<i32>} : memref<128x16xf32, #tpu.memory_space<vmem>>, vector<16xf32>,
          %scan3A_200 = arith.constant 0 : i32
          scf.yield %scan3A_200 : i32
        }
        %scan3A_140 = arith.constant 128 : i32
        %run_scoped3A_141 = arith.constant 9 : i32
        "tpu.region"() ({
          %run_scoped3A_191 = tpu.sem_alloc : memref<!tpu.dma_semaphore, #tpu.memory_space<semaphore_mem>>
          %dma_start3A = arith.constant 0 : i32
          %dma_start3A_192 = tpu.memref_slice %arg10[%run_scoped3A_141, %dma_start3A] : memref<16x128xi32, #tpu.memory_space<vmem>> -> memref<1x128xi32, #tpu.memory_space<vmem>>
          %dma_start3A_193 = tpu.memref_squeeze %dma_start3A_192 : memref<1x128xi32, #tpu.memory_space<vmem>> -> memref<128xi32, #tpu.memory_space<vmem>>
          %dma_start3A_194 = arith.constant 0 : i32
          %dma_start3A_195 = arith.constant 0 : i32
          %dma_start3A_196 = tpu.memref_slice %arg14[%dma_start3A_194, %dma_start3A_195] : memref<100352x16xf32, #tpu.memory_space<vmem_shared>> -> memref<100352x16xf32, #tpu.memory_space<vmem_shared>>
          tpu.enqueue_indirect_dma source(%arg12 : memref<128x16xf32, #tpu.memory_space<vmem>>) target(%dma_start3A_196 : memref<100352x16xf32, #tpu.memory_space<vmem_shared>>) offsets(%dma_start3A_193 : memref<128xi32, #tpu.memory_space<vmem>>) semaphore(%run_scoped3A_191 : memref<!tpu.dma_semaphore, #tpu.memory_space<semaphore_mem>>) {add = true}
          %dma_wait3A = arith.constant 0 : i32
          %dma_wait3A_197 = tpu.memref_slice %arg10[%run_scoped3A_141, %dma_wait3A] : memref<16x128xi32, #tpu.memory_space<vmem>> -> memref<1x128xi32, #tpu.memory_space<vmem>>
          %dma_wait3A_198 = tpu.memref_squeeze %dma_wait3A_197 : memref<1x128xi32, #tpu.memory_space<vmem>> -> memref<128xi32, #tpu.memory_space<vmem>>
          %dma_wait3A_199 = arith.constant 0 : i32
          %dma_wait3A_200 = arith.constant 0 : i32
          %dma_wait3A_201 = tpu.memref_slice %arg14[%dma_wait3A_199, %dma_wait3A_200] : memref<100352x16xf32, #tpu.memory_space<vmem_shared>> -> memref<100352x16xf32, #tpu.memory_space<vmem_shared>>
          tpu.wait_indirect_dma semaphore(%run_scoped3A_191 : memref<!tpu.dma_semaphore, #tpu.memory_space<semaphore_mem>>) src(%arg12 : memref<128x16xf32, #tpu.memory_space<vmem>>) dst(%dma_wait3A_201 : memref<100352x16xf32, #tpu.memory_space<vmem_shared>>)
          tpu.yield
        }) : () -> ()
        "tpu.region"() ({
          %run_scoped3A_191 = tpu.sem_alloc : memref<!tpu.dma_semaphore, #tpu.memory_space<semaphore_mem>>
          %dma_start3A = arith.constant 1280 : i32
          %dma_start3A_192 = tpu.memref_slice %arg9[%dma_start3A] : memref<2048xi32, #tpu.memory_space<vmem>> -> memref<128xi32, #tpu.memory_space<vmem>>
          %dma_start3A_193 = arith.constant 0 : i32
          %dma_start3A_194 = arith.constant 0 : i32
          %dma_start3A_195 = tpu.memref_slice %arg5[%dma_start3A_193, %dma_start3A_194] : memref<100352x16xf32, #tpu.memory_space<hbm>> -> memref<100352x16xf32, #tpu.memory_space<hbm>>
          tpu.enqueue_indirect_dma source(%dma_start3A_195 : memref<100352x16xf32, #tpu.memory_space<hbm>>) target(%arg12 : memref<128x16xf32, #tpu.memory_space<vmem>>) offsets(%dma_start3A_192 : memref<128xi32, #tpu.memory_space<vmem>>) semaphore(%run_scoped3A_191 : memref<!tpu.dma_semaphore, #tpu.memory_space<semaphore_mem>>)
          %dma_wait3A = arith.constant 1280 : i32
          %dma_wait3A_196 = tpu.memref_slice %arg9[%dma_wait3A] : memref<2048xi32, #tpu.memory_space<vmem>> -> memref<128xi32, #tpu.memory_space<vmem>>
          %dma_wait3A_197 = arith.constant 0 : i32
          %dma_wait3A_198 = arith.constant 0 : i32
          %dma_wait3A_199 = tpu.memref_slice %arg5[%dma_wait3A_197, %dma_wait3A_198] : memref<100352x16xf32, #tpu.memory_space<hbm>> -> memref<100352x16xf32, #tpu.memory_space<hbm>>
          tpu.wait_indirect_dma semaphore(%run_scoped3A_191 : memref<!tpu.dma_semaphore, #tpu.memory_space<semaphore_mem>>) src(%dma_wait3A_199 : memref<100352x16xf32, #tpu.memory_space<hbm>>) dst(%arg12 : memref<128x16xf32, #tpu.memory_space<vmem>>)
          tpu.yield
        }) : () -> ()
        %scan3A_142 = arith.constant 0 : i32
        %scan3A_143 = arith.constant 0 : i32
        %scan3A_144 = arith.constant 128 : i32
        %scan3A_145 = arith.addi %scan3A_143, %scan3A_144 : i32
        %scan3A_146 = arith.constant 1 : i32
        %scan3A_147 = scf.for %scan3A_191 = %scan3A_143 to %scan3A_145 step %scan3A_146 iter_args(%scan3A_192 = %scan3A_142) -> (i32)  : i32 {
          %add3A_193 = arith.constant 1280 : i32
          %add3A_194 = arith.addi %add3A_193, %scan3A_191 : i32
          %broadcast_in_dim3A = vector.broadcast %add3A_194 : i32 to vector<16xi32>
          %gather3A = tpu.vector_load_idx %arg11[%broadcast_in_dim3A] : memref<2048xf32, #tpu.memory_space<vmem>>[vector<16xi32>], vector<16xf32>,
          %get3A = arith.index_cast %scan3A_191 : i32 to index
          %get3A_195 = arith.constant 0 : index
          %get3A_196 = tpu.vector_load %arg12[%get3A, %get3A_195] {strides = array<i32>} : memref<128x16xf32, #tpu.memory_space<vmem>>, vector<16xf32>,
          %mul3A_197 = arith.mulf %get3A_196, %gather3A : vector<16xf32>
          %swap3A = arith.index_cast %scan3A_191 : i32 to index
          %swap3A_198 = arith.constant 0 : index
          %swap3A_199 = tpu.vector_load %arg12[%swap3A, %swap3A_198] {strides = array<i32>} : memref<128x16xf32, #tpu.memory_space<vmem>>, vector<16xf32>,
          tpu.vector_store %arg12[%swap3A, %swap3A_198], %mul3A_197 {strides = array<i32>} : memref<128x16xf32, #tpu.memory_space<vmem>>, vector<16xf32>,
          %scan3A_200 = arith.constant 0 : i32
          scf.yield %scan3A_200 : i32
        }
        %scan3A_148 = arith.constant 128 : i32
        %run_scoped3A_149 = arith.constant 10 : i32
        "tpu.region"() ({
          %run_scoped3A_191 = tpu.sem_alloc : memref<!tpu.dma_semaphore, #tpu.memory_space<semaphore_mem>>
          %dma_start3A = arith.constant 0 : i32
          %dma_start3A_192 = tpu.memref_slice %arg10[%run_scoped3A_149, %dma_start3A] : memref<16x128xi32, #tpu.memory_space<vmem>> -> memref<1x128xi32, #tpu.memory_space<vmem>>
          %dma_start3A_193 = tpu.memref_squeeze %dma_start3A_192 : memref<1x128xi32, #tpu.memory_space<vmem>> -> memref<128xi32, #tpu.memory_space<vmem>>
          %dma_start3A_194 = arith.constant 0 : i32
          %dma_start3A_195 = arith.constant 0 : i32
          %dma_start3A_196 = tpu.memref_slice %arg14[%dma_start3A_194, %dma_start3A_195] : memref<100352x16xf32, #tpu.memory_space<vmem_shared>> -> memref<100352x16xf32, #tpu.memory_space<vmem_shared>>
          tpu.enqueue_indirect_dma source(%arg12 : memref<128x16xf32, #tpu.memory_space<vmem>>) target(%dma_start3A_196 : memref<100352x16xf32, #tpu.memory_space<vmem_shared>>) offsets(%dma_start3A_193 : memref<128xi32, #tpu.memory_space<vmem>>) semaphore(%run_scoped3A_191 : memref<!tpu.dma_semaphore, #tpu.memory_space<semaphore_mem>>) {add = true}
          %dma_wait3A = arith.constant 0 : i32
          %dma_wait3A_197 = tpu.memref_slice %arg10[%run_scoped3A_149, %dma_wait3A] : memref<16x128xi32, #tpu.memory_space<vmem>> -> memref<1x128xi32, #tpu.memory_space<vmem>>
          %dma_wait3A_198 = tpu.memref_squeeze %dma_wait3A_197 : memref<1x128xi32, #tpu.memory_space<vmem>> -> memref<128xi32, #tpu.memory_space<vmem>>
          %dma_wait3A_199 = arith.constant 0 : i32
          %dma_wait3A_200 = arith.constant 0 : i32
          %dma_wait3A_201 = tpu.memref_slice %arg14[%dma_wait3A_199, %dma_wait3A_200] : memref<100352x16xf32, #tpu.memory_space<vmem_shared>> -> memref<100352x16xf32, #tpu.memory_space<vmem_shared>>
          tpu.wait_indirect_dma semaphore(%run_scoped3A_191 : memref<!tpu.dma_semaphore, #tpu.memory_space<semaphore_mem>>) src(%arg12 : memref<128x16xf32, #tpu.memory_space<vmem>>) dst(%dma_wait3A_201 : memref<100352x16xf32, #tpu.memory_space<vmem_shared>>)
          tpu.yield
        }) : () -> ()
        "tpu.region"() ({
          %run_scoped3A_191 = tpu.sem_alloc : memref<!tpu.dma_semaphore, #tpu.memory_space<semaphore_mem>>
          %dma_start3A = arith.constant 1408 : i32
          %dma_start3A_192 = tpu.memref_slice %arg9[%dma_start3A] : memref<2048xi32, #tpu.memory_space<vmem>> -> memref<128xi32, #tpu.memory_space<vmem>>
          %dma_start3A_193 = arith.constant 0 : i32
          %dma_start3A_194 = arith.constant 0 : i32
          %dma_start3A_195 = tpu.memref_slice %arg5[%dma_start3A_193, %dma_start3A_194] : memref<100352x16xf32, #tpu.memory_space<hbm>> -> memref<100352x16xf32, #tpu.memory_space<hbm>>
          tpu.enqueue_indirect_dma source(%dma_start3A_195 : memref<100352x16xf32, #tpu.memory_space<hbm>>) target(%arg12 : memref<128x16xf32, #tpu.memory_space<vmem>>) offsets(%dma_start3A_192 : memref<128xi32, #tpu.memory_space<vmem>>) semaphore(%run_scoped3A_191 : memref<!tpu.dma_semaphore, #tpu.memory_space<semaphore_mem>>)
          %dma_wait3A = arith.constant 1408 : i32
          %dma_wait3A_196 = tpu.memref_slice %arg9[%dma_wait3A] : memref<2048xi32, #tpu.memory_space<vmem>> -> memref<128xi32, #tpu.memory_space<vmem>>
          %dma_wait3A_197 = arith.constant 0 : i32
          %dma_wait3A_198 = arith.constant 0 : i32
          %dma_wait3A_199 = tpu.memref_slice %arg5[%dma_wait3A_197, %dma_wait3A_198] : memref<100352x16xf32, #tpu.memory_space<hbm>> -> memref<100352x16xf32, #tpu.memory_space<hbm>>
          tpu.wait_indirect_dma semaphore(%run_scoped3A_191 : memref<!tpu.dma_semaphore, #tpu.memory_space<semaphore_mem>>) src(%dma_wait3A_199 : memref<100352x16xf32, #tpu.memory_space<hbm>>) dst(%arg12 : memref<128x16xf32, #tpu.memory_space<vmem>>)
          tpu.yield
        }) : () -> ()
        %scan3A_150 = arith.constant 0 : i32
        %scan3A_151 = arith.constant 0 : i32
        %scan3A_152 = arith.constant 128 : i32
        %scan3A_153 = arith.addi %scan3A_151, %scan3A_152 : i32
        %scan3A_154 = arith.constant 1 : i32
        %scan3A_155 = scf.for %scan3A_191 = %scan3A_151 to %scan3A_153 step %scan3A_154 iter_args(%scan3A_192 = %scan3A_150) -> (i32)  : i32 {
          %add3A_193 = arith.constant 1408 : i32
          %add3A_194 = arith.addi %add3A_193, %scan3A_191 : i32
          %broadcast_in_dim3A = vector.broadcast %add3A_194 : i32 to vector<16xi32>
          %gather3A = tpu.vector_load_idx %arg11[%broadcast_in_dim3A] : memref<2048xf32, #tpu.memory_space<vmem>>[vector<16xi32>], vector<16xf32>,
          %get3A = arith.index_cast %scan3A_191 : i32 to index
          %get3A_195 = arith.constant 0 : index
          %get3A_196 = tpu.vector_load %arg12[%get3A, %get3A_195] {strides = array<i32>} : memref<128x16xf32, #tpu.memory_space<vmem>>, vector<16xf32>,
          %mul3A_197 = arith.mulf %get3A_196, %gather3A : vector<16xf32>
          %swap3A = arith.index_cast %scan3A_191 : i32 to index
          %swap3A_198 = arith.constant 0 : index
          %swap3A_199 = tpu.vector_load %arg12[%swap3A, %swap3A_198] {strides = array<i32>} : memref<128x16xf32, #tpu.memory_space<vmem>>, vector<16xf32>,
          tpu.vector_store %arg12[%swap3A, %swap3A_198], %mul3A_197 {strides = array<i32>} : memref<128x16xf32, #tpu.memory_space<vmem>>, vector<16xf32>,
          %scan3A_200 = arith.constant 0 : i32
          scf.yield %scan3A_200 : i32
        }
        %scan3A_156 = arith.constant 128 : i32
        %run_scoped3A_157 = arith.constant 11 : i32
        "tpu.region"() ({
          %run_scoped3A_191 = tpu.sem_alloc : memref<!tpu.dma_semaphore, #tpu.memory_space<semaphore_mem>>
          %dma_start3A = arith.constant 0 : i32
          %dma_start3A_192 = tpu.memref_slice %arg10[%run_scoped3A_157, %dma_start3A] : memref<16x128xi32, #tpu.memory_space<vmem>> -> memref<1x128xi32, #tpu.memory_space<vmem>>
          %dma_start3A_193 = tpu.memref_squeeze %dma_start3A_192 : memref<1x128xi32, #tpu.memory_space<vmem>> -> memref<128xi32, #tpu.memory_space<vmem>>
          %dma_start3A_194 = arith.constant 0 : i32
          %dma_start3A_195 = arith.constant 0 : i32
          %dma_start3A_196 = tpu.memref_slice %arg14[%dma_start3A_194, %dma_start3A_195] : memref<100352x16xf32, #tpu.memory_space<vmem_shared>> -> memref<100352x16xf32, #tpu.memory_space<vmem_shared>>
          tpu.enqueue_indirect_dma source(%arg12 : memref<128x16xf32, #tpu.memory_space<vmem>>) target(%dma_start3A_196 : memref<100352x16xf32, #tpu.memory_space<vmem_shared>>) offsets(%dma_start3A_193 : memref<128xi32, #tpu.memory_space<vmem>>) semaphore(%run_scoped3A_191 : memref<!tpu.dma_semaphore, #tpu.memory_space<semaphore_mem>>) {add = true}
          %dma_wait3A = arith.constant 0 : i32
          %dma_wait3A_197 = tpu.memref_slice %arg10[%run_scoped3A_157, %dma_wait3A] : memref<16x128xi32, #tpu.memory_space<vmem>> -> memref<1x128xi32, #tpu.memory_space<vmem>>
          %dma_wait3A_198 = tpu.memref_squeeze %dma_wait3A_197 : memref<1x128xi32, #tpu.memory_space<vmem>> -> memref<128xi32, #tpu.memory_space<vmem>>
          %dma_wait3A_199 = arith.constant 0 : i32
          %dma_wait3A_200 = arith.constant 0 : i32
          %dma_wait3A_201 = tpu.memref_slice %arg14[%dma_wait3A_199, %dma_wait3A_200] : memref<100352x16xf32, #tpu.memory_space<vmem_shared>> -> memref<100352x16xf32, #tpu.memory_space<vmem_shared>>
          tpu.wait_indirect_dma semaphore(%run_scoped3A_191 : memref<!tpu.dma_semaphore, #tpu.memory_space<semaphore_mem>>) src(%arg12 : memref<128x16xf32, #tpu.memory_space<vmem>>) dst(%dma_wait3A_201 : memref<100352x16xf32, #tpu.memory_space<vmem_shared>>)
          tpu.yield
        }) : () -> ()
        "tpu.region"() ({
          %run_scoped3A_191 = tpu.sem_alloc : memref<!tpu.dma_semaphore, #tpu.memory_space<semaphore_mem>>
          %dma_start3A = arith.constant 1536 : i32
          %dma_start3A_192 = tpu.memref_slice %arg9[%dma_start3A] : memref<2048xi32, #tpu.memory_space<vmem>> -> memref<128xi32, #tpu.memory_space<vmem>>
          %dma_start3A_193 = arith.constant 0 : i32
          %dma_start3A_194 = arith.constant 0 : i32
          %dma_start3A_195 = tpu.memref_slice %arg5[%dma_start3A_193, %dma_start3A_194] : memref<100352x16xf32, #tpu.memory_space<hbm>> -> memref<100352x16xf32, #tpu.memory_space<hbm>>
          tpu.enqueue_indirect_dma source(%dma_start3A_195 : memref<100352x16xf32, #tpu.memory_space<hbm>>) target(%arg12 : memref<128x16xf32, #tpu.memory_space<vmem>>) offsets(%dma_start3A_192 : memref<128xi32, #tpu.memory_space<vmem>>) semaphore(%run_scoped3A_191 : memref<!tpu.dma_semaphore, #tpu.memory_space<semaphore_mem>>)
          %dma_wait3A = arith.constant 1536 : i32
          %dma_wait3A_196 = tpu.memref_slice %arg9[%dma_wait3A] : memref<2048xi32, #tpu.memory_space<vmem>> -> memref<128xi32, #tpu.memory_space<vmem>>
          %dma_wait3A_197 = arith.constant 0 : i32
          %dma_wait3A_198 = arith.constant 0 : i32
          %dma_wait3A_199 = tpu.memref_slice %arg5[%dma_wait3A_197, %dma_wait3A_198] : memref<100352x16xf32, #tpu.memory_space<hbm>> -> memref<100352x16xf32, #tpu.memory_space<hbm>>
          tpu.wait_indirect_dma semaphore(%run_scoped3A_191 : memref<!tpu.dma_semaphore, #tpu.memory_space<semaphore_mem>>) src(%dma_wait3A_199 : memref<100352x16xf32, #tpu.memory_space<hbm>>) dst(%arg12 : memref<128x16xf32, #tpu.memory_space<vmem>>)
          tpu.yield
        }) : () -> ()
        %scan3A_158 = arith.constant 0 : i32
        %scan3A_159 = arith.constant 0 : i32
        %scan3A_160 = arith.constant 128 : i32
        %scan3A_161 = arith.addi %scan3A_159, %scan3A_160 : i32
        %scan3A_162 = arith.constant 1 : i32
        %scan3A_163 = scf.for %scan3A_191 = %scan3A_159 to %scan3A_161 step %scan3A_162 iter_args(%scan3A_192 = %scan3A_158) -> (i32)  : i32 {
          %add3A_193 = arith.constant 1536 : i32
          %add3A_194 = arith.addi %add3A_193, %scan3A_191 : i32
          %broadcast_in_dim3A = vector.broadcast %add3A_194 : i32 to vector<16xi32>
          %gather3A = tpu.vector_load_idx %arg11[%broadcast_in_dim3A] : memref<2048xf32, #tpu.memory_space<vmem>>[vector<16xi32>], vector<16xf32>,
          %get3A = arith.index_cast %scan3A_191 : i32 to index
          %get3A_195 = arith.constant 0 : index
          %get3A_196 = tpu.vector_load %arg12[%get3A, %get3A_195] {strides = array<i32>} : memref<128x16xf32, #tpu.memory_space<vmem>>, vector<16xf32>,
          %mul3A_197 = arith.mulf %get3A_196, %gather3A : vector<16xf32>
          %swap3A = arith.index_cast %scan3A_191 : i32 to index
          %swap3A_198 = arith.constant 0 : index
          %swap3A_199 = tpu.vector_load %arg12[%swap3A, %swap3A_198] {strides = array<i32>} : memref<128x16xf32, #tpu.memory_space<vmem>>, vector<16xf32>,
          tpu.vector_store %arg12[%swap3A, %swap3A_198], %mul3A_197 {strides = array<i32>} : memref<128x16xf32, #tpu.memory_space<vmem>>, vector<16xf32>,
          %scan3A_200 = arith.constant 0 : i32
          scf.yield %scan3A_200 : i32
        }
        %scan3A_164 = arith.constant 128 : i32
        %run_scoped3A_165 = arith.constant 12 : i32
        "tpu.region"() ({
          %run_scoped3A_191 = tpu.sem_alloc : memref<!tpu.dma_semaphore, #tpu.memory_space<semaphore_mem>>
          %dma_start3A = arith.constant 0 : i32
          %dma_start3A_192 = tpu.memref_slice %arg10[%run_scoped3A_165, %dma_start3A] : memref<16x128xi32, #tpu.memory_space<vmem>> -> memref<1x128xi32, #tpu.memory_space<vmem>>
          %dma_start3A_193 = tpu.memref_squeeze %dma_start3A_192 : memref<1x128xi32, #tpu.memory_space<vmem>> -> memref<128xi32, #tpu.memory_space<vmem>>
          %dma_start3A_194 = arith.constant 0 : i32
          %dma_start3A_195 = arith.constant 0 : i32
          %dma_start3A_196 = tpu.memref_slice %arg14[%dma_start3A_194, %dma_start3A_195] : memref<100352x16xf32, #tpu.memory_space<vmem_shared>> -> memref<100352x16xf32, #tpu.memory_space<vmem_shared>>
          tpu.enqueue_indirect_dma source(%arg12 : memref<128x16xf32, #tpu.memory_space<vmem>>) target(%dma_start3A_196 : memref<100352x16xf32, #tpu.memory_space<vmem_shared>>) offsets(%dma_start3A_193 : memref<128xi32, #tpu.memory_space<vmem>>) semaphore(%run_scoped3A_191 : memref<!tpu.dma_semaphore, #tpu.memory_space<semaphore_mem>>) {add = true}
          %dma_wait3A = arith.constant 0 : i32
          %dma_wait3A_197 = tpu.memref_slice %arg10[%run_scoped3A_165, %dma_wait3A] : memref<16x128xi32, #tpu.memory_space<vmem>> -> memref<1x128xi32, #tpu.memory_space<vmem>>
          %dma_wait3A_198 = tpu.memref_squeeze %dma_wait3A_197 : memref<1x128xi32, #tpu.memory_space<vmem>> -> memref<128xi32, #tpu.memory_space<vmem>>
          %dma_wait3A_199 = arith.constant 0 : i32
          %dma_wait3A_200 = arith.constant 0 : i32
          %dma_wait3A_201 = tpu.memref_slice %arg14[%dma_wait3A_199, %dma_wait3A_200] : memref<100352x16xf32, #tpu.memory_space<vmem_shared>> -> memref<100352x16xf32, #tpu.memory_space<vmem_shared>>
          tpu.wait_indirect_dma semaphore(%run_scoped3A_191 : memref<!tpu.dma_semaphore, #tpu.memory_space<semaphore_mem>>) src(%arg12 : memref<128x16xf32, #tpu.memory_space<vmem>>) dst(%dma_wait3A_201 : memref<100352x16xf32, #tpu.memory_space<vmem_shared>>)
          tpu.yield
        }) : () -> ()
        "tpu.region"() ({
          %run_scoped3A_191 = tpu.sem_alloc : memref<!tpu.dma_semaphore, #tpu.memory_space<semaphore_mem>>
          %dma_start3A = arith.constant 1664 : i32
          %dma_start3A_192 = tpu.memref_slice %arg9[%dma_start3A] : memref<2048xi32, #tpu.memory_space<vmem>> -> memref<128xi32, #tpu.memory_space<vmem>>
          %dma_start3A_193 = arith.constant 0 : i32
          %dma_start3A_194 = arith.constant 0 : i32
          %dma_start3A_195 = tpu.memref_slice %arg5[%dma_start3A_193, %dma_start3A_194] : memref<100352x16xf32, #tpu.memory_space<hbm>> -> memref<100352x16xf32, #tpu.memory_space<hbm>>
          tpu.enqueue_indirect_dma source(%dma_start3A_195 : memref<100352x16xf32, #tpu.memory_space<hbm>>) target(%arg12 : memref<128x16xf32, #tpu.memory_space<vmem>>) offsets(%dma_start3A_192 : memref<128xi32, #tpu.memory_space<vmem>>) semaphore(%run_scoped3A_191 : memref<!tpu.dma_semaphore, #tpu.memory_space<semaphore_mem>>)
          %dma_wait3A = arith.constant 1664 : i32
          %dma_wait3A_196 = tpu.memref_slice %arg9[%dma_wait3A] : memref<2048xi32, #tpu.memory_space<vmem>> -> memref<128xi32, #tpu.memory_space<vmem>>
          %dma_wait3A_197 = arith.constant 0 : i32
          %dma_wait3A_198 = arith.constant 0 : i32
          %dma_wait3A_199 = tpu.memref_slice %arg5[%dma_wait3A_197, %dma_wait3A_198] : memref<100352x16xf32, #tpu.memory_space<hbm>> -> memref<100352x16xf32, #tpu.memory_space<hbm>>
          tpu.wait_indirect_dma semaphore(%run_scoped3A_191 : memref<!tpu.dma_semaphore, #tpu.memory_space<semaphore_mem>>) src(%dma_wait3A_199 : memref<100352x16xf32, #tpu.memory_space<hbm>>) dst(%arg12 : memref<128x16xf32, #tpu.memory_space<vmem>>)
          tpu.yield
        }) : () -> ()
        %scan3A_166 = arith.constant 0 : i32
        %scan3A_167 = arith.constant 0 : i32
        %scan3A_168 = arith.constant 128 : i32
        %scan3A_169 = arith.addi %scan3A_167, %scan3A_168 : i32
        %scan3A_170 = arith.constant 1 : i32
        %scan3A_171 = scf.for %scan3A_191 = %scan3A_167 to %scan3A_169 step %scan3A_170 iter_args(%scan3A_192 = %scan3A_166) -> (i32)  : i32 {
          %add3A_193 = arith.constant 1664 : i32
          %add3A_194 = arith.addi %add3A_193, %scan3A_191 : i32
          %broadcast_in_dim3A = vector.broadcast %add3A_194 : i32 to vector<16xi32>
          %gather3A = tpu.vector_load_idx %arg11[%broadcast_in_dim3A] : memref<2048xf32, #tpu.memory_space<vmem>>[vector<16xi32>], vector<16xf32>,
          %get3A = arith.index_cast %scan3A_191 : i32 to index
          %get3A_195 = arith.constant 0 : index
          %get3A_196 = tpu.vector_load %arg12[%get3A, %get3A_195] {strides = array<i32>} : memref<128x16xf32, #tpu.memory_space<vmem>>, vector<16xf32>,
          %mul3A_197 = arith.mulf %get3A_196, %gather3A : vector<16xf32>
          %swap3A = arith.index_cast %scan3A_191 : i32 to index
          %swap3A_198 = arith.constant 0 : index
          %swap3A_199 = tpu.vector_load %arg12[%swap3A, %swap3A_198] {strides = array<i32>} : memref<128x16xf32, #tpu.memory_space<vmem>>, vector<16xf32>,
          tpu.vector_store %arg12[%swap3A, %swap3A_198], %mul3A_197 {strides = array<i32>} : memref<128x16xf32, #tpu.memory_space<vmem>>, vector<16xf32>,
          %scan3A_200 = arith.constant 0 : i32
          scf.yield %scan3A_200 : i32
        }
        %scan3A_172 = arith.constant 128 : i32
        %run_scoped3A_173 = arith.constant 13 : i32
        "tpu.region"() ({
          %run_scoped3A_191 = tpu.sem_alloc : memref<!tpu.dma_semaphore, #tpu.memory_space<semaphore_mem>>
          %dma_start3A = arith.constant 0 : i32
          %dma_start3A_192 = tpu.memref_slice %arg10[%run_scoped3A_173, %dma_start3A] : memref<16x128xi32, #tpu.memory_space<vmem>> -> memref<1x128xi32, #tpu.memory_space<vmem>>
          %dma_start3A_193 = tpu.memref_squeeze %dma_start3A_192 : memref<1x128xi32, #tpu.memory_space<vmem>> -> memref<128xi32, #tpu.memory_space<vmem>>
          %dma_start3A_194 = arith.constant 0 : i32
          %dma_start3A_195 = arith.constant 0 : i32
          %dma_start3A_196 = tpu.memref_slice %arg14[%dma_start3A_194, %dma_start3A_195] : memref<100352x16xf32, #tpu.memory_space<vmem_shared>> -> memref<100352x16xf32, #tpu.memory_space<vmem_shared>>
          tpu.enqueue_indirect_dma source(%arg12 : memref<128x16xf32, #tpu.memory_space<vmem>>) target(%dma_start3A_196 : memref<100352x16xf32, #tpu.memory_space<vmem_shared>>) offsets(%dma_start3A_193 : memref<128xi32, #tpu.memory_space<vmem>>) semaphore(%run_scoped3A_191 : memref<!tpu.dma_semaphore, #tpu.memory_space<semaphore_mem>>) {add = true}
          %dma_wait3A = arith.constant 0 : i32
          %dma_wait3A_197 = tpu.memref_slice %arg10[%run_scoped3A_173, %dma_wait3A] : memref<16x128xi32, #tpu.memory_space<vmem>> -> memref<1x128xi32, #tpu.memory_space<vmem>>
          %dma_wait3A_198 = tpu.memref_squeeze %dma_wait3A_197 : memref<1x128xi32, #tpu.memory_space<vmem>> -> memref<128xi32, #tpu.memory_space<vmem>>
          %dma_wait3A_199 = arith.constant 0 : i32
          %dma_wait3A_200 = arith.constant 0 : i32
          %dma_wait3A_201 = tpu.memref_slice %arg14[%dma_wait3A_199, %dma_wait3A_200] : memref<100352x16xf32, #tpu.memory_space<vmem_shared>> -> memref<100352x16xf32, #tpu.memory_space<vmem_shared>>
          tpu.wait_indirect_dma semaphore(%run_scoped3A_191 : memref<!tpu.dma_semaphore, #tpu.memory_space<semaphore_mem>>) src(%arg12 : memref<128x16xf32, #tpu.memory_space<vmem>>) dst(%dma_wait3A_201 : memref<100352x16xf32, #tpu.memory_space<vmem_shared>>)
          tpu.yield
        }) : () -> ()
        "tpu.region"() ({
          %run_scoped3A_191 = tpu.sem_alloc : memref<!tpu.dma_semaphore, #tpu.memory_space<semaphore_mem>>
          %dma_start3A = arith.constant 1792 : i32
          %dma_start3A_192 = tpu.memref_slice %arg9[%dma_start3A] : memref<2048xi32, #tpu.memory_space<vmem>> -> memref<128xi32, #tpu.memory_space<vmem>>
          %dma_start3A_193 = arith.constant 0 : i32
          %dma_start3A_194 = arith.constant 0 : i32
          %dma_start3A_195 = tpu.memref_slice %arg5[%dma_start3A_193, %dma_start3A_194] : memref<100352x16xf32, #tpu.memory_space<hbm>> -> memref<100352x16xf32, #tpu.memory_space<hbm>>
          tpu.enqueue_indirect_dma source(%dma_start3A_195 : memref<100352x16xf32, #tpu.memory_space<hbm>>) target(%arg12 : memref<128x16xf32, #tpu.memory_space<vmem>>) offsets(%dma_start3A_192 : memref<128xi32, #tpu.memory_space<vmem>>) semaphore(%run_scoped3A_191 : memref<!tpu.dma_semaphore, #tpu.memory_space<semaphore_mem>>)
          %dma_wait3A = arith.constant 1792 : i32
          %dma_wait3A_196 = tpu.memref_slice %arg9[%dma_wait3A] : memref<2048xi32, #tpu.memory_space<vmem>> -> memref<128xi32, #tpu.memory_space<vmem>>
          %dma_wait3A_197 = arith.constant 0 : i32
          %dma_wait3A_198 = arith.constant 0 : i32
          %dma_wait3A_199 = tpu.memref_slice %arg5[%dma_wait3A_197, %dma_wait3A_198] : memref<100352x16xf32, #tpu.memory_space<hbm>> -> memref<100352x16xf32, #tpu.memory_space<hbm>>
          tpu.wait_indirect_dma semaphore(%run_scoped3A_191 : memref<!tpu.dma_semaphore, #tpu.memory_space<semaphore_mem>>) src(%dma_wait3A_199 : memref<100352x16xf32, #tpu.memory_space<hbm>>) dst(%arg12 : memref<128x16xf32, #tpu.memory_space<vmem>>)
          tpu.yield
        }) : () -> ()
        %scan3A_174 = arith.constant 0 : i32
        %scan3A_175 = arith.constant 0 : i32
        %scan3A_176 = arith.constant 128 : i32
        %scan3A_177 = arith.addi %scan3A_175, %scan3A_176 : i32
        %scan3A_178 = arith.constant 1 : i32
        %scan3A_179 = scf.for %scan3A_191 = %scan3A_175 to %scan3A_177 step %scan3A_178 iter_args(%scan3A_192 = %scan3A_174) -> (i32)  : i32 {
          %add3A_193 = arith.constant 1792 : i32
          %add3A_194 = arith.addi %add3A_193, %scan3A_191 : i32
          %broadcast_in_dim3A = vector.broadcast %add3A_194 : i32 to vector<16xi32>
          %gather3A = tpu.vector_load_idx %arg11[%broadcast_in_dim3A] : memref<2048xf32, #tpu.memory_space<vmem>>[vector<16xi32>], vector<16xf32>,
          %get3A = arith.index_cast %scan3A_191 : i32 to index
          %get3A_195 = arith.constant 0 : index
          %get3A_196 = tpu.vector_load %arg12[%get3A, %get3A_195] {strides = array<i32>} : memref<128x16xf32, #tpu.memory_space<vmem>>, vector<16xf32>,
          %mul3A_197 = arith.mulf %get3A_196, %gather3A : vector<16xf32>
          %swap3A = arith.index_cast %scan3A_191 : i32 to index
          %swap3A_198 = arith.constant 0 : index
          %swap3A_199 = tpu.vector_load %arg12[%swap3A, %swap3A_198] {strides = array<i32>} : memref<128x16xf32, #tpu.memory_space<vmem>>, vector<16xf32>,
          tpu.vector_store %arg12[%swap3A, %swap3A_198], %mul3A_197 {strides = array<i32>} : memref<128x16xf32, #tpu.memory_space<vmem>>, vector<16xf32>,
          %scan3A_200 = arith.constant 0 : i32
          scf.yield %scan3A_200 : i32
        }
        %scan3A_180 = arith.constant 128 : i32
        %run_scoped3A_181 = arith.constant 14 : i32
        "tpu.region"() ({
          %run_scoped3A_191 = tpu.sem_alloc : memref<!tpu.dma_semaphore, #tpu.memory_space<semaphore_mem>>
          %dma_start3A = arith.constant 0 : i32
          %dma_start3A_192 = tpu.memref_slice %arg10[%run_scoped3A_181, %dma_start3A] : memref<16x128xi32, #tpu.memory_space<vmem>> -> memref<1x128xi32, #tpu.memory_space<vmem>>
          %dma_start3A_193 = tpu.memref_squeeze %dma_start3A_192 : memref<1x128xi32, #tpu.memory_space<vmem>> -> memref<128xi32, #tpu.memory_space<vmem>>
          %dma_start3A_194 = arith.constant 0 : i32
          %dma_start3A_195 = arith.constant 0 : i32
          %dma_start3A_196 = tpu.memref_slice %arg14[%dma_start3A_194, %dma_start3A_195] : memref<100352x16xf32, #tpu.memory_space<vmem_shared>> -> memref<100352x16xf32, #tpu.memory_space<vmem_shared>>
          tpu.enqueue_indirect_dma source(%arg12 : memref<128x16xf32, #tpu.memory_space<vmem>>) target(%dma_start3A_196 : memref<100352x16xf32, #tpu.memory_space<vmem_shared>>) offsets(%dma_start3A_193 : memref<128xi32, #tpu.memory_space<vmem>>) semaphore(%run_scoped3A_191 : memref<!tpu.dma_semaphore, #tpu.memory_space<semaphore_mem>>) {add = true}
          %dma_wait3A = arith.constant 0 : i32
          %dma_wait3A_197 = tpu.memref_slice %arg10[%run_scoped3A_181, %dma_wait3A] : memref<16x128xi32, #tpu.memory_space<vmem>> -> memref<1x128xi32, #tpu.memory_space<vmem>>
          %dma_wait3A_198 = tpu.memref_squeeze %dma_wait3A_197 : memref<1x128xi32, #tpu.memory_space<vmem>> -> memref<128xi32, #tpu.memory_space<vmem>>
          %dma_wait3A_199 = arith.constant 0 : i32
          %dma_wait3A_200 = arith.constant 0 : i32
          %dma_wait3A_201 = tpu.memref_slice %arg14[%dma_wait3A_199, %dma_wait3A_200] : memref<100352x16xf32, #tpu.memory_space<vmem_shared>> -> memref<100352x16xf32, #tpu.memory_space<vmem_shared>>
          tpu.wait_indirect_dma semaphore(%run_scoped3A_191 : memref<!tpu.dma_semaphore, #tpu.memory_space<semaphore_mem>>) src(%arg12 : memref<128x16xf32, #tpu.memory_space<vmem>>) dst(%dma_wait3A_201 : memref<100352x16xf32, #tpu.memory_space<vmem_shared>>)
          tpu.yield
        }) : () -> ()
        "tpu.region"() ({
          %run_scoped3A_191 = tpu.sem_alloc : memref<!tpu.dma_semaphore, #tpu.memory_space<semaphore_mem>>
          %dma_start3A = arith.constant 1920 : i32
          %dma_start3A_192 = tpu.memref_slice %arg9[%dma_start3A] : memref<2048xi32, #tpu.memory_space<vmem>> -> memref<128xi32, #tpu.memory_space<vmem>>
          %dma_start3A_193 = arith.constant 0 : i32
          %dma_start3A_194 = arith.constant 0 : i32
          %dma_start3A_195 = tpu.memref_slice %arg5[%dma_start3A_193, %dma_start3A_194] : memref<100352x16xf32, #tpu.memory_space<hbm>> -> memref<100352x16xf32, #tpu.memory_space<hbm>>
          tpu.enqueue_indirect_dma source(%dma_start3A_195 : memref<100352x16xf32, #tpu.memory_space<hbm>>) target(%arg12 : memref<128x16xf32, #tpu.memory_space<vmem>>) offsets(%dma_start3A_192 : memref<128xi32, #tpu.memory_space<vmem>>) semaphore(%run_scoped3A_191 : memref<!tpu.dma_semaphore, #tpu.memory_space<semaphore_mem>>)
          %dma_wait3A = arith.constant 1920 : i32
          %dma_wait3A_196 = tpu.memref_slice %arg9[%dma_wait3A] : memref<2048xi32, #tpu.memory_space<vmem>> -> memref<128xi32, #tpu.memory_space<vmem>>
          %dma_wait3A_197 = arith.constant 0 : i32
          %dma_wait3A_198 = arith.constant 0 : i32
          %dma_wait3A_199 = tpu.memref_slice %arg5[%dma_wait3A_197, %dma_wait3A_198] : memref<100352x16xf32, #tpu.memory_space<hbm>> -> memref<100352x16xf32, #tpu.memory_space<hbm>>
          tpu.wait_indirect_dma semaphore(%run_scoped3A_191 : memref<!tpu.dma_semaphore, #tpu.memory_space<semaphore_mem>>) src(%dma_wait3A_199 : memref<100352x16xf32, #tpu.memory_space<hbm>>) dst(%arg12 : memref<128x16xf32, #tpu.memory_space<vmem>>)
          tpu.yield
        }) : () -> ()
        %scan3A_182 = arith.constant 0 : i32
        %scan3A_183 = arith.constant 0 : i32
        %scan3A_184 = arith.constant 128 : i32
        %scan3A_185 = arith.addi %scan3A_183, %scan3A_184 : i32
        %scan3A_186 = arith.constant 1 : i32
        %scan3A_187 = scf.for %scan3A_191 = %scan3A_183 to %scan3A_185 step %scan3A_186 iter_args(%scan3A_192 = %scan3A_182) -> (i32)  : i32 {
          %add3A_193 = arith.constant 1920 : i32
          %add3A_194 = arith.addi %add3A_193, %scan3A_191 : i32
          %broadcast_in_dim3A = vector.broadcast %add3A_194 : i32 to vector<16xi32>
          %gather3A = tpu.vector_load_idx %arg11[%broadcast_in_dim3A] : memref<2048xf32, #tpu.memory_space<vmem>>[vector<16xi32>], vector<16xf32>,
          %get3A = arith.index_cast %scan3A_191 : i32 to index
          %get3A_195 = arith.constant 0 : index
          %get3A_196 = tpu.vector_load %arg12[%get3A, %get3A_195] {strides = array<i32>} : memref<128x16xf32, #tpu.memory_space<vmem>>, vector<16xf32>,
          %mul3A_197 = arith.mulf %get3A_196, %gather3A : vector<16xf32>
          %swap3A = arith.index_cast %scan3A_191 : i32 to index
          %swap3A_198 = arith.constant 0 : index
          %swap3A_199 = tpu.vector_load %arg12[%swap3A, %swap3A_198] {strides = array<i32>} : memref<128x16xf32, #tpu.memory_space<vmem>>, vector<16xf32>,
          tpu.vector_store %arg12[%swap3A, %swap3A_198], %mul3A_197 {strides = array<i32>} : memref<128x16xf32, #tpu.memory_space<vmem>>, vector<16xf32>,
          %scan3A_200 = arith.constant 0 : i32
          scf.yield %scan3A_200 : i32
        }
        %scan3A_188 = arith.constant 128 : i32
        %run_scoped3A_189 = arith.constant 15 : i32
        "tpu.region"() ({
          %run_scoped3A_191 = tpu.sem_alloc : memref<!tpu.dma_semaphore, #tpu.memory_space<semaphore_mem>>
          %dma_start3A = arith.constant 0 : i32
          %dma_start3A_192 = tpu.memref_slice %arg10[%run_scoped3A_189, %dma_start3A] : memref<16x128xi32, #tpu.memory_space<vmem>> -> memref<1x128xi32, #tpu.memory_space<vmem>>
          %dma_start3A_193 = tpu.memref_squeeze %dma_start3A_192 : memref<1x128xi32, #tpu.memory_space<vmem>> -> memref<128xi32, #tpu.memory_space<vmem>>
          %dma_start3A_194 = arith.constant 0 : i32
          %dma_start3A_195 = arith.constant 0 : i32
          %dma_start3A_196 = tpu.memref_slice %arg14[%dma_start3A_194, %dma_start3A_195] : memref<100352x16xf32, #tpu.memory_space<vmem_shared>> -> memref<100352x16xf32, #tpu.memory_space<vmem_shared>>
          tpu.enqueue_indirect_dma source(%arg12 : memref<128x16xf32, #tpu.memory_space<vmem>>) target(%dma_start3A_196 : memref<100352x16xf32, #tpu.memory_space<vmem_shared>>) offsets(%dma_start3A_193 : memref<128xi32, #tpu.memory_space<vmem>>) semaphore(%run_scoped3A_191 : memref<!tpu.dma_semaphore, #tpu.memory_space<semaphore_mem>>) {add = true}
          %dma_wait3A = arith.constant 0 : i32
          %dma_wait3A_197 = tpu.memref_slice %arg10[%run_scoped3A_189, %dma_wait3A] : memref<16x128xi32, #tpu.memory_space<vmem>> -> memref<1x128xi32, #tpu.memory_space<vmem>>
          %dma_wait3A_198 = tpu.memref_squeeze %dma_wait3A_197 : memref<1x128xi32, #tpu.memory_space<vmem>> -> memref<128xi32, #tpu.memory_space<vmem>>
          %dma_wait3A_199 = arith.constant 0 : i32
          %dma_wait3A_200 = arith.constant 0 : i32
          %dma_wait3A_201 = tpu.memref_slice %arg14[%dma_wait3A_199, %dma_wait3A_200] : memref<100352x16xf32, #tpu.memory_space<vmem_shared>> -> memref<100352x16xf32, #tpu.memory_space<vmem_shared>>
          tpu.wait_indirect_dma semaphore(%run_scoped3A_191 : memref<!tpu.dma_semaphore, #tpu.memory_space<semaphore_mem>>) src(%arg12 : memref<128x16xf32, #tpu.memory_space<vmem>>) dst(%dma_wait3A_201 : memref<100352x16xf32, #tpu.memory_space<vmem_shared>>)
          tpu.yield
        }) : () -> ()
        %scan3A_190 = arith.constant 0 : i32
        scf.yield %scan3A_190 : i32
      }
      %scan3A_40 = arith.constant 49 : i32
    } else {
    }
    %eq3A_18 = arith.constant 1 : i32
    %eq3A_19 = arith.cmpi eq, %arg0, %eq3A_18 : i32
    %convert_element_type3A_20 = arith.extui %eq3A_19 : i1 to i32
    %cond3A_21 = arith.constant 0 : i32
    %cond3A_22 = arith.cmpi ne, %convert_element_type3A_20, %cond3A_21 : i32
    scf.if %cond3A_22 {
      %scan3A_34 = arith.constant 0 : i32
      %scan3A_35 = arith.constant 0 : i32
      %scan3A_36 = arith.constant 49 : i32
      %scan3A_37 = arith.addi %scan3A_35, %scan3A_36 : i32
      %scan3A_38 = arith.constant 1 : i32
      %scan3A_39 = scf.for %scan3A_41 = %scan3A_35 to %scan3A_37 step %scan3A_38 iter_args(%scan3A_42 = %scan3A_34) -> (i32)  : i32 {
        %mul3A_43 = arith.constant 2048 : i32
        %mul3A_44 = arith.muli %scan3A_41, %mul3A_43 : i32
        %add3A = arith.addi %mul3A_15, %mul3A_44 : i32
        %multiple_of3A_45 = tpu.assume_multiple %add3A, 2048 : i32
        "tpu.region"() ({
          %run_scoped3A_191 = tpu.sem_alloc : memref<!tpu.dma_semaphore, #tpu.memory_space<semaphore_mem>>
          %dma_start3A = tpu.memref_slice %arg2[%multiple_of3A_45] : memref<1605632xi32, #tpu.memory_space<hbm>> -> memref<2048xi32, #tpu.memory_space<hbm>>
          %dma_start3A_192 = tpu.memref_slice %arg2[%multiple_of3A_45] : memref<1605632xi32, #tpu.memory_space<hbm>> -> memref<2048xi32, #tpu.memory_space<hbm>>
          tpu.enqueue_dma source(%dma_start3A_192 : memref<2048xi32, #tpu.memory_space<hbm>>) target(%arg9 : memref<2048xi32, #tpu.memory_space<vmem>>) target_semaphore(%run_scoped3A_191 : memref<!tpu.dma_semaphore, #tpu.memory_space<semaphore_mem>>)
          %dma_wait3A = tpu.memref_slice %arg2[%multiple_of3A_45] : memref<1605632xi32, #tpu.memory_space<hbm>> -> memref<2048xi32, #tpu.memory_space<hbm>>
          %dma_wait3A_193 = tpu.memref_slice %arg2[%multiple_of3A_45] : memref<1605632xi32, #tpu.memory_space<hbm>> -> memref<2048xi32, #tpu.memory_space<hbm>>
          tpu.wait_dma2 semaphore(%run_scoped3A_191 : memref<!tpu.dma_semaphore, #tpu.memory_space<semaphore_mem>>) src(%dma_wait3A_193 : memref<2048xi32, #tpu.memory_space<hbm>>) dst(%arg9 : memref<2048xi32, #tpu.memory_space<vmem>>)
          tpu.yield
        }) : () -> ()
        %jit3A = arith.constant 128 : i32
        %div3A = arith.divsi %multiple_of3A_45, %jit3A : i32
        %sign3A = arith.constant 0 : i32
        %sign3A_46 = arith.cmpi sgt, %multiple_of3A_45, %sign3A : i32
        %sign3A_47 = arith.extui %sign3A_46 : i1 to i32
        %sign3A_48 = arith.constant 0 : i32
        %sign3A_49 = arith.cmpi slt, %multiple_of3A_45, %sign3A_48 : i32
        %sign3A_50 = arith.extui %sign3A_49 : i1 to i32
        %sign3A_51 = arith.subi %sign3A_47, %sign3A_50 : i32
        %sign3A_52 = arith.constant 0 : i32
        %sign3A_53 = arith.cmpi sgt, %jit3A, %sign3A_52 : i32
        %sign3A_54 = arith.extui %sign3A_53 : i1 to i32
        %sign3A_55 = arith.constant 0 : i32
        %sign3A_56 = arith.cmpi slt, %jit3A, %sign3A_55 : i32
        %sign3A_57 = arith.extui %sign3A_56 : i1 to i32
        %sign3A_58 = arith.subi %sign3A_54, %sign3A_57 : i32
        %ne3A = arith.cmpi ne, %sign3A_51, %sign3A_58 : i32
        %rem3A = arith.remsi %multiple_of3A_45, %jit3A : i32
        %ne3A_59 = arith.constant 0 : i32
        %ne3A_60 = arith.cmpi ne, %rem3A, %ne3A_59 : i32
        %and3A = arith.andi %ne3A, %ne3A_60 : i1
        %sub3A = arith.constant 1 : i32
        %sub3A_61 = arith.subi %div3A, %sub3A : i32
        %select_n3A = arith.select %and3A, %sub3A_61, %div3A : i32
        %multiple_of3A_62 = tpu.assume_multiple %select_n3A, 16 : i32
        "tpu.region"() ({
          %run_scoped3A_191 = tpu.sem_alloc : memref<!tpu.dma_semaphore, #tpu.memory_space<semaphore_mem>>
          %dma_start3A = arith.constant 0 : i32
          %dma_start3A_192 = tpu.memref_slice %arg3[%multiple_of3A_62, %dma_start3A] : memref<12544x128xi32, #tpu.memory_space<hbm>> -> memref<16x128xi32, #tpu.memory_space<hbm>>
          %dma_start3A_193 = arith.constant 0 : i32
          %dma_start3A_194 = tpu.memref_slice %arg3[%multiple_of3A_62, %dma_start3A_193] : memref<12544x128xi32, #tpu.memory_space<hbm>> -> memref<16x128xi32, #tpu.memory_space<hbm>>
          tpu.enqueue_dma source(%dma_start3A_194 : memref<16x128xi32, #tpu.memory_space<hbm>>) target(%arg10 : memref<16x128xi32, #tpu.memory_space<vmem>>) target_semaphore(%run_scoped3A_191 : memref<!tpu.dma_semaphore, #tpu.memory_space<semaphore_mem>>)
          %dma_wait3A = arith.constant 0 : i32
          %dma_wait3A_195 = tpu.memref_slice %arg3[%multiple_of3A_62, %dma_wait3A] : memref<12544x128xi32, #tpu.memory_space<hbm>> -> memref<16x128xi32, #tpu.memory_space<hbm>>
          %dma_wait3A_196 = arith.constant 0 : i32
          %dma_wait3A_197 = tpu.memref_slice %arg3[%multiple_of3A_62, %dma_wait3A_196] : memref<12544x128xi32, #tpu.memory_space<hbm>> -> memref<16x128xi32, #tpu.memory_space<hbm>>
          tpu.wait_dma2 semaphore(%run_scoped3A_191 : memref<!tpu.dma_semaphore, #tpu.memory_space<semaphore_mem>>) src(%dma_wait3A_197 : memref<16x128xi32, #tpu.memory_space<hbm>>) dst(%arg10 : memref<16x128xi32, #tpu.memory_space<vmem>>)
          tpu.yield
        }) : () -> ()
        "tpu.region"() ({
          %run_scoped3A_191 = tpu.sem_alloc : memref<!tpu.dma_semaphore, #tpu.memory_space<semaphore_mem>>
          %dma_start3A = tpu.memref_slice %arg4[%multiple_of3A_45] : memref<1605632xf32, #tpu.memory_space<hbm>> -> memref<2048xf32, #tpu.memory_space<hbm>>
          %dma_start3A_192 = tpu.memref_slice %arg4[%multiple_of3A_45] : memref<1605632xf32, #tpu.memory_space<hbm>> -> memref<2048xf32, #tpu.memory_space<hbm>>
          tpu.enqueue_dma source(%dma_start3A_192 : memref<2048xf32, #tpu.memory_space<hbm>>) target(%arg11 : memref<2048xf32, #tpu.memory_space<vmem>>) target_semaphore(%run_scoped3A_191 : memref<!tpu.dma_semaphore, #tpu.memory_space<semaphore_mem>>)
          %dma_wait3A = tpu.memref_slice %arg4[%multiple_of3A_45] : memref<1605632xf32, #tpu.memory_space<hbm>> -> memref<2048xf32, #tpu.memory_space<hbm>>
          %dma_wait3A_193 = tpu.memref_slice %arg4[%multiple_of3A_45] : memref<1605632xf32, #tpu.memory_space<hbm>> -> memref<2048xf32, #tpu.memory_space<hbm>>
          tpu.wait_dma2 semaphore(%run_scoped3A_191 : memref<!tpu.dma_semaphore, #tpu.memory_space<semaphore_mem>>) src(%dma_wait3A_193 : memref<2048xf32, #tpu.memory_space<hbm>>) dst(%arg11 : memref<2048xf32, #tpu.memory_space<vmem>>)
          tpu.yield
        }) : () -> ()
        "tpu.region"() ({
          %run_scoped3A_191 = tpu.sem_alloc : memref<!tpu.dma_semaphore, #tpu.memory_space<semaphore_mem>>
          %dma_start3A = arith.constant 0 : i32
          %dma_start3A_192 = tpu.memref_slice %arg9[%dma_start3A] : memref<2048xi32, #tpu.memory_space<vmem>> -> memref<128xi32, #tpu.memory_space<vmem>>
          %dma_start3A_193 = arith.constant 0 : i32
          %dma_start3A_194 = arith.constant 0 : i32
          %dma_start3A_195 = tpu.memref_slice %arg6[%dma_start3A_193, %dma_start3A_194] : memref<100352x16xf32, #tpu.memory_space<hbm>> -> memref<100352x16xf32, #tpu.memory_space<hbm>>
          tpu.enqueue_indirect_dma source(%dma_start3A_195 : memref<100352x16xf32, #tpu.memory_space<hbm>>) target(%arg12 : memref<128x16xf32, #tpu.memory_space<vmem>>) offsets(%dma_start3A_192 : memref<128xi32, #tpu.memory_space<vmem>>) semaphore(%run_scoped3A_191 : memref<!tpu.dma_semaphore, #tpu.memory_space<semaphore_mem>>)
          %dma_wait3A = arith.constant 0 : i32
          %dma_wait3A_196 = tpu.memref_slice %arg9[%dma_wait3A] : memref<2048xi32, #tpu.memory_space<vmem>> -> memref<128xi32, #tpu.memory_space<vmem>>
          %dma_wait3A_197 = arith.constant 0 : i32
          %dma_wait3A_198 = arith.constant 0 : i32
          %dma_wait3A_199 = tpu.memref_slice %arg6[%dma_wait3A_197, %dma_wait3A_198] : memref<100352x16xf32, #tpu.memory_space<hbm>> -> memref<100352x16xf32, #tpu.memory_space<hbm>>
          tpu.wait_indirect_dma semaphore(%run_scoped3A_191 : memref<!tpu.dma_semaphore, #tpu.memory_space<semaphore_mem>>) src(%dma_wait3A_199 : memref<100352x16xf32, #tpu.memory_space<hbm>>) dst(%arg12 : memref<128x16xf32, #tpu.memory_space<vmem>>)
          tpu.yield
        }) : () -> ()
        %scan3A_63 = arith.constant 0 : i32
        %scan3A_64 = arith.constant 0 : i32
        %scan3A_65 = arith.constant 128 : i32
        %scan3A_66 = arith.addi %scan3A_64, %scan3A_65 : i32
        %scan3A_67 = arith.constant 1 : i32
        %scan3A_68 = scf.for %scan3A_191 = %scan3A_64 to %scan3A_66 step %scan3A_67 iter_args(%scan3A_192 = %scan3A_63) -> (i32)  : i32 {
          %add3A_193 = arith.constant 0 : i32
          %add3A_194 = arith.addi %add3A_193, %scan3A_191 : i32
          %broadcast_in_dim3A = vector.broadcast %add3A_194 : i32 to vector<16xi32>
          %gather3A = tpu.vector_load_idx %arg11[%broadcast_in_dim3A] : memref<2048xf32, #tpu.memory_space<vmem>>[vector<16xi32>], vector<16xf32>,
          %get3A = arith.index_cast %scan3A_191 : i32 to index
          %get3A_195 = arith.constant 0 : index
          %get3A_196 = tpu.vector_load %arg12[%get3A, %get3A_195] {strides = array<i32>} : memref<128x16xf32, #tpu.memory_space<vmem>>, vector<16xf32>,
          %mul3A_197 = arith.mulf %get3A_196, %gather3A : vector<16xf32>
          %swap3A = arith.index_cast %scan3A_191 : i32 to index
          %swap3A_198 = arith.constant 0 : index
          %swap3A_199 = tpu.vector_load %arg12[%swap3A, %swap3A_198] {strides = array<i32>} : memref<128x16xf32, #tpu.memory_space<vmem>>, vector<16xf32>,
          tpu.vector_store %arg12[%swap3A, %swap3A_198], %mul3A_197 {strides = array<i32>} : memref<128x16xf32, #tpu.memory_space<vmem>>, vector<16xf32>,
          %scan3A_200 = arith.constant 0 : i32
          scf.yield %scan3A_200 : i32
        }
        %scan3A_69 = arith.constant 128 : i32
        %run_scoped3A = arith.constant 0 : i32
        "tpu.region"() ({
          %run_scoped3A_191 = tpu.sem_alloc : memref<!tpu.dma_semaphore, #tpu.memory_space<semaphore_mem>>
          %dma_start3A = arith.constant 0 : i32
          %dma_start3A_192 = tpu.memref_slice %arg10[%run_scoped3A, %dma_start3A] : memref<16x128xi32, #tpu.memory_space<vmem>> -> memref<1x128xi32, #tpu.memory_space<vmem>>
          %dma_start3A_193 = tpu.memref_squeeze %dma_start3A_192 : memref<1x128xi32, #tpu.memory_space<vmem>> -> memref<128xi32, #tpu.memory_space<vmem>>
          %dma_start3A_194 = arith.constant 0 : i32
          %dma_start3A_195 = arith.constant 0 : i32
          %dma_start3A_196 = tpu.memref_slice %arg14[%dma_start3A_194, %dma_start3A_195] : memref<100352x16xf32, #tpu.memory_space<vmem_shared>> -> memref<100352x16xf32, #tpu.memory_space<vmem_shared>>
          tpu.enqueue_indirect_dma source(%arg12 : memref<128x16xf32, #tpu.memory_space<vmem>>) target(%dma_start3A_196 : memref<100352x16xf32, #tpu.memory_space<vmem_shared>>) offsets(%dma_start3A_193 : memref<128xi32, #tpu.memory_space<vmem>>) semaphore(%run_scoped3A_191 : memref<!tpu.dma_semaphore, #tpu.memory_space<semaphore_mem>>) {add = true}
          %dma_wait3A = arith.constant 0 : i32
          %dma_wait3A_197 = tpu.memref_slice %arg10[%run_scoped3A, %dma_wait3A] : memref<16x128xi32, #tpu.memory_space<vmem>> -> memref<1x128xi32, #tpu.memory_space<vmem>>
          %dma_wait3A_198 = tpu.memref_squeeze %dma_wait3A_197 : memref<1x128xi32, #tpu.memory_space<vmem>> -> memref<128xi32, #tpu.memory_space<vmem>>
          %dma_wait3A_199 = arith.constant 0 : i32
          %dma_wait3A_200 = arith.constant 0 : i32
          %dma_wait3A_201 = tpu.memref_slice %arg14[%dma_wait3A_199, %dma_wait3A_200] : memref<100352x16xf32, #tpu.memory_space<vmem_shared>> -> memref<100352x16xf32, #tpu.memory_space<vmem_shared>>
          tpu.wait_indirect_dma semaphore(%run_scoped3A_191 : memref<!tpu.dma_semaphore, #tpu.memory_space<semaphore_mem>>) src(%arg12 : memref<128x16xf32, #tpu.memory_space<vmem>>) dst(%dma_wait3A_201 : memref<100352x16xf32, #tpu.memory_space<vmem_shared>>)
          tpu.yield
        }) : () -> ()
        "tpu.region"() ({
          %run_scoped3A_191 = tpu.sem_alloc : memref<!tpu.dma_semaphore, #tpu.memory_space<semaphore_mem>>
          %dma_start3A = arith.constant 128 : i32
          %dma_start3A_192 = tpu.memref_slice %arg9[%dma_start3A] : memref<2048xi32, #tpu.memory_space<vmem>> -> memref<128xi32, #tpu.memory_space<vmem>>
          %dma_start3A_193 = arith.constant 0 : i32
          %dma_start3A_194 = arith.constant 0 : i32
          %dma_start3A_195 = tpu.memref_slice %arg6[%dma_start3A_193, %dma_start3A_194] : memref<100352x16xf32, #tpu.memory_space<hbm>> -> memref<100352x16xf32, #tpu.memory_space<hbm>>
          tpu.enqueue_indirect_dma source(%dma_start3A_195 : memref<100352x16xf32, #tpu.memory_space<hbm>>) target(%arg12 : memref<128x16xf32, #tpu.memory_space<vmem>>) offsets(%dma_start3A_192 : memref<128xi32, #tpu.memory_space<vmem>>) semaphore(%run_scoped3A_191 : memref<!tpu.dma_semaphore, #tpu.memory_space<semaphore_mem>>)
          %dma_wait3A = arith.constant 128 : i32
          %dma_wait3A_196 = tpu.memref_slice %arg9[%dma_wait3A] : memref<2048xi32, #tpu.memory_space<vmem>> -> memref<128xi32, #tpu.memory_space<vmem>>
          %dma_wait3A_197 = arith.constant 0 : i32
          %dma_wait3A_198 = arith.constant 0 : i32
          %dma_wait3A_199 = tpu.memref_slice %arg6[%dma_wait3A_197, %dma_wait3A_198] : memref<100352x16xf32, #tpu.memory_space<hbm>> -> memref<100352x16xf32, #tpu.memory_space<hbm>>
          tpu.wait_indirect_dma semaphore(%run_scoped3A_191 : memref<!tpu.dma_semaphore, #tpu.memory_space<semaphore_mem>>) src(%dma_wait3A_199 : memref<100352x16xf32, #tpu.memory_space<hbm>>) dst(%arg12 : memref<128x16xf32, #tpu.memory_space<vmem>>)
          tpu.yield
        }) : () -> ()
        %scan3A_70 = arith.constant 0 : i32
        %scan3A_71 = arith.constant 0 : i32
        %scan3A_72 = arith.constant 128 : i32
        %scan3A_73 = arith.addi %scan3A_71, %scan3A_72 : i32
        %scan3A_74 = arith.constant 1 : i32
        %scan3A_75 = scf.for %scan3A_191 = %scan3A_71 to %scan3A_73 step %scan3A_74 iter_args(%scan3A_192 = %scan3A_70) -> (i32)  : i32 {
          %add3A_193 = arith.constant 128 : i32
          %add3A_194 = arith.addi %add3A_193, %scan3A_191 : i32
          %broadcast_in_dim3A = vector.broadcast %add3A_194 : i32 to vector<16xi32>
          %gather3A = tpu.vector_load_idx %arg11[%broadcast_in_dim3A] : memref<2048xf32, #tpu.memory_space<vmem>>[vector<16xi32>], vector<16xf32>,
          %get3A = arith.index_cast %scan3A_191 : i32 to index
          %get3A_195 = arith.constant 0 : index
          %get3A_196 = tpu.vector_load %arg12[%get3A, %get3A_195] {strides = array<i32>} : memref<128x16xf32, #tpu.memory_space<vmem>>, vector<16xf32>,
          %mul3A_197 = arith.mulf %get3A_196, %gather3A : vector<16xf32>
          %swap3A = arith.index_cast %scan3A_191 : i32 to index
          %swap3A_198 = arith.constant 0 : index
          %swap3A_199 = tpu.vector_load %arg12[%swap3A, %swap3A_198] {strides = array<i32>} : memref<128x16xf32, #tpu.memory_space<vmem>>, vector<16xf32>,
          tpu.vector_store %arg12[%swap3A, %swap3A_198], %mul3A_197 {strides = array<i32>} : memref<128x16xf32, #tpu.memory_space<vmem>>, vector<16xf32>,
          %scan3A_200 = arith.constant 0 : i32
          scf.yield %scan3A_200 : i32
        }
        %scan3A_76 = arith.constant 128 : i32
        %run_scoped3A_77 = arith.constant 1 : i32
        "tpu.region"() ({
          %run_scoped3A_191 = tpu.sem_alloc : memref<!tpu.dma_semaphore, #tpu.memory_space<semaphore_mem>>
          %dma_start3A = arith.constant 0 : i32
          %dma_start3A_192 = tpu.memref_slice %arg10[%run_scoped3A_77, %dma_start3A] : memref<16x128xi32, #tpu.memory_space<vmem>> -> memref<1x128xi32, #tpu.memory_space<vmem>>
          %dma_start3A_193 = tpu.memref_squeeze %dma_start3A_192 : memref<1x128xi32, #tpu.memory_space<vmem>> -> memref<128xi32, #tpu.memory_space<vmem>>
          %dma_start3A_194 = arith.constant 0 : i32
          %dma_start3A_195 = arith.constant 0 : i32
          %dma_start3A_196 = tpu.memref_slice %arg14[%dma_start3A_194, %dma_start3A_195] : memref<100352x16xf32, #tpu.memory_space<vmem_shared>> -> memref<100352x16xf32, #tpu.memory_space<vmem_shared>>
          tpu.enqueue_indirect_dma source(%arg12 : memref<128x16xf32, #tpu.memory_space<vmem>>) target(%dma_start3A_196 : memref<100352x16xf32, #tpu.memory_space<vmem_shared>>) offsets(%dma_start3A_193 : memref<128xi32, #tpu.memory_space<vmem>>) semaphore(%run_scoped3A_191 : memref<!tpu.dma_semaphore, #tpu.memory_space<semaphore_mem>>) {add = true}
          %dma_wait3A = arith.constant 0 : i32
          %dma_wait3A_197 = tpu.memref_slice %arg10[%run_scoped3A_77, %dma_wait3A] : memref<16x128xi32, #tpu.memory_space<vmem>> -> memref<1x128xi32, #tpu.memory_space<vmem>>
          %dma_wait3A_198 = tpu.memref_squeeze %dma_wait3A_197 : memref<1x128xi32, #tpu.memory_space<vmem>> -> memref<128xi32, #tpu.memory_space<vmem>>
          %dma_wait3A_199 = arith.constant 0 : i32
          %dma_wait3A_200 = arith.constant 0 : i32
          %dma_wait3A_201 = tpu.memref_slice %arg14[%dma_wait3A_199, %dma_wait3A_200] : memref<100352x16xf32, #tpu.memory_space<vmem_shared>> -> memref<100352x16xf32, #tpu.memory_space<vmem_shared>>
          tpu.wait_indirect_dma semaphore(%run_scoped3A_191 : memref<!tpu.dma_semaphore, #tpu.memory_space<semaphore_mem>>) src(%arg12 : memref<128x16xf32, #tpu.memory_space<vmem>>) dst(%dma_wait3A_201 : memref<100352x16xf32, #tpu.memory_space<vmem_shared>>)
          tpu.yield
        }) : () -> ()
        "tpu.region"() ({
          %run_scoped3A_191 = tpu.sem_alloc : memref<!tpu.dma_semaphore, #tpu.memory_space<semaphore_mem>>
          %dma_start3A = arith.constant 256 : i32
          %dma_start3A_192 = tpu.memref_slice %arg9[%dma_start3A] : memref<2048xi32, #tpu.memory_space<vmem>> -> memref<128xi32, #tpu.memory_space<vmem>>
          %dma_start3A_193 = arith.constant 0 : i32
          %dma_start3A_194 = arith.constant 0 : i32
          %dma_start3A_195 = tpu.memref_slice %arg6[%dma_start3A_193, %dma_start3A_194] : memref<100352x16xf32, #tpu.memory_space<hbm>> -> memref<100352x16xf32, #tpu.memory_space<hbm>>
          tpu.enqueue_indirect_dma source(%dma_start3A_195 : memref<100352x16xf32, #tpu.memory_space<hbm>>) target(%arg12 : memref<128x16xf32, #tpu.memory_space<vmem>>) offsets(%dma_start3A_192 : memref<128xi32, #tpu.memory_space<vmem>>) semaphore(%run_scoped3A_191 : memref<!tpu.dma_semaphore, #tpu.memory_space<semaphore_mem>>)
          %dma_wait3A = arith.constant 256 : i32
          %dma_wait3A_196 = tpu.memref_slice %arg9[%dma_wait3A] : memref<2048xi32, #tpu.memory_space<vmem>> -> memref<128xi32, #tpu.memory_space<vmem>>
          %dma_wait3A_197 = arith.constant 0 : i32
          %dma_wait3A_198 = arith.constant 0 : i32
          %dma_wait3A_199 = tpu.memref_slice %arg6[%dma_wait3A_197, %dma_wait3A_198] : memref<100352x16xf32, #tpu.memory_space<hbm>> -> memref<100352x16xf32, #tpu.memory_space<hbm>>
          tpu.wait_indirect_dma semaphore(%run_scoped3A_191 : memref<!tpu.dma_semaphore, #tpu.memory_space<semaphore_mem>>) src(%dma_wait3A_199 : memref<100352x16xf32, #tpu.memory_space<hbm>>) dst(%arg12 : memref<128x16xf32, #tpu.memory_space<vmem>>)
          tpu.yield
        }) : () -> ()
        %scan3A_78 = arith.constant 0 : i32
        %scan3A_79 = arith.constant 0 : i32
        %scan3A_80 = arith.constant 128 : i32
        %scan3A_81 = arith.addi %scan3A_79, %scan3A_80 : i32
        %scan3A_82 = arith.constant 1 : i32
        %scan3A_83 = scf.for %scan3A_191 = %scan3A_79 to %scan3A_81 step %scan3A_82 iter_args(%scan3A_192 = %scan3A_78) -> (i32)  : i32 {
          %add3A_193 = arith.constant 256 : i32
          %add3A_194 = arith.addi %add3A_193, %scan3A_191 : i32
          %broadcast_in_dim3A = vector.broadcast %add3A_194 : i32 to vector<16xi32>
          %gather3A = tpu.vector_load_idx %arg11[%broadcast_in_dim3A] : memref<2048xf32, #tpu.memory_space<vmem>>[vector<16xi32>], vector<16xf32>,
          %get3A = arith.index_cast %scan3A_191 : i32 to index
          %get3A_195 = arith.constant 0 : index
          %get3A_196 = tpu.vector_load %arg12[%get3A, %get3A_195] {strides = array<i32>} : memref<128x16xf32, #tpu.memory_space<vmem>>, vector<16xf32>,
          %mul3A_197 = arith.mulf %get3A_196, %gather3A : vector<16xf32>
          %swap3A = arith.index_cast %scan3A_191 : i32 to index
          %swap3A_198 = arith.constant 0 : index
          %swap3A_199 = tpu.vector_load %arg12[%swap3A, %swap3A_198] {strides = array<i32>} : memref<128x16xf32, #tpu.memory_space<vmem>>, vector<16xf32>,
          tpu.vector_store %arg12[%swap3A, %swap3A_198], %mul3A_197 {strides = array<i32>} : memref<128x16xf32, #tpu.memory_space<vmem>>, vector<16xf32>,
          %scan3A_200 = arith.constant 0 : i32
          scf.yield %scan3A_200 : i32
        }
        %scan3A_84 = arith.constant 128 : i32
        %run_scoped3A_85 = arith.constant 2 : i32
        "tpu.region"() ({
          %run_scoped3A_191 = tpu.sem_alloc : memref<!tpu.dma_semaphore, #tpu.memory_space<semaphore_mem>>
          %dma_start3A = arith.constant 0 : i32
          %dma_start3A_192 = tpu.memref_slice %arg10[%run_scoped3A_85, %dma_start3A] : memref<16x128xi32, #tpu.memory_space<vmem>> -> memref<1x128xi32, #tpu.memory_space<vmem>>
          %dma_start3A_193 = tpu.memref_squeeze %dma_start3A_192 : memref<1x128xi32, #tpu.memory_space<vmem>> -> memref<128xi32, #tpu.memory_space<vmem>>
          %dma_start3A_194 = arith.constant 0 : i32
          %dma_start3A_195 = arith.constant 0 : i32
          %dma_start3A_196 = tpu.memref_slice %arg14[%dma_start3A_194, %dma_start3A_195] : memref<100352x16xf32, #tpu.memory_space<vmem_shared>> -> memref<100352x16xf32, #tpu.memory_space<vmem_shared>>
          tpu.enqueue_indirect_dma source(%arg12 : memref<128x16xf32, #tpu.memory_space<vmem>>) target(%dma_start3A_196 : memref<100352x16xf32, #tpu.memory_space<vmem_shared>>) offsets(%dma_start3A_193 : memref<128xi32, #tpu.memory_space<vmem>>) semaphore(%run_scoped3A_191 : memref<!tpu.dma_semaphore, #tpu.memory_space<semaphore_mem>>) {add = true}
          %dma_wait3A = arith.constant 0 : i32
          %dma_wait3A_197 = tpu.memref_slice %arg10[%run_scoped3A_85, %dma_wait3A] : memref<16x128xi32, #tpu.memory_space<vmem>> -> memref<1x128xi32, #tpu.memory_space<vmem>>
          %dma_wait3A_198 = tpu.memref_squeeze %dma_wait3A_197 : memref<1x128xi32, #tpu.memory_space<vmem>> -> memref<128xi32, #tpu.memory_space<vmem>>
          %dma_wait3A_199 = arith.constant 0 : i32
          %dma_wait3A_200 = arith.constant 0 : i32
          %dma_wait3A_201 = tpu.memref_slice %arg14[%dma_wait3A_199, %dma_wait3A_200] : memref<100352x16xf32, #tpu.memory_space<vmem_shared>> -> memref<100352x16xf32, #tpu.memory_space<vmem_shared>>
          tpu.wait_indirect_dma semaphore(%run_scoped3A_191 : memref<!tpu.dma_semaphore, #tpu.memory_space<semaphore_mem>>) src(%arg12 : memref<128x16xf32, #tpu.memory_space<vmem>>) dst(%dma_wait3A_201 : memref<100352x16xf32, #tpu.memory_space<vmem_shared>>)
          tpu.yield
        }) : () -> ()
        "tpu.region"() ({
          %run_scoped3A_191 = tpu.sem_alloc : memref<!tpu.dma_semaphore, #tpu.memory_space<semaphore_mem>>
          %dma_start3A = arith.constant 384 : i32
          %dma_start3A_192 = tpu.memref_slice %arg9[%dma_start3A] : memref<2048xi32, #tpu.memory_space<vmem>> -> memref<128xi32, #tpu.memory_space<vmem>>
          %dma_start3A_193 = arith.constant 0 : i32
          %dma_start3A_194 = arith.constant 0 : i32
          %dma_start3A_195 = tpu.memref_slice %arg6[%dma_start3A_193, %dma_start3A_194] : memref<100352x16xf32, #tpu.memory_space<hbm>> -> memref<100352x16xf32, #tpu.memory_space<hbm>>
          tpu.enqueue_indirect_dma source(%dma_start3A_195 : memref<100352x16xf32, #tpu.memory_space<hbm>>) target(%arg12 : memref<128x16xf32, #tpu.memory_space<vmem>>) offsets(%dma_start3A_192 : memref<128xi32, #tpu.memory_space<vmem>>) semaphore(%run_scoped3A_191 : memref<!tpu.dma_semaphore, #tpu.memory_space<semaphore_mem>>)
          %dma_wait3A = arith.constant 384 : i32
          %dma_wait3A_196 = tpu.memref_slice %arg9[%dma_wait3A] : memref<2048xi32, #tpu.memory_space<vmem>> -> memref<128xi32, #tpu.memory_space<vmem>>
          %dma_wait3A_197 = arith.constant 0 : i32
          %dma_wait3A_198 = arith.constant 0 : i32
          %dma_wait3A_199 = tpu.memref_slice %arg6[%dma_wait3A_197, %dma_wait3A_198] : memref<100352x16xf32, #tpu.memory_space<hbm>> -> memref<100352x16xf32, #tpu.memory_space<hbm>>
          tpu.wait_indirect_dma semaphore(%run_scoped3A_191 : memref<!tpu.dma_semaphore, #tpu.memory_space<semaphore_mem>>) src(%dma_wait3A_199 : memref<100352x16xf32, #tpu.memory_space<hbm>>) dst(%arg12 : memref<128x16xf32, #tpu.memory_space<vmem>>)
          tpu.yield
        }) : () -> ()
        %scan3A_86 = arith.constant 0 : i32
        %scan3A_87 = arith.constant 0 : i32
        %scan3A_88 = arith.constant 128 : i32
        %scan3A_89 = arith.addi %scan3A_87, %scan3A_88 : i32
        %scan3A_90 = arith.constant 1 : i32
        %scan3A_91 = scf.for %scan3A_191 = %scan3A_87 to %scan3A_89 step %scan3A_90 iter_args(%scan3A_192 = %scan3A_86) -> (i32)  : i32 {
          %add3A_193 = arith.constant 384 : i32
          %add3A_194 = arith.addi %add3A_193, %scan3A_191 : i32
          %broadcast_in_dim3A = vector.broadcast %add3A_194 : i32 to vector<16xi32>
          %gather3A = tpu.vector_load_idx %arg11[%broadcast_in_dim3A] : memref<2048xf32, #tpu.memory_space<vmem>>[vector<16xi32>], vector<16xf32>,
          %get3A = arith.index_cast %scan3A_191 : i32 to index
          %get3A_195 = arith.constant 0 : index
          %get3A_196 = tpu.vector_load %arg12[%get3A, %get3A_195] {strides = array<i32>} : memref<128x16xf32, #tpu.memory_space<vmem>>, vector<16xf32>,
          %mul3A_197 = arith.mulf %get3A_196, %gather3A : vector<16xf32>
          %swap3A = arith.index_cast %scan3A_191 : i32 to index
          %swap3A_198 = arith.constant 0 : index
          %swap3A_199 = tpu.vector_load %arg12[%swap3A, %swap3A_198] {strides = array<i32>} : memref<128x16xf32, #tpu.memory_space<vmem>>, vector<16xf32>,
          tpu.vector_store %arg12[%swap3A, %swap3A_198], %mul3A_197 {strides = array<i32>} : memref<128x16xf32, #tpu.memory_space<vmem>>, vector<16xf32>,
          %scan3A_200 = arith.constant 0 : i32
          scf.yield %scan3A_200 : i32
        }
        %scan3A_92 = arith.constant 128 : i32
        %run_scoped3A_93 = arith.constant 3 : i32
        "tpu.region"() ({
          %run_scoped3A_191 = tpu.sem_alloc : memref<!tpu.dma_semaphore, #tpu.memory_space<semaphore_mem>>
          %dma_start3A = arith.constant 0 : i32
          %dma_start3A_192 = tpu.memref_slice %arg10[%run_scoped3A_93, %dma_start3A] : memref<16x128xi32, #tpu.memory_space<vmem>> -> memref<1x128xi32, #tpu.memory_space<vmem>>
          %dma_start3A_193 = tpu.memref_squeeze %dma_start3A_192 : memref<1x128xi32, #tpu.memory_space<vmem>> -> memref<128xi32, #tpu.memory_space<vmem>>
          %dma_start3A_194 = arith.constant 0 : i32
          %dma_start3A_195 = arith.constant 0 : i32
          %dma_start3A_196 = tpu.memref_slice %arg14[%dma_start3A_194, %dma_start3A_195] : memref<100352x16xf32, #tpu.memory_space<vmem_shared>> -> memref<100352x16xf32, #tpu.memory_space<vmem_shared>>
          tpu.enqueue_indirect_dma source(%arg12 : memref<128x16xf32, #tpu.memory_space<vmem>>) target(%dma_start3A_196 : memref<100352x16xf32, #tpu.memory_space<vmem_shared>>) offsets(%dma_start3A_193 : memref<128xi32, #tpu.memory_space<vmem>>) semaphore(%run_scoped3A_191 : memref<!tpu.dma_semaphore, #tpu.memory_space<semaphore_mem>>) {add = true}
          %dma_wait3A = arith.constant 0 : i32
          %dma_wait3A_197 = tpu.memref_slice %arg10[%run_scoped3A_93, %dma_wait3A] : memref<16x128xi32, #tpu.memory_space<vmem>> -> memref<1x128xi32, #tpu.memory_space<vmem>>
          %dma_wait3A_198 = tpu.memref_squeeze %dma_wait3A_197 : memref<1x128xi32, #tpu.memory_space<vmem>> -> memref<128xi32, #tpu.memory_space<vmem>>
          %dma_wait3A_199 = arith.constant 0 : i32
          %dma_wait3A_200 = arith.constant 0 : i32
          %dma_wait3A_201 = tpu.memref_slice %arg14[%dma_wait3A_199, %dma_wait3A_200] : memref<100352x16xf32, #tpu.memory_space<vmem_shared>> -> memref<100352x16xf32, #tpu.memory_space<vmem_shared>>
          tpu.wait_indirect_dma semaphore(%run_scoped3A_191 : memref<!tpu.dma_semaphore, #tpu.memory_space<semaphore_mem>>) src(%arg12 : memref<128x16xf32, #tpu.memory_space<vmem>>) dst(%dma_wait3A_201 : memref<100352x16xf32, #tpu.memory_space<vmem_shared>>)
          tpu.yield
        }) : () -> ()
        "tpu.region"() ({
          %run_scoped3A_191 = tpu.sem_alloc : memref<!tpu.dma_semaphore, #tpu.memory_space<semaphore_mem>>
          %dma_start3A = arith.constant 512 : i32
          %dma_start3A_192 = tpu.memref_slice %arg9[%dma_start3A] : memref<2048xi32, #tpu.memory_space<vmem>> -> memref<128xi32, #tpu.memory_space<vmem>>
          %dma_start3A_193 = arith.constant 0 : i32
          %dma_start3A_194 = arith.constant 0 : i32
          %dma_start3A_195 = tpu.memref_slice %arg6[%dma_start3A_193, %dma_start3A_194] : memref<100352x16xf32, #tpu.memory_space<hbm>> -> memref<100352x16xf32, #tpu.memory_space<hbm>>
          tpu.enqueue_indirect_dma source(%dma_start3A_195 : memref<100352x16xf32, #tpu.memory_space<hbm>>) target(%arg12 : memref<128x16xf32, #tpu.memory_space<vmem>>) offsets(%dma_start3A_192 : memref<128xi32, #tpu.memory_space<vmem>>) semaphore(%run_scoped3A_191 : memref<!tpu.dma_semaphore, #tpu.memory_space<semaphore_mem>>)
          %dma_wait3A = arith.constant 512 : i32
          %dma_wait3A_196 = tpu.memref_slice %arg9[%dma_wait3A] : memref<2048xi32, #tpu.memory_space<vmem>> -> memref<128xi32, #tpu.memory_space<vmem>>
          %dma_wait3A_197 = arith.constant 0 : i32
          %dma_wait3A_198 = arith.constant 0 : i32
          %dma_wait3A_199 = tpu.memref_slice %arg6[%dma_wait3A_197, %dma_wait3A_198] : memref<100352x16xf32, #tpu.memory_space<hbm>> -> memref<100352x16xf32, #tpu.memory_space<hbm>>
          tpu.wait_indirect_dma semaphore(%run_scoped3A_191 : memref<!tpu.dma_semaphore, #tpu.memory_space<semaphore_mem>>) src(%dma_wait3A_199 : memref<100352x16xf32, #tpu.memory_space<hbm>>) dst(%arg12 : memref<128x16xf32, #tpu.memory_space<vmem>>)
          tpu.yield
        }) : () -> ()
        %scan3A_94 = arith.constant 0 : i32
        %scan3A_95 = arith.constant 0 : i32
        %scan3A_96 = arith.constant 128 : i32
        %scan3A_97 = arith.addi %scan3A_95, %scan3A_96 : i32
        %scan3A_98 = arith.constant 1 : i32
        %scan3A_99 = scf.for %scan3A_191 = %scan3A_95 to %scan3A_97 step %scan3A_98 iter_args(%scan3A_192 = %scan3A_94) -> (i32)  : i32 {
          %add3A_193 = arith.constant 512 : i32
          %add3A_194 = arith.addi %add3A_193, %scan3A_191 : i32
          %broadcast_in_dim3A = vector.broadcast %add3A_194 : i32 to vector<16xi32>
          %gather3A = tpu.vector_load_idx %arg11[%broadcast_in_dim3A] : memref<2048xf32, #tpu.memory_space<vmem>>[vector<16xi32>], vector<16xf32>,
          %get3A = arith.index_cast %scan3A_191 : i32 to index
          %get3A_195 = arith.constant 0 : index
          %get3A_196 = tpu.vector_load %arg12[%get3A, %get3A_195] {strides = array<i32>} : memref<128x16xf32, #tpu.memory_space<vmem>>, vector<16xf32>,
          %mul3A_197 = arith.mulf %get3A_196, %gather3A : vector<16xf32>
          %swap3A = arith.index_cast %scan3A_191 : i32 to index
          %swap3A_198 = arith.constant 0 : index
          %swap3A_199 = tpu.vector_load %arg12[%swap3A, %swap3A_198] {strides = array<i32>} : memref<128x16xf32, #tpu.memory_space<vmem>>, vector<16xf32>,
          tpu.vector_store %arg12[%swap3A, %swap3A_198], %mul3A_197 {strides = array<i32>} : memref<128x16xf32, #tpu.memory_space<vmem>>, vector<16xf32>,
          %scan3A_200 = arith.constant 0 : i32
          scf.yield %scan3A_200 : i32
        }
        %scan3A_100 = arith.constant 128 : i32
        %run_scoped3A_101 = arith.constant 4 : i32
        "tpu.region"() ({
          %run_scoped3A_191 = tpu.sem_alloc : memref<!tpu.dma_semaphore, #tpu.memory_space<semaphore_mem>>
          %dma_start3A = arith.constant 0 : i32
          %dma_start3A_192 = tpu.memref_slice %arg10[%run_scoped3A_101, %dma_start3A] : memref<16x128xi32, #tpu.memory_space<vmem>> -> memref<1x128xi32, #tpu.memory_space<vmem>>
          %dma_start3A_193 = tpu.memref_squeeze %dma_start3A_192 : memref<1x128xi32, #tpu.memory_space<vmem>> -> memref<128xi32, #tpu.memory_space<vmem>>
          %dma_start3A_194 = arith.constant 0 : i32
          %dma_start3A_195 = arith.constant 0 : i32
          %dma_start3A_196 = tpu.memref_slice %arg14[%dma_start3A_194, %dma_start3A_195] : memref<100352x16xf32, #tpu.memory_space<vmem_shared>> -> memref<100352x16xf32, #tpu.memory_space<vmem_shared>>
          tpu.enqueue_indirect_dma source(%arg12 : memref<128x16xf32, #tpu.memory_space<vmem>>) target(%dma_start3A_196 : memref<100352x16xf32, #tpu.memory_space<vmem_shared>>) offsets(%dma_start3A_193 : memref<128xi32, #tpu.memory_space<vmem>>) semaphore(%run_scoped3A_191 : memref<!tpu.dma_semaphore, #tpu.memory_space<semaphore_mem>>) {add = true}
          %dma_wait3A = arith.constant 0 : i32
          %dma_wait3A_197 = tpu.memref_slice %arg10[%run_scoped3A_101, %dma_wait3A] : memref<16x128xi32, #tpu.memory_space<vmem>> -> memref<1x128xi32, #tpu.memory_space<vmem>>
          %dma_wait3A_198 = tpu.memref_squeeze %dma_wait3A_197 : memref<1x128xi32, #tpu.memory_space<vmem>> -> memref<128xi32, #tpu.memory_space<vmem>>
          %dma_wait3A_199 = arith.constant 0 : i32
          %dma_wait3A_200 = arith.constant 0 : i32
          %dma_wait3A_201 = tpu.memref_slice %arg14[%dma_wait3A_199, %dma_wait3A_200] : memref<100352x16xf32, #tpu.memory_space<vmem_shared>> -> memref<100352x16xf32, #tpu.memory_space<vmem_shared>>
          tpu.wait_indirect_dma semaphore(%run_scoped3A_191 : memref<!tpu.dma_semaphore, #tpu.memory_space<semaphore_mem>>) src(%arg12 : memref<128x16xf32, #tpu.memory_space<vmem>>) dst(%dma_wait3A_201 : memref<100352x16xf32, #tpu.memory_space<vmem_shared>>)
          tpu.yield
        }) : () -> ()
        "tpu.region"() ({
          %run_scoped3A_191 = tpu.sem_alloc : memref<!tpu.dma_semaphore, #tpu.memory_space<semaphore_mem>>
          %dma_start3A = arith.constant 640 : i32
          %dma_start3A_192 = tpu.memref_slice %arg9[%dma_start3A] : memref<2048xi32, #tpu.memory_space<vmem>> -> memref<128xi32, #tpu.memory_space<vmem>>
          %dma_start3A_193 = arith.constant 0 : i32
          %dma_start3A_194 = arith.constant 0 : i32
          %dma_start3A_195 = tpu.memref_slice %arg6[%dma_start3A_193, %dma_start3A_194] : memref<100352x16xf32, #tpu.memory_space<hbm>> -> memref<100352x16xf32, #tpu.memory_space<hbm>>
          tpu.enqueue_indirect_dma source(%dma_start3A_195 : memref<100352x16xf32, #tpu.memory_space<hbm>>) target(%arg12 : memref<128x16xf32, #tpu.memory_space<vmem>>) offsets(%dma_start3A_192 : memref<128xi32, #tpu.memory_space<vmem>>) semaphore(%run_scoped3A_191 : memref<!tpu.dma_semaphore, #tpu.memory_space<semaphore_mem>>)
          %dma_wait3A = arith.constant 640 : i32
          %dma_wait3A_196 = tpu.memref_slice %arg9[%dma_wait3A] : memref<2048xi32, #tpu.memory_space<vmem>> -> memref<128xi32, #tpu.memory_space<vmem>>
          %dma_wait3A_197 = arith.constant 0 : i32
          %dma_wait3A_198 = arith.constant 0 : i32
          %dma_wait3A_199 = tpu.memref_slice %arg6[%dma_wait3A_197, %dma_wait3A_198] : memref<100352x16xf32, #tpu.memory_space<hbm>> -> memref<100352x16xf32, #tpu.memory_space<hbm>>
          tpu.wait_indirect_dma semaphore(%run_scoped3A_191 : memref<!tpu.dma_semaphore, #tpu.memory_space<semaphore_mem>>) src(%dma_wait3A_199 : memref<100352x16xf32, #tpu.memory_space<hbm>>) dst(%arg12 : memref<128x16xf32, #tpu.memory_space<vmem>>)
          tpu.yield
        }) : () -> ()
        %scan3A_102 = arith.constant 0 : i32
        %scan3A_103 = arith.constant 0 : i32
        %scan3A_104 = arith.constant 128 : i32
        %scan3A_105 = arith.addi %scan3A_103, %scan3A_104 : i32
        %scan3A_106 = arith.constant 1 : i32
        %scan3A_107 = scf.for %scan3A_191 = %scan3A_103 to %scan3A_105 step %scan3A_106 iter_args(%scan3A_192 = %scan3A_102) -> (i32)  : i32 {
          %add3A_193 = arith.constant 640 : i32
          %add3A_194 = arith.addi %add3A_193, %scan3A_191 : i32
          %broadcast_in_dim3A = vector.broadcast %add3A_194 : i32 to vector<16xi32>
          %gather3A = tpu.vector_load_idx %arg11[%broadcast_in_dim3A] : memref<2048xf32, #tpu.memory_space<vmem>>[vector<16xi32>], vector<16xf32>,
          %get3A = arith.index_cast %scan3A_191 : i32 to index
          %get3A_195 = arith.constant 0 : index
          %get3A_196 = tpu.vector_load %arg12[%get3A, %get3A_195] {strides = array<i32>} : memref<128x16xf32, #tpu.memory_space<vmem>>, vector<16xf32>,
          %mul3A_197 = arith.mulf %get3A_196, %gather3A : vector<16xf32>
          %swap3A = arith.index_cast %scan3A_191 : i32 to index
          %swap3A_198 = arith.constant 0 : index
          %swap3A_199 = tpu.vector_load %arg12[%swap3A, %swap3A_198] {strides = array<i32>} : memref<128x16xf32, #tpu.memory_space<vmem>>, vector<16xf32>,
          tpu.vector_store %arg12[%swap3A, %swap3A_198], %mul3A_197 {strides = array<i32>} : memref<128x16xf32, #tpu.memory_space<vmem>>, vector<16xf32>,
          %scan3A_200 = arith.constant 0 : i32
          scf.yield %scan3A_200 : i32
        }
        %scan3A_108 = arith.constant 128 : i32
        %run_scoped3A_109 = arith.constant 5 : i32
        "tpu.region"() ({
          %run_scoped3A_191 = tpu.sem_alloc : memref<!tpu.dma_semaphore, #tpu.memory_space<semaphore_mem>>
          %dma_start3A = arith.constant 0 : i32
          %dma_start3A_192 = tpu.memref_slice %arg10[%run_scoped3A_109, %dma_start3A] : memref<16x128xi32, #tpu.memory_space<vmem>> -> memref<1x128xi32, #tpu.memory_space<vmem>>
          %dma_start3A_193 = tpu.memref_squeeze %dma_start3A_192 : memref<1x128xi32, #tpu.memory_space<vmem>> -> memref<128xi32, #tpu.memory_space<vmem>>
          %dma_start3A_194 = arith.constant 0 : i32
          %dma_start3A_195 = arith.constant 0 : i32
          %dma_start3A_196 = tpu.memref_slice %arg14[%dma_start3A_194, %dma_start3A_195] : memref<100352x16xf32, #tpu.memory_space<vmem_shared>> -> memref<100352x16xf32, #tpu.memory_space<vmem_shared>>
          tpu.enqueue_indirect_dma source(%arg12 : memref<128x16xf32, #tpu.memory_space<vmem>>) target(%dma_start3A_196 : memref<100352x16xf32, #tpu.memory_space<vmem_shared>>) offsets(%dma_start3A_193 : memref<128xi32, #tpu.memory_space<vmem>>) semaphore(%run_scoped3A_191 : memref<!tpu.dma_semaphore, #tpu.memory_space<semaphore_mem>>) {add = true}
          %dma_wait3A = arith.constant 0 : i32
          %dma_wait3A_197 = tpu.memref_slice %arg10[%run_scoped3A_109, %dma_wait3A] : memref<16x128xi32, #tpu.memory_space<vmem>> -> memref<1x128xi32, #tpu.memory_space<vmem>>
          %dma_wait3A_198 = tpu.memref_squeeze %dma_wait3A_197 : memref<1x128xi32, #tpu.memory_space<vmem>> -> memref<128xi32, #tpu.memory_space<vmem>>
          %dma_wait3A_199 = arith.constant 0 : i32
          %dma_wait3A_200 = arith.constant 0 : i32
          %dma_wait3A_201 = tpu.memref_slice %arg14[%dma_wait3A_199, %dma_wait3A_200] : memref<100352x16xf32, #tpu.memory_space<vmem_shared>> -> memref<100352x16xf32, #tpu.memory_space<vmem_shared>>
          tpu.wait_indirect_dma semaphore(%run_scoped3A_191 : memref<!tpu.dma_semaphore, #tpu.memory_space<semaphore_mem>>) src(%arg12 : memref<128x16xf32, #tpu.memory_space<vmem>>) dst(%dma_wait3A_201 : memref<100352x16xf32, #tpu.memory_space<vmem_shared>>)
          tpu.yield
        }) : () -> ()
        "tpu.region"() ({
          %run_scoped3A_191 = tpu.sem_alloc : memref<!tpu.dma_semaphore, #tpu.memory_space<semaphore_mem>>
          %dma_start3A = arith.constant 768 : i32
          %dma_start3A_192 = tpu.memref_slice %arg9[%dma_start3A] : memref<2048xi32, #tpu.memory_space<vmem>> -> memref<128xi32, #tpu.memory_space<vmem>>
          %dma_start3A_193 = arith.constant 0 : i32
          %dma_start3A_194 = arith.constant 0 : i32
          %dma_start3A_195 = tpu.memref_slice %arg6[%dma_start3A_193, %dma_start3A_194] : memref<100352x16xf32, #tpu.memory_space<hbm>> -> memref<100352x16xf32, #tpu.memory_space<hbm>>
          tpu.enqueue_indirect_dma source(%dma_start3A_195 : memref<100352x16xf32, #tpu.memory_space<hbm>>) target(%arg12 : memref<128x16xf32, #tpu.memory_space<vmem>>) offsets(%dma_start3A_192 : memref<128xi32, #tpu.memory_space<vmem>>) semaphore(%run_scoped3A_191 : memref<!tpu.dma_semaphore, #tpu.memory_space<semaphore_mem>>)
          %dma_wait3A = arith.constant 768 : i32
          %dma_wait3A_196 = tpu.memref_slice %arg9[%dma_wait3A] : memref<2048xi32, #tpu.memory_space<vmem>> -> memref<128xi32, #tpu.memory_space<vmem>>
          %dma_wait3A_197 = arith.constant 0 : i32
          %dma_wait3A_198 = arith.constant 0 : i32
          %dma_wait3A_199 = tpu.memref_slice %arg6[%dma_wait3A_197, %dma_wait3A_198] : memref<100352x16xf32, #tpu.memory_space<hbm>> -> memref<100352x16xf32, #tpu.memory_space<hbm>>
          tpu.wait_indirect_dma semaphore(%run_scoped3A_191 : memref<!tpu.dma_semaphore, #tpu.memory_space<semaphore_mem>>) src(%dma_wait3A_199 : memref<100352x16xf32, #tpu.memory_space<hbm>>) dst(%arg12 : memref<128x16xf32, #tpu.memory_space<vmem>>)
          tpu.yield
        }) : () -> ()
        %scan3A_110 = arith.constant 0 : i32
        %scan3A_111 = arith.constant 0 : i32
        %scan3A_112 = arith.constant 128 : i32
        %scan3A_113 = arith.addi %scan3A_111, %scan3A_112 : i32
        %scan3A_114 = arith.constant 1 : i32
        %scan3A_115 = scf.for %scan3A_191 = %scan3A_111 to %scan3A_113 step %scan3A_114 iter_args(%scan3A_192 = %scan3A_110) -> (i32)  : i32 {
          %add3A_193 = arith.constant 768 : i32
          %add3A_194 = arith.addi %add3A_193, %scan3A_191 : i32
          %broadcast_in_dim3A = vector.broadcast %add3A_194 : i32 to vector<16xi32>
          %gather3A = tpu.vector_load_idx %arg11[%broadcast_in_dim3A] : memref<2048xf32, #tpu.memory_space<vmem>>[vector<16xi32>], vector<16xf32>,
          %get3A = arith.index_cast %scan3A_191 : i32 to index
          %get3A_195 = arith.constant 0 : index
          %get3A_196 = tpu.vector_load %arg12[%get3A, %get3A_195] {strides = array<i32>} : memref<128x16xf32, #tpu.memory_space<vmem>>, vector<16xf32>,
          %mul3A_197 = arith.mulf %get3A_196, %gather3A : vector<16xf32>
          %swap3A = arith.index_cast %scan3A_191 : i32 to index
          %swap3A_198 = arith.constant 0 : index
          %swap3A_199 = tpu.vector_load %arg12[%swap3A, %swap3A_198] {strides = array<i32>} : memref<128x16xf32, #tpu.memory_space<vmem>>, vector<16xf32>,
          tpu.vector_store %arg12[%swap3A, %swap3A_198], %mul3A_197 {strides = array<i32>} : memref<128x16xf32, #tpu.memory_space<vmem>>, vector<16xf32>,
          %scan3A_200 = arith.constant 0 : i32
          scf.yield %scan3A_200 : i32
        }
        %scan3A_116 = arith.constant 128 : i32
        %run_scoped3A_117 = arith.constant 6 : i32
        "tpu.region"() ({
          %run_scoped3A_191 = tpu.sem_alloc : memref<!tpu.dma_semaphore, #tpu.memory_space<semaphore_mem>>
          %dma_start3A = arith.constant 0 : i32
          %dma_start3A_192 = tpu.memref_slice %arg10[%run_scoped3A_117, %dma_start3A] : memref<16x128xi32, #tpu.memory_space<vmem>> -> memref<1x128xi32, #tpu.memory_space<vmem>>
          %dma_start3A_193 = tpu.memref_squeeze %dma_start3A_192 : memref<1x128xi32, #tpu.memory_space<vmem>> -> memref<128xi32, #tpu.memory_space<vmem>>
          %dma_start3A_194 = arith.constant 0 : i32
          %dma_start3A_195 = arith.constant 0 : i32
          %dma_start3A_196 = tpu.memref_slice %arg14[%dma_start3A_194, %dma_start3A_195] : memref<100352x16xf32, #tpu.memory_space<vmem_shared>> -> memref<100352x16xf32, #tpu.memory_space<vmem_shared>>
          tpu.enqueue_indirect_dma source(%arg12 : memref<128x16xf32, #tpu.memory_space<vmem>>) target(%dma_start3A_196 : memref<100352x16xf32, #tpu.memory_space<vmem_shared>>) offsets(%dma_start3A_193 : memref<128xi32, #tpu.memory_space<vmem>>) semaphore(%run_scoped3A_191 : memref<!tpu.dma_semaphore, #tpu.memory_space<semaphore_mem>>) {add = true}
          %dma_wait3A = arith.constant 0 : i32
          %dma_wait3A_197 = tpu.memref_slice %arg10[%run_scoped3A_117, %dma_wait3A] : memref<16x128xi32, #tpu.memory_space<vmem>> -> memref<1x128xi32, #tpu.memory_space<vmem>>
          %dma_wait3A_198 = tpu.memref_squeeze %dma_wait3A_197 : memref<1x128xi32, #tpu.memory_space<vmem>> -> memref<128xi32, #tpu.memory_space<vmem>>
          %dma_wait3A_199 = arith.constant 0 : i32
          %dma_wait3A_200 = arith.constant 0 : i32
          %dma_wait3A_201 = tpu.memref_slice %arg14[%dma_wait3A_199, %dma_wait3A_200] : memref<100352x16xf32, #tpu.memory_space<vmem_shared>> -> memref<100352x16xf32, #tpu.memory_space<vmem_shared>>
          tpu.wait_indirect_dma semaphore(%run_scoped3A_191 : memref<!tpu.dma_semaphore, #tpu.memory_space<semaphore_mem>>) src(%arg12 : memref<128x16xf32, #tpu.memory_space<vmem>>) dst(%dma_wait3A_201 : memref<100352x16xf32, #tpu.memory_space<vmem_shared>>)
          tpu.yield
        }) : () -> ()
        "tpu.region"() ({
          %run_scoped3A_191 = tpu.sem_alloc : memref<!tpu.dma_semaphore, #tpu.memory_space<semaphore_mem>>
          %dma_start3A = arith.constant 896 : i32
          %dma_start3A_192 = tpu.memref_slice %arg9[%dma_start3A] : memref<2048xi32, #tpu.memory_space<vmem>> -> memref<128xi32, #tpu.memory_space<vmem>>
          %dma_start3A_193 = arith.constant 0 : i32
          %dma_start3A_194 = arith.constant 0 : i32
          %dma_start3A_195 = tpu.memref_slice %arg6[%dma_start3A_193, %dma_start3A_194] : memref<100352x16xf32, #tpu.memory_space<hbm>> -> memref<100352x16xf32, #tpu.memory_space<hbm>>
          tpu.enqueue_indirect_dma source(%dma_start3A_195 : memref<100352x16xf32, #tpu.memory_space<hbm>>) target(%arg12 : memref<128x16xf32, #tpu.memory_space<vmem>>) offsets(%dma_start3A_192 : memref<128xi32, #tpu.memory_space<vmem>>) semaphore(%run_scoped3A_191 : memref<!tpu.dma_semaphore, #tpu.memory_space<semaphore_mem>>)
          %dma_wait3A = arith.constant 896 : i32
          %dma_wait3A_196 = tpu.memref_slice %arg9[%dma_wait3A] : memref<2048xi32, #tpu.memory_space<vmem>> -> memref<128xi32, #tpu.memory_space<vmem>>
          %dma_wait3A_197 = arith.constant 0 : i32
          %dma_wait3A_198 = arith.constant 0 : i32
          %dma_wait3A_199 = tpu.memref_slice %arg6[%dma_wait3A_197, %dma_wait3A_198] : memref<100352x16xf32, #tpu.memory_space<hbm>> -> memref<100352x16xf32, #tpu.memory_space<hbm>>
          tpu.wait_indirect_dma semaphore(%run_scoped3A_191 : memref<!tpu.dma_semaphore, #tpu.memory_space<semaphore_mem>>) src(%dma_wait3A_199 : memref<100352x16xf32, #tpu.memory_space<hbm>>) dst(%arg12 : memref<128x16xf32, #tpu.memory_space<vmem>>)
          tpu.yield
        }) : () -> ()
        %scan3A_118 = arith.constant 0 : i32
        %scan3A_119 = arith.constant 0 : i32
        %scan3A_120 = arith.constant 128 : i32
        %scan3A_121 = arith.addi %scan3A_119, %scan3A_120 : i32
        %scan3A_122 = arith.constant 1 : i32
        %scan3A_123 = scf.for %scan3A_191 = %scan3A_119 to %scan3A_121 step %scan3A_122 iter_args(%scan3A_192 = %scan3A_118) -> (i32)  : i32 {
          %add3A_193 = arith.constant 896 : i32
          %add3A_194 = arith.addi %add3A_193, %scan3A_191 : i32
          %broadcast_in_dim3A = vector.broadcast %add3A_194 : i32 to vector<16xi32>
          %gather3A = tpu.vector_load_idx %arg11[%broadcast_in_dim3A] : memref<2048xf32, #tpu.memory_space<vmem>>[vector<16xi32>], vector<16xf32>,
          %get3A = arith.index_cast %scan3A_191 : i32 to index
          %get3A_195 = arith.constant 0 : index
          %get3A_196 = tpu.vector_load %arg12[%get3A, %get3A_195] {strides = array<i32>} : memref<128x16xf32, #tpu.memory_space<vmem>>, vector<16xf32>,
          %mul3A_197 = arith.mulf %get3A_196, %gather3A : vector<16xf32>
          %swap3A = arith.index_cast %scan3A_191 : i32 to index
          %swap3A_198 = arith.constant 0 : index
          %swap3A_199 = tpu.vector_load %arg12[%swap3A, %swap3A_198] {strides = array<i32>} : memref<128x16xf32, #tpu.memory_space<vmem>>, vector<16xf32>,
          tpu.vector_store %arg12[%swap3A, %swap3A_198], %mul3A_197 {strides = array<i32>} : memref<128x16xf32, #tpu.memory_space<vmem>>, vector<16xf32>,
          %scan3A_200 = arith.constant 0 : i32
          scf.yield %scan3A_200 : i32
        }
        %scan3A_124 = arith.constant 128 : i32
        %run_scoped3A_125 = arith.constant 7 : i32
        "tpu.region"() ({
          %run_scoped3A_191 = tpu.sem_alloc : memref<!tpu.dma_semaphore, #tpu.memory_space<semaphore_mem>>
          %dma_start3A = arith.constant 0 : i32
          %dma_start3A_192 = tpu.memref_slice %arg10[%run_scoped3A_125, %dma_start3A] : memref<16x128xi32, #tpu.memory_space<vmem>> -> memref<1x128xi32, #tpu.memory_space<vmem>>
          %dma_start3A_193 = tpu.memref_squeeze %dma_start3A_192 : memref<1x128xi32, #tpu.memory_space<vmem>> -> memref<128xi32, #tpu.memory_space<vmem>>
          %dma_start3A_194 = arith.constant 0 : i32
          %dma_start3A_195 = arith.constant 0 : i32
          %dma_start3A_196 = tpu.memref_slice %arg14[%dma_start3A_194, %dma_start3A_195] : memref<100352x16xf32, #tpu.memory_space<vmem_shared>> -> memref<100352x16xf32, #tpu.memory_space<vmem_shared>>
          tpu.enqueue_indirect_dma source(%arg12 : memref<128x16xf32, #tpu.memory_space<vmem>>) target(%dma_start3A_196 : memref<100352x16xf32, #tpu.memory_space<vmem_shared>>) offsets(%dma_start3A_193 : memref<128xi32, #tpu.memory_space<vmem>>) semaphore(%run_scoped3A_191 : memref<!tpu.dma_semaphore, #tpu.memory_space<semaphore_mem>>) {add = true}
          %dma_wait3A = arith.constant 0 : i32
          %dma_wait3A_197 = tpu.memref_slice %arg10[%run_scoped3A_125, %dma_wait3A] : memref<16x128xi32, #tpu.memory_space<vmem>> -> memref<1x128xi32, #tpu.memory_space<vmem>>
          %dma_wait3A_198 = tpu.memref_squeeze %dma_wait3A_197 : memref<1x128xi32, #tpu.memory_space<vmem>> -> memref<128xi32, #tpu.memory_space<vmem>>
          %dma_wait3A_199 = arith.constant 0 : i32
          %dma_wait3A_200 = arith.constant 0 : i32
          %dma_wait3A_201 = tpu.memref_slice %arg14[%dma_wait3A_199, %dma_wait3A_200] : memref<100352x16xf32, #tpu.memory_space<vmem_shared>> -> memref<100352x16xf32, #tpu.memory_space<vmem_shared>>
          tpu.wait_indirect_dma semaphore(%run_scoped3A_191 : memref<!tpu.dma_semaphore, #tpu.memory_space<semaphore_mem>>) src(%arg12 : memref<128x16xf32, #tpu.memory_space<vmem>>) dst(%dma_wait3A_201 : memref<100352x16xf32, #tpu.memory_space<vmem_shared>>)
          tpu.yield
        }) : () -> ()
        "tpu.region"() ({
          %run_scoped3A_191 = tpu.sem_alloc : memref<!tpu.dma_semaphore, #tpu.memory_space<semaphore_mem>>
          %dma_start3A = arith.constant 1024 : i32
          %dma_start3A_192 = tpu.memref_slice %arg9[%dma_start3A] : memref<2048xi32, #tpu.memory_space<vmem>> -> memref<128xi32, #tpu.memory_space<vmem>>
          %dma_start3A_193 = arith.constant 0 : i32
          %dma_start3A_194 = arith.constant 0 : i32
          %dma_start3A_195 = tpu.memref_slice %arg6[%dma_start3A_193, %dma_start3A_194] : memref<100352x16xf32, #tpu.memory_space<hbm>> -> memref<100352x16xf32, #tpu.memory_space<hbm>>
          tpu.enqueue_indirect_dma source(%dma_start3A_195 : memref<100352x16xf32, #tpu.memory_space<hbm>>) target(%arg12 : memref<128x16xf32, #tpu.memory_space<vmem>>) offsets(%dma_start3A_192 : memref<128xi32, #tpu.memory_space<vmem>>) semaphore(%run_scoped3A_191 : memref<!tpu.dma_semaphore, #tpu.memory_space<semaphore_mem>>)
          %dma_wait3A = arith.constant 1024 : i32
          %dma_wait3A_196 = tpu.memref_slice %arg9[%dma_wait3A] : memref<2048xi32, #tpu.memory_space<vmem>> -> memref<128xi32, #tpu.memory_space<vmem>>
          %dma_wait3A_197 = arith.constant 0 : i32
          %dma_wait3A_198 = arith.constant 0 : i32
          %dma_wait3A_199 = tpu.memref_slice %arg6[%dma_wait3A_197, %dma_wait3A_198] : memref<100352x16xf32, #tpu.memory_space<hbm>> -> memref<100352x16xf32, #tpu.memory_space<hbm>>
          tpu.wait_indirect_dma semaphore(%run_scoped3A_191 : memref<!tpu.dma_semaphore, #tpu.memory_space<semaphore_mem>>) src(%dma_wait3A_199 : memref<100352x16xf32, #tpu.memory_space<hbm>>) dst(%arg12 : memref<128x16xf32, #tpu.memory_space<vmem>>)
          tpu.yield
        }) : () -> ()
        %scan3A_126 = arith.constant 0 : i32
        %scan3A_127 = arith.constant 0 : i32
        %scan3A_128 = arith.constant 128 : i32
        %scan3A_129 = arith.addi %scan3A_127, %scan3A_128 : i32
        %scan3A_130 = arith.constant 1 : i32
        %scan3A_131 = scf.for %scan3A_191 = %scan3A_127 to %scan3A_129 step %scan3A_130 iter_args(%scan3A_192 = %scan3A_126) -> (i32)  : i32 {
          %add3A_193 = arith.constant 1024 : i32
          %add3A_194 = arith.addi %add3A_193, %scan3A_191 : i32
          %broadcast_in_dim3A = vector.broadcast %add3A_194 : i32 to vector<16xi32>
          %gather3A = tpu.vector_load_idx %arg11[%broadcast_in_dim3A] : memref<2048xf32, #tpu.memory_space<vmem>>[vector<16xi32>], vector<16xf32>,
          %get3A = arith.index_cast %scan3A_191 : i32 to index
          %get3A_195 = arith.constant 0 : index
          %get3A_196 = tpu.vector_load %arg12[%get3A, %get3A_195] {strides = array<i32>} : memref<128x16xf32, #tpu.memory_space<vmem>>, vector<16xf32>,
          %mul3A_197 = arith.mulf %get3A_196, %gather3A : vector<16xf32>
          %swap3A = arith.index_cast %scan3A_191 : i32 to index
          %swap3A_198 = arith.constant 0 : index
          %swap3A_199 = tpu.vector_load %arg12[%swap3A, %swap3A_198] {strides = array<i32>} : memref<128x16xf32, #tpu.memory_space<vmem>>, vector<16xf32>,
          tpu.vector_store %arg12[%swap3A, %swap3A_198], %mul3A_197 {strides = array<i32>} : memref<128x16xf32, #tpu.memory_space<vmem>>, vector<16xf32>,
          %scan3A_200 = arith.constant 0 : i32
          scf.yield %scan3A_200 : i32
        }
        %scan3A_132 = arith.constant 128 : i32
        %run_scoped3A_133 = arith.constant 8 : i32
        "tpu.region"() ({
          %run_scoped3A_191 = tpu.sem_alloc : memref<!tpu.dma_semaphore, #tpu.memory_space<semaphore_mem>>
          %dma_start3A = arith.constant 0 : i32
          %dma_start3A_192 = tpu.memref_slice %arg10[%run_scoped3A_133, %dma_start3A] : memref<16x128xi32, #tpu.memory_space<vmem>> -> memref<1x128xi32, #tpu.memory_space<vmem>>
          %dma_start3A_193 = tpu.memref_squeeze %dma_start3A_192 : memref<1x128xi32, #tpu.memory_space<vmem>> -> memref<128xi32, #tpu.memory_space<vmem>>
          %dma_start3A_194 = arith.constant 0 : i32
          %dma_start3A_195 = arith.constant 0 : i32
          %dma_start3A_196 = tpu.memref_slice %arg14[%dma_start3A_194, %dma_start3A_195] : memref<100352x16xf32, #tpu.memory_space<vmem_shared>> -> memref<100352x16xf32, #tpu.memory_space<vmem_shared>>
          tpu.enqueue_indirect_dma source(%arg12 : memref<128x16xf32, #tpu.memory_space<vmem>>) target(%dma_start3A_196 : memref<100352x16xf32, #tpu.memory_space<vmem_shared>>) offsets(%dma_start3A_193 : memref<128xi32, #tpu.memory_space<vmem>>) semaphore(%run_scoped3A_191 : memref<!tpu.dma_semaphore, #tpu.memory_space<semaphore_mem>>) {add = true}
          %dma_wait3A = arith.constant 0 : i32
          %dma_wait3A_197 = tpu.memref_slice %arg10[%run_scoped3A_133, %dma_wait3A] : memref<16x128xi32, #tpu.memory_space<vmem>> -> memref<1x128xi32, #tpu.memory_space<vmem>>
          %dma_wait3A_198 = tpu.memref_squeeze %dma_wait3A_197 : memref<1x128xi32, #tpu.memory_space<vmem>> -> memref<128xi32, #tpu.memory_space<vmem>>
          %dma_wait3A_199 = arith.constant 0 : i32
          %dma_wait3A_200 = arith.constant 0 : i32
          %dma_wait3A_201 = tpu.memref_slice %arg14[%dma_wait3A_199, %dma_wait3A_200] : memref<100352x16xf32, #tpu.memory_space<vmem_shared>> -> memref<100352x16xf32, #tpu.memory_space<vmem_shared>>
          tpu.wait_indirect_dma semaphore(%run_scoped3A_191 : memref<!tpu.dma_semaphore, #tpu.memory_space<semaphore_mem>>) src(%arg12 : memref<128x16xf32, #tpu.memory_space<vmem>>) dst(%dma_wait3A_201 : memref<100352x16xf32, #tpu.memory_space<vmem_shared>>)
          tpu.yield
        }) : () -> ()
        "tpu.region"() ({
          %run_scoped3A_191 = tpu.sem_alloc : memref<!tpu.dma_semaphore, #tpu.memory_space<semaphore_mem>>
          %dma_start3A = arith.constant 1152 : i32
          %dma_start3A_192 = tpu.memref_slice %arg9[%dma_start3A] : memref<2048xi32, #tpu.memory_space<vmem>> -> memref<128xi32, #tpu.memory_space<vmem>>
          %dma_start3A_193 = arith.constant 0 : i32
          %dma_start3A_194 = arith.constant 0 : i32
          %dma_start3A_195 = tpu.memref_slice %arg6[%dma_start3A_193, %dma_start3A_194] : memref<100352x16xf32, #tpu.memory_space<hbm>> -> memref<100352x16xf32, #tpu.memory_space<hbm>>
          tpu.enqueue_indirect_dma source(%dma_start3A_195 : memref<100352x16xf32, #tpu.memory_space<hbm>>) target(%arg12 : memref<128x16xf32, #tpu.memory_space<vmem>>) offsets(%dma_start3A_192 : memref<128xi32, #tpu.memory_space<vmem>>) semaphore(%run_scoped3A_191 : memref<!tpu.dma_semaphore, #tpu.memory_space<semaphore_mem>>)
          %dma_wait3A = arith.constant 1152 : i32
          %dma_wait3A_196 = tpu.memref_slice %arg9[%dma_wait3A] : memref<2048xi32, #tpu.memory_space<vmem>> -> memref<128xi32, #tpu.memory_space<vmem>>
          %dma_wait3A_197 = arith.constant 0 : i32
          %dma_wait3A_198 = arith.constant 0 : i32
          %dma_wait3A_199 = tpu.memref_slice %arg6[%dma_wait3A_197, %dma_wait3A_198] : memref<100352x16xf32, #tpu.memory_space<hbm>> -> memref<100352x16xf32, #tpu.memory_space<hbm>>
          tpu.wait_indirect_dma semaphore(%run_scoped3A_191 : memref<!tpu.dma_semaphore, #tpu.memory_space<semaphore_mem>>) src(%dma_wait3A_199 : memref<100352x16xf32, #tpu.memory_space<hbm>>) dst(%arg12 : memref<128x16xf32, #tpu.memory_space<vmem>>)
          tpu.yield
        }) : () -> ()
        %scan3A_134 = arith.constant 0 : i32
        %scan3A_135 = arith.constant 0 : i32
        %scan3A_136 = arith.constant 128 : i32
        %scan3A_137 = arith.addi %scan3A_135, %scan3A_136 : i32
        %scan3A_138 = arith.constant 1 : i32
        %scan3A_139 = scf.for %scan3A_191 = %scan3A_135 to %scan3A_137 step %scan3A_138 iter_args(%scan3A_192 = %scan3A_134) -> (i32)  : i32 {
          %add3A_193 = arith.constant 1152 : i32
          %add3A_194 = arith.addi %add3A_193, %scan3A_191 : i32
          %broadcast_in_dim3A = vector.broadcast %add3A_194 : i32 to vector<16xi32>
          %gather3A = tpu.vector_load_idx %arg11[%broadcast_in_dim3A] : memref<2048xf32, #tpu.memory_space<vmem>>[vector<16xi32>], vector<16xf32>,
          %get3A = arith.index_cast %scan3A_191 : i32 to index
          %get3A_195 = arith.constant 0 : index
          %get3A_196 = tpu.vector_load %arg12[%get3A, %get3A_195] {strides = array<i32>} : memref<128x16xf32, #tpu.memory_space<vmem>>, vector<16xf32>,
          %mul3A_197 = arith.mulf %get3A_196, %gather3A : vector<16xf32>
          %swap3A = arith.index_cast %scan3A_191 : i32 to index
          %swap3A_198 = arith.constant 0 : index
          %swap3A_199 = tpu.vector_load %arg12[%swap3A, %swap3A_198] {strides = array<i32>} : memref<128x16xf32, #tpu.memory_space<vmem>>, vector<16xf32>,
          tpu.vector_store %arg12[%swap3A, %swap3A_198], %mul3A_197 {strides = array<i32>} : memref<128x16xf32, #tpu.memory_space<vmem>>, vector<16xf32>,
          %scan3A_200 = arith.constant 0 : i32
          scf.yield %scan3A_200 : i32
        }
        %scan3A_140 = arith.constant 128 : i32
        %run_scoped3A_141 = arith.constant 9 : i32
        "tpu.region"() ({
          %run_scoped3A_191 = tpu.sem_alloc : memref<!tpu.dma_semaphore, #tpu.memory_space<semaphore_mem>>
          %dma_start3A = arith.constant 0 : i32
          %dma_start3A_192 = tpu.memref_slice %arg10[%run_scoped3A_141, %dma_start3A] : memref<16x128xi32, #tpu.memory_space<vmem>> -> memref<1x128xi32, #tpu.memory_space<vmem>>
          %dma_start3A_193 = tpu.memref_squeeze %dma_start3A_192 : memref<1x128xi32, #tpu.memory_space<vmem>> -> memref<128xi32, #tpu.memory_space<vmem>>
          %dma_start3A_194 = arith.constant 0 : i32
          %dma_start3A_195 = arith.constant 0 : i32
          %dma_start3A_196 = tpu.memref_slice %arg14[%dma_start3A_194, %dma_start3A_195] : memref<100352x16xf32, #tpu.memory_space<vmem_shared>> -> memref<100352x16xf32, #tpu.memory_space<vmem_shared>>
          tpu.enqueue_indirect_dma source(%arg12 : memref<128x16xf32, #tpu.memory_space<vmem>>) target(%dma_start3A_196 : memref<100352x16xf32, #tpu.memory_space<vmem_shared>>) offsets(%dma_start3A_193 : memref<128xi32, #tpu.memory_space<vmem>>) semaphore(%run_scoped3A_191 : memref<!tpu.dma_semaphore, #tpu.memory_space<semaphore_mem>>) {add = true}
          %dma_wait3A = arith.constant 0 : i32
          %dma_wait3A_197 = tpu.memref_slice %arg10[%run_scoped3A_141, %dma_wait3A] : memref<16x128xi32, #tpu.memory_space<vmem>> -> memref<1x128xi32, #tpu.memory_space<vmem>>
          %dma_wait3A_198 = tpu.memref_squeeze %dma_wait3A_197 : memref<1x128xi32, #tpu.memory_space<vmem>> -> memref<128xi32, #tpu.memory_space<vmem>>
          %dma_wait3A_199 = arith.constant 0 : i32
          %dma_wait3A_200 = arith.constant 0 : i32
          %dma_wait3A_201 = tpu.memref_slice %arg14[%dma_wait3A_199, %dma_wait3A_200] : memref<100352x16xf32, #tpu.memory_space<vmem_shared>> -> memref<100352x16xf32, #tpu.memory_space<vmem_shared>>
          tpu.wait_indirect_dma semaphore(%run_scoped3A_191 : memref<!tpu.dma_semaphore, #tpu.memory_space<semaphore_mem>>) src(%arg12 : memref<128x16xf32, #tpu.memory_space<vmem>>) dst(%dma_wait3A_201 : memref<100352x16xf32, #tpu.memory_space<vmem_shared>>)
          tpu.yield
        }) : () -> ()
        "tpu.region"() ({
          %run_scoped3A_191 = tpu.sem_alloc : memref<!tpu.dma_semaphore, #tpu.memory_space<semaphore_mem>>
          %dma_start3A = arith.constant 1280 : i32
          %dma_start3A_192 = tpu.memref_slice %arg9[%dma_start3A] : memref<2048xi32, #tpu.memory_space<vmem>> -> memref<128xi32, #tpu.memory_space<vmem>>
          %dma_start3A_193 = arith.constant 0 : i32
          %dma_start3A_194 = arith.constant 0 : i32
          %dma_start3A_195 = tpu.memref_slice %arg6[%dma_start3A_193, %dma_start3A_194] : memref<100352x16xf32, #tpu.memory_space<hbm>> -> memref<100352x16xf32, #tpu.memory_space<hbm>>
          tpu.enqueue_indirect_dma source(%dma_start3A_195 : memref<100352x16xf32, #tpu.memory_space<hbm>>) target(%arg12 : memref<128x16xf32, #tpu.memory_space<vmem>>) offsets(%dma_start3A_192 : memref<128xi32, #tpu.memory_space<vmem>>) semaphore(%run_scoped3A_191 : memref<!tpu.dma_semaphore, #tpu.memory_space<semaphore_mem>>)
          %dma_wait3A = arith.constant 1280 : i32
          %dma_wait3A_196 = tpu.memref_slice %arg9[%dma_wait3A] : memref<2048xi32, #tpu.memory_space<vmem>> -> memref<128xi32, #tpu.memory_space<vmem>>
          %dma_wait3A_197 = arith.constant 0 : i32
          %dma_wait3A_198 = arith.constant 0 : i32
          %dma_wait3A_199 = tpu.memref_slice %arg6[%dma_wait3A_197, %dma_wait3A_198] : memref<100352x16xf32, #tpu.memory_space<hbm>> -> memref<100352x16xf32, #tpu.memory_space<hbm>>
          tpu.wait_indirect_dma semaphore(%run_scoped3A_191 : memref<!tpu.dma_semaphore, #tpu.memory_space<semaphore_mem>>) src(%dma_wait3A_199 : memref<100352x16xf32, #tpu.memory_space<hbm>>) dst(%arg12 : memref<128x16xf32, #tpu.memory_space<vmem>>)
          tpu.yield
        }) : () -> ()
        %scan3A_142 = arith.constant 0 : i32
        %scan3A_143 = arith.constant 0 : i32
        %scan3A_144 = arith.constant 128 : i32
        %scan3A_145 = arith.addi %scan3A_143, %scan3A_144 : i32
        %scan3A_146 = arith.constant 1 : i32
        %scan3A_147 = scf.for %scan3A_191 = %scan3A_143 to %scan3A_145 step %scan3A_146 iter_args(%scan3A_192 = %scan3A_142) -> (i32)  : i32 {
          %add3A_193 = arith.constant 1280 : i32
          %add3A_194 = arith.addi %add3A_193, %scan3A_191 : i32
          %broadcast_in_dim3A = vector.broadcast %add3A_194 : i32 to vector<16xi32>
          %gather3A = tpu.vector_load_idx %arg11[%broadcast_in_dim3A] : memref<2048xf32, #tpu.memory_space<vmem>>[vector<16xi32>], vector<16xf32>,
          %get3A = arith.index_cast %scan3A_191 : i32 to index
          %get3A_195 = arith.constant 0 : index
          %get3A_196 = tpu.vector_load %arg12[%get3A, %get3A_195] {strides = array<i32>} : memref<128x16xf32, #tpu.memory_space<vmem>>, vector<16xf32>,
          %mul3A_197 = arith.mulf %get3A_196, %gather3A : vector<16xf32>
          %swap3A = arith.index_cast %scan3A_191 : i32 to index
          %swap3A_198 = arith.constant 0 : index
          %swap3A_199 = tpu.vector_load %arg12[%swap3A, %swap3A_198] {strides = array<i32>} : memref<128x16xf32, #tpu.memory_space<vmem>>, vector<16xf32>,
          tpu.vector_store %arg12[%swap3A, %swap3A_198], %mul3A_197 {strides = array<i32>} : memref<128x16xf32, #tpu.memory_space<vmem>>, vector<16xf32>,
          %scan3A_200 = arith.constant 0 : i32
          scf.yield %scan3A_200 : i32
        }
        %scan3A_148 = arith.constant 128 : i32
        %run_scoped3A_149 = arith.constant 10 : i32
        "tpu.region"() ({
          %run_scoped3A_191 = tpu.sem_alloc : memref<!tpu.dma_semaphore, #tpu.memory_space<semaphore_mem>>
          %dma_start3A = arith.constant 0 : i32
          %dma_start3A_192 = tpu.memref_slice %arg10[%run_scoped3A_149, %dma_start3A] : memref<16x128xi32, #tpu.memory_space<vmem>> -> memref<1x128xi32, #tpu.memory_space<vmem>>
          %dma_start3A_193 = tpu.memref_squeeze %dma_start3A_192 : memref<1x128xi32, #tpu.memory_space<vmem>> -> memref<128xi32, #tpu.memory_space<vmem>>
          %dma_start3A_194 = arith.constant 0 : i32
          %dma_start3A_195 = arith.constant 0 : i32
          %dma_start3A_196 = tpu.memref_slice %arg14[%dma_start3A_194, %dma_start3A_195] : memref<100352x16xf32, #tpu.memory_space<vmem_shared>> -> memref<100352x16xf32, #tpu.memory_space<vmem_shared>>
          tpu.enqueue_indirect_dma source(%arg12 : memref<128x16xf32, #tpu.memory_space<vmem>>) target(%dma_start3A_196 : memref<100352x16xf32, #tpu.memory_space<vmem_shared>>) offsets(%dma_start3A_193 : memref<128xi32, #tpu.memory_space<vmem>>) semaphore(%run_scoped3A_191 : memref<!tpu.dma_semaphore, #tpu.memory_space<semaphore_mem>>) {add = true}
          %dma_wait3A = arith.constant 0 : i32
          %dma_wait3A_197 = tpu.memref_slice %arg10[%run_scoped3A_149, %dma_wait3A] : memref<16x128xi32, #tpu.memory_space<vmem>> -> memref<1x128xi32, #tpu.memory_space<vmem>>
          %dma_wait3A_198 = tpu.memref_squeeze %dma_wait3A_197 : memref<1x128xi32, #tpu.memory_space<vmem>> -> memref<128xi32, #tpu.memory_space<vmem>>
          %dma_wait3A_199 = arith.constant 0 : i32
          %dma_wait3A_200 = arith.constant 0 : i32
          %dma_wait3A_201 = tpu.memref_slice %arg14[%dma_wait3A_199, %dma_wait3A_200] : memref<100352x16xf32, #tpu.memory_space<vmem_shared>> -> memref<100352x16xf32, #tpu.memory_space<vmem_shared>>
          tpu.wait_indirect_dma semaphore(%run_scoped3A_191 : memref<!tpu.dma_semaphore, #tpu.memory_space<semaphore_mem>>) src(%arg12 : memref<128x16xf32, #tpu.memory_space<vmem>>) dst(%dma_wait3A_201 : memref<100352x16xf32, #tpu.memory_space<vmem_shared>>)
          tpu.yield
        }) : () -> ()
        "tpu.region"() ({
          %run_scoped3A_191 = tpu.sem_alloc : memref<!tpu.dma_semaphore, #tpu.memory_space<semaphore_mem>>
          %dma_start3A = arith.constant 1408 : i32
          %dma_start3A_192 = tpu.memref_slice %arg9[%dma_start3A] : memref<2048xi32, #tpu.memory_space<vmem>> -> memref<128xi32, #tpu.memory_space<vmem>>
          %dma_start3A_193 = arith.constant 0 : i32
          %dma_start3A_194 = arith.constant 0 : i32
          %dma_start3A_195 = tpu.memref_slice %arg6[%dma_start3A_193, %dma_start3A_194] : memref<100352x16xf32, #tpu.memory_space<hbm>> -> memref<100352x16xf32, #tpu.memory_space<hbm>>
          tpu.enqueue_indirect_dma source(%dma_start3A_195 : memref<100352x16xf32, #tpu.memory_space<hbm>>) target(%arg12 : memref<128x16xf32, #tpu.memory_space<vmem>>) offsets(%dma_start3A_192 : memref<128xi32, #tpu.memory_space<vmem>>) semaphore(%run_scoped3A_191 : memref<!tpu.dma_semaphore, #tpu.memory_space<semaphore_mem>>)
          %dma_wait3A = arith.constant 1408 : i32
          %dma_wait3A_196 = tpu.memref_slice %arg9[%dma_wait3A] : memref<2048xi32, #tpu.memory_space<vmem>> -> memref<128xi32, #tpu.memory_space<vmem>>
          %dma_wait3A_197 = arith.constant 0 : i32
          %dma_wait3A_198 = arith.constant 0 : i32
          %dma_wait3A_199 = tpu.memref_slice %arg6[%dma_wait3A_197, %dma_wait3A_198] : memref<100352x16xf32, #tpu.memory_space<hbm>> -> memref<100352x16xf32, #tpu.memory_space<hbm>>
          tpu.wait_indirect_dma semaphore(%run_scoped3A_191 : memref<!tpu.dma_semaphore, #tpu.memory_space<semaphore_mem>>) src(%dma_wait3A_199 : memref<100352x16xf32, #tpu.memory_space<hbm>>) dst(%arg12 : memref<128x16xf32, #tpu.memory_space<vmem>>)
          tpu.yield
        }) : () -> ()
        %scan3A_150 = arith.constant 0 : i32
        %scan3A_151 = arith.constant 0 : i32
        %scan3A_152 = arith.constant 128 : i32
        %scan3A_153 = arith.addi %scan3A_151, %scan3A_152 : i32
        %scan3A_154 = arith.constant 1 : i32
        %scan3A_155 = scf.for %scan3A_191 = %scan3A_151 to %scan3A_153 step %scan3A_154 iter_args(%scan3A_192 = %scan3A_150) -> (i32)  : i32 {
          %add3A_193 = arith.constant 1408 : i32
          %add3A_194 = arith.addi %add3A_193, %scan3A_191 : i32
          %broadcast_in_dim3A = vector.broadcast %add3A_194 : i32 to vector<16xi32>
          %gather3A = tpu.vector_load_idx %arg11[%broadcast_in_dim3A] : memref<2048xf32, #tpu.memory_space<vmem>>[vector<16xi32>], vector<16xf32>,
          %get3A = arith.index_cast %scan3A_191 : i32 to index
          %get3A_195 = arith.constant 0 : index
          %get3A_196 = tpu.vector_load %arg12[%get3A, %get3A_195] {strides = array<i32>} : memref<128x16xf32, #tpu.memory_space<vmem>>, vector<16xf32>,
          %mul3A_197 = arith.mulf %get3A_196, %gather3A : vector<16xf32>
          %swap3A = arith.index_cast %scan3A_191 : i32 to index
          %swap3A_198 = arith.constant 0 : index
          %swap3A_199 = tpu.vector_load %arg12[%swap3A, %swap3A_198] {strides = array<i32>} : memref<128x16xf32, #tpu.memory_space<vmem>>, vector<16xf32>,
          tpu.vector_store %arg12[%swap3A, %swap3A_198], %mul3A_197 {strides = array<i32>} : memref<128x16xf32, #tpu.memory_space<vmem>>, vector<16xf32>,
          %scan3A_200 = arith.constant 0 : i32
          scf.yield %scan3A_200 : i32
        }
        %scan3A_156 = arith.constant 128 : i32
        %run_scoped3A_157 = arith.constant 11 : i32
        "tpu.region"() ({
          %run_scoped3A_191 = tpu.sem_alloc : memref<!tpu.dma_semaphore, #tpu.memory_space<semaphore_mem>>
          %dma_start3A = arith.constant 0 : i32
          %dma_start3A_192 = tpu.memref_slice %arg10[%run_scoped3A_157, %dma_start3A] : memref<16x128xi32, #tpu.memory_space<vmem>> -> memref<1x128xi32, #tpu.memory_space<vmem>>
          %dma_start3A_193 = tpu.memref_squeeze %dma_start3A_192 : memref<1x128xi32, #tpu.memory_space<vmem>> -> memref<128xi32, #tpu.memory_space<vmem>>
          %dma_start3A_194 = arith.constant 0 : i32
          %dma_start3A_195 = arith.constant 0 : i32
          %dma_start3A_196 = tpu.memref_slice %arg14[%dma_start3A_194, %dma_start3A_195] : memref<100352x16xf32, #tpu.memory_space<vmem_shared>> -> memref<100352x16xf32, #tpu.memory_space<vmem_shared>>
          tpu.enqueue_indirect_dma source(%arg12 : memref<128x16xf32, #tpu.memory_space<vmem>>) target(%dma_start3A_196 : memref<100352x16xf32, #tpu.memory_space<vmem_shared>>) offsets(%dma_start3A_193 : memref<128xi32, #tpu.memory_space<vmem>>) semaphore(%run_scoped3A_191 : memref<!tpu.dma_semaphore, #tpu.memory_space<semaphore_mem>>) {add = true}
          %dma_wait3A = arith.constant 0 : i32
          %dma_wait3A_197 = tpu.memref_slice %arg10[%run_scoped3A_157, %dma_wait3A] : memref<16x128xi32, #tpu.memory_space<vmem>> -> memref<1x128xi32, #tpu.memory_space<vmem>>
          %dma_wait3A_198 = tpu.memref_squeeze %dma_wait3A_197 : memref<1x128xi32, #tpu.memory_space<vmem>> -> memref<128xi32, #tpu.memory_space<vmem>>
          %dma_wait3A_199 = arith.constant 0 : i32
          %dma_wait3A_200 = arith.constant 0 : i32
          %dma_wait3A_201 = tpu.memref_slice %arg14[%dma_wait3A_199, %dma_wait3A_200] : memref<100352x16xf32, #tpu.memory_space<vmem_shared>> -> memref<100352x16xf32, #tpu.memory_space<vmem_shared>>
          tpu.wait_indirect_dma semaphore(%run_scoped3A_191 : memref<!tpu.dma_semaphore, #tpu.memory_space<semaphore_mem>>) src(%arg12 : memref<128x16xf32, #tpu.memory_space<vmem>>) dst(%dma_wait3A_201 : memref<100352x16xf32, #tpu.memory_space<vmem_shared>>)
          tpu.yield
        }) : () -> ()
        "tpu.region"() ({
          %run_scoped3A_191 = tpu.sem_alloc : memref<!tpu.dma_semaphore, #tpu.memory_space<semaphore_mem>>
          %dma_start3A = arith.constant 1536 : i32
          %dma_start3A_192 = tpu.memref_slice %arg9[%dma_start3A] : memref<2048xi32, #tpu.memory_space<vmem>> -> memref<128xi32, #tpu.memory_space<vmem>>
          %dma_start3A_193 = arith.constant 0 : i32
          %dma_start3A_194 = arith.constant 0 : i32
          %dma_start3A_195 = tpu.memref_slice %arg6[%dma_start3A_193, %dma_start3A_194] : memref<100352x16xf32, #tpu.memory_space<hbm>> -> memref<100352x16xf32, #tpu.memory_space<hbm>>
          tpu.enqueue_indirect_dma source(%dma_start3A_195 : memref<100352x16xf32, #tpu.memory_space<hbm>>) target(%arg12 : memref<128x16xf32, #tpu.memory_space<vmem>>) offsets(%dma_start3A_192 : memref<128xi32, #tpu.memory_space<vmem>>) semaphore(%run_scoped3A_191 : memref<!tpu.dma_semaphore, #tpu.memory_space<semaphore_mem>>)
          %dma_wait3A = arith.constant 1536 : i32
          %dma_wait3A_196 = tpu.memref_slice %arg9[%dma_wait3A] : memref<2048xi32, #tpu.memory_space<vmem>> -> memref<128xi32, #tpu.memory_space<vmem>>
          %dma_wait3A_197 = arith.constant 0 : i32
          %dma_wait3A_198 = arith.constant 0 : i32
          %dma_wait3A_199 = tpu.memref_slice %arg6[%dma_wait3A_197, %dma_wait3A_198] : memref<100352x16xf32, #tpu.memory_space<hbm>> -> memref<100352x16xf32, #tpu.memory_space<hbm>>
          tpu.wait_indirect_dma semaphore(%run_scoped3A_191 : memref<!tpu.dma_semaphore, #tpu.memory_space<semaphore_mem>>) src(%dma_wait3A_199 : memref<100352x16xf32, #tpu.memory_space<hbm>>) dst(%arg12 : memref<128x16xf32, #tpu.memory_space<vmem>>)
          tpu.yield
        }) : () -> ()
        %scan3A_158 = arith.constant 0 : i32
        %scan3A_159 = arith.constant 0 : i32
        %scan3A_160 = arith.constant 128 : i32
        %scan3A_161 = arith.addi %scan3A_159, %scan3A_160 : i32
        %scan3A_162 = arith.constant 1 : i32
        %scan3A_163 = scf.for %scan3A_191 = %scan3A_159 to %scan3A_161 step %scan3A_162 iter_args(%scan3A_192 = %scan3A_158) -> (i32)  : i32 {
          %add3A_193 = arith.constant 1536 : i32
          %add3A_194 = arith.addi %add3A_193, %scan3A_191 : i32
          %broadcast_in_dim3A = vector.broadcast %add3A_194 : i32 to vector<16xi32>
          %gather3A = tpu.vector_load_idx %arg11[%broadcast_in_dim3A] : memref<2048xf32, #tpu.memory_space<vmem>>[vector<16xi32>], vector<16xf32>,
          %get3A = arith.index_cast %scan3A_191 : i32 to index
          %get3A_195 = arith.constant 0 : index
          %get3A_196 = tpu.vector_load %arg12[%get3A, %get3A_195] {strides = array<i32>} : memref<128x16xf32, #tpu.memory_space<vmem>>, vector<16xf32>,
          %mul3A_197 = arith.mulf %get3A_196, %gather3A : vector<16xf32>
          %swap3A = arith.index_cast %scan3A_191 : i32 to index
          %swap3A_198 = arith.constant 0 : index
          %swap3A_199 = tpu.vector_load %arg12[%swap3A, %swap3A_198] {strides = array<i32>} : memref<128x16xf32, #tpu.memory_space<vmem>>, vector<16xf32>,
          tpu.vector_store %arg12[%swap3A, %swap3A_198], %mul3A_197 {strides = array<i32>} : memref<128x16xf32, #tpu.memory_space<vmem>>, vector<16xf32>,
          %scan3A_200 = arith.constant 0 : i32
          scf.yield %scan3A_200 : i32
        }
        %scan3A_164 = arith.constant 128 : i32
        %run_scoped3A_165 = arith.constant 12 : i32
        "tpu.region"() ({
          %run_scoped3A_191 = tpu.sem_alloc : memref<!tpu.dma_semaphore, #tpu.memory_space<semaphore_mem>>
          %dma_start3A = arith.constant 0 : i32
          %dma_start3A_192 = tpu.memref_slice %arg10[%run_scoped3A_165, %dma_start3A] : memref<16x128xi32, #tpu.memory_space<vmem>> -> memref<1x128xi32, #tpu.memory_space<vmem>>
          %dma_start3A_193 = tpu.memref_squeeze %dma_start3A_192 : memref<1x128xi32, #tpu.memory_space<vmem>> -> memref<128xi32, #tpu.memory_space<vmem>>
          %dma_start3A_194 = arith.constant 0 : i32
          %dma_start3A_195 = arith.constant 0 : i32
          %dma_start3A_196 = tpu.memref_slice %arg14[%dma_start3A_194, %dma_start3A_195] : memref<100352x16xf32, #tpu.memory_space<vmem_shared>> -> memref<100352x16xf32, #tpu.memory_space<vmem_shared>>
          tpu.enqueue_indirect_dma source(%arg12 : memref<128x16xf32, #tpu.memory_space<vmem>>) target(%dma_start3A_196 : memref<100352x16xf32, #tpu.memory_space<vmem_shared>>) offsets(%dma_start3A_193 : memref<128xi32, #tpu.memory_space<vmem>>) semaphore(%run_scoped3A_191 : memref<!tpu.dma_semaphore, #tpu.memory_space<semaphore_mem>>) {add = true}
          %dma_wait3A = arith.constant 0 : i32
          %dma_wait3A_197 = tpu.memref_slice %arg10[%run_scoped3A_165, %dma_wait3A] : memref<16x128xi32, #tpu.memory_space<vmem>> -> memref<1x128xi32, #tpu.memory_space<vmem>>
          %dma_wait3A_198 = tpu.memref_squeeze %dma_wait3A_197 : memref<1x128xi32, #tpu.memory_space<vmem>> -> memref<128xi32, #tpu.memory_space<vmem>>
          %dma_wait3A_199 = arith.constant 0 : i32
          %dma_wait3A_200 = arith.constant 0 : i32
          %dma_wait3A_201 = tpu.memref_slice %arg14[%dma_wait3A_199, %dma_wait3A_200] : memref<100352x16xf32, #tpu.memory_space<vmem_shared>> -> memref<100352x16xf32, #tpu.memory_space<vmem_shared>>
          tpu.wait_indirect_dma semaphore(%run_scoped3A_191 : memref<!tpu.dma_semaphore, #tpu.memory_space<semaphore_mem>>) src(%arg12 : memref<128x16xf32, #tpu.memory_space<vmem>>) dst(%dma_wait3A_201 : memref<100352x16xf32, #tpu.memory_space<vmem_shared>>)
          tpu.yield
        }) : () -> ()
        "tpu.region"() ({
          %run_scoped3A_191 = tpu.sem_alloc : memref<!tpu.dma_semaphore, #tpu.memory_space<semaphore_mem>>
          %dma_start3A = arith.constant 1664 : i32
          %dma_start3A_192 = tpu.memref_slice %arg9[%dma_start3A] : memref<2048xi32, #tpu.memory_space<vmem>> -> memref<128xi32, #tpu.memory_space<vmem>>
          %dma_start3A_193 = arith.constant 0 : i32
          %dma_start3A_194 = arith.constant 0 : i32
          %dma_start3A_195 = tpu.memref_slice %arg6[%dma_start3A_193, %dma_start3A_194] : memref<100352x16xf32, #tpu.memory_space<hbm>> -> memref<100352x16xf32, #tpu.memory_space<hbm>>
          tpu.enqueue_indirect_dma source(%dma_start3A_195 : memref<100352x16xf32, #tpu.memory_space<hbm>>) target(%arg12 : memref<128x16xf32, #tpu.memory_space<vmem>>) offsets(%dma_start3A_192 : memref<128xi32, #tpu.memory_space<vmem>>) semaphore(%run_scoped3A_191 : memref<!tpu.dma_semaphore, #tpu.memory_space<semaphore_mem>>)
          %dma_wait3A = arith.constant 1664 : i32
          %dma_wait3A_196 = tpu.memref_slice %arg9[%dma_wait3A] : memref<2048xi32, #tpu.memory_space<vmem>> -> memref<128xi32, #tpu.memory_space<vmem>>
          %dma_wait3A_197 = arith.constant 0 : i32
          %dma_wait3A_198 = arith.constant 0 : i32
          %dma_wait3A_199 = tpu.memref_slice %arg6[%dma_wait3A_197, %dma_wait3A_198] : memref<100352x16xf32, #tpu.memory_space<hbm>> -> memref<100352x16xf32, #tpu.memory_space<hbm>>
          tpu.wait_indirect_dma semaphore(%run_scoped3A_191 : memref<!tpu.dma_semaphore, #tpu.memory_space<semaphore_mem>>) src(%dma_wait3A_199 : memref<100352x16xf32, #tpu.memory_space<hbm>>) dst(%arg12 : memref<128x16xf32, #tpu.memory_space<vmem>>)
          tpu.yield
        }) : () -> ()
        %scan3A_166 = arith.constant 0 : i32
        %scan3A_167 = arith.constant 0 : i32
        %scan3A_168 = arith.constant 128 : i32
        %scan3A_169 = arith.addi %scan3A_167, %scan3A_168 : i32
        %scan3A_170 = arith.constant 1 : i32
        %scan3A_171 = scf.for %scan3A_191 = %scan3A_167 to %scan3A_169 step %scan3A_170 iter_args(%scan3A_192 = %scan3A_166) -> (i32)  : i32 {
          %add3A_193 = arith.constant 1664 : i32
          %add3A_194 = arith.addi %add3A_193, %scan3A_191 : i32
          %broadcast_in_dim3A = vector.broadcast %add3A_194 : i32 to vector<16xi32>
          %gather3A = tpu.vector_load_idx %arg11[%broadcast_in_dim3A] : memref<2048xf32, #tpu.memory_space<vmem>>[vector<16xi32>], vector<16xf32>,
          %get3A = arith.index_cast %scan3A_191 : i32 to index
          %get3A_195 = arith.constant 0 : index
          %get3A_196 = tpu.vector_load %arg12[%get3A, %get3A_195] {strides = array<i32>} : memref<128x16xf32, #tpu.memory_space<vmem>>, vector<16xf32>,
          %mul3A_197 = arith.mulf %get3A_196, %gather3A : vector<16xf32>
          %swap3A = arith.index_cast %scan3A_191 : i32 to index
          %swap3A_198 = arith.constant 0 : index
          %swap3A_199 = tpu.vector_load %arg12[%swap3A, %swap3A_198] {strides = array<i32>} : memref<128x16xf32, #tpu.memory_space<vmem>>, vector<16xf32>,
          tpu.vector_store %arg12[%swap3A, %swap3A_198], %mul3A_197 {strides = array<i32>} : memref<128x16xf32, #tpu.memory_space<vmem>>, vector<16xf32>,
          %scan3A_200 = arith.constant 0 : i32
          scf.yield %scan3A_200 : i32
        }
        %scan3A_172 = arith.constant 128 : i32
        %run_scoped3A_173 = arith.constant 13 : i32
        "tpu.region"() ({
          %run_scoped3A_191 = tpu.sem_alloc : memref<!tpu.dma_semaphore, #tpu.memory_space<semaphore_mem>>
          %dma_start3A = arith.constant 0 : i32
          %dma_start3A_192 = tpu.memref_slice %arg10[%run_scoped3A_173, %dma_start3A] : memref<16x128xi32, #tpu.memory_space<vmem>> -> memref<1x128xi32, #tpu.memory_space<vmem>>
          %dma_start3A_193 = tpu.memref_squeeze %dma_start3A_192 : memref<1x128xi32, #tpu.memory_space<vmem>> -> memref<128xi32, #tpu.memory_space<vmem>>
          %dma_start3A_194 = arith.constant 0 : i32
          %dma_start3A_195 = arith.constant 0 : i32
          %dma_start3A_196 = tpu.memref_slice %arg14[%dma_start3A_194, %dma_start3A_195] : memref<100352x16xf32, #tpu.memory_space<vmem_shared>> -> memref<100352x16xf32, #tpu.memory_space<vmem_shared>>
          tpu.enqueue_indirect_dma source(%arg12 : memref<128x16xf32, #tpu.memory_space<vmem>>) target(%dma_start3A_196 : memref<100352x16xf32, #tpu.memory_space<vmem_shared>>) offsets(%dma_start3A_193 : memref<128xi32, #tpu.memory_space<vmem>>) semaphore(%run_scoped3A_191 : memref<!tpu.dma_semaphore, #tpu.memory_space<semaphore_mem>>) {add = true}
          %dma_wait3A = arith.constant 0 : i32
          %dma_wait3A_197 = tpu.memref_slice %arg10[%run_scoped3A_173, %dma_wait3A] : memref<16x128xi32, #tpu.memory_space<vmem>> -> memref<1x128xi32, #tpu.memory_space<vmem>>
          %dma_wait3A_198 = tpu.memref_squeeze %dma_wait3A_197 : memref<1x128xi32, #tpu.memory_space<vmem>> -> memref<128xi32, #tpu.memory_space<vmem>>
          %dma_wait3A_199 = arith.constant 0 : i32
          %dma_wait3A_200 = arith.constant 0 : i32
          %dma_wait3A_201 = tpu.memref_slice %arg14[%dma_wait3A_199, %dma_wait3A_200] : memref<100352x16xf32, #tpu.memory_space<vmem_shared>> -> memref<100352x16xf32, #tpu.memory_space<vmem_shared>>
          tpu.wait_indirect_dma semaphore(%run_scoped3A_191 : memref<!tpu.dma_semaphore, #tpu.memory_space<semaphore_mem>>) src(%arg12 : memref<128x16xf32, #tpu.memory_space<vmem>>) dst(%dma_wait3A_201 : memref<100352x16xf32, #tpu.memory_space<vmem_shared>>)
          tpu.yield
        }) : () -> ()
        "tpu.region"() ({
          %run_scoped3A_191 = tpu.sem_alloc : memref<!tpu.dma_semaphore, #tpu.memory_space<semaphore_mem>>
          %dma_start3A = arith.constant 1792 : i32
          %dma_start3A_192 = tpu.memref_slice %arg9[%dma_start3A] : memref<2048xi32, #tpu.memory_space<vmem>> -> memref<128xi32, #tpu.memory_space<vmem>>
          %dma_start3A_193 = arith.constant 0 : i32
          %dma_start3A_194 = arith.constant 0 : i32
          %dma_start3A_195 = tpu.memref_slice %arg6[%dma_start3A_193, %dma_start3A_194] : memref<100352x16xf32, #tpu.memory_space<hbm>> -> memref<100352x16xf32, #tpu.memory_space<hbm>>
          tpu.enqueue_indirect_dma source(%dma_start3A_195 : memref<100352x16xf32, #tpu.memory_space<hbm>>) target(%arg12 : memref<128x16xf32, #tpu.memory_space<vmem>>) offsets(%dma_start3A_192 : memref<128xi32, #tpu.memory_space<vmem>>) semaphore(%run_scoped3A_191 : memref<!tpu.dma_semaphore, #tpu.memory_space<semaphore_mem>>)
          %dma_wait3A = arith.constant 1792 : i32
          %dma_wait3A_196 = tpu.memref_slice %arg9[%dma_wait3A] : memref<2048xi32, #tpu.memory_space<vmem>> -> memref<128xi32, #tpu.memory_space<vmem>>
          %dma_wait3A_197 = arith.constant 0 : i32
          %dma_wait3A_198 = arith.constant 0 : i32
          %dma_wait3A_199 = tpu.memref_slice %arg6[%dma_wait3A_197, %dma_wait3A_198] : memref<100352x16xf32, #tpu.memory_space<hbm>> -> memref<100352x16xf32, #tpu.memory_space<hbm>>
          tpu.wait_indirect_dma semaphore(%run_scoped3A_191 : memref<!tpu.dma_semaphore, #tpu.memory_space<semaphore_mem>>) src(%dma_wait3A_199 : memref<100352x16xf32, #tpu.memory_space<hbm>>) dst(%arg12 : memref<128x16xf32, #tpu.memory_space<vmem>>)
          tpu.yield
        }) : () -> ()
        %scan3A_174 = arith.constant 0 : i32
        %scan3A_175 = arith.constant 0 : i32
        %scan3A_176 = arith.constant 128 : i32
        %scan3A_177 = arith.addi %scan3A_175, %scan3A_176 : i32
        %scan3A_178 = arith.constant 1 : i32
        %scan3A_179 = scf.for %scan3A_191 = %scan3A_175 to %scan3A_177 step %scan3A_178 iter_args(%scan3A_192 = %scan3A_174) -> (i32)  : i32 {
          %add3A_193 = arith.constant 1792 : i32
          %add3A_194 = arith.addi %add3A_193, %scan3A_191 : i32
          %broadcast_in_dim3A = vector.broadcast %add3A_194 : i32 to vector<16xi32>
          %gather3A = tpu.vector_load_idx %arg11[%broadcast_in_dim3A] : memref<2048xf32, #tpu.memory_space<vmem>>[vector<16xi32>], vector<16xf32>,
          %get3A = arith.index_cast %scan3A_191 : i32 to index
          %get3A_195 = arith.constant 0 : index
          %get3A_196 = tpu.vector_load %arg12[%get3A, %get3A_195] {strides = array<i32>} : memref<128x16xf32, #tpu.memory_space<vmem>>, vector<16xf32>,
          %mul3A_197 = arith.mulf %get3A_196, %gather3A : vector<16xf32>
          %swap3A = arith.index_cast %scan3A_191 : i32 to index
          %swap3A_198 = arith.constant 0 : index
          %swap3A_199 = tpu.vector_load %arg12[%swap3A, %swap3A_198] {strides = array<i32>} : memref<128x16xf32, #tpu.memory_space<vmem>>, vector<16xf32>,
          tpu.vector_store %arg12[%swap3A, %swap3A_198], %mul3A_197 {strides = array<i32>} : memref<128x16xf32, #tpu.memory_space<vmem>>, vector<16xf32>,
          %scan3A_200 = arith.constant 0 : i32
          scf.yield %scan3A_200 : i32
        }
        %scan3A_180 = arith.constant 128 : i32
        %run_scoped3A_181 = arith.constant 14 : i32
        "tpu.region"() ({
          %run_scoped3A_191 = tpu.sem_alloc : memref<!tpu.dma_semaphore, #tpu.memory_space<semaphore_mem>>
          %dma_start3A = arith.constant 0 : i32
          %dma_start3A_192 = tpu.memref_slice %arg10[%run_scoped3A_181, %dma_start3A] : memref<16x128xi32, #tpu.memory_space<vmem>> -> memref<1x128xi32, #tpu.memory_space<vmem>>
          %dma_start3A_193 = tpu.memref_squeeze %dma_start3A_192 : memref<1x128xi32, #tpu.memory_space<vmem>> -> memref<128xi32, #tpu.memory_space<vmem>>
          %dma_start3A_194 = arith.constant 0 : i32
          %dma_start3A_195 = arith.constant 0 : i32
          %dma_start3A_196 = tpu.memref_slice %arg14[%dma_start3A_194, %dma_start3A_195] : memref<100352x16xf32, #tpu.memory_space<vmem_shared>> -> memref<100352x16xf32, #tpu.memory_space<vmem_shared>>
          tpu.enqueue_indirect_dma source(%arg12 : memref<128x16xf32, #tpu.memory_space<vmem>>) target(%dma_start3A_196 : memref<100352x16xf32, #tpu.memory_space<vmem_shared>>) offsets(%dma_start3A_193 : memref<128xi32, #tpu.memory_space<vmem>>) semaphore(%run_scoped3A_191 : memref<!tpu.dma_semaphore, #tpu.memory_space<semaphore_mem>>) {add = true}
          %dma_wait3A = arith.constant 0 : i32
          %dma_wait3A_197 = tpu.memref_slice %arg10[%run_scoped3A_181, %dma_wait3A] : memref<16x128xi32, #tpu.memory_space<vmem>> -> memref<1x128xi32, #tpu.memory_space<vmem>>
          %dma_wait3A_198 = tpu.memref_squeeze %dma_wait3A_197 : memref<1x128xi32, #tpu.memory_space<vmem>> -> memref<128xi32, #tpu.memory_space<vmem>>
          %dma_wait3A_199 = arith.constant 0 : i32
          %dma_wait3A_200 = arith.constant 0 : i32
          %dma_wait3A_201 = tpu.memref_slice %arg14[%dma_wait3A_199, %dma_wait3A_200] : memref<100352x16xf32, #tpu.memory_space<vmem_shared>> -> memref<100352x16xf32, #tpu.memory_space<vmem_shared>>
          tpu.wait_indirect_dma semaphore(%run_scoped3A_191 : memref<!tpu.dma_semaphore, #tpu.memory_space<semaphore_mem>>) src(%arg12 : memref<128x16xf32, #tpu.memory_space<vmem>>) dst(%dma_wait3A_201 : memref<100352x16xf32, #tpu.memory_space<vmem_shared>>)
          tpu.yield
        }) : () -> ()
        "tpu.region"() ({
          %run_scoped3A_191 = tpu.sem_alloc : memref<!tpu.dma_semaphore, #tpu.memory_space<semaphore_mem>>
          %dma_start3A = arith.constant 1920 : i32
          %dma_start3A_192 = tpu.memref_slice %arg9[%dma_start3A] : memref<2048xi32, #tpu.memory_space<vmem>> -> memref<128xi32, #tpu.memory_space<vmem>>
          %dma_start3A_193 = arith.constant 0 : i32
          %dma_start3A_194 = arith.constant 0 : i32
          %dma_start3A_195 = tpu.memref_slice %arg6[%dma_start3A_193, %dma_start3A_194] : memref<100352x16xf32, #tpu.memory_space<hbm>> -> memref<100352x16xf32, #tpu.memory_space<hbm>>
          tpu.enqueue_indirect_dma source(%dma_start3A_195 : memref<100352x16xf32, #tpu.memory_space<hbm>>) target(%arg12 : memref<128x16xf32, #tpu.memory_space<vmem>>) offsets(%dma_start3A_192 : memref<128xi32, #tpu.memory_space<vmem>>) semaphore(%run_scoped3A_191 : memref<!tpu.dma_semaphore, #tpu.memory_space<semaphore_mem>>)
          %dma_wait3A = arith.constant 1920 : i32
          %dma_wait3A_196 = tpu.memref_slice %arg9[%dma_wait3A] : memref<2048xi32, #tpu.memory_space<vmem>> -> memref<128xi32, #tpu.memory_space<vmem>>
          %dma_wait3A_197 = arith.constant 0 : i32
          %dma_wait3A_198 = arith.constant 0 : i32
          %dma_wait3A_199 = tpu.memref_slice %arg6[%dma_wait3A_197, %dma_wait3A_198] : memref<100352x16xf32, #tpu.memory_space<hbm>> -> memref<100352x16xf32, #tpu.memory_space<hbm>>
          tpu.wait_indirect_dma semaphore(%run_scoped3A_191 : memref<!tpu.dma_semaphore, #tpu.memory_space<semaphore_mem>>) src(%dma_wait3A_199 : memref<100352x16xf32, #tpu.memory_space<hbm>>) dst(%arg12 : memref<128x16xf32, #tpu.memory_space<vmem>>)
          tpu.yield
        }) : () -> ()
        %scan3A_182 = arith.constant 0 : i32
        %scan3A_183 = arith.constant 0 : i32
        %scan3A_184 = arith.constant 128 : i32
        %scan3A_185 = arith.addi %scan3A_183, %scan3A_184 : i32
        %scan3A_186 = arith.constant 1 : i32
        %scan3A_187 = scf.for %scan3A_191 = %scan3A_183 to %scan3A_185 step %scan3A_186 iter_args(%scan3A_192 = %scan3A_182) -> (i32)  : i32 {
          %add3A_193 = arith.constant 1920 : i32
          %add3A_194 = arith.addi %add3A_193, %scan3A_191 : i32
          %broadcast_in_dim3A = vector.broadcast %add3A_194 : i32 to vector<16xi32>
          %gather3A = tpu.vector_load_idx %arg11[%broadcast_in_dim3A] : memref<2048xf32, #tpu.memory_space<vmem>>[vector<16xi32>], vector<16xf32>,
          %get3A = arith.index_cast %scan3A_191 : i32 to index
          %get3A_195 = arith.constant 0 : index
          %get3A_196 = tpu.vector_load %arg12[%get3A, %get3A_195] {strides = array<i32>} : memref<128x16xf32, #tpu.memory_space<vmem>>, vector<16xf32>,
          %mul3A_197 = arith.mulf %get3A_196, %gather3A : vector<16xf32>
          %swap3A = arith.index_cast %scan3A_191 : i32 to index
          %swap3A_198 = arith.constant 0 : index
          %swap3A_199 = tpu.vector_load %arg12[%swap3A, %swap3A_198] {strides = array<i32>} : memref<128x16xf32, #tpu.memory_space<vmem>>, vector<16xf32>,
          tpu.vector_store %arg12[%swap3A, %swap3A_198], %mul3A_197 {strides = array<i32>} : memref<128x16xf32, #tpu.memory_space<vmem>>, vector<16xf32>,
          %scan3A_200 = arith.constant 0 : i32
          scf.yield %scan3A_200 : i32
        }
        %scan3A_188 = arith.constant 128 : i32
        %run_scoped3A_189 = arith.constant 15 : i32
        "tpu.region"() ({
          %run_scoped3A_191 = tpu.sem_alloc : memref<!tpu.dma_semaphore, #tpu.memory_space<semaphore_mem>>
          %dma_start3A = arith.constant 0 : i32
          %dma_start3A_192 = tpu.memref_slice %arg10[%run_scoped3A_189, %dma_start3A] : memref<16x128xi32, #tpu.memory_space<vmem>> -> memref<1x128xi32, #tpu.memory_space<vmem>>
          %dma_start3A_193 = tpu.memref_squeeze %dma_start3A_192 : memref<1x128xi32, #tpu.memory_space<vmem>> -> memref<128xi32, #tpu.memory_space<vmem>>
          %dma_start3A_194 = arith.constant 0 : i32
          %dma_start3A_195 = arith.constant 0 : i32
          %dma_start3A_196 = tpu.memref_slice %arg14[%dma_start3A_194, %dma_start3A_195] : memref<100352x16xf32, #tpu.memory_space<vmem_shared>> -> memref<100352x16xf32, #tpu.memory_space<vmem_shared>>
          tpu.enqueue_indirect_dma source(%arg12 : memref<128x16xf32, #tpu.memory_space<vmem>>) target(%dma_start3A_196 : memref<100352x16xf32, #tpu.memory_space<vmem_shared>>) offsets(%dma_start3A_193 : memref<128xi32, #tpu.memory_space<vmem>>) semaphore(%run_scoped3A_191 : memref<!tpu.dma_semaphore, #tpu.memory_space<semaphore_mem>>) {add = true}
          %dma_wait3A = arith.constant 0 : i32
          %dma_wait3A_197 = tpu.memref_slice %arg10[%run_scoped3A_189, %dma_wait3A] : memref<16x128xi32, #tpu.memory_space<vmem>> -> memref<1x128xi32, #tpu.memory_space<vmem>>
          %dma_wait3A_198 = tpu.memref_squeeze %dma_wait3A_197 : memref<1x128xi32, #tpu.memory_space<vmem>> -> memref<128xi32, #tpu.memory_space<vmem>>
          %dma_wait3A_199 = arith.constant 0 : i32
          %dma_wait3A_200 = arith.constant 0 : i32
          %dma_wait3A_201 = tpu.memref_slice %arg14[%dma_wait3A_199, %dma_wait3A_200] : memref<100352x16xf32, #tpu.memory_space<vmem_shared>> -> memref<100352x16xf32, #tpu.memory_space<vmem_shared>>
          tpu.wait_indirect_dma semaphore(%run_scoped3A_191 : memref<!tpu.dma_semaphore, #tpu.memory_space<semaphore_mem>>) src(%arg12 : memref<128x16xf32, #tpu.memory_space<vmem>>) dst(%dma_wait3A_201 : memref<100352x16xf32, #tpu.memory_space<vmem_shared>>)
          tpu.yield
        }) : () -> ()
        %scan3A_190 = arith.constant 0 : i32
        scf.yield %scan3A_190 : i32
      }
      %scan3A_40 = arith.constant 49 : i32
    } else {
    }
    %barrier3A_23 = arith.constant 0 : index
    tpu.barrier barrier_id(%barrier3A_23)
    %multiple_of3A = tpu.assume_multiple %mul3A_6, 6272 : i32
    %eq3A_24 = arith.constant 0 : i32
    %eq3A_25 = arith.cmpi eq, %arg0, %eq3A_24 : i32
    %convert_element_type3A_26 = arith.extui %eq3A_25 : i1 to i32
    %cond3A_27 = arith.constant 0 : i32
    %cond3A_28 = arith.cmpi ne, %convert_element_type3A_26, %cond3A_27 : i32
    scf.if %cond3A_28 {
      "tpu.region"() ({
        %run_scoped3A = tpu.sem_alloc : memref<!tpu.dma_semaphore, #tpu.memory_space<semaphore_mem>>
        %dma_start3A = arith.constant 0 : i32
        %dma_start3A_34 = tpu.memref_slice %arg7[%multiple_of3A, %dma_start3A] : memref<100352x16xf32, #tpu.memory_space<hbm>> -> memref<6272x16xf32, #tpu.memory_space<hbm>>
        %dma_start3A_35 = arith.constant 0 : i32
        %dma_start3A_36 = tpu.memref_slice %arg14[%multiple_of3A, %dma_start3A_35] : memref<100352x16xf32, #tpu.memory_space<vmem_shared>> -> memref<6272x16xf32, #tpu.memory_space<vmem_shared>>
        tpu.enqueue_dma source(%dma_start3A_36 : memref<6272x16xf32, #tpu.memory_space<vmem_shared>>) target(%dma_start3A_34 : memref<6272x16xf32, #tpu.memory_space<hbm>>) target_semaphore(%run_scoped3A : memref<!tpu.dma_semaphore, #tpu.memory_space<semaphore_mem>>)
        %dma_wait3A = arith.constant 0 : i32
        %dma_wait3A_37 = tpu.memref_slice %arg7[%multiple_of3A, %dma_wait3A] : memref<100352x16xf32, #tpu.memory_space<hbm>> -> memref<6272x16xf32, #tpu.memory_space<hbm>>
        %dma_wait3A_38 = arith.constant 0 : i32
        %dma_wait3A_39 = tpu.memref_slice %arg14[%multiple_of3A, %dma_wait3A_38] : memref<100352x16xf32, #tpu.memory_space<vmem_shared>> -> memref<6272x16xf32, #tpu.memory_space<vmem_shared>>
        tpu.wait_dma2 semaphore(%run_scoped3A : memref<!tpu.dma_semaphore, #tpu.memory_space<semaphore_mem>>) src(%dma_wait3A_39 : memref<6272x16xf32, #tpu.memory_space<vmem_shared>>) dst(%dma_wait3A_37 : memref<6272x16xf32, #tpu.memory_space<hbm>>)
        tpu.yield
      }) : () -> ()
    } else {
    }
    %eq3A_29 = arith.constant 1 : i32
    %eq3A_30 = arith.cmpi eq, %arg0, %eq3A_29 : i32
    %convert_element_type3A_31 = arith.extui %eq3A_30 : i1 to i32
    %cond3A_32 = arith.constant 0 : i32
    %cond3A_33 = arith.cmpi ne, %convert_element_type3A_31, %cond3A_32 : i32
    scf.if %cond3A_33 {
      "tpu.region"() ({
        %run_scoped3A = tpu.sem_alloc : memref<!tpu.dma_semaphore, #tpu.memory_space<semaphore_mem>>
        %dma_start3A = arith.constant 0 : i32
        %dma_start3A_34 = tpu.memref_slice %arg8[%multiple_of3A, %dma_start3A] : memref<100352x16xf32, #tpu.memory_space<hbm>> -> memref<6272x16xf32, #tpu.memory_space<hbm>>
        %dma_start3A_35 = arith.constant 0 : i32
        %dma_start3A_36 = tpu.memref_slice %arg14[%multiple_of3A, %dma_start3A_35] : memref<100352x16xf32, #tpu.memory_space<vmem_shared>> -> memref<6272x16xf32, #tpu.memory_space<vmem_shared>>
        tpu.enqueue_dma source(%dma_start3A_36 : memref<6272x16xf32, #tpu.memory_space<vmem_shared>>) target(%dma_start3A_34 : memref<6272x16xf32, #tpu.memory_space<hbm>>) target_semaphore(%run_scoped3A : memref<!tpu.dma_semaphore, #tpu.memory_space<semaphore_mem>>)
        %dma_wait3A = arith.constant 0 : i32
        %dma_wait3A_37 = tpu.memref_slice %arg8[%multiple_of3A, %dma_wait3A] : memref<100352x16xf32, #tpu.memory_space<hbm>> -> memref<6272x16xf32, #tpu.memory_space<hbm>>
        %dma_wait3A_38 = arith.constant 0 : i32
        %dma_wait3A_39 = tpu.memref_slice %arg14[%multiple_of3A, %dma_wait3A_38] : memref<100352x16xf32, #tpu.memory_space<vmem_shared>> -> memref<6272x16xf32, #tpu.memory_space<vmem_shared>>
        tpu.wait_dma2 semaphore(%run_scoped3A : memref<!tpu.dma_semaphore, #tpu.memory_space<semaphore_mem>>) src(%dma_wait3A_39 : memref<6272x16xf32, #tpu.memory_space<vmem_shared>>) dst(%dma_wait3A_37 : memref<6272x16xf32, #tpu.memory_space<hbm>>)
        tpu.yield
      }) : () -> ()
    } else {
    }
    return
  }
}

module attributes {stable_mosaic.version = 14 : i64} {
  func.func @body(%arg0: i32, %arg1: memref<2048x14xf32, #tpu.memory_space<vmem>>, %arg2: memref<14x32xf32, #tpu.memory_space<vmem>>, %arg3: memref<1x32xf32, #tpu.memory_space<vmem>>, %arg4: memref<32x32xf32, #tpu.memory_space<vmem>>, %arg5: memref<2048x32xf32, #tpu.memory_space<vmem>>) attributes {dimension_semantics = [#tpu.dimension_semantics<arbitrary>], iteration_bounds = array<i64: 49>, scalar_prefetch = 0 : i64, scratch_operands = 0 : i64, tpu.core_type = #tpu.core_type<tc>, window_params = [{transform_indices = @transform_0, window_bounds = array<i64: 2048, 14>}, {pipeline_mode = #tpu.pipeline_mode<synchronous>, transform_indices = @transform_1, window_bounds = array<i64: 14, 32>}, {pipeline_mode = #tpu.pipeline_mode<synchronous>, transform_indices = @transform_2, window_bounds = array<i64: 1, 32>}, {pipeline_mode = #tpu.pipeline_mode<synchronous>, transform_indices = @transform_3, window_bounds = array<i64: 32, 32>}, {transform_indices = @transform_4, window_bounds = array<i64: 2048, 32>}]} {
    %get3A = arith.constant 0 : index
    %get3A_0 = arith.constant 0 : index
    %get3A_1 = vector.load %arg1[%get3A, %get3A_0] : memref<2048x14xf32, #tpu.memory_space<vmem>>, vector<2048x14xf32>
    %get3A_2 = arith.constant 0 : index
    %get3A_3 = arith.constant 0 : index
    %get3A_4 = vector.load %arg2[%get3A_2, %get3A_3] : memref<14x32xf32, #tpu.memory_space<vmem>>, vector<14x32xf32>
    %dot_general3A = arith.constant dense<0.000000e+00> : vector<2048x32xf32>
    %dot_general3A_5 = tpu.matmul %get3A_1, %get3A_4, %dot_general3A {dimension_numbers = #tpu.dot_dimension_numbers<[1], [0], [0], [1], [0, 0, 1, 1], [], []>, transpose_lhs_hint = false} : vector<2048x14xf32>, vector<14x32xf32>, vector<2048x32xf32> -> vector<2048x32xf32>
    %get3A_6 = arith.constant 0 : index
    %get3A_7 = arith.constant 0 : index
    %get3A_8 = vector.load %arg3[%get3A_6, %get3A_7] : memref<1x32xf32, #tpu.memory_space<vmem>>, vector<1x32xf32>
    %add3A = vector.broadcast %get3A_8 : vector<1x32xf32> to vector<2048x32xf32>
    %add3A_9 = arith.addf %dot_general3A_5, %add3A : vector<2048x32xf32>
    %max3A = arith.constant 0.000000e+00 : f32
    %max3A_10 = vector.broadcast %max3A : f32 to vector<2048x32xf32>
    %max3A_11 = arith.maximumf %add3A_9, %max3A_10 : vector<2048x32xf32>
    %get3A_12 = arith.constant 0 : index
    %get3A_13 = arith.constant 0 : index
    %get3A_14 = vector.load %arg4[%get3A_12, %get3A_13] : memref<32x32xf32, #tpu.memory_space<vmem>>, vector<32x32xf32>
    %dot_general3A_15 = arith.constant dense<0.000000e+00> : vector<2048x32xf32>
    %dot_general3A_16 = tpu.matmul %max3A_11, %get3A_14, %dot_general3A_15 {dimension_numbers = #tpu.dot_dimension_numbers<[1], [0], [0], [1], [0, 0, 1, 1], [], []>, transpose_lhs_hint = false} : vector<2048x32xf32>, vector<32x32xf32>, vector<2048x32xf32> -> vector<2048x32xf32>
    %swap3A = arith.constant 0 : index
    %swap3A_17 = arith.constant 0 : index
    %swap3A_18 = vector.load %arg5[%swap3A, %swap3A_17] : memref<2048x32xf32, #tpu.memory_space<vmem>>, vector<2048x32xf32>
    tpu.vector_store %arg5[%swap3A, %swap3A_17], %dot_general3A_16 {strides = array<i32>} : memref<2048x32xf32, #tpu.memory_space<vmem>>, vector<2048x32xf32>,
    return
  }
  func.func @transform_0(%arg0: i32) -> (i32, i32) {
    %c0_i32 = arith.constant 0 : i32
    %c0_i32_0 = arith.constant 0 : i32
    return %arg0, %c0_i32 : i32, i32
  }
  func.func @transform_1(%arg0: i32) -> (i32, i32) {
    %c0_i32 = arith.constant 0 : i32
    %c0_i32_0 = arith.constant 0 : i32
    %c0_i32_1 = arith.constant 0 : i32
    return %c0_i32, %c0_i32_0 : i32, i32
  }
  func.func @transform_2(%arg0: i32) -> (i32, i32) {
    %c0_i32 = arith.constant 0 : i32
    %c0_i32_0 = arith.constant 0 : i32
    %c0_i32_1 = arith.constant 0 : i32
    return %c0_i32, %c0_i32_0 : i32, i32
  }
  func.func @transform_3(%arg0: i32) -> (i32, i32) {
    %c0_i32 = arith.constant 0 : i32
    %c0_i32_0 = arith.constant 0 : i32
    %c0_i32_1 = arith.constant 0 : i32
    return %c0_i32, %c0_i32_0 : i32, i32
  }
  func.func @transform_4(%arg0: i32) -> (i32, i32) {
    %c0_i32 = arith.constant 0 : i32
    %c0_i32_0 = arith.constant 0 : i32
    return %arg0, %c0_i32 : i32, i32
  }
}

module attributes {stable_mosaic.version = 14 : i64} {
  func.func @body(%arg0: i32, %arg1: memref<32x2048xf32, #tpu.memory_space<vmem>>, %arg2: memref<2048x32xf32, #tpu.memory_space<vmem>>, %arg3: memref<1x1x2048xf32, #tpu.memory_space<vmem>>, %arg4: memref<2048x16xf32, #tpu.memory_space<vmem>>, %arg5: memref<2048x16xf32, #tpu.memory_space<vmem>>) attributes {dimension_semantics = [#tpu.dimension_semantics<arbitrary>], iteration_bounds = array<i64: 49>, scalar_prefetch = 0 : i64, scratch_operands = 0 : i64, tpu.core_type = #tpu.core_type<tc>, window_params = [{transform_indices = @transform_0, window_bounds = array<i64: 32, 2048>}, {transform_indices = @transform_1, window_bounds = array<i64: 2048, 32>}, {transform_indices = @transform_2, window_bounds = array<i64: 1, 1, 2048>}, {transform_indices = @transform_3, window_bounds = array<i64: 2048, 16>}, {transform_indices = @transform_4, window_bounds = array<i64: 2048, 16>}]} {
    %get3A = arith.constant 0 : index
    %get3A_0 = arith.constant 0 : index
    %get3A_1 = vector.load %arg1[%get3A, %get3A_0] : memref<32x2048xf32, #tpu.memory_space<vmem>>, vector<32x2048xf32>
    %reduce_sum3A = arith.constant dense<0.000000e+00> : vector<2048xf32>
    %reduce_sum3A_2 = vector.multi_reduction <add>, %get3A_1, %reduce_sum3A [0] : vector<32x2048xf32> to vector<2048xf32>
    %broadcast_in_dim3A = vector.shape_cast %reduce_sum3A_2 : vector<2048xf32> to vector<1x2048xf32>
    %mul3A = arith.constant 2048 : i32
    %mul3A_3 = arith.muli %arg0, %mul3A : i32
    %iota3A = tpu.iota {dimensions = array<i32: 1>} : vector<1x2048xi32>
    %add3A = vector.broadcast %mul3A_3 : i32 to vector<1x2048xi32>
    %add3A_4 = arith.addi %add3A, %iota3A : vector<1x2048xi32>
    %lt3A = arith.constant 100000 : i32
    %lt3A_5 = vector.broadcast %lt3A : i32 to vector<1x2048xi32>
    %lt3A_6 = arith.cmpi slt, %add3A_4, %lt3A_5 : vector<1x2048xi32>
    %jit3A = arith.constant 1.000000e+00 : f32
    %jit3A_7 = arith.constant 0.000000e+00 : f32
    %broadcast_in_dim3A_8 = vector.broadcast %jit3A : f32 to vector<1x2048xf32>
    %broadcast_in_dim3A_9 = vector.broadcast %jit3A_7 : f32 to vector<1x2048xf32>
    %select_n3A = arith.select %lt3A_6, %broadcast_in_dim3A_8, %broadcast_in_dim3A_9 : vector<1x2048xi1>, vector<1x2048xf32>
    %add3A_10 = arith.addf %broadcast_in_dim3A, %select_n3A : vector<1x2048xf32>
    %gt3A = arith.constant 0.000000e+00 : f32
    %gt3A_11 = vector.broadcast %gt3A : f32 to vector<1x2048xf32>
    %gt3A_12 = arith.cmpf ogt, %add3A_10, %gt3A_11 : vector<1x2048xf32>
    %rsqrt3A = math.rsqrt %add3A_10 : vector<1x2048xf32>
    %jit3A_13 = arith.constant 0.000000e+00 : f32
    %broadcast_in_dim3A_14 = vector.broadcast %jit3A_13 : f32 to vector<1x2048xf32>
    %select_n3A_15 = arith.select %gt3A_12, %rsqrt3A, %broadcast_in_dim3A_14 : vector<1x2048xi1>, vector<1x2048xf32>
    %reshape3A = vector.shape_cast %select_n3A_15 : vector<1x2048xf32> to vector<1x1x2048xf32>
    %swap3A = arith.constant 0 : index
    %swap3A_16 = arith.constant 0 : index
    %swap3A_17 = arith.constant 0 : index
    %swap3A_18 = vector.load %arg3[%swap3A, %swap3A_16, %swap3A_17] : memref<1x1x2048xf32, #tpu.memory_space<vmem>>, vector<1x1x2048xf32>
    tpu.vector_store %arg3[%swap3A, %swap3A_16, %swap3A_17], %reshape3A {strides = array<i32>} : memref<1x1x2048xf32, #tpu.memory_space<vmem>>, vector<1x1x2048xf32>,
    %transpose3A = tpu.transpose %select_n3A_15, [1, 0] : vector<1x2048xf32> -> vector<2048x1xf32>
    %get3A_19 = arith.constant 0 : index
    %get3A_20 = arith.constant 0 : index
    %get3A_21 = vector.load %arg2[%get3A_19, %get3A_20] : memref<2048x32xf32, #tpu.memory_space<vmem>>, vector<2048x32xf32>
    %mul3A_22 = vector.broadcast %transpose3A : vector<2048x1xf32> to vector<2048x32xf32>
    %mul3A_23 = arith.mulf %get3A_21, %mul3A_22 : vector<2048x32xf32>
    %slice3A = vector.extract_strided_slice %mul3A_23 {offsets = [0, 0], sizes = [2048, 16], strides = [1, 1]} : vector<2048x32xf32> to vector<2048x16xf32>
    %swap3A_24 = arith.constant 0 : index
    %swap3A_25 = arith.constant 0 : index
    %swap3A_26 = vector.load %arg4[%swap3A_24, %swap3A_25] : memref<2048x16xf32, #tpu.memory_space<vmem>>, vector<2048x16xf32>
    tpu.vector_store %arg4[%swap3A_24, %swap3A_25], %slice3A {strides = array<i32>} : memref<2048x16xf32, #tpu.memory_space<vmem>>, vector<2048x16xf32>,
    %slice3A_27 = vector.extract_strided_slice %mul3A_23 {offsets = [0, 16], sizes = [2048, 16], strides = [1, 1]} : vector<2048x32xf32> to vector<2048x16xf32>
    %swap3A_28 = arith.constant 0 : index
    %swap3A_29 = arith.constant 0 : index
    %swap3A_30 = vector.load %arg5[%swap3A_28, %swap3A_29] : memref<2048x16xf32, #tpu.memory_space<vmem>>, vector<2048x16xf32>
    tpu.vector_store %arg5[%swap3A_28, %swap3A_29], %slice3A_27 {strides = array<i32>} : memref<2048x16xf32, #tpu.memory_space<vmem>>, vector<2048x16xf32>,
    return
  }
  func.func @transform_0(%arg0: i32) -> (i32, i32) {
    %c0_i32 = arith.constant 0 : i32
    %c0_i32_0 = arith.constant 0 : i32
    return %c0_i32, %arg0 : i32, i32
  }
  func.func @transform_1(%arg0: i32) -> (i32, i32) {
    %c0_i32 = arith.constant 0 : i32
    %c0_i32_0 = arith.constant 0 : i32
    return %arg0, %c0_i32 : i32, i32
  }
  func.func @transform_2(%arg0: i32) -> (i32, i32, i32) {
    %c0_i32 = arith.constant 0 : i32
    %c0_i32_0 = arith.constant 0 : i32
    %c0_i32_1 = arith.constant 0 : i32
    return %arg0, %c0_i32, %c0_i32_0 : i32, i32, i32
  }
  func.func @transform_3(%arg0: i32) -> (i32, i32) {
    %c0_i32 = arith.constant 0 : i32
    %c0_i32_0 = arith.constant 0 : i32
    return %arg0, %c0_i32 : i32, i32
  }
  func.func @transform_4(%arg0: i32) -> (i32, i32) {
    %c0_i32 = arith.constant 0 : i32
    %c0_i32_0 = arith.constant 0 : i32
    return %arg0, %c0_i32 : i32, i32
  }
}

module attributes {stable_mosaic.version = 14 : i64} {
  func.func @body(%arg0: i32, %arg1: memref<2048x16xf32, #tpu.memory_space<vmem>>, %arg2: memref<2048x16xf32, #tpu.memory_space<vmem>>, %arg3: memref<2048x32xf32, #tpu.memory_space<vmem>>, %arg4: memref<1x1x2048xf32, #tpu.memory_space<vmem>>, %arg5: memref<1x32xf32, #tpu.memory_space<vmem>>, %arg6: memref<1x32xf32, #tpu.memory_space<vmem>>, %arg7: memref<1x1xf32, #tpu.memory_space<vmem>>, %arg8: memref<2048x1xf32, #tpu.memory_space<vmem>>) attributes {dimension_semantics = [#tpu.dimension_semantics<arbitrary>], iteration_bounds = array<i64: 49>, scalar_prefetch = 0 : i64, scratch_operands = 0 : i64, tpu.core_type = #tpu.core_type<tc>, window_params = [{transform_indices = @transform_0, window_bounds = array<i64: 2048, 16>}, {transform_indices = @transform_1, window_bounds = array<i64: 2048, 16>}, {transform_indices = @transform_2, window_bounds = array<i64: 2048, 32>}, {transform_indices = @transform_3, window_bounds = array<i64: 1, 1, 2048>}, {pipeline_mode = #tpu.pipeline_mode<synchronous>, transform_indices = @transform_4, window_bounds = array<i64: 1, 32>}, {pipeline_mode = #tpu.pipeline_mode<synchronous>, transform_indices = @transform_5, window_bounds = array<i64: 1, 32>}, {pipeline_mode = #tpu.pipeline_mode<synchronous>, transform_indices = @transform_6, window_bounds = array<i64: 1, 1>}, {transform_indices = @transform_7, window_bounds = array<i64: 2048, 1>}]} {
    %get3A = arith.constant 0 : index
    %get3A_0 = arith.constant 0 : index
    %get3A_1 = arith.constant 0 : index
    %get3A_2 = vector.load %arg4[%get3A, %get3A_0, %get3A_1] : memref<1x1x2048xf32, #tpu.memory_space<vmem>>, vector<1x1x2048xf32>
    %reshape3A = vector.shape_cast %get3A_2 : vector<1x1x2048xf32> to vector<1x2048xf32>
    %transpose3A = tpu.transpose %reshape3A, [1, 0] : vector<1x2048xf32> -> vector<2048x1xf32>
    %get3A_3 = arith.constant 0 : index
    %get3A_4 = arith.constant 0 : index
    %get3A_5 = vector.load %arg1[%get3A_3, %get3A_4] : memref<2048x16xf32, #tpu.memory_space<vmem>>, vector<2048x16xf32>
    %get3A_6 = arith.constant 0 : index
    %get3A_7 = arith.constant 0 : index
    %get3A_8 = vector.load %arg2[%get3A_6, %get3A_7] : memref<2048x16xf32, #tpu.memory_space<vmem>>, vector<2048x16xf32>
    %concatenate3A = tpu.concatenate %get3A_5, %get3A_8 in 1 : vector<2048x16xf32>, vector<2048x16xf32> -> vector<2048x32xf32>
    %mul3A = vector.broadcast %transpose3A : vector<2048x1xf32> to vector<2048x32xf32>
    %mul3A_9 = arith.mulf %mul3A, %concatenate3A : vector<2048x32xf32>
    %mul3A_10 = arith.mulf %transpose3A, %transpose3A : vector<2048x1xf32>
    %get3A_11 = arith.constant 0 : index
    %get3A_12 = arith.constant 0 : index
    %get3A_13 = vector.load %arg3[%get3A_11, %get3A_12] : memref<2048x32xf32, #tpu.memory_space<vmem>>, vector<2048x32xf32>
    %mul3A_14 = vector.broadcast %mul3A_10 : vector<2048x1xf32> to vector<2048x32xf32>
    %mul3A_15 = arith.mulf %mul3A_14, %get3A_13 : vector<2048x32xf32>
    %add3A = arith.addf %mul3A_9, %mul3A_15 : vector<2048x32xf32>
    %get3A_16 = arith.constant 0 : index
    %get3A_17 = arith.constant 0 : index
    %get3A_18 = vector.load %arg5[%get3A_16, %get3A_17] : memref<1x32xf32, #tpu.memory_space<vmem>>, vector<1x32xf32>
    %add3A_19 = vector.broadcast %get3A_18 : vector<1x32xf32> to vector<2048x32xf32>
    %add3A_20 = arith.addf %add3A, %add3A_19 : vector<2048x32xf32>
    %max3A = arith.constant 0.000000e+00 : f32
    %max3A_21 = vector.broadcast %max3A : f32 to vector<2048x32xf32>
    %max3A_22 = arith.maximumf %add3A_20, %max3A_21 : vector<2048x32xf32>
    %get3A_23 = arith.constant 0 : index
    %get3A_24 = arith.constant 0 : index
    %get3A_25 = vector.load %arg6[%get3A_23, %get3A_24] : memref<1x32xf32, #tpu.memory_space<vmem>>, vector<1x32xf32>
    %mul3A_26 = vector.broadcast %get3A_25 : vector<1x32xf32> to vector<2048x32xf32>
    %mul3A_27 = arith.mulf %max3A_22, %mul3A_26 : vector<2048x32xf32>
    %reduce_sum3A = arith.constant dense<0.000000e+00> : vector<2048xf32>
    %reduce_sum3A_28 = vector.multi_reduction <add>, %mul3A_27, %reduce_sum3A [1] : vector<2048x32xf32> to vector<2048xf32>
    %broadcast_in_dim3A = vector.shape_cast %reduce_sum3A_28 : vector<2048xf32> to vector<2048x1xf32>
    %get3A_29 = arith.constant 0 : index
    %get3A_30 = arith.constant 0 : index
    %get3A_31 = vector.load %arg7[%get3A_29, %get3A_30] : memref<1x1xf32, #tpu.memory_space<vmem>>, vector<1x1xf32>
    %add3A_32 = vector.broadcast %get3A_31 : vector<1x1xf32> to vector<2048x1xf32>
    %add3A_33 = arith.addf %broadcast_in_dim3A, %add3A_32 : vector<2048x1xf32>
    %swap3A = arith.constant 0 : index
    %swap3A_34 = arith.constant 0 : index
    %swap3A_35 = vector.load %arg8[%swap3A, %swap3A_34] : memref<2048x1xf32, #tpu.memory_space<vmem>>, vector<2048x1xf32>
    tpu.vector_store %arg8[%swap3A, %swap3A_34], %add3A_33 {strides = array<i32>} : memref<2048x1xf32, #tpu.memory_space<vmem>>, vector<2048x1xf32>,
    return
  }
  func.func @transform_0(%arg0: i32) -> (i32, i32) {
    %c0_i32 = arith.constant 0 : i32
    %c0_i32_0 = arith.constant 0 : i32
    return %arg0, %c0_i32 : i32, i32
  }
  func.func @transform_1(%arg0: i32) -> (i32, i32) {
    %c0_i32 = arith.constant 0 : i32
    %c0_i32_0 = arith.constant 0 : i32
    return %arg0, %c0_i32 : i32, i32
  }
  func.func @transform_2(%arg0: i32) -> (i32, i32) {
    %c0_i32 = arith.constant 0 : i32
    %c0_i32_0 = arith.constant 0 : i32
    return %arg0, %c0_i32 : i32, i32
  }
  func.func @transform_3(%arg0: i32) -> (i32, i32, i32) {
    %c0_i32 = arith.constant 0 : i32
    %c0_i32_0 = arith.constant 0 : i32
    %c0_i32_1 = arith.constant 0 : i32
    return %arg0, %c0_i32, %c0_i32_0 : i32, i32, i32
  }
  func.func @transform_4(%arg0: i32) -> (i32, i32) {
    %c0_i32 = arith.constant 0 : i32
    %c0_i32_0 = arith.constant 0 : i32
    %c0_i32_1 = arith.constant 0 : i32
    return %c0_i32, %c0_i32_0 : i32, i32
  }
  func.func @transform_5(%arg0: i32) -> (i32, i32) {
    %c0_i32 = arith.constant 0 : i32
    %c0_i32_0 = arith.constant 0 : i32
    %c0_i32_1 = arith.constant 0 : i32
    return %c0_i32, %c0_i32_0 : i32, i32
  }
  func.func @transform_6(%arg0: i32) -> (i32, i32) {
    %c0_i32 = arith.constant 0 : i32
    %c0_i32_0 = arith.constant 0 : i32
    %c0_i32_1 = arith.constant 0 : i32
    return %c0_i32, %c0_i32_0 : i32, i32
  }
  func.func @transform_7(%arg0: i32) -> (i32, i32) {
    %c0_i32 = arith.constant 0 : i32
    %c0_i32_0 = arith.constant 0 : i32
    return %arg0, %c0_i32 : i32, i32
  }
}

</mosaic_0001>

<sc_bundles>
// kernel: kernel.10.cloned.1.call-start
scs
__scs_entry_jumppad:
0x0: {  	(pc) =	sbr.rel $0x88, $3  }
0x1: {  	(tag) =	ssettag $0x0;
	lr =	simm.s32 $0x1  }
0x2: {  	[smem:$0x3F98] =	sst lr;
	_ =	strace $0xD0000000  }
0x3: {  	_ = 	snop  }
0x4: {  	_ = 	snop  }
0x5: {  	_ = 	snop  }
0x6: {  	_ = 	snop  }
0x7: {  	_ = 	snop  }
__scs_overlays_trampoline_lowered:
0x8: {  	[smem:$0x3FA7] =	sst s0  }
0x9: {  	[smem:$0x3FA8] =	sst s1  }
0xa: {  	[smem:$0x3FA9] =	sst s2  }
0xb: {  	[smem:$0x3FAA] =	sst s3  }
0xc: {  	[smem:$0x3FAB] =	sst s4  }
0xd: {  	[smem:$0x3FAC] =	sst s5  }
0xe: {  	[smem:$0x3FAD] =	sst s6  }
0xf: {  	[smem:$0x3FAE] =	sst s7  }
0x10: {  	[smem:$0x3FAF] =	sst s8  }
0x11: {  	[smem:$0x3FB0] =	sst s9;
	s0 =	simm.s32 @!p0 $0x0  }
0x12: {  	s1 =	sld [smem:$0x3F96];
	s0 =	simm.s32 @p0 $0x1  }
0x13: {  	[smem:$0x3FB1] =	sst s0;
	s0 =	simm.s32 @!p1 $0x0  }
0x14: {  	s2 =	sld [smem:$0x3F95];
	s0 =	simm.s32 @p1 $0x1  }
0x15: {  	[smem:$0x3FB2] =	sst s0;
	s0 =	simm.s32 @!p2 $0x0  }
0x16: {  	s3 =	sld [smem:$0x3FDB];
	s0 =	simm.s32 @p2 $0x1  }
0x17: {  	s4 =	simm.s32 $0x1BF5;
	[smem:$0x3FB4] =	sst s0  }
0x18: {  	s0 =	sld [smem:$0x3F97];
	_ =	swait.ge [sflag:s4], $0x0  }
0x19: {  	s7 =	sld [smem:$0x3F98]  }
0x1a: {  	s8 =	sadd.s32 $0xFFFFE003, lr  }
0x1b: {  	s9 =	sadd.s32 $0xFFFFFEF7, lr;
	s5 =	simm.s32 $0xFFFFFFFF;
	p2 =	slt.u32 s8, $0xFFFFF086  }
0x1c: {  	p1 =	slt.u32 s9, $0xF7A;
	s5 =	simm.s32 @!p2 $0x0  }
0x1d: {  	s5 =	simm.s32 @p1 $0x1;
	p0 =	seq.s32 s7, s2  }
0x1e: {  	s7 =	smul.u32 @!p0 $0xF7A, s2;
	p2 =	seq.s32 @!p0 s5, $0x0  }
0x1f: {  	s9 =	smul.u32 $0xF7A, s1;
	s8 =	simm.s32 @!p0 $0x1BF5;
	p2 =	por !p2, p0  }
0x20: {  	[sflag:s8] =	ssyncset.s32 @!p0 $0xFFFFF086;
	s6 =	sadd.s32 @!p0 s3, s7;
	s7 =	simm.s32 @!p0 $0x108  }
0x21: {  	s3 =	sadd.s32 s3, s9;
	s6 =	sadd.s32 @!p0 $0x88, s6;
	s7 =	simm.s32 @p2 $0x1082  }
0x22: {  	[simem:s7], [sflag:s8] =	dma.local @!p0 [hbm:s6], $0xF7A  }
0x23: {  	s9 =	sor.u32 $0xD0000000, s2;
	s6 =	simm.s32 $0x108;
	_ =	swait.ge @!p0 [sflag:s8], $0x0  }
0x24: {  	s3 =	sadd.s32 $0x88, s3;
	s6 =	simm.s32 @!p1 $0x1082;
	[sflag:s4] =	ssyncset.s32 $0xFFFFF086  }
0x25: {  	[simem:s6], [sflag:s4] =	dma.local [hbm:s3], $0xF7A  }
0x26: {  	[smem:$0x3F98] =	sst s1;
	(tag) =	ssettag s2;
	_ =	strace s9  }
0x27: {  	s1 =	sld [smem:$0x3FA8]  }
0x28: {  	s2 =	sld [smem:$0x3FA9]  }
0x29: {  	s4 =	sld [smem:$0x3FAB]  }
0x2a: {  	p0 =	seq.s32 s5, $0x0;
	s5 =	sld [smem:$0x3FAC]  }
0x2b: {  	s6 =	sld [smem:$0x3FAD]  }
0x2c: {  	s7 =	sld [smem:$0x3FAE]  }
0x2d: {  	s3 =	simm.s32 $0x108;
	s8 =	sld [smem:$0x3FAF]  }
0x2e: {  	s3 =	simm.s32 @!p0 $0x1082;
	s9 =	sld [smem:$0x3FB0]  }
0x2f: {  	lr =	sadd.s32 s0, s3;
	s0 =	sld [smem:$0x3FA7]  }
0x30: {  	s3 =	sld [smem:$0x3FAA]  }
0x31: {  	[smem:$0x3FB3] =	sst s10  }
0x32: {  	s10 =	sld [smem:$0x3FB1];
	_ =	sdelay $0x3  }
0x33: {  	p0 =	seq.s32 s10, $0x1;
	s10 =	sld [smem:$0x3FB3];
	_ =	sdelay $0x3  }
0x34: {  	[smem:$0x3FB3] =	sst s10  }
0x35: {  	s10 =	sld [smem:$0x3FB2];
	_ =	sdelay $0x3  }
0x36: {  	p1 =	seq.s32 s10, $0x1;
	s10 =	sld [smem:$0x3FB3];
	_ =	sdelay $0x3  }
0x37: {  	[smem:$0x3FB3] =	sst s10  }
0x38: {  	s10 =	sld [smem:$0x3FB4]  }
0x39: {  	_ = 	snop;
	(pc) =	sbr.ind lr, $3  }
0x3a: {  	_ = 	snop  }
0x3b: {  	_ = 	snop  }
0x3c: {  	p2 =	seq.s32 s10, $0x1;
	s10 =	sld [smem:$0x3FB3]  }
0x3d: {  	_ =	shalt  }
0x3e: {  	_ =	shalt  }
0x3f: {  	_ =	shalt  }
0x40: {  	_ =	shalt  }
0x41: {  	_ =	shalt  }
0x42: {  	_ =	shalt  }
0x43: {  	_ =	shalt  }
0x44: {  	_ =	shalt  }
0x45: {  	_ =	shalt  }
0x46: {  	_ =	shalt  }
0x47: {  	_ =	shalt  }
0x48: {  	_ =	shalt  }
0x49: {  	_ =	shalt  }
0x4a: {  	_ =	shalt  }
0x4b: {  	_ =	shalt  }
0x4c: {  	_ =	shalt  }
0x4d: {  	_ =	shalt  }
0x4e: {  	_ =	shalt  }
0x4f: {  	_ =	shalt  }
0x50: {  	_ =	shalt  }
0x51: {  	_ =	shalt  }
0x52: {  	_ =	shalt  }
0x53: {  	_ =	shalt  }
0x54: {  	_ =	shalt  }
0x55: {  	_ =	shalt  }
0x56: {  	_ =	shalt  }
0x57: {  	_ =	shalt  }
0x58: {  	_ =	shalt  }
0x59: {  	_ =	shalt  }
0x5a: {  	_ =	shalt  }
0x5b: {  	_ =	shalt  }
0x5c: {  	_ =	shalt  }
0x5d: {  	_ =	shalt  }
0x5e: {  	_ =	shalt  }
0x5f: {  	_ =	shalt  }
0x60: {  	_ =	shalt  }
0x61: {  	_ =	shalt  }
0x62: {  	_ =	shalt  }
0x63: {  	_ =	shalt  }
0x64: {  	_ =	shalt  }
0x65: {  	_ =	shalt  }
0x66: {  	_ =	shalt  }
0x67: {  	_ =	shalt  }
0x68: {  	_ =	shalt  }
0x69: {  	_ =	shalt  }
0x6a: {  	_ =	shalt  }
0x6b: {  	_ =	shalt  }
0x6c: {  	_ =	shalt  }
0x6d: {  	_ =	shalt  }
0x6e: {  	_ =	shalt  }
0x6f: {  	_ =	shalt  }
0x70: {  	_ =	shalt  }
0x71: {  	_ =	shalt  }
0x72: {  	_ =	shalt  }
0x73: {  	_ =	shalt  }
0x74: {  	_ =	shalt  }
0x75: {  	_ =	shalt  }
0x76: {  	_ =	shalt  }
0x77: {  	_ =	shalt  }
0x78: {  	_ =	shalt  }
0x79: {  	_ =	shalt  }
0x7a: {  	_ =	shalt  }
0x7b: {  	_ =	shalt  }
0x7c: {  	_ =	shalt  }
0x7d: {  	_ =	shalt  }
0x7e: {  	_ =	shalt  }
0x7f: {  	_ =	shalt  }
0x80: {  	_ =	shalt  }
0x81: {  	_ =	shalt  }
0x82: {  	_ =	shalt  }
0x83: {  	_ =	shalt  }
0x84: {  	_ =	shalt  }
0x85: {  	_ =	shalt  }
0x86: {  	_ =	shalt  }
0x87: {  	_ =	shalt  }
.Lfunc_end0:
.L_simem_size_0:
called_computation.1_lowered:
.L_overlay_start_0:
0x88: {  	s2 =	sld [smem:$0x3FD9]  }
0x89: {  	s3 =	sld [smem:$0x3FFE];
	_ =	sdelay $0x1  }
0x8a: {  	s1 =	srdreg.scid  }
0x8b: {  	s0 =	sand.u32 $0x1, s1  }
0x8c: {  	s16 =	sshll.u32 s0, $0xA;
	s2 =	sadd.s32 s3, s2  }
0x8d: {  	s2 =	sadd.s32 s2, s16  }
0x8e: {  	[smem:$0x3FBF] =	sst s2  }
0x8f: {  	_ = 	snop  }
0x90: {  	(tm) =	ssettm $0x1  }
0x91: {  	s17 =	sld [smem:$0x3FFB];
	_ =	sdelay $0x3  }
0x92: {  	_ =	strace s17  }
0x93: {  	s2 =	sld [smem:$0x3FFC];
	_ =	sdelay $0x3  }
0x94: {  	_ =	strace s2  }
0x95: {  	s2 =	sld [smem:$0x3FFD];
	_ =	sdelay $0x3  }
0x96: {  	_ =	strace s2  }
0x97: {  	_ =	strace $0x8FFFFFFF  }
0x98: {  	s18 =	sld [smem:$0x3FDB];
	_ =	sdelay $0x1  }
0x99: {  	s19 =	simm.s32 $_scs_section_size  }
0x9a: {  	s4 =	simm.s32 $_size__tile_overlayer_lowered;
	s5 =	simm.s32 $_tile_overlayer_lowered  }
0x9b: {  	s22 =	simm.s32 $0x1BFF;
	s21 =	sshll.u32 s5, $0x1;
	s2 =	sadd.s32 s19, s18  }
0x9c: {  	s6 =	simm.s32 $0x0;
	s20 =	sshll.u32 s4, $0x1;
	s4 =	sadd.s32 s21, s2  }
0x9d: {  	[timem:s6], [sflag:s22] =	dma.local [hbm:s4], s20  }
0x9e: {  	_ =	swait.ge [sflag:s22], s20  }
0x9f: {  	s3 =	ssub.s32 $0x0, s20;
	[sflag:s22] =	ssyncset.done $0x0  }
0xa0: {  	[sflag:s22] =	ssyncadd.s32 s3;
	_ =	sdelay $0x1  }
0xa1: {  	s23 =	simm.s32 $0x1B8B  }
0xa2: {  	_ =	swait.ge [sflag:s23], $0x1  }
0xa3: {  	[sflag:s23] =	ssyncset.done $0x0  }
0xa4: {  	s25 =	simm.s32 $0x1B8E;
	s24 =	sld [smem:$0x3FFE];
	[sflag:s23] =	ssyncadd.s32 $0xFFFFFFFF  }
0xa5: {  	s26 =	simm.s32 $execute0_lowered;
	[smem:$0x3FD2] =	sst s25  }
0xa6: {  	s4 =	sshll.u32 s26, $0x1;
	_ =	strace $0x80000049;
	[dreg:$0x1] =	wrdreg $0xFFFFFFFF  }
0xa7: {  	s28 =	simm.s32 $_size_execute0_lowered;
	s2 =	sadd.s32 s2, s4;
	[dreg:$0x0] =	wrdreg $0x0  }
0xa8: {  	s4 =	sshll.u32 s28, $0x1;
	[dreg:$0x2] =	wrdreg s2  }
0xa9: {  	[dreg:$0x3] =	wrdreg s4  }
0xaa: {  	[dreg:$0x4] =	wrdreg $0xC0  }
0xab: {  	_ =	task [dreg:s6], $0x5FFFF  }
0xac: {  	[dreg:$0x1] =	wrdreg $0xFFFFFFFF  }
0xad: {  	[dreg:$0x0] =	wrdreg $0x60  }
0xae: {  	[dreg:$0x2] =	wrdreg s24  }
0xaf: {  	[dreg:$0x3] =	wrdreg $0x51000  }
0xb0: {  	[dreg:$0x4] =	wrdreg $0x9  }
0xb1: {  	_ =	task.clear_ibuf [dreg:s6], $0x5FFFF;
	_ =	strace $0x90000049  }
0xb2: {  	s29 =	simm.s32 $0x9;
	_ =	strace $0x8000004B  }
0xb3: {  	_ =	swait.ge [sflag:s29], $0x1  }
0xb4: {  	[sflag:s29] =	ssyncadd.s32 $0xFFFFFFFF  }
0xb5: {  	_ =	strace $0x9000004B  }
0xb6: {  	_ =	sfence  }
0xb7: {  	s30 =	sld [smem:$0x0];
	_ =	sdelay $0x2  }
0xb8: {  	s31 =	sshll.u32 s1, $0xD;
	s1 =	sshrl.u32 s1, $0x2  }
0xb9: {  	s3 =	sand.u32 $0x4000, s31;
	s1 =	sadd.s32 s1, s30  }
0xba: {  	s0 =	sor.u32 s3, s0;
	s1 =	sshll.u32 s1, $0x11  }
0xbb: {  	s0 =	sor.u32 s1, s0  }
0xbc: {  	s0 =	sadd.s32 $0x8F2B, s0  }
0xbd: {  	[sflag:s0] =	ssyncadd.remote.s32 $0x1  }
0xbe: {  	_ =	sfence.sel $0xFFFF  }
0xbf: {  	[dreg:$0x0] =	wrdreg $0xFFFFFFFF;
	(pc) =	sbr.abs _section_cstart, $3  }
0xc0: {  	[dreg:$0x1] =	wrdreg $0xFFFFFFFF  }
0xc1: {  	_ =	task.clear_ibuf [dreg:s6], $0x2FFFF;
	_ =	strace $0x9FFFFFFF  }
0xc2: {  	(tm) =	ssettm $0x7FFFFFFF  }
0xc3: {  	_ =	shalt  }
tec
execute0_lowered:
.L_overlay_start_1:
0x0: {  	(tag) =	ssettag $0x1  }
0x1: {  	s0 =	rddreg [dreg:$0x0]  }
0x2: {  	s1 =	rddreg [dreg:$0x1]  }
0x3: {  	s14 =	simm.s32 $0x0;
	s2 =	srdreg.scid;
	s10 =	stileid.u32  }
0x4: {  	s28 =	simm.s32 $0x80;
	s29 =	simm.s32 $0x880;
	s30 =	simm.s32 $0x900  }
0x5: {  	s31 =	simm.s32 $0x980;
	s12 =	simm.s32 $0xC00;
	s13 =	simm.s32 $0xC80  }
0x6: {  	s15 =	simm.s32 $0xD00;
	[smem:$0x7FF] =	sst s14;
	s4 =	sadd.s32 $0xC5C00, s0  }
0x7: {  	s5 =	sadd.s32 $0x32C00, s0;
	s6 =	sadd.s32 $0x1C00, s0;
	s7 =	sadd.s32 $0x63C00, s0  }
0x8: {  	s2 =	sand.u32 $0x1, s2;
	s8 =	smul.u32 $0x18800, s10;
	s9 =	sadd.s32 $0x94C00, s0  }
0x9: {  	s10 =	smul.u32 $0x62000, s10;
	s11 =	sadd.s32 $0x127C00, s0;
	s0 =	sadd.s32 $0xF6C00, s0  }
0xa: {  	_ =	strace $0x8000004A;
	s3 =	ssub.s32 $0x2, s2;
	[dreg:$0x4] =	wrdreg s11  }
0xb: {  	[dreg:$0x5] =	wrdreg s0;
	p0 =	sne.s32 s2, $0x0;
	s11 =	simm.s32 $0xB00  }
0xc: {  	s16 =	sshrl.u32 s3, $0x1;
	s17 =	sshrl.u32 s8, $0x3;
	s18 =	sshrl.u32 s10, $0x2  }
0xd: {  	s19 =	sadd.s32 s8, s1;
	[dreg:$0x6] =	wrdreg s17;
	s20 =	sadd.s32 s18, s1  }
0xe: {  	s0 =	ssub.s32 s3, s16;
	s26 =	sshrl.u32 s19, $0x3;
	[dreg:$0x8] =	wrdreg s20  }
0xf: {  	s10 =	simm.s32 $0xA80;
	s0 =	smax.u32 s0, $0x1;
	[dreg:$0x10] =	wrdreg s26  }
0x10: {  	s16 =	simm.s32 $0xD80;
	s3 =	sadd.s32 $0x3100, s20;
	[dreg:$0x7] =	wrdreg s0  }
0x11: {  	s17 =	simm.s32 $0xE00;
	s21 =	sadd.s32 $0x6200, s20;
	[dreg:$0x9] =	wrdreg s3  }
0x12: {  	s18 =	simm.s32 $0xE80;
	s22 =	sadd.s32 $0x9300, s20;
	[dreg:$0xa] =	wrdreg s21  }
0x13: {  	s19 =	simm.s32 $0xF00;
	s23 =	sadd.s32 $0xC400, s20;
	[dreg:$0xb] =	wrdreg s22  }
.Ltmp0:
0x14: {  	s24 =	sadd.s32 $0xF500, s20;
	[dreg:$0xc] =	wrdreg s23;
	(pc) =	sbr.rel .LBB2_1-.Ltmp0, $4  }
0x15: {  	s25 =	sadd.s32 $0x12600, s20;
	s26 =	simm.s32 $0x1000;
	[dreg:$0xd] =	wrdreg s24  }
0x16: {  	[dreg:$0xe] =	wrdreg s25;
	s0 =	sadd.s32 $0x15700, s20;
	s23 =	simm.s32 $0x1  }
0x17: {  	s24 =	simm.s32 $0x800;
	s3 =	simm.s32 $0xB80;
	s20 =	simm.s32 $0xF80  }
0x18: {  	v0 =	vimm.f32 $0.0e+00;
	s21 =	simm.s32 $0x1800;
	[dreg:$0xf] =	wrdreg s0;
	s0 =	simm.s32 $0xA00  }
.LBB2_72:
0x19: {  	s14 =	stileid.u32  }
0x1a: {  	s25 =	rddreg [dreg:$0x6];
	[bflag:$0x0] =	sbarrier.arrive $0xFFFF;
	s14 =	sshll.u32 s14, $0x6  }
0x1b: {  	s2 =	sadd.s32 s2, s25;
	s25 =	rddreg [dreg:$0x10];
	s14 =	sor.u32 $0x1C01, s14  }
0x1c: {  	[hbm:s2], [sflag:s14] =	dma.local [spmem:s25], $0x3100  }
0x1d: {  	_ =	swait.ge [sflag:s23], $0x3100  }
0x1e: {  	s14 =	sadd.s32 $0x1, s22;
	s25 =	rddreg [dreg:$0x7]  }
0x1f: {  	p1 =	sne.s32 s14, s25  }
.Ltmp1:
0x20: {  	_ = 	snop;
	(pc) =	sbr.rel @!p1 .LBB2_73-.Ltmp1, $3  }
0x21: {  	_ =	sdelay $0x1  }
0x22: {  	[sflag:s23] =	ssyncset.done $0x0  }
0x23: {  	[sflag:s23] =	ssyncadd.s32 $0xFFFFCF00  }
.LBB2_1:
0x24: {  	[dreg:$0x3] =	wrdreg s14;
	s2 =	simm.s32 $0x40;
	s14 =	simm.s32 $0x0  }
.LBB2_2:
0x25: {  	p1 =	sne.s32 s2, $0xC3C0;
	[tilespmem:s14+$0x2000] =	vst v0;
	s14 =	smov.u32 s2;
	s2 =	sadd.s32 $0x40, s2  }
.Ltmp2:
0x26: {  	(pc) =	sbr.rel @p1 .LBB2_2-.Ltmp2, $2  }
0x27: {  	_ =	sdelay $0x2  }
0x28: {  	s14 =	sshra.s32 s14, $0x2  }
0x29: {  	[tilespmem:s14+$0x2000] =	vst v0;
	s2 =	rddreg [dreg:$0x8];
	s14 =	simm.s32 $0x2000  }
0x2a: {  	[spmem:s2] =	stream.linear.scatter [tilespmem:s14], [sflag:$0x1], $0x3100, $0x38;
	[tilespmem:$0x1D900] =	vst v63  }
0x2b: {  	_ =	swait.ge [sflag:s23], $0x3100  }
0x2c: {  	[sflag:s23] =	ssyncset.done $0x0  }
0x2d: {  	s25 =	rddreg [dreg:$0x9];
	[sflag:s23] =	ssyncadd.s32 $0xFFFFCF00  }
0x2e: {  	[spmem:s25] =	stream.linear.scatter [tilespmem:s14], [sflag:$0x1], $0x3100, $0x38;
	[tilespmem:$0x1D900] =	vst v63  }
0x2f: {  	_ =	swait.ge [sflag:s23], $0x3100  }
0x30: {  	[sflag:s23] =	ssyncset.done $0x0  }
0x31: {  	s22 =	rddreg [dreg:$0xa];
	[sflag:s23] =	ssyncadd.s32 $0xFFFFCF00  }
0x32: {  	[spmem:s22] =	stream.linear.scatter [tilespmem:s14], [sflag:$0x1], $0x3100, $0x38;
	[tilespmem:$0x1D900] =	vst v63  }
0x33: {  	_ =	swait.ge [sflag:s23], $0x3100  }
0x34: {  	[sflag:s23] =	ssyncset.done $0x0  }
0x35: {  	s25 =	rddreg [dreg:$0xb];
	[sflag:s23] =	ssyncadd.s32 $0xFFFFCF00  }
0x36: {  	[spmem:s25] =	stream.linear.scatter [tilespmem:s14], [sflag:$0x1], $0x3100, $0x38;
	[tilespmem:$0x1D900] =	vst v63  }
0x37: {  	_ =	swait.ge [sflag:s23], $0x3100  }
0x38: {  	[sflag:s23] =	ssyncset.done $0x0  }
0x39: {  	s22 =	rddreg [dreg:$0xc];
	[sflag:s23] =	ssyncadd.s32 $0xFFFFCF00  }
0x3a: {  	[spmem:s22] =	stream.linear.scatter [tilespmem:s14], [sflag:$0x1], $0x3100, $0x38;
	[tilespmem:$0x1D900] =	vst v63  }
0x3b: {  	_ =	swait.ge [sflag:s23], $0x3100  }
0x3c: {  	[sflag:s23] =	ssyncset.done $0x0  }
0x3d: {  	s25 =	rddreg [dreg:$0xd];
	[sflag:s23] =	ssyncadd.s32 $0xFFFFCF00  }
0x3e: {  	[spmem:s25] =	stream.linear.scatter [tilespmem:s14], [sflag:$0x1], $0x3100, $0x38;
	[tilespmem:$0x1D900] =	vst v63  }
0x3f: {  	_ =	swait.ge [sflag:s23], $0x3100  }
0x40: {  	[sflag:s23] =	ssyncset.done $0x0  }
0x41: {  	s22 =	rddreg [dreg:$0xe];
	[sflag:s23] =	ssyncadd.s32 $0xFFFFCF00  }
0x42: {  	[spmem:s22] =	stream.linear.scatter [tilespmem:s14], [sflag:$0x1], $0x3100, $0x38;
	[tilespmem:$0x1D900] =	vst v63  }
0x43: {  	_ =	swait.ge [sflag:s23], $0x3100  }
0x44: {  	[sflag:s23] =	ssyncset.done $0x0  }
0x45: {  	s25 =	rddreg [dreg:$0xf];
	[sflag:s23] =	ssyncadd.s32 $0xFFFFCF00  }
0x46: {  	[spmem:s25] =	stream.linear.scatter [tilespmem:s14], [sflag:$0x1], $0x3100, $0x38;
	[tilespmem:$0x1D900] =	vst v63  }
.Ltmp3:
0x47: {  	_ =	swait.ge [sflag:s23], $0x3100;
	(pc) =	sbr.rel @p0 .LBB2_38-.Ltmp3, $4  }
0x48: {  	[sflag:s23] =	ssyncset.done $0x0  }
0x49: {  	[sflag:s23] =	ssyncadd.s32 $0xFFFFCF00  }
0x4a: {  	[bflag:$0x0] =	sbarrier.arrive $0xFFFF  }
0x4b: {  	s22 =	simm.s32 $0x0;
	s25 =	simm.s32 $0x0;
	s14 =	simm.s32 $0x0  }
.LBB2_4:
0x4c: {  	s2 =	sshll.u32 s14, $0xB  }
0x4d: {  	s2 =	sadd.s32 s8, s2  }
0x4e: {  	s2 =	sshrl.u32 s2, $0x3  }
0x4f: {  	s22 =	sadd.s32 s4, s2  }
0x50: {  	[tilespmem:s25], [sflag:$0x1] =	stream.linear.gather [hbm4b:s22+s25], $0x800, $0x38;
	[tilespmem:$0x1D900] =	vst v63  }
0x51: {  	_ =	swait.ge [sflag:s23], $0x800  }
0x52: {  	[sflag:s23] =	ssyncset.done $0x0  }
0x53: {  	s22 =	sadd.s32 s5, s2;
	[sflag:s23] =	ssyncadd.s32 $0xFFFFF800  }
0x54: {  	[tilespmem:s24], [sflag:$0x1] =	stream.linear.gather [hbm4b:s22+s25], $0x800, $0x38;
	[tilespmem:$0x1D900] =	vst v63  }
0x55: {  	_ =	swait.ge [sflag:s23], $0x800  }
0x56: {  	[sflag:s23] =	ssyncset.done $0x0  }
0x57: {  	s2 =	sadd.s32 s6, s2;
	[sflag:s23] =	ssyncadd.s32 $0xFFFFF800  }
0x58: {  	[tilespmem:s26], [sflag:$0x1] =	stream.linear.gather [hbm4b:s2+s25], $0x800, $0x38;
	[tilespmem:$0x1D900] =	vst v63  }
0x59: {  	_ =	swait.ge [sflag:s23], $0x800  }
0x5a: {  	[sflag:s23] =	ssyncset.done $0x0  }
0x5b: {  	v1 =	vmov s25;
	s22 =	simm.s32 $0x1800;
	[sflag:s23] =	ssyncadd.s32 $0xFFFFF800  }
0x5c: {  	[tilespmem:s22], [sflag:$0x1] =	stream.indirect.gather [hbm4b:s7+s28], $0x10, s25, s28, $0xb8;
	[tilespmem:$0x1D900] =	vst v63  }
0x5d: {  	_ =	swait.ge [sflag:s23], $0x800  }
0x5e: {  	[sflag:s23] =	ssyncset.done $0x0  }
0x5f: {  	[sflag:s23] =	ssyncadd.s32 $0xFFFFF800  }
0x60: {  	v1 =	vld.idx.msk [tilespmem:v1+s26+$0x0], $0xffff  }
0x61: {  	v3 =	vld [tilespmem:s22+$0x0];
	_ =	sdelay $0x1  }
0x62: {  	s2 =	simm.s32 $0x1  }
0x63: {  	v2 =	vmov s2;
	s2 =	simm.s32 $0x2  }
.LBB2_5:
0x64: {  	p1 =	sne.s32 s2, $0x7F  }
0x65: {  	v1 =	vmul.f32 v3, v1;
	_ =	sdelay $0x1  }
0x66: {  	[tilespmem:s22+$0x0] =	vst v1  }
.Ltmp4:
0x67: {  	s22 =	sadd.s32 $0x10, s22;
	v1 =	vld.idx.msk [tilespmem:v2+s26+$0x0], $0xffff;
	(pc) =	sbr.rel @p1 .LBB2_5-.Ltmp4, $2  }
0x68: {  	v3 =	vld [tilespmem:s22+$0x0];
	_ =	sdelay $0x2  }
0x69: {  	v2 =	vmov s2;
	s2 =	sadd.s32 $0x1, s2  }
0x6a: {  	_ = 	snop  }
0x6b: {  	v1 =	vmul.f32 v3, v1;
	_ =	sdelay $0x1  }
0x6c: {  	[tilespmem:s22+$0x0] =	vst v1  }
0x6d: {  	s2 =	sadd.s32 $0x10, s22;
	v1 =	vld.idx.msk [tilespmem:v2+s26+$0x0], $0xffff  }
0x6e: {  	v2 =	vld [tilespmem:s2+$0x0];
	_ =	sdelay $0x4  }
0x6f: {  	v1 =	vmul.f32 v2, v1;
	_ =	sdelay $0x1  }
0x70: {  	s22 =	simm.s32 $0x1800;
	[tilespmem:s2+$0x0] =	vst v1;
	s2 =	simm.s32 $0x80  }
0x71: {  	[spmem:s1] =	stream.indirect.scatter.add.f32 [tilespmem:s22], [sflag:$0x1], $0x10, s24, s2, $0xb8;
	[tilespmem:$0x1D900] =	vst v63  }
0x72: {  	_ =	swait.ge [sflag:s23], $0x800  }
0x73: {  	[sflag:s23] =	ssyncset.done $0x0  }
0x74: {  	v1 =	vmov s2;
	[sflag:s23] =	ssyncadd.s32 $0xFFFFF800  }
0x75: {  	[tilespmem:s22], [sflag:$0x1] =	stream.indirect.gather [hbm4b:s7+s2], $0x10, s2, s2, $0xb8;
	[tilespmem:$0x1D900] =	vst v63  }
0x76: {  	_ =	swait.ge [sflag:s23], $0x800  }
0x77: {  	[sflag:s23] =	ssyncset.done $0x0  }
0x78: {  	[sflag:s23] =	ssyncadd.s32 $0xFFFFF800  }
0x79: {  	v1 =	vld.idx.msk [tilespmem:v1+s26+$0x0], $0xffff  }
0x7a: {  	v3 =	vld [tilespmem:s22+$0x0];
	_ =	sdelay $0x1  }
0x7b: {  	s2 =	simm.s32 $0x81  }
0x7c: {  	v2 =	vmov s2;
	s2 =	simm.s32 $0x82  }
.LBB2_7:
0x7d: {  	p1 =	sne.s32 s2, $0xFF  }
0x7e: {  	v1 =	vmul.f32 v3, v1;
	_ =	sdelay $0x1  }
0x7f: {  	[tilespmem:s22+$0x0] =	vst v1  }
.Ltmp5:
0x80: {  	s22 =	sadd.s32 $0x10, s22;
	v1 =	vld.idx.msk [tilespmem:v2+s26+$0x0], $0xffff;
	(pc) =	sbr.rel @p1 .LBB2_7-.Ltmp5, $2  }
0x81: {  	v3 =	vld [tilespmem:s22+$0x0];
	_ =	sdelay $0x2  }
0x82: {  	v2 =	vmov s2;
	s2 =	sadd.s32 $0x1, s2  }
0x83: {  	_ = 	snop  }
0x84: {  	v1 =	vmul.f32 v3, v1;
	_ =	sdelay $0x1  }
0x85: {  	[tilespmem:s22+$0x0] =	vst v1  }
0x86: {  	s2 =	sadd.s32 $0x10, s22;
	v1 =	vld.idx.msk [tilespmem:v2+s26+$0x0], $0xffff  }
0x87: {  	v2 =	vld [tilespmem:s2+$0x0];
	_ =	sdelay $0x4  }
0x88: {  	v1 =	vmul.f32 v2, v1;
	_ =	sdelay $0x1  }
0x89: {  	s22 =	simm.s32 $0x1800;
	[tilespmem:s2+$0x0] =	vst v1  }
0x8a: {  	[spmem:s1] =	stream.indirect.scatter.add.f32 [tilespmem:s22], [sflag:$0x1], $0x10, s29, s28, $0xb8;
	[tilespmem:$0x1D900] =	vst v63  }
0x8b: {  	_ =	swait.ge [sflag:s23], $0x800  }
0x8c: {  	s2 =	simm.s32 $0x100;
	[sflag:s23] =	ssyncset.done $0x0  }
0x8d: {  	v1 =	vmov s2;
	[sflag:s23] =	ssyncadd.s32 $0xFFFFF800  }
0x8e: {  	[tilespmem:s22], [sflag:$0x1] =	stream.indirect.gather [hbm4b:s7+s28], $0x10, s2, s28, $0xb8;
	[tilespmem:$0x1D900] =	vst v63  }
0x8f: {  	_ =	swait.ge [sflag:s23], $0x800  }
0x90: {  	[sflag:s23] =	ssyncset.done $0x0  }
0x91: {  	[sflag:s23] =	ssyncadd.s32 $0xFFFFF800  }
0x92: {  	v1 =	vld.idx.msk [tilespmem:v1+s26+$0x0], $0xffff  }
0x93: {  	v3 =	vld [tilespmem:s22+$0x0];
	_ =	sdelay $0x1  }
0x94: {  	s2 =	simm.s32 $0x101  }
0x95: {  	v2 =	vmov s2;
	s2 =	simm.s32 $0x102  }
.LBB2_9:
0x96: {  	p1 =	sne.s32 s2, $0x17F  }
0x97: {  	v1 =	vmul.f32 v3, v1;
	_ =	sdelay $0x1  }
0x98: {  	[tilespmem:s22+$0x0] =	vst v1  }
.Ltmp6:
0x99: {  	s22 =	sadd.s32 $0x10, s22;
	v1 =	vld.idx.msk [tilespmem:v2+s26+$0x0], $0xffff;
	(pc) =	sbr.rel @p1 .LBB2_9-.Ltmp6, $2  }
0x9a: {  	v3 =	vld [tilespmem:s22+$0x0];
	_ =	sdelay $0x2  }
0x9b: {  	v2 =	vmov s2;
	s2 =	sadd.s32 $0x1, s2  }
0x9c: {  	_ = 	snop  }
0x9d: {  	v1 =	vmul.f32 v3, v1;
	_ =	sdelay $0x1  }
0x9e: {  	[tilespmem:s22+$0x0] =	vst v1  }
0x9f: {  	s2 =	sadd.s32 $0x10, s22;
	v1 =	vld.idx.msk [tilespmem:v2+s26+$0x0], $0xffff  }
0xa0: {  	v2 =	vld [tilespmem:s2+$0x0];
	_ =	sdelay $0x4  }
0xa1: {  	v1 =	vmul.f32 v2, v1;
	_ =	sdelay $0x1  }
0xa2: {  	s22 =	simm.s32 $0x1800;
	[tilespmem:s2+$0x0] =	vst v1  }
0xa3: {  	[spmem:s1] =	stream.indirect.scatter.add.f32 [tilespmem:s22], [sflag:$0x1], $0x10, s30, s28, $0xb8;
	[tilespmem:$0x1D900] =	vst v63  }
0xa4: {  	_ =	swait.ge [sflag:s23], $0x800  }
0xa5: {  	s2 =	simm.s32 $0x180;
	[sflag:s23] =	ssyncset.done $0x0  }
0xa6: {  	v1 =	vmov s2;
	[sflag:s23] =	ssyncadd.s32 $0xFFFFF800  }
0xa7: {  	[tilespmem:s22], [sflag:$0x1] =	stream.indirect.gather [hbm4b:s7+s28], $0x10, s2, s28, $0xb8;
	[tilespmem:$0x1D900] =	vst v63  }
0xa8: {  	_ =	swait.ge [sflag:s23], $0x800  }
0xa9: {  	[sflag:s23] =	ssyncset.done $0x0  }
0xaa: {  	[sflag:s23] =	ssyncadd.s32 $0xFFFFF800  }
0xab: {  	v1 =	vld.idx.msk [tilespmem:v1+s26+$0x0], $0xffff  }
0xac: {  	v3 =	vld [tilespmem:s22+$0x0];
	_ =	sdelay $0x1  }
0xad: {  	s2 =	simm.s32 $0x181  }
0xae: {  	v2 =	vmov s2;
	s2 =	simm.s32 $0x182  }
.LBB2_11:
0xaf: {  	p1 =	sne.s32 s2, $0x1FF  }
0xb0: {  	v1 =	vmul.f32 v3, v1;
	_ =	sdelay $0x1  }
0xb1: {  	[tilespmem:s22+$0x0] =	vst v1  }
.Ltmp7:
0xb2: {  	s22 =	sadd.s32 $0x10, s22;
	v1 =	vld.idx.msk [tilespmem:v2+s26+$0x0], $0xffff;
	(pc) =	sbr.rel @p1 .LBB2_11-.Ltmp7, $2  }
0xb3: {  	v3 =	vld [tilespmem:s22+$0x0];
	_ =	sdelay $0x2  }
0xb4: {  	v2 =	vmov s2;
	s2 =	sadd.s32 $0x1, s2  }
0xb5: {  	_ = 	snop  }
0xb6: {  	v1 =	vmul.f32 v3, v1;
	_ =	sdelay $0x1  }
0xb7: {  	[tilespmem:s22+$0x0] =	vst v1  }
0xb8: {  	s2 =	sadd.s32 $0x10, s22;
	v1 =	vld.idx.msk [tilespmem:v2+s26+$0x0], $0xffff  }
0xb9: {  	v2 =	vld [tilespmem:s2+$0x0];
	_ =	sdelay $0x4  }
0xba: {  	v1 =	vmul.f32 v2, v1;
	_ =	sdelay $0x1  }
0xbb: {  	s22 =	simm.s32 $0x1800;
	[tilespmem:s2+$0x0] =	vst v1  }
0xbc: {  	[spmem:s1] =	stream.indirect.scatter.add.f32 [tilespmem:s22], [sflag:$0x1], $0x10, s31, s28, $0xb8;
	[tilespmem:$0x1D900] =	vst v63  }
0xbd: {  	_ =	swait.ge [sflag:s23], $0x800  }
0xbe: {  	s2 =	simm.s32 $0x200;
	[sflag:s23] =	ssyncset.done $0x0  }
0xbf: {  	v1 =	vmov s2;
	[sflag:s23] =	ssyncadd.s32 $0xFFFFF800  }
0xc0: {  	[tilespmem:s22], [sflag:$0x1] =	stream.indirect.gather [hbm4b:s7+s28], $0x10, s2, s28, $0xb8;
	[tilespmem:$0x1D900] =	vst v63  }
0xc1: {  	_ =	swait.ge [sflag:s23], $0x800  }
0xc2: {  	[sflag:s23] =	ssyncset.done $0x0  }
0xc3: {  	[sflag:s23] =	ssyncadd.s32 $0xFFFFF800  }
0xc4: {  	v1 =	vld.idx.msk [tilespmem:v1+s26+$0x0], $0xffff  }
0xc5: {  	v3 =	vld [tilespmem:s22+$0x0];
	_ =	sdelay $0x1  }
0xc6: {  	s2 =	simm.s32 $0x201  }
0xc7: {  	v2 =	vmov s2;
	s2 =	simm.s32 $0x202  }
.LBB2_13:
0xc8: {  	p1 =	sne.s32 s2, $0x27F  }
0xc9: {  	v1 =	vmul.f32 v3, v1;
	_ =	sdelay $0x1  }
0xca: {  	[tilespmem:s22+$0x0] =	vst v1  }
.Ltmp8:
0xcb: {  	s22 =	sadd.s32 $0x10, s22;
	v1 =	vld.idx.msk [tilespmem:v2+s26+$0x0], $0xffff;
	(pc) =	sbr.rel @p1 .LBB2_13-.Ltmp8, $2  }
0xcc: {  	v3 =	vld [tilespmem:s22+$0x0];
	_ =	sdelay $0x2  }
0xcd: {  	v2 =	vmov s2;
	s2 =	sadd.s32 $0x1, s2  }
0xce: {  	_ = 	snop  }
0xcf: {  	v1 =	vmul.f32 v3, v1;
	_ =	sdelay $0x1  }
0xd0: {  	[tilespmem:s22+$0x0] =	vst v1  }
0xd1: {  	s2 =	sadd.s32 $0x10, s22;
	v1 =	vld.idx.msk [tilespmem:v2+s26+$0x0], $0xffff  }
0xd2: {  	v2 =	vld [tilespmem:s2+$0x0];
	_ =	sdelay $0x4  }
0xd3: {  	v1 =	vmul.f32 v2, v1;
	_ =	sdelay $0x1  }
0xd4: {  	s22 =	simm.s32 $0x1800;
	[tilespmem:s2+$0x0] =	vst v1  }
0xd5: {  	[spmem:s1] =	stream.indirect.scatter.add.f32 [tilespmem:s22], [sflag:$0x1], $0x10, s0, s28, $0xb8;
	[tilespmem:$0x1D900] =	vst v63  }
0xd6: {  	_ =	swait.ge [sflag:s23], $0x800  }
0xd7: {  	s2 =	simm.s32 $0x280;
	[sflag:s23] =	ssyncset.done $0x0  }
0xd8: {  	v1 =	vmov s2;
	[sflag:s23] =	ssyncadd.s32 $0xFFFFF800  }
0xd9: {  	[tilespmem:s22], [sflag:$0x1] =	stream.indirect.gather [hbm4b:s7+s28], $0x10, s2, s28, $0xb8;
	[tilespmem:$0x1D900] =	vst v63  }
0xda: {  	_ =	swait.ge [sflag:s23], $0x800  }
0xdb: {  	[sflag:s23] =	ssyncset.done $0x0  }
0xdc: {  	[sflag:s23] =	ssyncadd.s32 $0xFFFFF800  }
0xdd: {  	v1 =	vld.idx.msk [tilespmem:v1+s26+$0x0], $0xffff  }
0xde: {  	v3 =	vld [tilespmem:s22+$0x0];
	_ =	sdelay $0x1  }
0xdf: {  	s2 =	simm.s32 $0x281  }
0xe0: {  	v2 =	vmov s2;
	s2 =	simm.s32 $0x282  }
.LBB2_15:
0xe1: {  	p1 =	sne.s32 s2, $0x2FF  }
0xe2: {  	v1 =	vmul.f32 v3, v1;
	_ =	sdelay $0x1  }
0xe3: {  	[tilespmem:s22+$0x0] =	vst v1  }
.Ltmp9:
0xe4: {  	s22 =	sadd.s32 $0x10, s22;
	v1 =	vld.idx.msk [tilespmem:v2+s26+$0x0], $0xffff;
	(pc) =	sbr.rel @p1 .LBB2_15-.Ltmp9, $2  }
0xe5: {  	v3 =	vld [tilespmem:s22+$0x0];
	_ =	sdelay $0x2  }
0xe6: {  	v2 =	vmov s2;
	s2 =	sadd.s32 $0x1, s2  }
0xe7: {  	_ = 	snop  }
0xe8: {  	v1 =	vmul.f32 v3, v1;
	_ =	sdelay $0x1  }
0xe9: {  	[tilespmem:s22+$0x0] =	vst v1  }
0xea: {  	s2 =	sadd.s32 $0x10, s22;
	v1 =	vld.idx.msk [tilespmem:v2+s26+$0x0], $0xffff  }
0xeb: {  	v2 =	vld [tilespmem:s2+$0x0];
	_ =	sdelay $0x4  }
0xec: {  	v1 =	vmul.f32 v2, v1;
	_ =	sdelay $0x1  }
0xed: {  	s22 =	simm.s32 $0x1800;
	[tilespmem:s2+$0x0] =	vst v1  }
0xee: {  	[spmem:s1] =	stream.indirect.scatter.add.f32 [tilespmem:s22], [sflag:$0x1], $0x10, s10, s28, $0xb8;
	[tilespmem:$0x1D900] =	vst v63  }
0xef: {  	_ =	swait.ge [sflag:s23], $0x800  }
0xf0: {  	s2 =	simm.s32 $0x300;
	[sflag:s23] =	ssyncset.done $0x0  }
0xf1: {  	v1 =	vmov s2;
	[sflag:s23] =	ssyncadd.s32 $0xFFFFF800  }
0xf2: {  	[tilespmem:s22], [sflag:$0x1] =	stream.indirect.gather [hbm4b:s7+s28], $0x10, s2, s28, $0xb8;
	[tilespmem:$0x1D900] =	vst v63  }
0xf3: {  	_ =	swait.ge [sflag:s23], $0x800  }
0xf4: {  	[sflag:s23] =	ssyncset.done $0x0  }
0xf5: {  	[sflag:s23] =	ssyncadd.s32 $0xFFFFF800  }
0xf6: {  	v1 =	vld.idx.msk [tilespmem:v1+s26+$0x0], $0xffff  }
0xf7: {  	v3 =	vld [tilespmem:s22+$0x0];
	_ =	sdelay $0x1  }
0xf8: {  	s2 =	simm.s32 $0x301  }
0xf9: {  	v2 =	vmov s2;
	s2 =	simm.s32 $0x302  }
.LBB2_17:
0xfa: {  	p1 =	sne.s32 s2, $0x37F  }
0xfb: {  	v1 =	vmul.f32 v3, v1;
	_ =	sdelay $0x1  }
0xfc: {  	[tilespmem:s22+$0x0] =	vst v1  }
.Ltmp10:
0xfd: {  	s22 =	sadd.s32 $0x10, s22;
	v1 =	vld.idx.msk [tilespmem:v2+s26+$0x0], $0xffff;
	(pc) =	sbr.rel @p1 .LBB2_17-.Ltmp10, $2  }
0xfe: {  	v3 =	vld [tilespmem:s22+$0x0];
	_ =	sdelay $0x2  }
0xff: {  	v2 =	vmov s2;
	s2 =	sadd.s32 $0x1, s2  }
0x100: {  	_ = 	snop  }
0x101: {  	v1 =	vmul.f32 v3, v1;
	_ =	sdelay $0x1  }
0x102: {  	[tilespmem:s22+$0x0] =	vst v1  }
0x103: {  	s2 =	sadd.s32 $0x10, s22;
	v1 =	vld.idx.msk [tilespmem:v2+s26+$0x0], $0xffff  }
0x104: {  	v2 =	vld [tilespmem:s2+$0x0];
	_ =	sdelay $0x4  }
0x105: {  	v1 =	vmul.f32 v2, v1;
	_ =	sdelay $0x1  }
0x106: {  	s22 =	simm.s32 $0x1800;
	[tilespmem:s2+$0x0] =	vst v1  }
0x107: {  	[spmem:s1] =	stream.indirect.scatter.add.f32 [tilespmem:s22], [sflag:$0x1], $0x10, s11, s28, $0xb8;
	[tilespmem:$0x1D900] =	vst v63  }
0x108: {  	_ =	swait.ge [sflag:s23], $0x800  }
0x109: {  	s2 =	simm.s32 $0x380;
	[sflag:s23] =	ssyncset.done $0x0  }
0x10a: {  	v1 =	vmov s2;
	[sflag:s23] =	ssyncadd.s32 $0xFFFFF800  }
0x10b: {  	[tilespmem:s22], [sflag:$0x1] =	stream.indirect.gather [hbm4b:s7+s28], $0x10, s2, s28, $0xb8;
	[tilespmem:$0x1D900] =	vst v63  }
0x10c: {  	_ =	swait.ge [sflag:s23], $0x800  }
0x10d: {  	[sflag:s23] =	ssyncset.done $0x0  }
0x10e: {  	[sflag:s23] =	ssyncadd.s32 $0xFFFFF800  }
0x10f: {  	v1 =	vld.idx.msk [tilespmem:v1+s26+$0x0], $0xffff  }
0x110: {  	v3 =	vld [tilespmem:s22+$0x0];
	_ =	sdelay $0x1  }
0x111: {  	s2 =	simm.s32 $0x381  }
0x112: {  	v2 =	vmov s2;
	s2 =	simm.s32 $0x382  }
.LBB2_19:
0x113: {  	p1 =	sne.s32 s2, $0x3FF  }
0x114: {  	v1 =	vmul.f32 v3, v1;
	_ =	sdelay $0x1  }
0x115: {  	[tilespmem:s22+$0x0] =	vst v1  }
.Ltmp11:
0x116: {  	s22 =	sadd.s32 $0x10, s22;
	v1 =	vld.idx.msk [tilespmem:v2+s26+$0x0], $0xffff;
	(pc) =	sbr.rel @p1 .LBB2_19-.Ltmp11, $2  }
0x117: {  	v3 =	vld [tilespmem:s22+$0x0];
	_ =	sdelay $0x2  }
0x118: {  	v2 =	vmov s2;
	s2 =	sadd.s32 $0x1, s2  }
0x119: {  	_ = 	snop  }
0x11a: {  	v1 =	vmul.f32 v3, v1;
	_ =	sdelay $0x1  }
0x11b: {  	[tilespmem:s22+$0x0] =	vst v1  }
0x11c: {  	s2 =	sadd.s32 $0x10, s22;
	v1 =	vld.idx.msk [tilespmem:v2+s26+$0x0], $0xffff  }
0x11d: {  	v2 =	vld [tilespmem:s2+$0x0];
	_ =	sdelay $0x4  }
0x11e: {  	v1 =	vmul.f32 v2, v1;
	_ =	sdelay $0x1  }
0x11f: {  	s22 =	simm.s32 $0x1800;
	[tilespmem:s2+$0x0] =	vst v1  }
0x120: {  	[spmem:s1] =	stream.indirect.scatter.add.f32 [tilespmem:s22], [sflag:$0x1], $0x10, s3, s28, $0xb8;
	[tilespmem:$0x1D900] =	vst v63  }
0x121: {  	_ =	swait.ge [sflag:s23], $0x800  }
0x122: {  	s2 =	simm.s32 $0x400;
	[sflag:s23] =	ssyncset.done $0x0  }
0x123: {  	v1 =	vmov s2;
	[sflag:s23] =	ssyncadd.s32 $0xFFFFF800  }
0x124: {  	[tilespmem:s22], [sflag:$0x1] =	stream.indirect.gather [hbm4b:s7+s28], $0x10, s2, s28, $0xb8;
	[tilespmem:$0x1D900] =	vst v63  }
0x125: {  	_ =	swait.ge [sflag:s23], $0x800  }
0x126: {  	[sflag:s23] =	ssyncset.done $0x0  }
0x127: {  	[sflag:s23] =	ssyncadd.s32 $0xFFFFF800  }
0x128: {  	v1 =	vld.idx.msk [tilespmem:v1+s26+$0x0], $0xffff  }
0x129: {  	v3 =	vld [tilespmem:s22+$0x0];
	_ =	sdelay $0x1  }
0x12a: {  	s2 =	simm.s32 $0x401  }
0x12b: {  	v2 =	vmov s2;
	s2 =	simm.s32 $0x402  }
.LBB2_21:
0x12c: {  	p1 =	sne.s32 s2, $0x47F  }
0x12d: {  	v1 =	vmul.f32 v3, v1;
	_ =	sdelay $0x1  }
0x12e: {  	[tilespmem:s22+$0x0] =	vst v1  }
.Ltmp12:
0x12f: {  	s22 =	sadd.s32 $0x10, s22;
	v1 =	vld.idx.msk [tilespmem:v2+s26+$0x0], $0xffff;
	(pc) =	sbr.rel @p1 .LBB2_21-.Ltmp12, $2  }
0x130: {  	v3 =	vld [tilespmem:s22+$0x0];
	_ =	sdelay $0x2  }
0x131: {  	v2 =	vmov s2;
	s2 =	sadd.s32 $0x1, s2  }
0x132: {  	_ = 	snop  }
0x133: {  	v1 =	vmul.f32 v3, v1;
	_ =	sdelay $0x1  }
0x134: {  	[tilespmem:s22+$0x0] =	vst v1  }
0x135: {  	s2 =	sadd.s32 $0x10, s22;
	v1 =	vld.idx.msk [tilespmem:v2+s26+$0x0], $0xffff  }
0x136: {  	v2 =	vld [tilespmem:s2+$0x0];
	_ =	sdelay $0x4  }
0x137: {  	v1 =	vmul.f32 v2, v1;
	_ =	sdelay $0x1  }
0x138: {  	s22 =	simm.s32 $0x1800;
	[tilespmem:s2+$0x0] =	vst v1  }
0x139: {  	[spmem:s1] =	stream.indirect.scatter.add.f32 [tilespmem:s22], [sflag:$0x1], $0x10, s12, s28, $0xb8;
	[tilespmem:$0x1D900] =	vst v63  }
0x13a: {  	_ =	swait.ge [sflag:s23], $0x800  }
0x13b: {  	s2 =	simm.s32 $0x480;
	[sflag:s23] =	ssyncset.done $0x0  }
0x13c: {  	v1 =	vmov s2;
	[sflag:s23] =	ssyncadd.s32 $0xFFFFF800  }
0x13d: {  	[tilespmem:s22], [sflag:$0x1] =	stream.indirect.gather [hbm4b:s7+s28], $0x10, s2, s28, $0xb8;
	[tilespmem:$0x1D900] =	vst v63  }
0x13e: {  	_ =	swait.ge [sflag:s23], $0x800  }
0x13f: {  	[sflag:s23] =	ssyncset.done $0x0  }
0x140: {  	[sflag:s23] =	ssyncadd.s32 $0xFFFFF800  }
0x141: {  	v1 =	vld.idx.msk [tilespmem:v1+s26+$0x0], $0xffff  }
0x142: {  	v3 =	vld [tilespmem:s22+$0x0];
	_ =	sdelay $0x1  }
0x143: {  	s2 =	simm.s32 $0x481  }
0x144: {  	v2 =	vmov s2;
	s2 =	simm.s32 $0x482  }
.LBB2_23:
0x145: {  	p1 =	sne.s32 s2, $0x4FF  }
0x146: {  	v1 =	vmul.f32 v3, v1;
	_ =	sdelay $0x1  }
0x147: {  	[tilespmem:s22+$0x0] =	vst v1  }
.Ltmp13:
0x148: {  	s22 =	sadd.s32 $0x10, s22;
	v1 =	vld.idx.msk [tilespmem:v2+s26+$0x0], $0xffff;
	(pc) =	sbr.rel @p1 .LBB2_23-.Ltmp13, $2  }
0x149: {  	v3 =	vld [tilespmem:s22+$0x0];
	_ =	sdelay $0x2  }
0x14a: {  	v2 =	vmov s2;
	s2 =	sadd.s32 $0x1, s2  }
0x14b: {  	_ = 	snop  }
0x14c: {  	v1 =	vmul.f32 v3, v1;
	_ =	sdelay $0x1  }
0x14d: {  	[tilespmem:s22+$0x0] =	vst v1  }
0x14e: {  	s2 =	sadd.s32 $0x10, s22;
	v1 =	vld.idx.msk [tilespmem:v2+s26+$0x0], $0xffff  }
0x14f: {  	v2 =	vld [tilespmem:s2+$0x0];
	_ =	sdelay $0x4  }
0x150: {  	v1 =	vmul.f32 v2, v1;
	_ =	sdelay $0x1  }
0x151: {  	s22 =	simm.s32 $0x1800;
	[tilespmem:s2+$0x0] =	vst v1  }
0x152: {  	[spmem:s1] =	stream.indirect.scatter.add.f32 [tilespmem:s22], [sflag:$0x1], $0x10, s13, s28, $0xb8;
	[tilespmem:$0x1D900] =	vst v63  }
0x153: {  	_ =	swait.ge [sflag:s23], $0x800  }
0x154: {  	s2 =	simm.s32 $0x500;
	[sflag:s23] =	ssyncset.done $0x0  }
0x155: {  	v1 =	vmov s2;
	[sflag:s23] =	ssyncadd.s32 $0xFFFFF800  }
0x156: {  	[tilespmem:s22], [sflag:$0x1] =	stream.indirect.gather [hbm4b:s7+s28], $0x10, s2, s28, $0xb8;
	[tilespmem:$0x1D900] =	vst v63  }
0x157: {  	_ =	swait.ge [sflag:s23], $0x800  }
0x158: {  	[sflag:s23] =	ssyncset.done $0x0  }
0x159: {  	[sflag:s23] =	ssyncadd.s32 $0xFFFFF800  }
0x15a: {  	v1 =	vld.idx.msk [tilespmem:v1+s26+$0x0], $0xffff  }
0x15b: {  	v3 =	vld [tilespmem:s22+$0x0];
	_ =	sdelay $0x1  }
0x15c: {  	s2 =	simm.s32 $0x501  }
0x15d: {  	v2 =	vmov s2;
	s2 =	simm.s32 $0x502  }
.LBB2_25:
0x15e: {  	p1 =	sne.s32 s2, $0x57F  }
0x15f: {  	v1 =	vmul.f32 v3, v1;
	_ =	sdelay $0x1  }
0x160: {  	[tilespmem:s22+$0x0] =	vst v1  }
.Ltmp14:
0x161: {  	s22 =	sadd.s32 $0x10, s22;
	v1 =	vld.idx.msk [tilespmem:v2+s26+$0x0], $0xffff;
	(pc) =	sbr.rel @p1 .LBB2_25-.Ltmp14, $2  }
0x162: {  	v3 =	vld [tilespmem:s22+$0x0];
	_ =	sdelay $0x2  }
0x163: {  	v2 =	vmov s2;
	s2 =	sadd.s32 $0x1, s2  }
0x164: {  	_ = 	snop  }
0x165: {  	v1 =	vmul.f32 v3, v1;
	_ =	sdelay $0x1  }
0x166: {  	[tilespmem:s22+$0x0] =	vst v1  }
0x167: {  	s2 =	sadd.s32 $0x10, s22;
	v1 =	vld.idx.msk [tilespmem:v2+s26+$0x0], $0xffff  }
0x168: {  	v2 =	vld [tilespmem:s2+$0x0];
	_ =	sdelay $0x4  }
0x169: {  	v1 =	vmul.f32 v2, v1;
	_ =	sdelay $0x1  }
0x16a: {  	s22 =	simm.s32 $0x1800;
	[tilespmem:s2+$0x0] =	vst v1  }
0x16b: {  	[spmem:s1] =	stream.indirect.scatter.add.f32 [tilespmem:s22], [sflag:$0x1], $0x10, s15, s28, $0xb8;
	[tilespmem:$0x1D900] =	vst v63  }
0x16c: {  	_ =	swait.ge [sflag:s23], $0x800  }
0x16d: {  	s2 =	simm.s32 $0x580;
	[sflag:s23] =	ssyncset.done $0x0  }
0x16e: {  	v1 =	vmov s2;
	[sflag:s23] =	ssyncadd.s32 $0xFFFFF800  }
0x16f: {  	[tilespmem:s22], [sflag:$0x1] =	stream.indirect.gather [hbm4b:s7+s28], $0x10, s2, s28, $0xb8;
	[tilespmem:$0x1D900] =	vst v63  }
0x170: {  	_ =	swait.ge [sflag:s23], $0x800  }
0x171: {  	[sflag:s23] =	ssyncset.done $0x0  }
0x172: {  	[sflag:s23] =	ssyncadd.s32 $0xFFFFF800  }
0x173: {  	v1 =	vld.idx.msk [tilespmem:v1+s26+$0x0], $0xffff  }
0x174: {  	v3 =	vld [tilespmem:s22+$0x0];
	_ =	sdelay $0x1  }
0x175: {  	s2 =	simm.s32 $0x581  }
0x176: {  	v2 =	vmov s2;
	s2 =	simm.s32 $0x582  }
.LBB2_27:
0x177: {  	p1 =	sne.s32 s2, $0x5FF  }
0x178: {  	v1 =	vmul.f32 v3, v1;
	_ =	sdelay $0x1  }
0x179: {  	[tilespmem:s22+$0x0] =	vst v1  }
.Ltmp15:
0x17a: {  	s22 =	sadd.s32 $0x10, s22;
	v1 =	vld.idx.msk [tilespmem:v2+s26+$0x0], $0xffff;
	(pc) =	sbr.rel @p1 .LBB2_27-.Ltmp15, $2  }
0x17b: {  	v3 =	vld [tilespmem:s22+$0x0];
	_ =	sdelay $0x2  }
0x17c: {  	v2 =	vmov s2;
	s2 =	sadd.s32 $0x1, s2  }
0x17d: {  	_ = 	snop  }
0x17e: {  	v1 =	vmul.f32 v3, v1;
	_ =	sdelay $0x1  }
0x17f: {  	[tilespmem:s22+$0x0] =	vst v1  }
0x180: {  	s2 =	sadd.s32 $0x10, s22;
	v1 =	vld.idx.msk [tilespmem:v2+s26+$0x0], $0xffff  }
0x181: {  	v2 =	vld [tilespmem:s2+$0x0];
	_ =	sdelay $0x4  }
0x182: {  	v1 =	vmul.f32 v2, v1;
	_ =	sdelay $0x1  }
0x183: {  	s22 =	simm.s32 $0x1800;
	[tilespmem:s2+$0x0] =	vst v1  }
0x184: {  	[spmem:s1] =	stream.indirect.scatter.add.f32 [tilespmem:s22], [sflag:$0x1], $0x10, s16, s28, $0xb8;
	[tilespmem:$0x1D900] =	vst v63  }
0x185: {  	_ =	swait.ge [sflag:s23], $0x800  }
0x186: {  	s2 =	simm.s32 $0x600;
	[sflag:s23] =	ssyncset.done $0x0  }
0x187: {  	v1 =	vmov s2;
	[sflag:s23] =	ssyncadd.s32 $0xFFFFF800  }
0x188: {  	[tilespmem:s22], [sflag:$0x1] =	stream.indirect.gather [hbm4b:s7+s28], $0x10, s2, s28, $0xb8;
	[tilespmem:$0x1D900] =	vst v63  }
0x189: {  	_ =	swait.ge [sflag:s23], $0x800  }
0x18a: {  	[sflag:s23] =	ssyncset.done $0x0  }
0x18b: {  	[sflag:s23] =	ssyncadd.s32 $0xFFFFF800  }
0x18c: {  	v1 =	vld.idx.msk [tilespmem:v1+s26+$0x0], $0xffff  }
0x18d: {  	v3 =	vld [tilespmem:s22+$0x0];
	_ =	sdelay $0x1  }
0x18e: {  	s2 =	simm.s32 $0x601  }
0x18f: {  	v2 =	vmov s2;
	s2 =	simm.s32 $0x602  }
.LBB2_29:
0x190: {  	p1 =	sne.s32 s2, $0x67F  }
0x191: {  	v1 =	vmul.f32 v3, v1;
	_ =	sdelay $0x1  }
0x192: {  	[tilespmem:s22+$0x0] =	vst v1  }
.Ltmp16:
0x193: {  	s22 =	sadd.s32 $0x10, s22;
	v1 =	vld.idx.msk [tilespmem:v2+s26+$0x0], $0xffff;
	(pc) =	sbr.rel @p1 .LBB2_29-.Ltmp16, $2  }
0x194: {  	v3 =	vld [tilespmem:s22+$0x0];
	_ =	sdelay $0x2  }
0x195: {  	v2 =	vmov s2;
	s2 =	sadd.s32 $0x1, s2  }
0x196: {  	_ = 	snop  }
0x197: {  	v1 =	vmul.f32 v3, v1;
	_ =	sdelay $0x1  }
0x198: {  	[tilespmem:s22+$0x0] =	vst v1  }
0x199: {  	s2 =	sadd.s32 $0x10, s22;
	v1 =	vld.idx.msk [tilespmem:v2+s26+$0x0], $0xffff  }
0x19a: {  	v2 =	vld [tilespmem:s2+$0x0];
	_ =	sdelay $0x4  }
0x19b: {  	v1 =	vmul.f32 v2, v1;
	_ =	sdelay $0x1  }
0x19c: {  	s22 =	simm.s32 $0x1800;
	[tilespmem:s2+$0x0] =	vst v1  }
0x19d: {  	[spmem:s1] =	stream.indirect.scatter.add.f32 [tilespmem:s22], [sflag:$0x1], $0x10, s17, s28, $0xb8;
	[tilespmem:$0x1D900] =	vst v63  }
0x19e: {  	_ =	swait.ge [sflag:s23], $0x800  }
0x19f: {  	s2 =	simm.s32 $0x680;
	[sflag:s23] =	ssyncset.done $0x0  }
0x1a0: {  	v1 =	vmov s2;
	[sflag:s23] =	ssyncadd.s32 $0xFFFFF800  }
0x1a1: {  	[tilespmem:s22], [sflag:$0x1] =	stream.indirect.gather [hbm4b:s7+s28], $0x10, s2, s28, $0xb8;
	[tilespmem:$0x1D900] =	vst v63  }
0x1a2: {  	_ =	swait.ge [sflag:s23], $0x800  }
0x1a3: {  	[sflag:s23] =	ssyncset.done $0x0  }
0x1a4: {  	[sflag:s23] =	ssyncadd.s32 $0xFFFFF800  }
0x1a5: {  	v1 =	vld.idx.msk [tilespmem:v1+s26+$0x0], $0xffff  }
0x1a6: {  	v3 =	vld [tilespmem:s22+$0x0];
	_ =	sdelay $0x1  }
0x1a7: {  	s2 =	simm.s32 $0x681  }
0x1a8: {  	v2 =	vmov s2;
	s2 =	simm.s32 $0x682  }
.LBB2_31:
0x1a9: {  	p1 =	sne.s32 s2, $0x6FF  }
0x1aa: {  	v1 =	vmul.f32 v3, v1;
	_ =	sdelay $0x1  }
0x1ab: {  	[tilespmem:s22+$0x0] =	vst v1  }
.Ltmp17:
0x1ac: {  	s22 =	sadd.s32 $0x10, s22;
	v1 =	vld.idx.msk [tilespmem:v2+s26+$0x0], $0xffff;
	(pc) =	sbr.rel @p1 .LBB2_31-.Ltmp17, $2  }
0x1ad: {  	v3 =	vld [tilespmem:s22+$0x0];
	_ =	sdelay $0x2  }
0x1ae: {  	v2 =	vmov s2;
	s2 =	sadd.s32 $0x1, s2  }
0x1af: {  	_ = 	snop  }
0x1b0: {  	v1 =	vmul.f32 v3, v1;
	_ =	sdelay $0x1  }
0x1b1: {  	[tilespmem:s22+$0x0] =	vst v1  }
0x1b2: {  	s2 =	sadd.s32 $0x10, s22;
	v1 =	vld.idx.msk [tilespmem:v2+s26+$0x0], $0xffff  }
0x1b3: {  	v2 =	vld [tilespmem:s2+$0x0];
	_ =	sdelay $0x4  }
0x1b4: {  	v1 =	vmul.f32 v2, v1;
	_ =	sdelay $0x1  }
0x1b5: {  	s22 =	simm.s32 $0x1800;
	[tilespmem:s2+$0x0] =	vst v1  }
0x1b6: {  	[spmem:s1] =	stream.indirect.scatter.add.f32 [tilespmem:s22], [sflag:$0x1], $0x10, s18, s28, $0xb8;
	[tilespmem:$0x1D900] =	vst v63  }
0x1b7: {  	_ =	swait.ge [sflag:s23], $0x800  }
0x1b8: {  	s2 =	simm.s32 $0x700;
	[sflag:s23] =	ssyncset.done $0x0  }
0x1b9: {  	v1 =	vmov s2;
	[sflag:s23] =	ssyncadd.s32 $0xFFFFF800  }
0x1ba: {  	[tilespmem:s22], [sflag:$0x1] =	stream.indirect.gather [hbm4b:s7+s28], $0x10, s2, s28, $0xb8;
	[tilespmem:$0x1D900] =	vst v63  }
0x1bb: {  	_ =	swait.ge [sflag:s23], $0x800  }
0x1bc: {  	[sflag:s23] =	ssyncset.done $0x0  }
0x1bd: {  	[sflag:s23] =	ssyncadd.s32 $0xFFFFF800  }
0x1be: {  	v1 =	vld.idx.msk [tilespmem:v1+s26+$0x0], $0xffff  }
0x1bf: {  	v3 =	vld [tilespmem:s22+$0x0];
	_ =	sdelay $0x1  }
0x1c0: {  	s2 =	simm.s32 $0x701  }
0x1c1: {  	v2 =	vmov s2;
	s2 =	simm.s32 $0x702  }
.LBB2_33:
0x1c2: {  	p1 =	sne.s32 s2, $0x77F  }
0x1c3: {  	v1 =	vmul.f32 v3, v1;
	_ =	sdelay $0x1  }
0x1c4: {  	[tilespmem:s22+$0x0] =	vst v1  }
.Ltmp18:
0x1c5: {  	s22 =	sadd.s32 $0x10, s22;
	v1 =	vld.idx.msk [tilespmem:v2+s26+$0x0], $0xffff;
	(pc) =	sbr.rel @p1 .LBB2_33-.Ltmp18, $2  }
0x1c6: {  	v3 =	vld [tilespmem:s22+$0x0];
	_ =	sdelay $0x2  }
0x1c7: {  	v2 =	vmov s2;
	s2 =	sadd.s32 $0x1, s2  }
0x1c8: {  	_ = 	snop  }
0x1c9: {  	v1 =	vmul.f32 v3, v1;
	_ =	sdelay $0x1  }
0x1ca: {  	[tilespmem:s22+$0x0] =	vst v1  }
0x1cb: {  	s2 =	sadd.s32 $0x10, s22;
	v1 =	vld.idx.msk [tilespmem:v2+s26+$0x0], $0xffff  }
0x1cc: {  	v2 =	vld [tilespmem:s2+$0x0];
	_ =	sdelay $0x4  }
0x1cd: {  	v1 =	vmul.f32 v2, v1;
	_ =	sdelay $0x1  }
0x1ce: {  	s22 =	simm.s32 $0x1800;
	[tilespmem:s2+$0x0] =	vst v1  }
0x1cf: {  	[spmem:s1] =	stream.indirect.scatter.add.f32 [tilespmem:s22], [sflag:$0x1], $0x10, s19, s28, $0xb8;
	[tilespmem:$0x1D900] =	vst v63  }
0x1d0: {  	_ =	swait.ge [sflag:s23], $0x800  }
0x1d1: {  	s2 =	simm.s32 $0x780;
	[sflag:s23] =	ssyncset.done $0x0  }
0x1d2: {  	v1 =	vmov s2;
	[sflag:s23] =	ssyncadd.s32 $0xFFFFF800  }
0x1d3: {  	[tilespmem:s22], [sflag:$0x1] =	stream.indirect.gather [hbm4b:s7+s28], $0x10, s2, s28, $0xb8;
	[tilespmem:$0x1D900] =	vst v63  }
0x1d4: {  	_ =	swait.ge [sflag:s23], $0x800  }
0x1d5: {  	[sflag:s23] =	ssyncset.done $0x0  }
0x1d6: {  	[sflag:s23] =	ssyncadd.s32 $0xFFFFF800  }
0x1d7: {  	v1 =	vld.idx.msk [tilespmem:v1+s26+$0x0], $0xffff  }
0x1d8: {  	v3 =	vld [tilespmem:s22+$0x0];
	_ =	sdelay $0x1  }
0x1d9: {  	s2 =	simm.s32 $0x781  }
0x1da: {  	v2 =	vmov s2;
	s2 =	simm.s32 $0x782  }
.LBB2_35:
0x1db: {  	p1 =	sne.s32 s2, $0x7FF  }
0x1dc: {  	v1 =	vmul.f32 v3, v1;
	_ =	sdelay $0x1  }
0x1dd: {  	[tilespmem:s22+$0x0] =	vst v1  }
.Ltmp19:
0x1de: {  	s22 =	sadd.s32 $0x10, s22;
	v1 =	vld.idx.msk [tilespmem:v2+s26+$0x0], $0xffff;
	(pc) =	sbr.rel @p1 .LBB2_35-.Ltmp19, $2  }
0x1df: {  	v3 =	vld [tilespmem:s22+$0x0];
	_ =	sdelay $0x2  }
0x1e0: {  	v2 =	vmov s2;
	s2 =	sadd.s32 $0x1, s2  }
0x1e1: {  	_ = 	snop  }
0x1e2: {  	v1 =	vmul.f32 v3, v1;
	_ =	sdelay $0x1  }
0x1e3: {  	[tilespmem:s22+$0x0] =	vst v1  }
0x1e4: {  	s2 =	sadd.s32 $0x10, s22;
	v1 =	vld.idx.msk [tilespmem:v2+s26+$0x0], $0xffff  }
0x1e5: {  	v2 =	vld [tilespmem:s2+$0x0];
	_ =	sdelay $0x4  }
0x1e6: {  	s14 =	sadd.s32 $0x1, s14;
	v1 =	vmul.f32 v2, v1  }
0x1e7: {  	p1 =	seq.s32 s14, $0x31  }
.Ltmp20:
0x1e8: {  	[tilespmem:s2+$0x0] =	vst v1;
	(pc) =	sbr.rel @!p1 .LBB2_4-.Ltmp20, $4  }
0x1e9: {  	[spmem:s1] =	stream.indirect.scatter.add.f32 [tilespmem:s21], [sflag:$0x1], $0x10, s20, s28, $0xb8;
	[tilespmem:$0x1D900] =	vst v63  }
0x1ea: {  	_ =	swait.ge [sflag:s23], $0x800  }
0x1eb: {  	[sflag:s23] =	ssyncset.done $0x0  }
0x1ec: {  	[sflag:s23] =	ssyncadd.s32 $0xFFFFF800  }
.Ltmp21:
0x1ed: {  	(pc) =	sbr.rel .LBB2_72-.Ltmp21, $3  }
0x1ee: {  	_ =	sdelay $0x1  }
0x1ef: {  	s2 =	rddreg [dreg:$0x4]  }
0x1f0: {  	s22 =	rddreg [dreg:$0x3]  }
.LBB2_38:
0x1f1: {  	s2 =	sshll.u32 s22, $0xB  }
0x1f2: {  	s2 =	sadd.s32 s8, s2  }
0x1f3: {  	s2 =	sshrl.u32 s2, $0x3  }
0x1f4: {  	s14 =	sadd.s32 s4, s2  }
0x1f5: {  	[tilespmem:s25], [sflag:$0x1] =	stream.linear.gather [hbm4b:s14+s25], $0x800, $0x38;
	[tilespmem:$0x1D900] =	vst v63  }
0x1f6: {  	_ =	swait.ge [sflag:s23], $0x800  }
0x1f7: {  	[sflag:s23] =	ssyncset.done $0x0  }
0x1f8: {  	s14 =	sadd.s32 s5, s2;
	[sflag:s23] =	ssyncadd.s32 $0xFFFFF800  }
0x1f9: {  	[tilespmem:s24], [sflag:$0x1] =	stream.linear.gather [hbm4b:s14+s25], $0x800, $0x38;
	[tilespmem:$0x1D900] =	vst v63  }
0x1fa: {  	_ =	swait.ge [sflag:s23], $0x800  }
0x1fb: {  	[sflag:s23] =	ssyncset.done $0x0  }
0x1fc: {  	s2 =	sadd.s32 s6, s2;
	[sflag:s23] =	ssyncadd.s32 $0xFFFFF800  }
0x1fd: {  	[tilespmem:s26], [sflag:$0x1] =	stream.linear.gather [hbm4b:s2+s25], $0x800, $0x38;
	[tilespmem:$0x1D900] =	vst v63  }
0x1fe: {  	_ =	swait.ge [sflag:s23], $0x800  }
0x1ff: {  	[sflag:s23] =	ssyncset.done $0x0  }
0x200: {  	v1 =	vmov s25;
	s14 =	simm.s32 $0x1800;
	[sflag:s23] =	ssyncadd.s32 $0xFFFFF800  }
0x201: {  	[tilespmem:s14], [sflag:$0x1] =	stream.indirect.gather [hbm4b:s9+s28], $0x10, s25, s28, $0xb8;
	[tilespmem:$0x1D900] =	vst v63  }
0x202: {  	_ =	swait.ge [sflag:s23], $0x800  }
0x203: {  	[sflag:s23] =	ssyncset.done $0x0  }
0x204: {  	[sflag:s23] =	ssyncadd.s32 $0xFFFFF800  }
0x205: {  	v1 =	vld.idx.msk [tilespmem:v1+s26+$0x0], $0xffff  }
0x206: {  	v3 =	vld [tilespmem:s14+$0x0];
	_ =	sdelay $0x1  }
0x207: {  	s2 =	simm.s32 $0x1  }
0x208: {  	v2 =	vmov s2;
	s2 =	simm.s32 $0x2  }
.LBB2_39:
0x209: {  	p1 =	sne.s32 s2, $0x7F  }
0x20a: {  	v1 =	vmul.f32 v3, v1;
	_ =	sdelay $0x1  }
0x20b: {  	[tilespmem:s14+$0x0] =	vst v1  }
.Ltmp22:
0x20c: {  	s14 =	sadd.s32 $0x10, s14;
	v1 =	vld.idx.msk [tilespmem:v2+s26+$0x0], $0xffff;
	(pc) =	sbr.rel @p1 .LBB2_39-.Ltmp22, $2  }
0x20d: {  	v3 =	vld [tilespmem:s14+$0x0];
	_ =	sdelay $0x2  }
0x20e: {  	v2 =	vmov s2;
	s2 =	sadd.s32 $0x1, s2  }
0x20f: {  	_ = 	snop  }
0x210: {  	v1 =	vmul.f32 v3, v1;
	_ =	sdelay $0x1  }
0x211: {  	[tilespmem:s14+$0x0] =	vst v1  }
0x212: {  	s2 =	sadd.s32 $0x10, s14;
	v1 =	vld.idx.msk [tilespmem:v2+s26+$0x0], $0xffff  }
0x213: {  	v2 =	vld [tilespmem:s2+$0x0];
	_ =	sdelay $0x4  }
0x214: {  	v1 =	vmul.f32 v2, v1;
	_ =	sdelay $0x1  }
0x215: {  	s14 =	simm.s32 $0x1800;
	[tilespmem:s2+$0x0] =	vst v1;
	s2 =	simm.s32 $0x80  }
0x216: {  	[spmem:s1] =	stream.indirect.scatter.add.f32 [tilespmem:s14], [sflag:$0x1], $0x10, s24, s2, $0xb8;
	[tilespmem:$0x1D900] =	vst v63  }
0x217: {  	_ =	swait.ge [sflag:s23], $0x800  }
0x218: {  	[sflag:s23] =	ssyncset.done $0x0  }
0x219: {  	v1 =	vmov s2;
	[sflag:s23] =	ssyncadd.s32 $0xFFFFF800  }
0x21a: {  	[tilespmem:s14], [sflag:$0x1] =	stream.indirect.gather [hbm4b:s9+s2], $0x10, s2, s2, $0xb8;
	[tilespmem:$0x1D900] =	vst v63  }
0x21b: {  	_ =	swait.ge [sflag:s23], $0x800  }
0x21c: {  	[sflag:s23] =	ssyncset.done $0x0  }
0x21d: {  	[sflag:s23] =	ssyncadd.s32 $0xFFFFF800  }
0x21e: {  	v1 =	vld.idx.msk [tilespmem:v1+s26+$0x0], $0xffff  }
0x21f: {  	v3 =	vld [tilespmem:s14+$0x0];
	_ =	sdelay $0x1  }
0x220: {  	s2 =	simm.s32 $0x81  }
0x221: {  	v2 =	vmov s2;
	s2 =	simm.s32 $0x82  }
.LBB2_41:
0x222: {  	p1 =	sne.s32 s2, $0xFF  }
0x223: {  	v1 =	vmul.f32 v3, v1;
	_ =	sdelay $0x1  }
0x224: {  	[tilespmem:s14+$0x0] =	vst v1  }
.Ltmp23:
0x225: {  	s14 =	sadd.s32 $0x10, s14;
	v1 =	vld.idx.msk [tilespmem:v2+s26+$0x0], $0xffff;
	(pc) =	sbr.rel @p1 .LBB2_41-.Ltmp23, $2  }
0x226: {  	v3 =	vld [tilespmem:s14+$0x0];
	_ =	sdelay $0x2  }
0x227: {  	v2 =	vmov s2;
	s2 =	sadd.s32 $0x1, s2  }
0x228: {  	_ = 	snop  }
0x229: {  	v1 =	vmul.f32 v3, v1;
	_ =	sdelay $0x1  }
0x22a: {  	[tilespmem:s14+$0x0] =	vst v1  }
0x22b: {  	s2 =	sadd.s32 $0x10, s14;
	v1 =	vld.idx.msk [tilespmem:v2+s26+$0x0], $0xffff  }
0x22c: {  	v2 =	vld [tilespmem:s2+$0x0];
	_ =	sdelay $0x4  }
0x22d: {  	v1 =	vmul.f32 v2, v1;
	_ =	sdelay $0x1  }
0x22e: {  	s14 =	simm.s32 $0x1800;
	[tilespmem:s2+$0x0] =	vst v1  }
0x22f: {  	[spmem:s1] =	stream.indirect.scatter.add.f32 [tilespmem:s14], [sflag:$0x1], $0x10, s29, s28, $0xb8;
	[tilespmem:$0x1D900] =	vst v63  }
0x230: {  	_ =	swait.ge [sflag:s23], $0x800  }
0x231: {  	s2 =	simm.s32 $0x100;
	[sflag:s23] =	ssyncset.done $0x0  }
0x232: {  	v1 =	vmov s2;
	[sflag:s23] =	ssyncadd.s32 $0xFFFFF800  }
0x233: {  	[tilespmem:s14], [sflag:$0x1] =	stream.indirect.gather [hbm4b:s9+s28], $0x10, s2, s28, $0xb8;
	[tilespmem:$0x1D900] =	vst v63  }
0x234: {  	_ =	swait.ge [sflag:s23], $0x800  }
0x235: {  	[sflag:s23] =	ssyncset.done $0x0  }
0x236: {  	[sflag:s23] =	ssyncadd.s32 $0xFFFFF800  }
0x237: {  	v1 =	vld.idx.msk [tilespmem:v1+s26+$0x0], $0xffff  }
0x238: {  	v3 =	vld [tilespmem:s14+$0x0];
	_ =	sdelay $0x1  }
0x239: {  	s2 =	simm.s32 $0x101  }
0x23a: {  	v2 =	vmov s2;
	s2 =	simm.s32 $0x102  }
.LBB2_43:
0x23b: {  	p1 =	sne.s32 s2, $0x17F  }
0x23c: {  	v1 =	vmul.f32 v3, v1;
	_ =	sdelay $0x1  }
0x23d: {  	[tilespmem:s14+$0x0] =	vst v1  }
.Ltmp24:
0x23e: {  	s14 =	sadd.s32 $0x10, s14;
	v1 =	vld.idx.msk [tilespmem:v2+s26+$0x0], $0xffff;
	(pc) =	sbr.rel @p1 .LBB2_43-.Ltmp24, $2  }
0x23f: {  	v3 =	vld [tilespmem:s14+$0x0];
	_ =	sdelay $0x2  }
0x240: {  	v2 =	vmov s2;
	s2 =	sadd.s32 $0x1, s2  }
0x241: {  	_ = 	snop  }
0x242: {  	v1 =	vmul.f32 v3, v1;
	_ =	sdelay $0x1  }
0x243: {  	[tilespmem:s14+$0x0] =	vst v1  }
0x244: {  	s2 =	sadd.s32 $0x10, s14;
	v1 =	vld.idx.msk [tilespmem:v2+s26+$0x0], $0xffff  }
0x245: {  	v2 =	vld [tilespmem:s2+$0x0];
	_ =	sdelay $0x4  }
0x246: {  	v1 =	vmul.f32 v2, v1;
	_ =	sdelay $0x1  }
0x247: {  	s14 =	simm.s32 $0x1800;
	[tilespmem:s2+$0x0] =	vst v1  }
0x248: {  	[spmem:s1] =	stream.indirect.scatter.add.f32 [tilespmem:s14], [sflag:$0x1], $0x10, s30, s28, $0xb8;
	[tilespmem:$0x1D900] =	vst v63  }
0x249: {  	_ =	swait.ge [sflag:s23], $0x800  }
0x24a: {  	s2 =	simm.s32 $0x180;
	[sflag:s23] =	ssyncset.done $0x0  }
0x24b: {  	v1 =	vmov s2;
	[sflag:s23] =	ssyncadd.s32 $0xFFFFF800  }
0x24c: {  	[tilespmem:s14], [sflag:$0x1] =	stream.indirect.gather [hbm4b:s9+s28], $0x10, s2, s28, $0xb8;
	[tilespmem:$0x1D900] =	vst v63  }
0x24d: {  	_ =	swait.ge [sflag:s23], $0x800  }
0x24e: {  	[sflag:s23] =	ssyncset.done $0x0  }
0x24f: {  	[sflag:s23] =	ssyncadd.s32 $0xFFFFF800  }
0x250: {  	v1 =	vld.idx.msk [tilespmem:v1+s26+$0x0], $0xffff  }
0x251: {  	v3 =	vld [tilespmem:s14+$0x0];
	_ =	sdelay $0x1  }
0x252: {  	s2 =	simm.s32 $0x181  }
0x253: {  	v2 =	vmov s2;
	s2 =	simm.s32 $0x182  }
.LBB2_45:
0x254: {  	p1 =	sne.s32 s2, $0x1FF  }
0x255: {  	v1 =	vmul.f32 v3, v1;
	_ =	sdelay $0x1  }
0x256: {  	[tilespmem:s14+$0x0] =	vst v1  }
.Ltmp25:
0x257: {  	s14 =	sadd.s32 $0x10, s14;
	v1 =	vld.idx.msk [tilespmem:v2+s26+$0x0], $0xffff;
	(pc) =	sbr.rel @p1 .LBB2_45-.Ltmp25, $2  }
0x258: {  	v3 =	vld [tilespmem:s14+$0x0];
	_ =	sdelay $0x2  }
0x259: {  	v2 =	vmov s2;
	s2 =	sadd.s32 $0x1, s2  }
0x25a: {  	_ = 	snop  }
0x25b: {  	v1 =	vmul.f32 v3, v1;
	_ =	sdelay $0x1  }
0x25c: {  	[tilespmem:s14+$0x0] =	vst v1  }
0x25d: {  	s2 =	sadd.s32 $0x10, s14;
	v1 =	vld.idx.msk [tilespmem:v2+s26+$0x0], $0xffff  }
0x25e: {  	v2 =	vld [tilespmem:s2+$0x0];
	_ =	sdelay $0x4  }
0x25f: {  	v1 =	vmul.f32 v2, v1;
	_ =	sdelay $0x1  }
0x260: {  	s14 =	simm.s32 $0x1800;
	[tilespmem:s2+$0x0] =	vst v1  }
0x261: {  	[spmem:s1] =	stream.indirect.scatter.add.f32 [tilespmem:s14], [sflag:$0x1], $0x10, s31, s28, $0xb8;
	[tilespmem:$0x1D900] =	vst v63  }
0x262: {  	_ =	swait.ge [sflag:s23], $0x800  }
0x263: {  	s2 =	simm.s32 $0x200;
	[sflag:s23] =	ssyncset.done $0x0  }
0x264: {  	v1 =	vmov s2;
	[sflag:s23] =	ssyncadd.s32 $0xFFFFF800  }
0x265: {  	[tilespmem:s14], [sflag:$0x1] =	stream.indirect.gather [hbm4b:s9+s28], $0x10, s2, s28, $0xb8;
	[tilespmem:$0x1D900] =	vst v63  }
0x266: {  	_ =	swait.ge [sflag:s23], $0x800  }
0x267: {  	[sflag:s23] =	ssyncset.done $0x0  }
0x268: {  	[sflag:s23] =	ssyncadd.s32 $0xFFFFF800  }
0x269: {  	v1 =	vld.idx.msk [tilespmem:v1+s26+$0x0], $0xffff  }
0x26a: {  	v3 =	vld [tilespmem:s14+$0x0];
	_ =	sdelay $0x1  }
0x26b: {  	s2 =	simm.s32 $0x201  }
0x26c: {  	v2 =	vmov s2;
	s2 =	simm.s32 $0x202  }
.LBB2_47:
0x26d: {  	p1 =	sne.s32 s2, $0x27F  }
0x26e: {  	v1 =	vmul.f32 v3, v1;
	_ =	sdelay $0x1  }
0x26f: {  	[tilespmem:s14+$0x0] =	vst v1  }
.Ltmp26:
0x270: {  	s14 =	sadd.s32 $0x10, s14;
	v1 =	vld.idx.msk [tilespmem:v2+s26+$0x0], $0xffff;
	(pc) =	sbr.rel @p1 .LBB2_47-.Ltmp26, $2  }
0x271: {  	v3 =	vld [tilespmem:s14+$0x0];
	_ =	sdelay $0x2  }
0x272: {  	v2 =	vmov s2;
	s2 =	sadd.s32 $0x1, s2  }
0x273: {  	_ = 	snop  }
0x274: {  	v1 =	vmul.f32 v3, v1;
	_ =	sdelay $0x1  }
0x275: {  	[tilespmem:s14+$0x0] =	vst v1  }
0x276: {  	s2 =	sadd.s32 $0x10, s14;
	v1 =	vld.idx.msk [tilespmem:v2+s26+$0x0], $0xffff  }
0x277: {  	v2 =	vld [tilespmem:s2+$0x0];
	_ =	sdelay $0x4  }
0x278: {  	v1 =	vmul.f32 v2, v1;
	_ =	sdelay $0x1  }
0x279: {  	s14 =	simm.s32 $0x1800;
	[tilespmem:s2+$0x0] =	vst v1  }
0x27a: {  	[spmem:s1] =	stream.indirect.scatter.add.f32 [tilespmem:s14], [sflag:$0x1], $0x10, s0, s28, $0xb8;
	[tilespmem:$0x1D900] =	vst v63  }
0x27b: {  	_ =	swait.ge [sflag:s23], $0x800  }
0x27c: {  	s2 =	simm.s32 $0x280;
	[sflag:s23] =	ssyncset.done $0x0  }
0x27d: {  	v1 =	vmov s2;
	[sflag:s23] =	ssyncadd.s32 $0xFFFFF800  }
0x27e: {  	[tilespmem:s14], [sflag:$0x1] =	stream.indirect.gather [hbm4b:s9+s28], $0x10, s2, s28, $0xb8;
	[tilespmem:$0x1D900] =	vst v63  }
0x27f: {  	_ =	swait.ge [sflag:s23], $0x800  }
0x280: {  	[sflag:s23] =	ssyncset.done $0x0  }
0x281: {  	[sflag:s23] =	ssyncadd.s32 $0xFFFFF800  }
0x282: {  	v1 =	vld.idx.msk [tilespmem:v1+s26+$0x0], $0xffff  }
0x283: {  	v3 =	vld [tilespmem:s14+$0x0];
	_ =	sdelay $0x1  }
0x284: {  	s2 =	simm.s32 $0x281  }
0x285: {  	v2 =	vmov s2;
	s2 =	simm.s32 $0x282  }
.LBB2_49:
0x286: {  	p1 =	sne.s32 s2, $0x2FF  }
0x287: {  	v1 =	vmul.f32 v3, v1;
	_ =	sdelay $0x1  }
0x288: {  	[tilespmem:s14+$0x0] =	vst v1  }
.Ltmp27:
0x289: {  	s14 =	sadd.s32 $0x10, s14;
	v1 =	vld.idx.msk [tilespmem:v2+s26+$0x0], $0xffff;
	(pc) =	sbr.rel @p1 .LBB2_49-.Ltmp27, $2  }
0x28a: {  	v3 =	vld [tilespmem:s14+$0x0];
	_ =	sdelay $0x2  }
0x28b: {  	v2 =	vmov s2;
	s2 =	sadd.s32 $0x1, s2  }
0x28c: {  	_ = 	snop  }
0x28d: {  	v1 =	vmul.f32 v3, v1;
	_ =	sdelay $0x1  }
0x28e: {  	[tilespmem:s14+$0x0] =	vst v1  }
0x28f: {  	s2 =	sadd.s32 $0x10, s14;
	v1 =	vld.idx.msk [tilespmem:v2+s26+$0x0], $0xffff  }
0x290: {  	v2 =	vld [tilespmem:s2+$0x0];
	_ =	sdelay $0x4  }
0x291: {  	v1 =	vmul.f32 v2, v1;
	_ =	sdelay $0x1  }
0x292: {  	s14 =	simm.s32 $0x1800;
	[tilespmem:s2+$0x0] =	vst v1  }
0x293: {  	[spmem:s1] =	stream.indirect.scatter.add.f32 [tilespmem:s14], [sflag:$0x1], $0x10, s10, s28, $0xb8;
	[tilespmem:$0x1D900] =	vst v63  }
0x294: {  	_ =	swait.ge [sflag:s23], $0x800  }
0x295: {  	s2 =	simm.s32 $0x300;
	[sflag:s23] =	ssyncset.done $0x0  }
0x296: {  	v1 =	vmov s2;
	[sflag:s23] =	ssyncadd.s32 $0xFFFFF800  }
0x297: {  	[tilespmem:s14], [sflag:$0x1] =	stream.indirect.gather [hbm4b:s9+s28], $0x10, s2, s28, $0xb8;
	[tilespmem:$0x1D900] =	vst v63  }
0x298: {  	_ =	swait.ge [sflag:s23], $0x800  }
0x299: {  	[sflag:s23] =	ssyncset.done $0x0  }
0x29a: {  	[sflag:s23] =	ssyncadd.s32 $0xFFFFF800  }
0x29b: {  	v1 =	vld.idx.msk [tilespmem:v1+s26+$0x0], $0xffff  }
0x29c: {  	v3 =	vld [tilespmem:s14+$0x0];
	_ =	sdelay $0x1  }
0x29d: {  	s2 =	simm.s32 $0x301  }
0x29e: {  	v2 =	vmov s2;
	s2 =	simm.s32 $0x302  }
.LBB2_51:
0x29f: {  	p1 =	sne.s32 s2, $0x37F  }
0x2a0: {  	v1 =	vmul.f32 v3, v1;
	_ =	sdelay $0x1  }
0x2a1: {  	[tilespmem:s14+$0x0] =	vst v1  }
.Ltmp28:
0x2a2: {  	s14 =	sadd.s32 $0x10, s14;
	v1 =	vld.idx.msk [tilespmem:v2+s26+$0x0], $0xffff;
	(pc) =	sbr.rel @p1 .LBB2_51-.Ltmp28, $2  }
0x2a3: {  	v3 =	vld [tilespmem:s14+$0x0];
	_ =	sdelay $0x2  }
0x2a4: {  	v2 =	vmov s2;
	s2 =	sadd.s32 $0x1, s2  }
0x2a5: {  	_ = 	snop  }
0x2a6: {  	v1 =	vmul.f32 v3, v1;
	_ =	sdelay $0x1  }
0x2a7: {  	[tilespmem:s14+$0x0] =	vst v1  }
0x2a8: {  	s2 =	sadd.s32 $0x10, s14;
	v1 =	vld.idx.msk [tilespmem:v2+s26+$0x0], $0xffff  }
0x2a9: {  	v2 =	vld [tilespmem:s2+$0x0];
	_ =	sdelay $0x4  }
0x2aa: {  	v1 =	vmul.f32 v2, v1;
	_ =	sdelay $0x1  }
0x2ab: {  	s14 =	simm.s32 $0x1800;
	[tilespmem:s2+$0x0] =	vst v1  }
0x2ac: {  	[spmem:s1] =	stream.indirect.scatter.add.f32 [tilespmem:s14], [sflag:$0x1], $0x10, s11, s28, $0xb8;
	[tilespmem:$0x1D900] =	vst v63  }
0x2ad: {  	_ =	swait.ge [sflag:s23], $0x800  }
0x2ae: {  	s2 =	simm.s32 $0x380;
	[sflag:s23] =	ssyncset.done $0x0  }
0x2af: {  	v1 =	vmov s2;
	[sflag:s23] =	ssyncadd.s32 $0xFFFFF800  }
0x2b0: {  	[tilespmem:s14], [sflag:$0x1] =	stream.indirect.gather [hbm4b:s9+s28], $0x10, s2, s28, $0xb8;
	[tilespmem:$0x1D900] =	vst v63  }
0x2b1: {  	_ =	swait.ge [sflag:s23], $0x800  }
0x2b2: {  	[sflag:s23] =	ssyncset.done $0x0  }
0x2b3: {  	[sflag:s23] =	ssyncadd.s32 $0xFFFFF800  }
0x2b4: {  	v1 =	vld.idx.msk [tilespmem:v1+s26+$0x0], $0xffff  }
0x2b5: {  	v3 =	vld [tilespmem:s14+$0x0];
	_ =	sdelay $0x1  }
0x2b6: {  	s2 =	simm.s32 $0x381  }
0x2b7: {  	v2 =	vmov s2;
	s2 =	simm.s32 $0x382  }
.LBB2_53:
0x2b8: {  	p1 =	sne.s32 s2, $0x3FF  }
0x2b9: {  	v1 =	vmul.f32 v3, v1;
	_ =	sdelay $0x1  }
0x2ba: {  	[tilespmem:s14+$0x0] =	vst v1  }
.Ltmp29:
0x2bb: {  	s14 =	sadd.s32 $0x10, s14;
	v1 =	vld.idx.msk [tilespmem:v2+s26+$0x0], $0xffff;
	(pc) =	sbr.rel @p1 .LBB2_53-.Ltmp29, $2  }
0x2bc: {  	v3 =	vld [tilespmem:s14+$0x0];
	_ =	sdelay $0x2  }
0x2bd: {  	v2 =	vmov s2;
	s2 =	sadd.s32 $0x1, s2  }
0x2be: {  	_ = 	snop  }
0x2bf: {  	v1 =	vmul.f32 v3, v1;
	_ =	sdelay $0x1  }
0x2c0: {  	[tilespmem:s14+$0x0] =	vst v1  }
0x2c1: {  	s2 =	sadd.s32 $0x10, s14;
	v1 =	vld.idx.msk [tilespmem:v2+s26+$0x0], $0xffff  }
0x2c2: {  	v2 =	vld [tilespmem:s2+$0x0];
	_ =	sdelay $0x4  }
0x2c3: {  	v1 =	vmul.f32 v2, v1;
	_ =	sdelay $0x1  }
0x2c4: {  	s14 =	simm.s32 $0x1800;
	[tilespmem:s2+$0x0] =	vst v1  }
0x2c5: {  	[spmem:s1] =	stream.indirect.scatter.add.f32 [tilespmem:s14], [sflag:$0x1], $0x10, s3, s28, $0xb8;
	[tilespmem:$0x1D900] =	vst v63  }
0x2c6: {  	_ =	swait.ge [sflag:s23], $0x800  }
0x2c7: {  	s2 =	simm.s32 $0x400;
	[sflag:s23] =	ssyncset.done $0x0  }
0x2c8: {  	v1 =	vmov s2;
	[sflag:s23] =	ssyncadd.s32 $0xFFFFF800  }
0x2c9: {  	[tilespmem:s14], [sflag:$0x1] =	stream.indirect.gather [hbm4b:s9+s28], $0x10, s2, s28, $0xb8;
	[tilespmem:$0x1D900] =	vst v63  }
0x2ca: {  	_ =	swait.ge [sflag:s23], $0x800  }
0x2cb: {  	[sflag:s23] =	ssyncset.done $0x0  }
0x2cc: {  	[sflag:s23] =	ssyncadd.s32 $0xFFFFF800  }
0x2cd: {  	v1 =	vld.idx.msk [tilespmem:v1+s26+$0x0], $0xffff  }
0x2ce: {  	v3 =	vld [tilespmem:s14+$0x0];
	_ =	sdelay $0x1  }
0x2cf: {  	s2 =	simm.s32 $0x401  }
0x2d0: {  	v2 =	vmov s2;
	s2 =	simm.s32 $0x402  }
.LBB2_55:
0x2d1: {  	p1 =	sne.s32 s2, $0x47F  }
0x2d2: {  	v1 =	vmul.f32 v3, v1;
	_ =	sdelay $0x1  }
0x2d3: {  	[tilespmem:s14+$0x0] =	vst v1  }
.Ltmp30:
0x2d4: {  	s14 =	sadd.s32 $0x10, s14;
	v1 =	vld.idx.msk [tilespmem:v2+s26+$0x0], $0xffff;
	(pc) =	sbr.rel @p1 .LBB2_55-.Ltmp30, $2  }
0x2d5: {  	v3 =	vld [tilespmem:s14+$0x0];
	_ =	sdelay $0x2  }
0x2d6: {  	v2 =	vmov s2;
	s2 =	sadd.s32 $0x1, s2  }
0x2d7: {  	_ = 	snop  }
0x2d8: {  	v1 =	vmul.f32 v3, v1;
	_ =	sdelay $0x1  }
0x2d9: {  	[tilespmem:s14+$0x0] =	vst v1  }
0x2da: {  	s2 =	sadd.s32 $0x10, s14;
	v1 =	vld.idx.msk [tilespmem:v2+s26+$0x0], $0xffff  }
0x2db: {  	v2 =	vld [tilespmem:s2+$0x0];
	_ =	sdelay $0x4  }
0x2dc: {  	v1 =	vmul.f32 v2, v1;
	_ =	sdelay $0x1  }
0x2dd: {  	s14 =	simm.s32 $0x1800;
	[tilespmem:s2+$0x0] =	vst v1  }
0x2de: {  	[spmem:s1] =	stream.indirect.scatter.add.f32 [tilespmem:s14], [sflag:$0x1], $0x10, s12, s28, $0xb8;
	[tilespmem:$0x1D900] =	vst v63  }
0x2df: {  	_ =	swait.ge [sflag:s23], $0x800  }
0x2e0: {  	s2 =	simm.s32 $0x480;
	[sflag:s23] =	ssyncset.done $0x0  }
0x2e1: {  	v1 =	vmov s2;
	[sflag:s23] =	ssyncadd.s32 $0xFFFFF800  }
0x2e2: {  	[tilespmem:s14], [sflag:$0x1] =	stream.indirect.gather [hbm4b:s9+s28], $0x10, s2, s28, $0xb8;
	[tilespmem:$0x1D900] =	vst v63  }
0x2e3: {  	_ =	swait.ge [sflag:s23], $0x800  }
0x2e4: {  	[sflag:s23] =	ssyncset.done $0x0  }
0x2e5: {  	[sflag:s23] =	ssyncadd.s32 $0xFFFFF800  }
0x2e6: {  	v1 =	vld.idx.msk [tilespmem:v1+s26+$0x0], $0xffff  }
0x2e7: {  	v3 =	vld [tilespmem:s14+$0x0];
	_ =	sdelay $0x1  }
0x2e8: {  	s2 =	simm.s32 $0x481  }
0x2e9: {  	v2 =	vmov s2;
	s2 =	simm.s32 $0x482  }
.LBB2_57:
0x2ea: {  	p1 =	sne.s32 s2, $0x4FF  }
0x2eb: {  	v1 =	vmul.f32 v3, v1;
	_ =	sdelay $0x1  }
0x2ec: {  	[tilespmem:s14+$0x0] =	vst v1  }
.Ltmp31:
0x2ed: {  	s14 =	sadd.s32 $0x10, s14;
	v1 =	vld.idx.msk [tilespmem:v2+s26+$0x0], $0xffff;
	(pc) =	sbr.rel @p1 .LBB2_57-.Ltmp31, $2  }
0x2ee: {  	v3 =	vld [tilespmem:s14+$0x0];
	_ =	sdelay $0x2  }
0x2ef: {  	v2 =	vmov s2;
	s2 =	sadd.s32 $0x1, s2  }
0x2f0: {  	_ = 	snop  }
0x2f1: {  	v1 =	vmul.f32 v3, v1;
	_ =	sdelay $0x1  }
0x2f2: {  	[tilespmem:s14+$0x0] =	vst v1  }
0x2f3: {  	s2 =	sadd.s32 $0x10, s14;
	v1 =	vld.idx.msk [tilespmem:v2+s26+$0x0], $0xffff  }
0x2f4: {  	v2 =	vld [tilespmem:s2+$0x0];
	_ =	sdelay $0x4  }
0x2f5: {  	v1 =	vmul.f32 v2, v1;
	_ =	sdelay $0x1  }
0x2f6: {  	s14 =	simm.s32 $0x1800;
	[tilespmem:s2+$0x0] =	vst v1  }
0x2f7: {  	[spmem:s1] =	stream.indirect.scatter.add.f32 [tilespmem:s14], [sflag:$0x1], $0x10, s13, s28, $0xb8;
	[tilespmem:$0x1D900] =	vst v63  }
0x2f8: {  	_ =	swait.ge [sflag:s23], $0x800  }
0x2f9: {  	s2 =	simm.s32 $0x500;
	[sflag:s23] =	ssyncset.done $0x0  }
0x2fa: {  	v1 =	vmov s2;
	[sflag:s23] =	ssyncadd.s32 $0xFFFFF800  }
0x2fb: {  	[tilespmem:s14], [sflag:$0x1] =	stream.indirect.gather [hbm4b:s9+s28], $0x10, s2, s28, $0xb8;
	[tilespmem:$0x1D900] =	vst v63  }
0x2fc: {  	_ =	swait.ge [sflag:s23], $0x800  }
0x2fd: {  	[sflag:s23] =	ssyncset.done $0x0  }
0x2fe: {  	[sflag:s23] =	ssyncadd.s32 $0xFFFFF800  }
0x2ff: {  	v1 =	vld.idx.msk [tilespmem:v1+s26+$0x0], $0xffff  }
0x300: {  	v3 =	vld [tilespmem:s14+$0x0];
	_ =	sdelay $0x1  }
0x301: {  	s2 =	simm.s32 $0x501  }
0x302: {  	v2 =	vmov s2;
	s2 =	simm.s32 $0x502  }
.LBB2_59:
0x303: {  	p1 =	sne.s32 s2, $0x57F  }
0x304: {  	v1 =	vmul.f32 v3, v1;
	_ =	sdelay $0x1  }
0x305: {  	[tilespmem:s14+$0x0] =	vst v1  }
.Ltmp32:
0x306: {  	s14 =	sadd.s32 $0x10, s14;
	v1 =	vld.idx.msk [tilespmem:v2+s26+$0x0], $0xffff;
	(pc) =	sbr.rel @p1 .LBB2_59-.Ltmp32, $2  }
0x307: {  	v3 =	vld [tilespmem:s14+$0x0];
	_ =	sdelay $0x2  }
0x308: {  	v2 =	vmov s2;
	s2 =	sadd.s32 $0x1, s2  }
0x309: {  	_ = 	snop  }
0x30a: {  	v1 =	vmul.f32 v3, v1;
	_ =	sdelay $0x1  }
0x30b: {  	[tilespmem:s14+$0x0] =	vst v1  }
0x30c: {  	s2 =	sadd.s32 $0x10, s14;
	v1 =	vld.idx.msk [tilespmem:v2+s26+$0x0], $0xffff  }
0x30d: {  	v2 =	vld [tilespmem:s2+$0x0];
	_ =	sdelay $0x4  }
0x30e: {  	v1 =	vmul.f32 v2, v1;
	_ =	sdelay $0x1  }
0x30f: {  	s14 =	simm.s32 $0x1800;
	[tilespmem:s2+$0x0] =	vst v1  }
0x310: {  	[spmem:s1] =	stream.indirect.scatter.add.f32 [tilespmem:s14], [sflag:$0x1], $0x10, s15, s28, $0xb8;
	[tilespmem:$0x1D900] =	vst v63  }
0x311: {  	_ =	swait.ge [sflag:s23], $0x800  }
0x312: {  	s2 =	simm.s32 $0x580;
	[sflag:s23] =	ssyncset.done $0x0  }
0x313: {  	v1 =	vmov s2;
	[sflag:s23] =	ssyncadd.s32 $0xFFFFF800  }
0x314: {  	[tilespmem:s14], [sflag:$0x1] =	stream.indirect.gather [hbm4b:s9+s28], $0x10, s2, s28, $0xb8;
	[tilespmem:$0x1D900] =	vst v63  }
0x315: {  	_ =	swait.ge [sflag:s23], $0x800  }
0x316: {  	[sflag:s23] =	ssyncset.done $0x0  }
0x317: {  	[sflag:s23] =	ssyncadd.s32 $0xFFFFF800  }
0x318: {  	v1 =	vld.idx.msk [tilespmem:v1+s26+$0x0], $0xffff  }
0x319: {  	v3 =	vld [tilespmem:s14+$0x0];
	_ =	sdelay $0x1  }
0x31a: {  	s2 =	simm.s32 $0x581  }
0x31b: {  	v2 =	vmov s2;
	s2 =	simm.s32 $0x582  }
.LBB2_61:
0x31c: {  	p1 =	sne.s32 s2, $0x5FF  }
0x31d: {  	v1 =	vmul.f32 v3, v1;
	_ =	sdelay $0x1  }
0x31e: {  	[tilespmem:s14+$0x0] =	vst v1  }
.Ltmp33:
0x31f: {  	s14 =	sadd.s32 $0x10, s14;
	v1 =	vld.idx.msk [tilespmem:v2+s26+$0x0], $0xffff;
	(pc) =	sbr.rel @p1 .LBB2_61-.Ltmp33, $2  }
0x320: {  	v3 =	vld [tilespmem:s14+$0x0];
	_ =	sdelay $0x2  }
0x321: {  	v2 =	vmov s2;
	s2 =	sadd.s32 $0x1, s2  }
0x322: {  	_ = 	snop  }
0x323: {  	v1 =	vmul.f32 v3, v1;
	_ =	sdelay $0x1  }
0x324: {  	[tilespmem:s14+$0x0] =	vst v1  }
0x325: {  	s2 =	sadd.s32 $0x10, s14;
	v1 =	vld.idx.msk [tilespmem:v2+s26+$0x0], $0xffff  }
0x326: {  	v2 =	vld [tilespmem:s2+$0x0];
	_ =	sdelay $0x4  }
0x327: {  	v1 =	vmul.f32 v2, v1;
	_ =	sdelay $0x1  }
0x328: {  	s14 =	simm.s32 $0x1800;
	[tilespmem:s2+$0x0] =	vst v1  }
0x329: {  	[spmem:s1] =	stream.indirect.scatter.add.f32 [tilespmem:s14], [sflag:$0x1], $0x10, s16, s28, $0xb8;
	[tilespmem:$0x1D900] =	vst v63  }
0x32a: {  	_ =	swait.ge [sflag:s23], $0x800  }
0x32b: {  	s2 =	simm.s32 $0x600;
	[sflag:s23] =	ssyncset.done $0x0  }
0x32c: {  	v1 =	vmov s2;
	[sflag:s23] =	ssyncadd.s32 $0xFFFFF800  }
0x32d: {  	[tilespmem:s14], [sflag:$0x1] =	stream.indirect.gather [hbm4b:s9+s28], $0x10, s2, s28, $0xb8;
	[tilespmem:$0x1D900] =	vst v63  }
0x32e: {  	_ =	swait.ge [sflag:s23], $0x800  }
0x32f: {  	[sflag:s23] =	ssyncset.done $0x0  }
0x330: {  	[sflag:s23] =	ssyncadd.s32 $0xFFFFF800  }
0x331: {  	v1 =	vld.idx.msk [tilespmem:v1+s26+$0x0], $0xffff  }
0x332: {  	v3 =	vld [tilespmem:s14+$0x0];
	_ =	sdelay $0x1  }
0x333: {  	s2 =	simm.s32 $0x601  }
0x334: {  	v2 =	vmov s2;
	s2 =	simm.s32 $0x602  }
.LBB2_63:
0x335: {  	p1 =	sne.s32 s2, $0x67F  }
0x336: {  	v1 =	vmul.f32 v3, v1;
	_ =	sdelay $0x1  }
0x337: {  	[tilespmem:s14+$0x0] =	vst v1  }
.Ltmp34:
0x338: {  	s14 =	sadd.s32 $0x10, s14;
	v1 =	vld.idx.msk [tilespmem:v2+s26+$0x0], $0xffff;
	(pc) =	sbr.rel @p1 .LBB2_63-.Ltmp34, $2  }
0x339: {  	v3 =	vld [tilespmem:s14+$0x0];
	_ =	sdelay $0x2  }
0x33a: {  	v2 =	vmov s2;
	s2 =	sadd.s32 $0x1, s2  }
0x33b: {  	_ = 	snop  }
0x33c: {  	v1 =	vmul.f32 v3, v1;
	_ =	sdelay $0x1  }
0x33d: {  	[tilespmem:s14+$0x0] =	vst v1  }
0x33e: {  	s2 =	sadd.s32 $0x10, s14;
	v1 =	vld.idx.msk [tilespmem:v2+s26+$0x0], $0xffff  }
0x33f: {  	v2 =	vld [tilespmem:s2+$0x0];
	_ =	sdelay $0x4  }
0x340: {  	v1 =	vmul.f32 v2, v1;
	_ =	sdelay $0x1  }
0x341: {  	s14 =	simm.s32 $0x1800;
	[tilespmem:s2+$0x0] =	vst v1  }
0x342: {  	[spmem:s1] =	stream.indirect.scatter.add.f32 [tilespmem:s14], [sflag:$0x1], $0x10, s17, s28, $0xb8;
	[tilespmem:$0x1D900] =	vst v63  }
0x343: {  	_ =	swait.ge [sflag:s23], $0x800  }
0x344: {  	s2 =	simm.s32 $0x680;
	[sflag:s23] =	ssyncset.done $0x0  }
0x345: {  	v1 =	vmov s2;
	[sflag:s23] =	ssyncadd.s32 $0xFFFFF800  }
0x346: {  	[tilespmem:s14], [sflag:$0x1] =	stream.indirect.gather [hbm4b:s9+s28], $0x10, s2, s28, $0xb8;
	[tilespmem:$0x1D900] =	vst v63  }
0x347: {  	_ =	swait.ge [sflag:s23], $0x800  }
0x348: {  	[sflag:s23] =	ssyncset.done $0x0  }
0x349: {  	[sflag:s23] =	ssyncadd.s32 $0xFFFFF800  }
0x34a: {  	v1 =	vld.idx.msk [tilespmem:v1+s26+$0x0], $0xffff  }
0x34b: {  	v3 =	vld [tilespmem:s14+$0x0];
	_ =	sdelay $0x1  }
0x34c: {  	s2 =	simm.s32 $0x681  }
0x34d: {  	v2 =	vmov s2;
	s2 =	simm.s32 $0x682  }
.LBB2_65:
0x34e: {  	p1 =	sne.s32 s2, $0x6FF  }
0x34f: {  	v1 =	vmul.f32 v3, v1;
	_ =	sdelay $0x1  }
0x350: {  	[tilespmem:s14+$0x0] =	vst v1  }
.Ltmp35:
0x351: {  	s14 =	sadd.s32 $0x10, s14;
	v1 =	vld.idx.msk [tilespmem:v2+s26+$0x0], $0xffff;
	(pc) =	sbr.rel @p1 .LBB2_65-.Ltmp35, $2  }
0x352: {  	v3 =	vld [tilespmem:s14+$0x0];
	_ =	sdelay $0x2  }
0x353: {  	v2 =	vmov s2;
	s2 =	sadd.s32 $0x1, s2  }
0x354: {  	_ = 	snop  }
0x355: {  	v1 =	vmul.f32 v3, v1;
	_ =	sdelay $0x1  }
0x356: {  	[tilespmem:s14+$0x0] =	vst v1  }
0x357: {  	s2 =	sadd.s32 $0x10, s14;
	v1 =	vld.idx.msk [tilespmem:v2+s26+$0x0], $0xffff  }
0x358: {  	v2 =	vld [tilespmem:s2+$0x0];
	_ =	sdelay $0x4  }
0x359: {  	v1 =	vmul.f32 v2, v1;
	_ =	sdelay $0x1  }
0x35a: {  	s14 =	simm.s32 $0x1800;
	[tilespmem:s2+$0x0] =	vst v1  }
0x35b: {  	[spmem:s1] =	stream.indirect.scatter.add.f32 [tilespmem:s14], [sflag:$0x1], $0x10, s18, s28, $0xb8;
	[tilespmem:$0x1D900] =	vst v63  }
0x35c: {  	_ =	swait.ge [sflag:s23], $0x800  }
0x35d: {  	s2 =	simm.s32 $0x700;
	[sflag:s23] =	ssyncset.done $0x0  }
0x35e: {  	v1 =	vmov s2;
	[sflag:s23] =	ssyncadd.s32 $0xFFFFF800  }
0x35f: {  	[tilespmem:s14], [sflag:$0x1] =	stream.indirect.gather [hbm4b:s9+s28], $0x10, s2, s28, $0xb8;
	[tilespmem:$0x1D900] =	vst v63  }
0x360: {  	_ =	swait.ge [sflag:s23], $0x800  }
0x361: {  	[sflag:s23] =	ssyncset.done $0x0  }
0x362: {  	[sflag:s23] =	ssyncadd.s32 $0xFFFFF800  }
0x363: {  	v1 =	vld.idx.msk [tilespmem:v1+s26+$0x0], $0xffff  }
0x364: {  	v3 =	vld [tilespmem:s14+$0x0];
	_ =	sdelay $0x1  }
0x365: {  	s2 =	simm.s32 $0x701  }
0x366: {  	v2 =	vmov s2;
	s2 =	simm.s32 $0x702  }
.LBB2_67:
0x367: {  	p1 =	sne.s32 s2, $0x77F  }
0x368: {  	v1 =	vmul.f32 v3, v1;
	_ =	sdelay $0x1  }
0x369: {  	[tilespmem:s14+$0x0] =	vst v1  }
.Ltmp36:
0x36a: {  	s14 =	sadd.s32 $0x10, s14;
	v1 =	vld.idx.msk [tilespmem:v2+s26+$0x0], $0xffff;
	(pc) =	sbr.rel @p1 .LBB2_67-.Ltmp36, $2  }
0x36b: {  	v3 =	vld [tilespmem:s14+$0x0];
	_ =	sdelay $0x2  }
0x36c: {  	v2 =	vmov s2;
	s2 =	sadd.s32 $0x1, s2  }
0x36d: {  	_ = 	snop  }
0x36e: {  	v1 =	vmul.f32 v3, v1;
	_ =	sdelay $0x1  }
0x36f: {  	[tilespmem:s14+$0x0] =	vst v1  }
0x370: {  	s2 =	sadd.s32 $0x10, s14;
	v1 =	vld.idx.msk [tilespmem:v2+s26+$0x0], $0xffff  }
0x371: {  	v2 =	vld [tilespmem:s2+$0x0];
	_ =	sdelay $0x4  }
0x372: {  	v1 =	vmul.f32 v2, v1;
	_ =	sdelay $0x1  }
0x373: {  	s14 =	simm.s32 $0x1800;
	[tilespmem:s2+$0x0] =	vst v1  }
0x374: {  	[spmem:s1] =	stream.indirect.scatter.add.f32 [tilespmem:s14], [sflag:$0x1], $0x10, s19, s28, $0xb8;
	[tilespmem:$0x1D900] =	vst v63  }
0x375: {  	_ =	swait.ge [sflag:s23], $0x800  }
0x376: {  	s2 =	simm.s32 $0x780;
	[sflag:s23] =	ssyncset.done $0x0  }
0x377: {  	v1 =	vmov s2;
	[sflag:s23] =	ssyncadd.s32 $0xFFFFF800  }
0x378: {  	[tilespmem:s14], [sflag:$0x1] =	stream.indirect.gather [hbm4b:s9+s28], $0x10, s2, s28, $0xb8;
	[tilespmem:$0x1D900] =	vst v63  }
0x379: {  	_ =	swait.ge [sflag:s23], $0x800  }
0x37a: {  	[sflag:s23] =	ssyncset.done $0x0  }
0x37b: {  	[sflag:s23] =	ssyncadd.s32 $0xFFFFF800  }
0x37c: {  	v1 =	vld.idx.msk [tilespmem:v1+s26+$0x0], $0xffff  }
0x37d: {  	v3 =	vld [tilespmem:s14+$0x0];
	_ =	sdelay $0x1  }
0x37e: {  	s2 =	simm.s32 $0x781  }
0x37f: {  	v2 =	vmov s2;
	s2 =	simm.s32 $0x782  }
.LBB2_69:
0x380: {  	p1 =	sne.s32 s2, $0x7FF  }
0x381: {  	v1 =	vmul.f32 v3, v1;
	_ =	sdelay $0x1  }
0x382: {  	[tilespmem:s14+$0x0] =	vst v1  }
.Ltmp37:
0x383: {  	s14 =	sadd.s32 $0x10, s14;
	v1 =	vld.idx.msk [tilespmem:v2+s26+$0x0], $0xffff;
	(pc) =	sbr.rel @p1 .LBB2_69-.Ltmp37, $2  }
0x384: {  	v3 =	vld [tilespmem:s14+$0x0];
	_ =	sdelay $0x2  }
0x385: {  	v2 =	vmov s2;
	s2 =	sadd.s32 $0x1, s2  }
0x386: {  	_ = 	snop  }
0x387: {  	v1 =	vmul.f32 v3, v1;
	_ =	sdelay $0x1  }
0x388: {  	[tilespmem:s14+$0x0] =	vst v1  }
0x389: {  	s2 =	sadd.s32 $0x10, s14;
	v1 =	vld.idx.msk [tilespmem:v2+s26+$0x0], $0xffff  }
0x38a: {  	v2 =	vld [tilespmem:s2+$0x0];
	_ =	sdelay $0x4  }
0x38b: {  	s22 =	sadd.s32 $0x1, s22;
	v1 =	vmul.f32 v2, v1  }
0x38c: {  	p1 =	sne.s32 s22, $0x31  }
.Ltmp38:
0x38d: {  	[tilespmem:s2+$0x0] =	vst v1;
	(pc) =	sbr.rel @p1 .LBB2_38-.Ltmp38, $4  }
0x38e: {  	[spmem:s1] =	stream.indirect.scatter.add.f32 [tilespmem:s21], [sflag:$0x1], $0x10, s20, s28, $0xb8;
	[tilespmem:$0x1D900] =	vst v63  }
0x38f: {  	_ =	swait.ge [sflag:s23], $0x800  }
0x390: {  	[sflag:s23] =	ssyncset.done $0x0  }
0x391: {  	[sflag:s23] =	ssyncadd.s32 $0xFFFFF800  }
.Ltmp39:
0x392: {  	(pc) =	sbr.rel .LBB2_72-.Ltmp39, $3  }
0x393: {  	_ =	sdelay $0x1  }
0x394: {  	s2 =	rddreg [dreg:$0x5]  }
0x395: {  	s22 =	rddreg [dreg:$0x3]  }
.LBB2_73:
0x396: {  	_ =	sfence.sel $0x180000  }
0x397: {  	[bflag:$0x0] =	sbarrier.arrive $0xFFFF  }
0x398: {  	_ =	strace $0x9000004A  }
0x399: {  	s0 =	stileid.u32;
	[bflag:$0x2] =	sbarrier.arrive $0xFFFF  }
0x39a: {  	p0 =	sne.s32 s0, $0x0;
	s0 =	rddreg [dreg:$0x2]  }
0x39b: {  	s0 =	sadd.s32 @!p0 $0x100000, s0  }
0x39c: {  	[sflag:s0] =	ssyncadd.tile.s32 @!p0 $0x1;
	_ =	shalt  }
.Lfunc_end2:
_tile_overlayer_lowered:
.L_overlay_start_2:
0x39d: {  	(tag) =	ssettag $0x2  }
0x39e: {  	s0 =	rddreg [dreg:$0x0];
	s2 =	stileid.u32  }
0x39f: {  	s1 =	rddreg [dreg:$0x1];
	p0 =	sne.s32 s2, $0x0  }
0x3a0: {  	s3 =	rddreg [dreg:$0x2];
	[bflag:$0x3] =	sbarrier.arrive $0xFFFF;
	s2 =	simm.s32 @!p0 $0x1C01  }
0x3a1: {  	[timem:s3], [sflag:s2] =	dma.local @!p0 [hbm:s0], s1  }
0x3a2: {  	s0 =	simm.s32 @!p0 $0x1  }
0x3a3: {  	_ =	swait.ge @!p0 [sflag:s0], s1  }
0x3a4: {  	s1 =	ssub.s32 @!p0 $0x0, s1;
	[sflag:s0] =	ssyncset.done @!p0 $0x0  }
0x3a5: {  	[sflag:s0] =	ssyncadd.s32 @!p0 s1  }
0x3a6: {  	[bflag:$0x3] =	sbarrier.arrive $0xFFFF  }
0x3a7: {  	_ =	shalt  }

// kernel: kernel.7.cloned.1.call-start
scs
__scs_entry_jumppad:
0x0: {  	(pc) =	sbr.rel $0x88, $3  }
0x1: {  	(tag) =	ssettag $0x0;
	lr =	simm.s32 $0x1  }
0x2: {  	[smem:$0x3F98] =	sst lr;
	_ =	strace $0xD0000000  }
0x3: {  	_ = 	snop  }
0x4: {  	_ = 	snop  }
0x5: {  	_ = 	snop  }
0x6: {  	_ = 	snop  }
0x7: {  	_ = 	snop  }
__scs_overlays_trampoline_lowered:
0x8: {  	[smem:$0x3FA7] =	sst s0  }
0x9: {  	[smem:$0x3FA8] =	sst s1  }
0xa: {  	[smem:$0x3FA9] =	sst s2  }
0xb: {  	[smem:$0x3FAA] =	sst s3  }
0xc: {  	[smem:$0x3FAB] =	sst s4  }
0xd: {  	[smem:$0x3FAC] =	sst s5  }
0xe: {  	[smem:$0x3FAD] =	sst s6  }
0xf: {  	[smem:$0x3FAE] =	sst s7  }
0x10: {  	[smem:$0x3FAF] =	sst s8  }
0x11: {  	[smem:$0x3FB0] =	sst s9;
	s0 =	simm.s32 @!p0 $0x0  }
0x12: {  	s1 =	sld [smem:$0x3F96];
	s0 =	simm.s32 @p0 $0x1  }
0x13: {  	[smem:$0x3FB1] =	sst s0;
	s0 =	simm.s32 @!p1 $0x0  }
0x14: {  	s2 =	sld [smem:$0x3F95];
	s0 =	simm.s32 @p1 $0x1  }
0x15: {  	[smem:$0x3FB2] =	sst s0;
	s0 =	simm.s32 @!p2 $0x0  }
0x16: {  	s3 =	sld [smem:$0x3FDB];
	s0 =	simm.s32 @p2 $0x1  }
0x17: {  	s4 =	simm.s32 $0x1BF5;
	[smem:$0x3FB4] =	sst s0  }
0x18: {  	s0 =	sld [smem:$0x3F97];
	_ =	swait.ge [sflag:s4], $0x0  }
0x19: {  	s7 =	sld [smem:$0x3F98]  }
0x1a: {  	s8 =	sadd.s32 $0xFFFFE003, lr  }
0x1b: {  	s9 =	sadd.s32 $0xFFFFFEF7, lr;
	s5 =	simm.s32 $0xFFFFFFFF;
	p2 =	slt.u32 s8, $0xFFFFF086  }
0x1c: {  	p1 =	slt.u32 s9, $0xF7A;
	s5 =	simm.s32 @!p2 $0x0  }
0x1d: {  	s5 =	simm.s32 @p1 $0x1;
	p0 =	seq.s32 s7, s2  }
0x1e: {  	s7 =	smul.u32 @!p0 $0xF7A, s2;
	p2 =	seq.s32 @!p0 s5, $0x0  }
0x1f: {  	s9 =	smul.u32 $0xF7A, s1;
	s8 =	simm.s32 @!p0 $0x1BF5;
	p2 =	por !p2, p0  }
0x20: {  	[sflag:s8] =	ssyncset.s32 @!p0 $0xFFFFF086;
	s6 =	sadd.s32 @!p0 s3, s7;
	s7 =	simm.s32 @!p0 $0x108  }
0x21: {  	s3 =	sadd.s32 s3, s9;
	s6 =	sadd.s32 @!p0 $0x88, s6;
	s7 =	simm.s32 @p2 $0x1082  }
0x22: {  	[simem:s7], [sflag:s8] =	dma.local @!p0 [hbm:s6], $0xF7A  }
0x23: {  	s9 =	sor.u32 $0xD0000000, s2;
	s6 =	simm.s32 $0x108;
	_ =	swait.ge @!p0 [sflag:s8], $0x0  }
0x24: {  	s3 =	sadd.s32 $0x88, s3;
	s6 =	simm.s32 @!p1 $0x1082;
	[sflag:s4] =	ssyncset.s32 $0xFFFFF086  }
0x25: {  	[simem:s6], [sflag:s4] =	dma.local [hbm:s3], $0xF7A  }
0x26: {  	[smem:$0x3F98] =	sst s1;
	(tag) =	ssettag s2;
	_ =	strace s9  }
0x27: {  	s1 =	sld [smem:$0x3FA8]  }
0x28: {  	s2 =	sld [smem:$0x3FA9]  }
0x29: {  	s4 =	sld [smem:$0x3FAB]  }
0x2a: {  	p0 =	seq.s32 s5, $0x0;
	s5 =	sld [smem:$0x3FAC]  }
0x2b: {  	s6 =	sld [smem:$0x3FAD]  }
0x2c: {  	s7 =	sld [smem:$0x3FAE]  }
0x2d: {  	s3 =	simm.s32 $0x108;
	s8 =	sld [smem:$0x3FAF]  }
0x2e: {  	s3 =	simm.s32 @!p0 $0x1082;
	s9 =	sld [smem:$0x3FB0]  }
0x2f: {  	lr =	sadd.s32 s0, s3;
	s0 =	sld [smem:$0x3FA7]  }
0x30: {  	s3 =	sld [smem:$0x3FAA]  }
0x31: {  	[smem:$0x3FB3] =	sst s10  }
0x32: {  	s10 =	sld [smem:$0x3FB1];
	_ =	sdelay $0x3  }
0x33: {  	p0 =	seq.s32 s10, $0x1;
	s10 =	sld [smem:$0x3FB3];
	_ =	sdelay $0x3  }
0x34: {  	[smem:$0x3FB3] =	sst s10  }
0x35: {  	s10 =	sld [smem:$0x3FB2];
	_ =	sdelay $0x3  }
0x36: {  	p1 =	seq.s32 s10, $0x1;
	s10 =	sld [smem:$0x3FB3];
	_ =	sdelay $0x3  }
0x37: {  	[smem:$0x3FB3] =	sst s10  }
0x38: {  	s10 =	sld [smem:$0x3FB4]  }
0x39: {  	_ = 	snop;
	(pc) =	sbr.ind lr, $3  }
0x3a: {  	_ = 	snop  }
0x3b: {  	_ = 	snop  }
0x3c: {  	p2 =	seq.s32 s10, $0x1;
	s10 =	sld [smem:$0x3FB3]  }
0x3d: {  	_ =	shalt  }
0x3e: {  	_ =	shalt  }
0x3f: {  	_ =	shalt  }
0x40: {  	_ =	shalt  }
0x41: {  	_ =	shalt  }
0x42: {  	_ =	shalt  }
0x43: {  	_ =	shalt  }
0x44: {  	_ =	shalt  }
0x45: {  	_ =	shalt  }
0x46: {  	_ =	shalt  }
0x47: {  	_ =	shalt  }
0x48: {  	_ =	shalt  }
0x49: {  	_ =	shalt  }
0x4a: {  	_ =	shalt  }
0x4b: {  	_ =	shalt  }
0x4c: {  	_ =	shalt  }
0x4d: {  	_ =	shalt  }
0x4e: {  	_ =	shalt  }
0x4f: {  	_ =	shalt  }
0x50: {  	_ =	shalt  }
0x51: {  	_ =	shalt  }
0x52: {  	_ =	shalt  }
0x53: {  	_ =	shalt  }
0x54: {  	_ =	shalt  }
0x55: {  	_ =	shalt  }
0x56: {  	_ =	shalt  }
0x57: {  	_ =	shalt  }
0x58: {  	_ =	shalt  }
0x59: {  	_ =	shalt  }
0x5a: {  	_ =	shalt  }
0x5b: {  	_ =	shalt  }
0x5c: {  	_ =	shalt  }
0x5d: {  	_ =	shalt  }
0x5e: {  	_ =	shalt  }
0x5f: {  	_ =	shalt  }
0x60: {  	_ =	shalt  }
0x61: {  	_ =	shalt  }
0x62: {  	_ =	shalt  }
0x63: {  	_ =	shalt  }
0x64: {  	_ =	shalt  }
0x65: {  	_ =	shalt  }
0x66: {  	_ =	shalt  }
0x67: {  	_ =	shalt  }
0x68: {  	_ =	shalt  }
0x69: {  	_ =	shalt  }
0x6a: {  	_ =	shalt  }
0x6b: {  	_ =	shalt  }
0x6c: {  	_ =	shalt  }
0x6d: {  	_ =	shalt  }
0x6e: {  	_ =	shalt  }
0x6f: {  	_ =	shalt  }
0x70: {  	_ =	shalt  }
0x71: {  	_ =	shalt  }
0x72: {  	_ =	shalt  }
0x73: {  	_ =	shalt  }
0x74: {  	_ =	shalt  }
0x75: {  	_ =	shalt  }
0x76: {  	_ =	shalt  }
0x77: {  	_ =	shalt  }
0x78: {  	_ =	shalt  }
0x79: {  	_ =	shalt  }
0x7a: {  	_ =	shalt  }
0x7b: {  	_ =	shalt  }
0x7c: {  	_ =	shalt  }
0x7d: {  	_ =	shalt  }
0x7e: {  	_ =	shalt  }
0x7f: {  	_ =	shalt  }
0x80: {  	_ =	shalt  }
0x81: {  	_ =	shalt  }
0x82: {  	_ =	shalt  }
0x83: {  	_ =	shalt  }
0x84: {  	_ =	shalt  }
0x85: {  	_ =	shalt  }
0x86: {  	_ =	shalt  }
0x87: {  	_ =	shalt  }
.Lfunc_end0:
.L_simem_size_0:
called_computation_lowered:
.L_overlay_start_0:
0x88: {  	s2 =	sld [smem:$0x3FD9]  }
0x89: {  	s3 =	sld [smem:$0x3FFE];
	_ =	sdelay $0x1  }
0x8a: {  	s1 =	srdreg.scid  }
0x8b: {  	s0 =	sand.u32 $0x1, s1  }
0x8c: {  	s16 =	sshll.u32 s0, $0xA;
	s2 =	sadd.s32 s3, s2  }
0x8d: {  	s2 =	sadd.s32 s2, s16  }
0x8e: {  	[smem:$0x3FBF] =	sst s2  }
0x8f: {  	_ = 	snop  }
0x90: {  	(tm) =	ssettm $0x1  }
0x91: {  	s17 =	sld [smem:$0x3FFB];
	_ =	sdelay $0x3  }
0x92: {  	_ =	strace s17  }
0x93: {  	s2 =	sld [smem:$0x3FFC];
	_ =	sdelay $0x3  }
0x94: {  	_ =	strace s2  }
0x95: {  	s2 =	sld [smem:$0x3FFD];
	_ =	sdelay $0x3  }
0x96: {  	_ =	strace s2  }
0x97: {  	_ =	strace $0x8FFFFFFF  }
0x98: {  	s18 =	sld [smem:$0x3FDB];
	_ =	sdelay $0x1  }
0x99: {  	s19 =	simm.s32 $_scs_section_size  }
0x9a: {  	s4 =	simm.s32 $_size__tile_overlayer_lowered;
	s5 =	simm.s32 $_tile_overlayer_lowered  }
0x9b: {  	s22 =	simm.s32 $0x1BFF;
	s21 =	sshll.u32 s5, $0x1;
	s2 =	sadd.s32 s19, s18  }
0x9c: {  	s6 =	simm.s32 $0x0;
	s20 =	sshll.u32 s4, $0x1;
	s4 =	sadd.s32 s21, s2  }
0x9d: {  	[timem:s6], [sflag:s22] =	dma.local [hbm:s4], s20  }
0x9e: {  	_ =	swait.ge [sflag:s22], s20  }
0x9f: {  	s3 =	ssub.s32 $0x0, s20;
	[sflag:s22] =	ssyncset.done $0x0  }
0xa0: {  	[sflag:s22] =	ssyncadd.s32 s3;
	_ =	sdelay $0x1  }
0xa1: {  	s23 =	simm.s32 $0x1B8B  }
0xa2: {  	_ =	swait.ge [sflag:s23], $0x1  }
0xa3: {  	[sflag:s23] =	ssyncset.done $0x0  }
0xa4: {  	s25 =	simm.s32 $0x1B8E;
	s24 =	sld [smem:$0x3FFE];
	[sflag:s23] =	ssyncadd.s32 $0xFFFFFFFF  }
0xa5: {  	s26 =	simm.s32 $execute0_lowered;
	[smem:$0x3FD2] =	sst s25  }
0xa6: {  	s4 =	sshll.u32 s26, $0x1;
	_ =	strace $0x80000046;
	[dreg:$0x1] =	wrdreg $0xFFFFFFFF  }
0xa7: {  	s28 =	simm.s32 $_size_execute0_lowered;
	s2 =	sadd.s32 s2, s4;
	[dreg:$0x0] =	wrdreg $0x0  }
0xa8: {  	s4 =	sshll.u32 s28, $0x1;
	[dreg:$0x2] =	wrdreg s2  }
0xa9: {  	[dreg:$0x3] =	wrdreg s4  }
0xaa: {  	[dreg:$0x4] =	wrdreg $0xC0  }
0xab: {  	_ =	task [dreg:s6], $0x5FFFF  }
0xac: {  	[dreg:$0x1] =	wrdreg $0xFFFFFFFF  }
0xad: {  	[dreg:$0x0] =	wrdreg $0x60  }
0xae: {  	[dreg:$0x2] =	wrdreg s24  }
0xaf: {  	[dreg:$0x3] =	wrdreg $0x9  }
0xb0: {  	_ =	task.clear_ibuf [dreg:s6], $0x4FFFF;
	_ =	strace $0x90000046  }
0xb1: {  	s29 =	simm.s32 $0x9;
	_ =	strace $0x80000048  }
0xb2: {  	_ =	swait.ge [sflag:s29], $0x1  }
0xb3: {  	[sflag:s29] =	ssyncadd.s32 $0xFFFFFFFF  }
0xb4: {  	_ =	strace $0x90000048  }
0xb5: {  	_ =	sfence  }
0xb6: {  	s30 =	sld [smem:$0x0];
	_ =	sdelay $0x2  }
0xb7: {  	s31 =	sshll.u32 s1, $0xD;
	s1 =	sshrl.u32 s1, $0x2  }
0xb8: {  	s3 =	sand.u32 $0x4000, s31;
	s1 =	sadd.s32 s1, s30  }
0xb9: {  	s0 =	sor.u32 s3, s0;
	s1 =	sshll.u32 s1, $0x11  }
0xba: {  	s0 =	sor.u32 s1, s0  }
0xbb: {  	s0 =	sadd.s32 $0x8F2B, s0  }
0xbc: {  	[sflag:s0] =	ssyncadd.remote.s32 $0x1  }
0xbd: {  	_ =	sfence.sel $0xFFFF  }
0xbe: {  	[dreg:$0x0] =	wrdreg $0xFFFFFFFF;
	(pc) =	sbr.abs _section_cstart, $3  }
0xbf: {  	[dreg:$0x1] =	wrdreg $0xFFFFFFFF  }
0xc0: {  	_ =	task.clear_ibuf [dreg:s6], $0x2FFFF;
	_ =	strace $0x9FFFFFFF  }
0xc1: {  	(tm) =	ssettm $0x7FFFFFFF  }
tec
execute0_lowered:
.L_overlay_start_1:
0x0: {  	(tag) =	ssettag $0x1  }
0x1: {  	s5 =	rddreg [dreg:$0x0]  }
0x2: {  	s0 =	rddreg [dreg:$0x1];
	s3 =	srdreg.scid  }
0x3: {  	s1 =	stileid.u32;
	s2 =	simm.s32 $0x0;
	s10 =	simm.s32 $0x18C00  }
0x4: {  	s11 =	simm.s32 $0x0;
	s3 =	sand.u32 $0x1, s3;
	s4 =	sshll.u32 s1, $0x1  }
0x5: {  	[smem:$0x7FF] =	sst s2;
	s6 =	sor.u32 s3, s4;
	s8 =	ssub.s32 $0x2, s3  }
0x6: {  	_ =	strace $0x80000047;
	s7 =	smul.u32 $0x3100, s6;
	s9 =	sshrl.u32 s8, $0x1  }
0x7: {  	s3 =	sadd.s32 $0x32C00, s5;
	s4 =	sadd.s32 $0x1C00, s5;
	s8 =	ssub.s32 s8, s9  }
0x8: {  	s9 =	simm.s32 $0x1;
	s7 =	sadd.s32 s7, s5;
	s5 =	smul.u32 $0xC400, s6  }
0x9: {  	v0 =	vimm.f32 $0.0e+00;
	s6 =	sadd.s32 $0x63C00, s7;
	s7 =	smax.u32 s8, $0x1;
	s8 =	simm.s32 $0x18800  }
.LBB2_1:
0xa: {  	s12 =	simm.s32 $0x40;
	s13 =	simm.s32 $0x0  }
.LBB2_2:
0xb: {  	p0 =	sne.s32 s12, $0x61FC0;
	[tilespmem:s13+$0x0] =	vst v0;
	s13 =	smov.u32 s12;
	s12 =	sadd.s32 $0x40, s12  }
.Ltmp0:
0xc: {  	(pc) =	sbr.rel @p0 .LBB2_2-.Ltmp0, $2  }
0xd: {  	_ =	sdelay $0x2  }
0xe: {  	s13 =	sshra.s32 s13, $0x2  }
0xf: {  	[tilespmem:s13+$0x0] =	vst v0;
	s12 =	simm.s32 $0x0;
	s13 =	simm.s32 $0x0  }
.LBB2_4:
0x10: {  	s14 =	sshll.u32 s13, $0xA  }
0x11: {  	s14 =	sadd.s32 s5, s14  }
0x12: {  	s14 =	sshrl.u32 s14, $0x3  }
0x13: {  	s15 =	sadd.s32 s3, s14  }
0x14: {  	[tilespmem:s8], [sflag:$0x1] =	stream.linear.gather [hbm4b:s15+s12], $0x400, $0x38;
	[tilespmem:$0x19000] =	vst v63  }
0x15: {  	_ =	swait.ge [sflag:s9], $0x400  }
0x16: {  	[sflag:s9] =	ssyncset.done $0x0  }
0x17: {  	s14 =	sadd.s32 s4, s14;
	[sflag:s9] =	ssyncadd.s32 $0xFFFFFC00  }
0x18: {  	[tilespmem:s10], [sflag:$0x1] =	stream.linear.gather [hbm4b:s14+s12], $0x400, $0x38;
	[tilespmem:$0x19000] =	vst v63  }
0x19: {  	_ =	swait.ge [sflag:s9], $0x400  }
0x1a: {  	[sflag:s9] =	ssyncset.done $0x0  }
0x1b: {  	s15 =	simm.s32 $0x0;
	s14 =	simm.s32 $0x40;
	[sflag:s9] =	ssyncadd.s32 $0xFFFFFC00  }
.LBB2_5:
0x1c: {  	p0 =	sne.s32 s14, $0xFC0;
	v1 =	vld [tilespmem:s15+$0x18800];
	_ =	sdelay $0x2  }
0x1d: {  	v2 =	vld [tilespmem:s15+$0x18C00]  }
.Ltmp1:
0x1e: {  	(pc) =	sbr.rel @p0 .LBB2_5-.Ltmp1, $2  }
0x1f: {  	_ =	sdelay $0x2  }
0x20: {  	s15 =	sshra.s32 s14, $0x2;
	s14 =	sadd.s32 $0x40, s14;
	[tilespmem:v1+s2+$0x0] =	vst.idx.add.f32.msk $0xffff, v2  }
0x21: {  	v1 =	vld [tilespmem:s15+$0x18800];
	_ =	sdelay $0x1  }
0x22: {  	s13 =	sadd.s32 $0x1, s13  }
0x23: {  	v2 =	vld [tilespmem:s15+$0x18C00];
	p0 =	sne.s32 s13, $0x31  }
.Ltmp2:
0x24: {  	_ = 	snop;
	(pc) =	sbr.rel @p0 .LBB2_4-.Ltmp2, $2  }
0x25: {  	_ =	sdelay $0x2  }
0x26: {  	[tilespmem:v1+s2+$0x0] =	vst.idx.add.f32.msk $0xffff, v2  }
0x27: {  	s11 =	sadd.s32 $0x1, s11  }
0x28: {  	p0 =	sne.s32 s11, s7  }
.Ltmp3:
0x29: {  	_ = 	snop;
	(pc) =	sbr.rel @p0 .LBB2_1-.Ltmp3, $4  }
0x2a: {  	[hbm4b:s6+s2] =	stream.linear.scatter [tilespmem:s2], [sflag:$0x1], $0x18800, $0x38;
	[tilespmem:$0x19000] =	vst v63  }
0x2b: {  	_ =	swait.ge [sflag:s9], $0x18800  }
0x2c: {  	[sflag:s9] =	ssyncset.done $0x0  }
0x2d: {  	[sflag:s9] =	ssyncadd.s32 $0xFFFE7800  }
0x2e: {  	_ =	sfence.sel $0x180000  }
0x2f: {  	[bflag:$0x0] =	sbarrier.arrive $0xFFFF  }
0x30: {  	p0 =	sne.s32 s1, $0x0;
	_ =	strace $0x90000047  }
0x31: {  	s0 =	sadd.s32 @!p0 $0x100000, s0;
	[bflag:$0x2] =	sbarrier.arrive $0xFFFF  }
0x32: {  	[sflag:s0] =	ssyncadd.tile.s32 @!p0 $0x1;
	_ =	shalt  }
.Lfunc_end2:
_tile_overlayer_lowered:
.L_overlay_start_2:
0x33: {  	(tag) =	ssettag $0x2  }
0x34: {  	s0 =	rddreg [dreg:$0x0];
	s2 =	stileid.u32  }
0x35: {  	s1 =	rddreg [dreg:$0x1];
	p0 =	sne.s32 s2, $0x0  }
0x36: {  	s3 =	rddreg [dreg:$0x2];
	[bflag:$0x3] =	sbarrier.arrive $0xFFFF;
	s2 =	simm.s32 @!p0 $0x1C01  }
0x37: {  	[timem:s3], [sflag:s2] =	dma.local @!p0 [hbm:s0], s1  }
0x38: {  	s0 =	simm.s32 @!p0 $0x1  }
0x39: {  	_ =	swait.ge @!p0 [sflag:s0], s1  }
0x3a: {  	s1 =	ssub.s32 @!p0 $0x0, s1;
	[sflag:s0] =	ssyncset.done @!p0 $0x0  }
0x3b: {  	[sflag:s0] =	ssyncadd.s32 @!p0 s1  }
0x3c: {  	[bflag:$0x3] =	sbarrier.arrive $0xFFFF  }
0x3d: {  	_ =	shalt  }

</sc_bundles>
